<compile_context>
chip_gen: v7x
topology: tpu7x:2x2x1
jax: 0.10.2.dev20260603
libtpu: 0.0.44.dev20260713+nightly
codegen_flags: <defaults>
</compile_context>

<pallas_src>
import jax
import jax.numpy as jnp
from jax import lax
from jax.experimental import pallas as pl
from jax.experimental.pallas import tpu as pltpu
from jax.experimental.pallas import tpu_sc as plsc

_G, _T, _P = 32, 25, 10
_N = _G * _T * _P
_E = 128000
_NS = 16
_EPT = _E // _NS
_K = 80
_NCHUNK = _EPT // _K
_NPAD = 8064
_STRIPE = _NPAD // _NS
_D = 128



def _zero_acc(zrows, acc_sh, stripe0):
    pltpu.sync_copy(zrows, acc_sh.at[pl.ds(stripe0, _STRIPE)])
    plsc.subcore_barrier()


_KSUP = 2
_NSUP = _NCHUNK // _KSUP


def _gfire(table, src_t, big, sem, sc):
    for q in range(_KSUP):
        off = pl.multiple_of((sc * _KSUP + q) * _K, 8)
        pltpu.async_copy(table.at[src_t.at[pl.ds(off, _K)]],
                         big.at[pl.ds(q * _K, _K)], sem)


def _gdrain(table, src_t, big, sem):
    for q in range(_KSUP):
        pltpu.make_async_copy(table.at[src_t.at[pl.ds(0, _K)]],
                              big.at[pl.ds(q * _K, _K)], sem).wait()


def _sfire(big, dst_t, acc_sh, sem, sc):
    for q in range(_KSUP):
        pltpu.async_copy(big.at[pl.ds(q * _K, _K)],
                         acc_sh.at[dst_t.at[sc * _KSUP + q]], sem, add=True)


def _sdrain(big, dst_t, acc_sh, sem):
    for q in range(_KSUP):
        pltpu.make_async_copy(big.at[pl.ds(q * _K, _K)],
                              acc_sh.at[dst_t.at[0]], sem).wait()


def _gather_pass(table, src_t, dst_t, zrows, out_slice, bigA, bigB, acc_sh,
                 semGA, semGB, semSA, semSB, stripe0):
    _zero_acc(zrows, acc_sh, stripe0)
    _gfire(table, src_t, bigA, semGA, 0)

    @pl.loop(0, _NSUP // 2)
    def _(p):
        scA = p * 2
        scB = scA + 1
        _gdrain(table, src_t, bigA, semGA)
        _gfire(table, src_t, bigB, semGB, scB)
        _sfire(bigA, dst_t, acc_sh, semSA, scA)
        _sdrain(bigA, dst_t, acc_sh, semSA)
        nxt = jnp.minimum(scA + 2, _NSUP - 1)
        _gfire(table, src_t, bigA, semGA, nxt)
        _gdrain(table, src_t, bigB, semGB)
        _sfire(bigB, dst_t, acc_sh, semSB, scB)
        _sdrain(bigB, dst_t, acc_sh, semSB)

    _gdrain(table, src_t, bigA, semGA)
    plsc.subcore_barrier()
    pltpu.sync_copy(acc_sh.at[pl.ds(stripe0, _STRIPE)], out_slice)


def _count_pass(ones_rows, dst_t, zrows, out_slice, ones_v, acc_sh, sem,
                stripe0):
    pltpu.sync_copy(ones_rows, ones_v)
    _zero_acc(zrows, acc_sh, stripe0)
    for i in range(7):
        pltpu.async_copy(ones_v, acc_sh.at[dst_t.at[i]], sem, add=True)

    @pl.loop(7, _NCHUNK)
    def _(i):
        pltpu.async_copy(ones_v, acc_sh.at[dst_t.at[i]], sem, add=True)
        pltpu.make_async_copy(ones_v, acc_sh.at[dst_t.at[0]], sem).wait()

    for i in range(7):
        pltpu.make_async_copy(ones_v, acc_sh.at[dst_t.at[0]], sem).wait()
    plsc.subcore_barrier()
    pltpu.sync_copy(acc_sh.at[pl.ds(stripe0, _STRIPE)], out_slice)


def _sc_l1_body(xt, ones_rows, src4, dst4, zrows, out,
                src_t, dst_t, bigA, bigB, acc_sh, semGA, semGB, semSA, semSB):
    c = lax.axis_index("c")
    s = lax.axis_index("s")
    stripe0 = pl.multiple_of(s * _STRIPE, 8)
    pltpu.sync_copy(src4.at[c, s], src_t)
    pltpu.sync_copy(dst4.at[c, s], dst_t)
    _gather_pass(xt, src_t, dst_t, zrows,
                 out.at[0, c, pl.ds(stripe0, _STRIPE)],
                 bigA, bigB, acc_sh, semGA, semGB, semSA, semSB, stripe0)
    _count_pass(ones_rows, dst_t, zrows,
                out.at[1, c, pl.ds(stripe0, _STRIPE)],
                bigA.at[pl.ds(0, _K)], acc_sh, semSA, stripe0)


def _sc_l2_body(h00, h01, h10, h11, src4, dst4, zrows, out,
                src_t, dst_t, bigA, bigB, acc_sh, semGA, semGB, semSA, semSB):
    c = lax.axis_index("c")
    s = lax.axis_index("s")
    stripe0 = pl.multiple_of(s * _STRIPE, 8)
    pltpu.sync_copy(src4.at[c, s], src_t)
    pltpu.sync_copy(dst4.at[c, s], dst_t)
    for j, table in enumerate((h00, h01, h10, h11)):
        _gather_pass(table, src_t, dst_t, zrows,
                     out.at[c, j, pl.ds(stripe0, _STRIPE)],
                     bigA, bigB, acc_sh, semGA, semGB, semSA, semSB, stripe0)


def _sc_mesh():
    return plsc.VectorSubcoreMesh(core_axis_name="c", subcore_axis_name="s",
                                  num_cores=2, num_subcores=_NS)


def _sc_scratch():
    return [
        pltpu.VMEM((_EPT,), jnp.int32),
        pltpu.VMEM((_NCHUNK, _K), jnp.int32),
        pltpu.VMEM((_KSUP * _K, _D), jnp.float32),
        pltpu.VMEM((_KSUP * _K, _D), jnp.float32),
        pltpu.VMEM_SHARED((_NPAD, _D), jnp.float32),
        pltpu.SemaphoreType.DMA,
        pltpu.SemaphoreType.DMA,
        pltpu.SemaphoreType.DMA,
        pltpu.SemaphoreType.DMA,
    ]


def _sc_l1(xt, ones_rows, src4, dst4, zrows):
    return pl.kernel(
        _sc_l1_body,
        out_type=jax.ShapeDtypeStruct((2, 2, _NPAD, _D), jnp.float32),
        mesh=_sc_mesh(),
        scratch_types=_sc_scratch(),
    )(xt, ones_rows, src4, dst4, zrows)


def _sc_l2(h00, h01, h10, h11, src4, dst4, zrows):
    return pl.kernel(
        _sc_l2_body,
        out_type=jax.ShapeDtypeStruct((2, 4, _NPAD, _D), jnp.float32),
        mesh=_sc_mesh(),
        scratch_types=_sc_scratch(),
    )(h00, h01, h10, h11, src4, dst4, zrows)



_BN = 1000


def _l1_dense_body(feat_ref, cpn_ref, x_ref, w1p_ref, w1n_ref,
                   bp_ref, bn_ref, o0_ref, o1_ref, o2_ref, o3_ref):
    bf = jnp.bfloat16
    f32 = jnp.float32
    dn = (((1,), (1,)), ((), ()))
    mp = (feat_ref[0] / jnp.clip(cpn_ref[0], 1.0)).astype(bf)
    mn = (feat_ref[1] / jnp.clip(cpn_ref[1], 1.0)).astype(bf)
    x = x_ref[...].astype(bf)
    w1p = w1p_ref[...]
    w1n = w1n_ref[...]
    hp = (lax.dot_general(mp, w1p[:, :128], dn, preferred_element_type=f32)
          + lax.dot_general(x, w1p[:, 128:], dn, preferred_element_type=f32)
          + bp_ref[...])
    hn = (lax.dot_general(mn, w1n[:, :128], dn, preferred_element_type=f32)
          + lax.dot_general(x, w1n[:, 128:], dn, preferred_element_type=f32)
          + bn_ref[...])
    o0_ref[...] = hp[:, 0:128]
    o1_ref[...] = hp[:, 128:256]
    o2_ref[...] = hn[:, 0:128]
    o3_ref[...] = hn[:, 128:256]


def _l1_dense(feat, cpn, x, w1p, w1n, bp, bn):
    grid = (_N // _BN,)
    tbl = jax.ShapeDtypeStruct((_N, 128), jnp.float32)
    return pl.pallas_call(
        _l1_dense_body,
        grid=grid,
        in_specs=[
            pl.BlockSpec((2, _BN, 128), lambda i: (0, i, 0)),
            pl.BlockSpec((2, _BN, 1), lambda i: (0, i, 0)),
            pl.BlockSpec((_BN, 128), lambda i: (i, 0)),
            pl.BlockSpec((256, 256), lambda i: (0, 0)),
            pl.BlockSpec((256, 256), lambda i: (0, 0)),
            pl.BlockSpec((1, 256), lambda i: (0, 0)),
            pl.BlockSpec((1, 256), lambda i: (0, 0)),
        ],
        out_specs=[pl.BlockSpec((_BN, 128), lambda i: (i, 0))] * 4,
        out_shape=[tbl, tbl, tbl, tbl],
    )(feat, cpn, x, w1p, w1n, bp, bn)


def _l2_dense_body(a2_ref, cpn_ref, h0_ref, h1_ref, h2_ref, h3_ref,
                   w2p_ref, w2n_ref, bp_ref, bn_ref, out_ref):
    bf = jnp.bfloat16
    f32 = jnp.float32
    dn = (((1,), (1,)), ((), ()))
    icp = 1.0 / jnp.clip(cpn_ref[0], 1.0)
    icn = 1.0 / jnp.clip(cpn_ref[1], 1.0)
    w2p = w2p_ref[...]
    w2n = w2n_ref[...]
    accp = bp_ref[...]
    accn = bn_ref[...]
    for j in range(2):
        accp += lax.dot_general((a2_ref[0, j] * icp).astype(bf),
                                w2p[:, j * 128:(j + 1) * 128], dn,
                                preferred_element_type=f32)
        accp += lax.dot_general((a2_ref[1, 2 + j] * icn).astype(bf),
                                w2p[:, 256 + j * 128:256 + (j + 1) * 128], dn,
                                preferred_element_type=f32)
        accn += lax.dot_general((a2_ref[0, 2 + j] * icp).astype(bf),
                                w2n[:, j * 128:(j + 1) * 128], dn,
                                preferred_element_type=f32)
        accn += lax.dot_general((a2_ref[1, j] * icn).astype(bf),
                                w2n[:, 256 + j * 128:256 + (j + 1) * 128], dn,
                                preferred_element_type=f32)
    for j, href in enumerate((h0_ref, h1_ref)):
        accp += lax.dot_general(href[...].astype(bf),
                                w2p[:, 512 + j * 128:512 + (j + 1) * 128], dn,
                                preferred_element_type=f32)
    for j, href in enumerate((h2_ref, h3_ref)):
        accn += lax.dot_general(href[...].astype(bf),
                                w2n[:, 512 + j * 128:512 + (j + 1) * 128], dn,
                                preferred_element_type=f32)
    out_ref[:, 0:256] = jnp.maximum(accp, 0.0).astype(bf)
    out_ref[:, 256:512] = jnp.maximum(accn, 0.0).astype(bf)


def _l2_dense(a2, cpn, h00, h01, h10, h11, w2p, w2n, bp, bn):
    grid = (_N // _BN,)
    return pl.pallas_call(
        _l2_dense_body,
        grid=grid,
        in_specs=[
            pl.BlockSpec((2, 4, _BN, 128), lambda i: (0, 0, i, 0)),
            pl.BlockSpec((2, _BN, 1), lambda i: (0, i, 0)),
            pl.BlockSpec((_BN, 128), lambda i: (i, 0)),
            pl.BlockSpec((_BN, 128), lambda i: (i, 0)),
            pl.BlockSpec((_BN, 128), lambda i: (i, 0)),
            pl.BlockSpec((_BN, 128), lambda i: (i, 0)),
            pl.BlockSpec((256, 768), lambda i: (0, 0)),
            pl.BlockSpec((256, 768), lambda i: (0, 0)),
            pl.BlockSpec((1, 256), lambda i: (0, 0)),
            pl.BlockSpec((1, 256), lambda i: (0, 0)),
        ],
        out_specs=pl.BlockSpec((_BN, 512), lambda i: (i, 0)),
        out_shape=jax.ShapeDtypeStruct((_N, 512), jnp.bfloat16),
    )(a2, cpn, h00, h01, h10, h11, w2p, w2n, bp, bn)


_B = _G * _P
_H = 512


def _lstm_body(xt_ref, et_ref, wih_ref, whh_ref, bias_ref, wa_ref, wb_ref,
               wlin_ref, blin_ref, h0_ref, c0_ref, out_ref, h_scr, c_scr):
    t = pl.program_id(0)

    @pl.when(t == 0)
    def _():
        h_scr[...] = h0_ref[...]
        c_scr[...] = c0_ref[...]

    xt = xt_ref[0]
    et = et_ref[0]
    h = h_scr[...].astype(jnp.bfloat16)
    dn = (((1,), (1,)), ((), ()))
    gates = (
        lax.dot_general(xt, wih_ref[...], dn, preferred_element_type=jnp.float32)
        + lax.dot_general(h, whh_ref[...], dn, preferred_element_type=jnp.float32)
        + bias_ref[...]
        + et[:, 0:1] * wa_ref[...]
        + et[:, 1:2] * wb_ref[...]
    )
    i = gates[:, 0 * _H:1 * _H]
    f = gates[:, 1 * _H:2 * _H]
    g = gates[:, 2 * _H:3 * _H]
    o = gates[:, 3 * _H:4 * _H]
    c_new = jax.nn.sigmoid(f) * c_scr[...] + jax.nn.sigmoid(i) * jnp.tanh(g)
    h_new = jax.nn.sigmoid(o) * jnp.tanh(c_new)
    h_scr[...] = h_new
    c_scr[...] = c_new

    @pl.when(t == _T - 1)
    def _():
        out_ref[...] = (
            lax.dot_general(h_new.astype(jnp.bfloat16), wlin_ref[...],
                            (((1,), (1,)), ((), ())),
                            preferred_element_type=jnp.float32)
            + blin_ref[...]
        )


def _lstm(xseq, eseq, wih, whh, bias, wa, wb, wlin, blin, h00, c00):
    return pl.pallas_call(
        _lstm_body,
        grid=(_T,),
        in_specs=[
            pl.BlockSpec((1, _B, _H), lambda t: (t, 0, 0)),
            pl.BlockSpec((1, _B, 2), lambda t: (t, 0, 0)),
            pl.BlockSpec((4 * _H, _H), lambda t: (0, 0)),
            pl.BlockSpec((4 * _H, _H), lambda t: (0, 0)),
            pl.BlockSpec((1, 4 * _H), lambda t: (0, 0)),
            pl.BlockSpec((1, 4 * _H), lambda t: (0, 0)),
            pl.BlockSpec((1, 4 * _H), lambda t: (0, 0)),
            pl.BlockSpec((128, _H), lambda t: (0, 0)),
            pl.BlockSpec((1, 128), lambda t: (0, 0)),
            pl.BlockSpec((_B, _H), lambda t: (0, 0)),
            pl.BlockSpec((_B, _H), lambda t: (0, 0)),
        ],
        out_specs=pl.BlockSpec((_B, 128), lambda t: (0, 0)),
        out_shape=jax.ShapeDtypeStruct((_B, 128), jnp.float32),
        scratch_shapes=[
            pltpu.VMEM((_B, _H), jnp.float32),
            pltpu.VMEM((_B, _H), jnp.float32),
        ],
    )(xseq, eseq, wih, whh, bias, wa, wb, wlin, blin, h00, c00)



def kernel(x, extra_info, mask, pos_edge_index, neg_edge_index, player_num,
           h0, c0, Wp1, bp1, Wn1, bn1, Wp2, bp2, Wn2, bn2,
           W_ih, W_hh, b_ih, b_hh, W_lin, b_lin):
    src4 = jnp.stack([pos_edge_index[0], neg_edge_index[0]]).reshape(
        2, _NS, _EPT)
    dst4 = jnp.stack([pos_edge_index[1], neg_edge_index[1]]).reshape(
        2, _NS, _NCHUNK, _K)
    zrows = jnp.zeros((_STRIPE, _D), jnp.float32)
    ones_rows = jnp.ones((_K, _D), jnp.float32)

    acc1 = _sc_l1(x, ones_rows, src4, dst4, zrows)
    acc1f = acc1[0]
    cpn = acc1[1, :, :, 0:1]
    bf = jnp.bfloat16
    h00, h01, h10, h11 = _l1_dense(acc1f, cpn, x, Wp1.astype(bf), Wn1.astype(bf),
                                   bp1[None, :], bn1[None, :])

    acc2 = _sc_l2(h00, h01, h10, h11, src4, dst4, zrows)
    h2 = _l2_dense(acc2, cpn, h00, h01, h10, h11, Wp2.astype(bf),
                   Wn2.astype(bf), bp2[None, :], bn2[None, :])

    xseq = h2.reshape(_G, _T, _P, 512).transpose(1, 0, 2, 3).reshape(_T, _B, 512)
    eseq = extra_info.reshape(_G, _T, _P, 2).transpose(1, 0, 2, 3).reshape(_T, _B, 2)

    wih = W_ih[:, :512].astype(bf)
    whh = W_hh.astype(bf)
    bias = (b_ih + b_hh)[None, :]
    wa = W_ih[:, 512][None, :]
    wb = W_ih[:, 513][None, :]
    wlin = W_lin.astype(bf)
    blin = b_lin[None, :]
    return _lstm(xseq, eseq, wih, whh, bias, wa, wb, wlin, blin, h0[0], c0[0])

# --- scband reference (transcript-rebuilt; emitter-appended) ---
"""Pipeline reference for scband-sgc-lstm-15702400434206 (READ-ONLY COPY).

The authoritative reference and input builder live on the scoring server;
editing this copy changes nothing except your own understanding.
"""

import jax, jax.numpy as jnp
import numpy as np

G, T, P = 32, 25, 10
N = G * T * P
E = 128000
D_IN, D_HID, D_OUT = 128, 256, 256
D_LSTM_IN = 2 * D_OUT + 2
H_LSTM = 512
D_EMB = 128


def _seg_mean(vals, idx, n):
    s = jax.ops.segment_sum(vals, idx, num_segments=n)
    c = jax.ops.segment_sum(jnp.ones((idx.shape[0],), vals.dtype), idx, num_segments=n)
    return s / jnp.clip(c, 1.0)[:, None]


def setup_inputs(seed: int = 0):
    key = jax.random.key(seed)
    ks = jax.random.split(key, 20)
    inp = {}
    inp["x"] = jax.random.normal(ks[0], (N, D_IN), dtype=jnp.float32)
    inp["extra_info"] = jax.random.normal(ks[1], (N, 2), dtype=jnp.float32)
    inp["mask"] = jnp.ones((G * T, T), dtype=jnp.int32)
    inp["pos_edge_index"] = jax.random.randint(ks[2], (2, E), 0, N, dtype=jnp.int32)
    inp["neg_edge_index"] = jax.random.randint(ks[3], (2, E), 0, N, dtype=jnp.int32)
    inp["player_num"] = jnp.full((G * T,), P, dtype=jnp.int32)
    inp["h0"] = jax.random.normal(ks[4], (1, G * P, H_LSTM), dtype=jnp.float32)
    inp["c0"] = jax.random.normal(ks[5], (1, G * P, H_LSTM), dtype=jnp.float32)
    s = 0.02
    inp["Wp1"] = jax.random.normal(ks[6], (D_HID, 2 * D_IN), dtype=jnp.float32) * s
    inp["bp1"] = jnp.zeros((D_HID,), dtype=jnp.float32)
    inp["Wn1"] = jax.random.normal(ks[7], (D_HID, 2 * D_IN), dtype=jnp.float32) * s
    inp["bn1"] = jnp.zeros((D_HID,), dtype=jnp.float32)
    inp["Wp2"] = jax.random.normal(ks[8], (D_OUT, 3 * D_HID), dtype=jnp.float32) * s
    inp["bp2"] = jnp.zeros((D_OUT,), dtype=jnp.float32)
    inp["Wn2"] = jax.random.normal(ks[9], (D_OUT, 3 * D_HID), dtype=jnp.float32) * s
    inp["bn2"] = jnp.zeros((D_OUT,), dtype=jnp.float32)
    inp["W_ih"] = jax.random.normal(ks[10], (4 * H_LSTM, D_LSTM_IN), dtype=jnp.float32) * s
    inp["W_hh"] = jax.random.normal(ks[11], (4 * H_LSTM, H_LSTM), dtype=jnp.float32) * s
    inp["b_ih"] = jnp.zeros((4 * H_LSTM,), dtype=jnp.float32)
    inp["b_hh"] = jnp.zeros((4 * H_LSTM,), dtype=jnp.float32)
    inp["W_lin"] = jax.random.normal(ks[12], (D_EMB, H_LSTM), dtype=jnp.float32) * s
    inp["b_lin"] = jnp.zeros((D_EMB,), dtype=jnp.float32)
    return inp


def reference(x, extra_info, mask, pos_edge_index, neg_edge_index, player_num, h0, c0, Wp1, bp1, Wn1, bn1, Wp2, bp2, Wn2, bn2, W_ih, W_hh, b_ih, b_hh, W_lin, b_lin):
    n = x.shape[0]
    ps, pd = pos_edge_index[0], pos_edge_index[1]
    ns, nd = neg_edge_index[0], neg_edge_index[1]
    # HeteroSignedConv layer 1 (first_aggr=True): mean-aggregate over pos/neg edges
    h_pos = jnp.concatenate([_seg_mean(x[ps], pd, n), x], axis=-1) @ Wp1.T + bp1
    h_neg = jnp.concatenate([_seg_mean(x[ns], nd, n), x], axis=-1) @ Wn1.T + bn1
    # HeteroSignedConv layer 2 (first_aggr=False) with balance-theory mixing
    out_pos = jnp.concatenate([_seg_mean(h_pos[ps], pd, n), _seg_mean(h_neg[ns], nd, n), h_pos], axis=-1) @ Wp2.T + bp2
    out_neg = jnp.concatenate([_seg_mean(h_neg[ps], pd, n), _seg_mean(h_pos[ns], nd, n), h_neg], axis=-1) @ Wn2.T + bn2
    h = jax.nn.relu(jnp.concatenate([out_pos, out_neg], axis=-1))  # [N, 2*D_OUT]
    # regroup nodes (game, timestep, player) -> per-player sequences
    g = mask.shape[0] // T
    p = n // (g * T)
    ge = h.reshape(g, T, p, 2 * D_OUT).transpose(0, 2, 1, 3)
    ei = extra_info.reshape(g, T, p, 2).transpose(0, 2, 1, 3)
    emb = jnp.concatenate([ge, ei], axis=-1).reshape(g * p, T, D_LSTM_IN)
    lengths = jnp.repeat(jnp.sum(mask[::T], axis=1), p)  # pack_padded lengths
    def step(carry, xt):
        h_t, c_t = carry
        gates = xt @ W_ih.T + b_ih + h_t @ W_hh.T + b_hh
        i, f, gg, o = jnp.split(gates, 4, axis=-1)
        c_new = jax.nn.sigmoid(f) * c_t + jax.nn.sigmoid(i) * jnp.tanh(gg)
        h_new = jax.nn.sigmoid(o) * jnp.tanh(c_new)
        return (h_new, c_new), h_new
    xs = emb.transpose(1, 0, 2)  # [T, B, D]
    (_, _), hs = jax.lax.scan(step, (h0[0], c0[0]), xs)  # hs: [T, B, H]
    b = g * p
    h_last = hs[jnp.clip(lengths - 1, 0, T - 1), jnp.arange(b)]  # last valid state per seq
    out = h_last @ W_lin.T + b_lin  # [G*P, D_EMB] == concat of per-game outputs
    return out

if __name__ == "__main__":
    import jax
    _d = setup_inputs()
    print(jax.jit(kernel)(*tuple(_d.values())))

</pallas_src>

<mosaic_0001>
#map = affine_map<(d0, d1) -> (0, 0)>
#map1 = affine_map<(d0, d1) -> (0, 0, 0)>
#map2 = affine_map<(d0, d1) -> (0, 0, 0, 0)>
module attributes {stable_mosaic.version = 14 : i64} {
  func.func @_sc_l1_body(%arg0: i32, %arg1: i32, %arg2: memref<8000x128xf32, #tpu.memory_space<hbm>>, %arg3: memref<80x128xf32, #tpu.memory_space<hbm>>, %arg4: memref<2x16x8000xi32, #tpu.memory_space<hbm>>, %arg5: memref<2x16x100x80xi32, #tpu.memory_space<hbm>>, %arg6: memref<504x128xf32, #tpu.memory_space<hbm>>, %arg7: memref<2x2x8064x128xf32, #tpu.memory_space<hbm>>, %arg8: memref<8000xi32, #tpu.memory_space<vmem>>, %arg9: memref<100x80xi32, #tpu.memory_space<vmem>>, %arg10: memref<160x128xf32, #tpu.memory_space<vmem>>, %arg11: memref<160x128xf32, #tpu.memory_space<vmem>>, %arg12: memref<8064x128xf32, #tpu.memory_space<vmem_shared>>, %arg13: memref<!tpu.dma_semaphore, #tpu.memory_space<semaphore_mem>>, %arg14: memref<!tpu.dma_semaphore, #tpu.memory_space<semaphore_mem>>, %arg15: memref<!tpu.dma_semaphore, #tpu.memory_space<semaphore_mem>>, %arg16: memref<!tpu.dma_semaphore, #tpu.memory_space<semaphore_mem>>) attributes {dimension_semantics = [#tpu.dimension_semantics<core_parallel>, #tpu.dimension_semantics<subcore_parallel>], iteration_bounds = array<i64: 2, 16>, scalar_prefetch = 0 : i64, scratch_operands = 9 : i64, tpu.core_type = #tpu.core_type<sc_vector_subcore>, window_params = [{transform_indices = #map}, {transform_indices = #map}, {transform_indices = #map1}, {transform_indices = #map2}, {transform_indices = #map}, {transform_indices = #map2}]} {
    %mul3A = arith.constant 504 : i32
    %mul3A_0 = arith.muli %arg1, %mul3A : i32
    %multiple_of3A = tpu.assume_multiple %mul3A_0, 8 : i32
    "tpu.region"() ({
      %run_scoped3A_186 = tpu.sem_alloc : memref<!tpu.dma_semaphore, #tpu.memory_space<semaphore_mem>>
      %dma_start3A_187 = arith.constant 0 : i32
      %dma_start3A_188 = tpu.memref_slice %arg4[%arg0, %arg1, %dma_start3A_187] : memref<2x16x8000xi32, #tpu.memory_space<hbm>> -> memref<1x1x8000xi32, #tpu.memory_space<hbm>>
      %dma_start3A_189 = tpu.memref_squeeze %dma_start3A_188 : memref<1x1x8000xi32, #tpu.memory_space<hbm>> -> memref<8000xi32, #tpu.memory_space<hbm>>
      %dma_start3A_190 = arith.constant 0 : i32
      %dma_start3A_191 = tpu.memref_slice %arg4[%arg0, %arg1, %dma_start3A_190] : memref<2x16x8000xi32, #tpu.memory_space<hbm>> -> memref<1x1x8000xi32, #tpu.memory_space<hbm>>
      %dma_start3A_192 = tpu.memref_squeeze %dma_start3A_191 : memref<1x1x8000xi32, #tpu.memory_space<hbm>> -> memref<8000xi32, #tpu.memory_space<hbm>>
      tpu.enqueue_dma source(%dma_start3A_192 : memref<8000xi32, #tpu.memory_space<hbm>>) target(%arg8 : memref<8000xi32, #tpu.memory_space<vmem>>) target_semaphore(%run_scoped3A_186 : memref<!tpu.dma_semaphore, #tpu.memory_space<semaphore_mem>>)
      %dma_wait3A_193 = arith.constant 0 : i32
      %dma_wait3A_194 = tpu.memref_slice %arg4[%arg0, %arg1, %dma_wait3A_193] : memref<2x16x8000xi32, #tpu.memory_space<hbm>> -> memref<1x1x8000xi32, #tpu.memory_space<hbm>>
      %dma_wait3A_195 = tpu.memref_squeeze %dma_wait3A_194 : memref<1x1x8000xi32, #tpu.memory_space<hbm>> -> memref<8000xi32, #tpu.memory_space<hbm>>
      %dma_wait3A_196 = arith.constant 0 : i32
      %dma_wait3A_197 = tpu.memref_slice %arg4[%arg0, %arg1, %dma_wait3A_196] : memref<2x16x8000xi32, #tpu.memory_space<hbm>> -> memref<1x1x8000xi32, #tpu.memory_space<hbm>>
      %dma_wait3A_198 = tpu.memref_squeeze %dma_wait3A_197 : memref<1x1x8000xi32, #tpu.memory_space<hbm>> -> memref<8000xi32, #tpu.memory_space<hbm>>
      tpu.wait_dma2 semaphore(%run_scoped3A_186 : memref<!tpu.dma_semaphore, #tpu.memory_space<semaphore_mem>>) src(%dma_wait3A_198 : memref<8000xi32, #tpu.memory_space<hbm>>) dst(%arg8 : memref<8000xi32, #tpu.memory_space<vmem>>)
      tpu.yield
    }) : () -> ()
    "tpu.region"() ({
      %run_scoped3A_186 = tpu.sem_alloc : memref<!tpu.dma_semaphore, #tpu.memory_space<semaphore_mem>>
      %dma_start3A_187 = arith.constant 0 : i32
      %dma_start3A_188 = arith.constant 0 : i32
      %dma_start3A_189 = tpu.memref_slice %arg5[%arg0, %arg1, %dma_start3A_187, %dma_start3A_188] : memref<2x16x100x80xi32, #tpu.memory_space<hbm>> -> memref<1x1x100x80xi32, #tpu.memory_space<hbm>>
      %dma_start3A_190 = tpu.memref_squeeze %dma_start3A_189 : memref<1x1x100x80xi32, #tpu.memory_space<hbm>> -> memref<100x80xi32, #tpu.memory_space<hbm>>
      %dma_start3A_191 = arith.constant 0 : i32
      %dma_start3A_192 = arith.constant 0 : i32
      %dma_start3A_193 = tpu.memref_slice %arg5[%arg0, %arg1, %dma_start3A_191, %dma_start3A_192] : memref<2x16x100x80xi32, #tpu.memory_space<hbm>> -> memref<1x1x100x80xi32, #tpu.memory_space<hbm>>
      %dma_start3A_194 = tpu.memref_squeeze %dma_start3A_193 : memref<1x1x100x80xi32, #tpu.memory_space<hbm>> -> memref<100x80xi32, #tpu.memory_space<hbm>>
      tpu.enqueue_dma source(%dma_start3A_194 : memref<100x80xi32, #tpu.memory_space<hbm>>) target(%arg9 : memref<100x80xi32, #tpu.memory_space<vmem>>) target_semaphore(%run_scoped3A_186 : memref<!tpu.dma_semaphore, #tpu.memory_space<semaphore_mem>>)
      %dma_wait3A_195 = arith.constant 0 : i32
      %dma_wait3A_196 = arith.constant 0 : i32
      %dma_wait3A_197 = tpu.memref_slice %arg5[%arg0, %arg1, %dma_wait3A_195, %dma_wait3A_196] : memref<2x16x100x80xi32, #tpu.memory_space<hbm>> -> memref<1x1x100x80xi32, #tpu.memory_space<hbm>>
      %dma_wait3A_198 = tpu.memref_squeeze %dma_wait3A_197 : memref<1x1x100x80xi32, #tpu.memory_space<hbm>> -> memref<100x80xi32, #tpu.memory_space<hbm>>
      %dma_wait3A_199 = arith.constant 0 : i32
      %dma_wait3A_200 = arith.constant 0 : i32
      %dma_wait3A_201 = tpu.memref_slice %arg5[%arg0, %arg1, %dma_wait3A_199, %dma_wait3A_200] : memref<2x16x100x80xi32, #tpu.memory_space<hbm>> -> memref<1x1x100x80xi32, #tpu.memory_space<hbm>>
      %dma_wait3A_202 = tpu.memref_squeeze %dma_wait3A_201 : memref<1x1x100x80xi32, #tpu.memory_space<hbm>> -> memref<100x80xi32, #tpu.memory_space<hbm>>
      tpu.wait_dma2 semaphore(%run_scoped3A_186 : memref<!tpu.dma_semaphore, #tpu.memory_space<semaphore_mem>>) src(%dma_wait3A_202 : memref<100x80xi32, #tpu.memory_space<hbm>>) dst(%arg9 : memref<100x80xi32, #tpu.memory_space<vmem>>)
      tpu.yield
    }) : () -> ()
    "tpu.region"() ({
      %run_scoped3A_186 = tpu.sem_alloc : memref<!tpu.dma_semaphore, #tpu.memory_space<semaphore_mem>>
      %dma_start3A_187 = arith.constant 0 : i32
      %dma_start3A_188 = tpu.memref_slice %arg12[%multiple_of3A, %dma_start3A_187] : memref<8064x128xf32, #tpu.memory_space<vmem_shared>> -> memref<504x128xf32, #tpu.memory_space<vmem_shared>>
      tpu.enqueue_dma source(%arg6 : memref<504x128xf32, #tpu.memory_space<hbm>>) target(%dma_start3A_188 : memref<504x128xf32, #tpu.memory_space<vmem_shared>>) target_semaphore(%run_scoped3A_186 : memref<!tpu.dma_semaphore, #tpu.memory_space<semaphore_mem>>)
      %dma_wait3A_189 = arith.constant 0 : i32
      %dma_wait3A_190 = tpu.memref_slice %arg12[%multiple_of3A, %dma_wait3A_189] : memref<8064x128xf32, #tpu.memory_space<vmem_shared>> -> memref<504x128xf32, #tpu.memory_space<vmem_shared>>
      tpu.wait_dma2 semaphore(%run_scoped3A_186 : memref<!tpu.dma_semaphore, #tpu.memory_space<semaphore_mem>>) src(%arg6 : memref<504x128xf32, #tpu.memory_space<hbm>>) dst(%dma_wait3A_190 : memref<504x128xf32, #tpu.memory_space<vmem_shared>>)
      tpu.yield
    }) : () -> ()
    %barrier3A = arith.constant 0 : index
    tpu.barrier barrier_id(%barrier3A)
    %multiple_of3A_1 = arith.constant 0 : i32
    %multiple_of3A_2 = tpu.assume_multiple %multiple_of3A_1, 8 : i32
    %dma_start3A = arith.constant 0 : i32
    %dma_start3A_3 = arith.constant 0 : i32
    %dma_start3A_4 = tpu.memref_slice %arg10[%dma_start3A, %dma_start3A_3] : memref<160x128xf32, #tpu.memory_space<vmem>> -> memref<80x128xf32, #tpu.memory_space<vmem>>
    %dma_start3A_5 = tpu.memref_slice %arg8[%multiple_of3A_2] : memref<8000xi32, #tpu.memory_space<vmem>> -> memref<80xi32, #tpu.memory_space<vmem>>
    %dma_start3A_6 = arith.constant 0 : i32
    %dma_start3A_7 = arith.constant 0 : i32
    %dma_start3A_8 = tpu.memref_slice %arg2[%dma_start3A_6, %dma_start3A_7] : memref<8000x128xf32, #tpu.memory_space<hbm>> -> memref<8000x128xf32, #tpu.memory_space<hbm>>
    tpu.enqueue_indirect_dma source(%dma_start3A_8 : memref<8000x128xf32, #tpu.memory_space<hbm>>) target(%dma_start3A_4 : memref<80x128xf32, #tpu.memory_space<vmem>>) offsets(%dma_start3A_5 : memref<80xi32, #tpu.memory_space<vmem>>) semaphore(%arg13 : memref<!tpu.dma_semaphore, #tpu.memory_space<semaphore_mem>>)
    %multiple_of3A_9 = arith.constant 80 : i32
    %multiple_of3A_10 = tpu.assume_multiple %multiple_of3A_9, 8 : i32
    %dma_start3A_11 = arith.constant 80 : i32
    %dma_start3A_12 = arith.constant 0 : i32
    %dma_start3A_13 = tpu.memref_slice %arg10[%dma_start3A_11, %dma_start3A_12] : memref<160x128xf32, #tpu.memory_space<vmem>> -> memref<80x128xf32, #tpu.memory_space<vmem>>
    %dma_start3A_14 = tpu.memref_slice %arg8[%multiple_of3A_10] : memref<8000xi32, #tpu.memory_space<vmem>> -> memref<80xi32, #tpu.memory_space<vmem>>
    %dma_start3A_15 = arith.constant 0 : i32
    %dma_start3A_16 = arith.constant 0 : i32
    %dma_start3A_17 = tpu.memref_slice %arg2[%dma_start3A_15, %dma_start3A_16] : memref<8000x128xf32, #tpu.memory_space<hbm>> -> memref<8000x128xf32, #tpu.memory_space<hbm>>
    tpu.enqueue_indirect_dma source(%dma_start3A_17 : memref<8000x128xf32, #tpu.memory_space<hbm>>) target(%dma_start3A_13 : memref<80x128xf32, #tpu.memory_space<vmem>>) offsets(%dma_start3A_14 : memref<80xi32, #tpu.memory_space<vmem>>) semaphore(%arg13 : memref<!tpu.dma_semaphore, #tpu.memory_space<semaphore_mem>>)
    %scan3A = arith.constant 0 : i32
    %scan3A_18 = arith.constant 25 : i32
    %scan3A_19 = arith.addi %scan3A, %scan3A_18 : i32
    %scan3A_20 = arith.constant 1 : i32
    scf.for %scan3A_186 = %scan3A to %scan3A_19 step %scan3A_20  : i32 {
      %mul3A_187 = arith.constant 1 : i32
      %mul3A_188 = arith.muli %scan3A_186, %mul3A_187 : i32
      %add3A = arith.constant 0 : i32
      %add3A_189 = arith.addi %add3A, %mul3A_188 : i32
      %mul3A_190 = arith.constant 2 : i32
      %mul3A_191 = arith.muli %add3A_189, %mul3A_190 : i32
      %add3A_192 = arith.constant 1 : i32
      %add3A_193 = arith.addi %mul3A_191, %add3A_192 : i32
      %dma_wait3A_194 = arith.constant 0 : i32
      %dma_wait3A_195 = arith.constant 0 : i32
      %dma_wait3A_196 = tpu.memref_slice %arg10[%dma_wait3A_194, %dma_wait3A_195] : memref<160x128xf32, #tpu.memory_space<vmem>> -> memref<80x128xf32, #tpu.memory_space<vmem>>
      %dma_wait3A_197 = arith.constant 0 : i32
      %dma_wait3A_198 = tpu.memref_slice %arg8[%dma_wait3A_197] : memref<8000xi32, #tpu.memory_space<vmem>> -> memref<80xi32, #tpu.memory_space<vmem>>
      %dma_wait3A_199 = arith.constant 0 : i32
      %dma_wait3A_200 = arith.constant 0 : i32
      %dma_wait3A_201 = tpu.memref_slice %arg2[%dma_wait3A_199, %dma_wait3A_200] : memref<8000x128xf32, #tpu.memory_space<hbm>> -> memref<8000x128xf32, #tpu.memory_space<hbm>>
      tpu.wait_indirect_dma semaphore(%arg13 : memref<!tpu.dma_semaphore, #tpu.memory_space<semaphore_mem>>) src(%dma_wait3A_201 : memref<8000x128xf32, #tpu.memory_space<hbm>>) dst(%dma_wait3A_196 : memref<80x128xf32, #tpu.memory_space<vmem>>)
      %dma_wait3A_202 = arith.constant 80 : i32
      %dma_wait3A_203 = arith.constant 0 : i32
      %dma_wait3A_204 = tpu.memref_slice %arg10[%dma_wait3A_202, %dma_wait3A_203] : memref<160x128xf32, #tpu.memory_space<vmem>> -> memref<80x128xf32, #tpu.memory_space<vmem>>
      %dma_wait3A_205 = arith.constant 0 : i32
      %dma_wait3A_206 = tpu.memref_slice %arg8[%dma_wait3A_205] : memref<8000xi32, #tpu.memory_space<vmem>> -> memref<80xi32, #tpu.memory_space<vmem>>
      %dma_wait3A_207 = arith.constant 0 : i32
      %dma_wait3A_208 = arith.constant 0 : i32
      %dma_wait3A_209 = tpu.memref_slice %arg2[%dma_wait3A_207, %dma_wait3A_208] : memref<8000x128xf32, #tpu.memory_space<hbm>> -> memref<8000x128xf32, #tpu.memory_space<hbm>>
      tpu.wait_indirect_dma semaphore(%arg13 : memref<!tpu.dma_semaphore, #tpu.memory_space<semaphore_mem>>) src(%dma_wait3A_209 : memref<8000x128xf32, #tpu.memory_space<hbm>>) dst(%dma_wait3A_204 : memref<80x128xf32, #tpu.memory_space<vmem>>)
      %mul3A_210 = arith.constant 2 : i32
      %mul3A_211 = arith.muli %add3A_193, %mul3A_210 : i32
      %add3A_212 = arith.constant 0 : i32
      %add3A_213 = arith.addi %mul3A_211, %add3A_212 : i32
      %mul3A_214 = arith.constant 80 : i32
      %mul3A_215 = arith.muli %add3A_213, %mul3A_214 : i32
      %multiple_of3A_216 = tpu.assume_multiple %mul3A_215, 8 : i32
      %dma_start3A_217 = arith.constant 0 : i32
      %dma_start3A_218 = arith.constant 0 : i32
      %dma_start3A_219 = tpu.memref_slice %arg11[%dma_start3A_217, %dma_start3A_218] : memref<160x128xf32, #tpu.memory_space<vmem>> -> memref<80x128xf32, #tpu.memory_space<vmem>>
      %dma_start3A_220 = tpu.memref_slice %arg8[%multiple_of3A_216] : memref<8000xi32, #tpu.memory_space<vmem>> -> memref<80xi32, #tpu.memory_space<vmem>>
      %dma_start3A_221 = arith.constant 0 : i32
      %dma_start3A_222 = arith.constant 0 : i32
      %dma_start3A_223 = tpu.memref_slice %arg2[%dma_start3A_221, %dma_start3A_222] : memref<8000x128xf32, #tpu.memory_space<hbm>> -> memref<8000x128xf32, #tpu.memory_space<hbm>>
      tpu.enqueue_indirect_dma source(%dma_start3A_223 : memref<8000x128xf32, #tpu.memory_space<hbm>>) target(%dma_start3A_219 : memref<80x128xf32, #tpu.memory_space<vmem>>) offsets(%dma_start3A_220 : memref<80xi32, #tpu.memory_space<vmem>>) semaphore(%arg14 : memref<!tpu.dma_semaphore, #tpu.memory_space<semaphore_mem>>)
      %mul3A_224 = arith.constant 2 : i32
      %mul3A_225 = arith.muli %add3A_193, %mul3A_224 : i32
      %add3A_226 = arith.constant 1 : i32
      %add3A_227 = arith.addi %mul3A_225, %add3A_226 : i32
      %mul3A_228 = arith.constant 80 : i32
      %mul3A_229 = arith.muli %add3A_227, %mul3A_228 : i32
      %multiple_of3A_230 = tpu.assume_multiple %mul3A_229, 8 : i32
      %dma_start3A_231 = arith.constant 80 : i32
      %dma_start3A_232 = arith.constant 0 : i32
      %dma_start3A_233 = tpu.memref_slice %arg11[%dma_start3A_231, %dma_start3A_232] : memref<160x128xf32, #tpu.memory_space<vmem>> -> memref<80x128xf32, #tpu.memory_space<vmem>>
      %dma_start3A_234 = tpu.memref_slice %arg8[%multiple_of3A_230] : memref<8000xi32, #tpu.memory_space<vmem>> -> memref<80xi32, #tpu.memory_space<vmem>>
      %dma_start3A_235 = arith.constant 0 : i32
      %dma_start3A_236 = arith.constant 0 : i32
      %dma_start3A_237 = tpu.memref_slice %arg2[%dma_start3A_235, %dma_start3A_236] : memref<8000x128xf32, #tpu.memory_space<hbm>> -> memref<8000x128xf32, #tpu.memory_space<hbm>>
      tpu.enqueue_indirect_dma source(%dma_start3A_237 : memref<8000x128xf32, #tpu.memory_space<hbm>>) target(%dma_start3A_233 : memref<80x128xf32, #tpu.memory_space<vmem>>) offsets(%dma_start3A_234 : memref<80xi32, #tpu.memory_space<vmem>>) semaphore(%arg14 : memref<!tpu.dma_semaphore, #tpu.memory_space<semaphore_mem>>)
      %mul3A_238 = arith.constant 2 : i32
      %mul3A_239 = arith.muli %mul3A_191, %mul3A_238 : i32
      %add3A_240 = arith.constant 0 : i32
      %add3A_241 = arith.addi %mul3A_239, %add3A_240 : i32
      %dma_start3A_242 = arith.constant 0 : i32
      %dma_start3A_243 = arith.constant 0 : i32
      %dma_start3A_244 = tpu.memref_slice %arg10[%dma_start3A_242, %dma_start3A_243] : memref<160x128xf32, #tpu.memory_space<vmem>> -> memref<80x128xf32, #tpu.memory_space<vmem>>
      %dma_start3A_245 = arith.constant 0 : i32
      %dma_start3A_246 = tpu.memref_slice %arg9[%add3A_241, %dma_start3A_245] : memref<100x80xi32, #tpu.memory_space<vmem>> -> memref<1x80xi32, #tpu.memory_space<vmem>>
      %dma_start3A_247 = tpu.memref_squeeze %dma_start3A_246 : memref<1x80xi32, #tpu.memory_space<vmem>> -> memref<80xi32, #tpu.memory_space<vmem>>
      %dma_start3A_248 = arith.constant 0 : i32
      %dma_start3A_249 = arith.constant 0 : i32
      %dma_start3A_250 = tpu.memref_slice %arg12[%dma_start3A_248, %dma_start3A_249] : memref<8064x128xf32, #tpu.memory_space<vmem_shared>> -> memref<8064x128xf32, #tpu.memory_space<vmem_shared>>
      tpu.enqueue_indirect_dma source(%dma_start3A_244 : memref<80x128xf32, #tpu.memory_space<vmem>>) target(%dma_start3A_250 : memref<8064x128xf32, #tpu.memory_space<vmem_shared>>) offsets(%dma_start3A_247 : memref<80xi32, #tpu.memory_space<vmem>>) semaphore(%arg15 : memref<!tpu.dma_semaphore, #tpu.memory_space<semaphore_mem>>) {add = true}
      %mul3A_251 = arith.constant 2 : i32
      %mul3A_252 = arith.muli %mul3A_191, %mul3A_251 : i32
      %add3A_253 = arith.constant 1 : i32
      %add3A_254 = arith.addi %mul3A_252, %add3A_253 : i32
      %dma_start3A_255 = arith.constant 80 : i32
      %dma_start3A_256 = arith.constant 0 : i32
      %dma_start3A_257 = tpu.memref_slice %arg10[%dma_start3A_255, %dma_start3A_256] : memref<160x128xf32, #tpu.memory_space<vmem>> -> memref<80x128xf32, #tpu.memory_space<vmem>>
      %dma_start3A_258 = arith.constant 0 : i32
      %dma_start3A_259 = tpu.memref_slice %arg9[%add3A_254, %dma_start3A_258] : memref<100x80xi32, #tpu.memory_space<vmem>> -> memref<1x80xi32, #tpu.memory_space<vmem>>
      %dma_start3A_260 = tpu.memref_squeeze %dma_start3A_259 : memref<1x80xi32, #tpu.memory_space<vmem>> -> memref<80xi32, #tpu.memory_space<vmem>>
      %dma_start3A_261 = arith.constant 0 : i32
      %dma_start3A_262 = arith.constant 0 : i32
      %dma_start3A_263 = tpu.memref_slice %arg12[%dma_start3A_261, %dma_start3A_262] : memref<8064x128xf32, #tpu.memory_space<vmem_shared>> -> memref<8064x128xf32, #tpu.memory_space<vmem_shared>>
      tpu.enqueue_indirect_dma source(%dma_start3A_257 : memref<80x128xf32, #tpu.memory_space<vmem>>) target(%dma_start3A_263 : memref<8064x128xf32, #tpu.memory_space<vmem_shared>>) offsets(%dma_start3A_260 : memref<80xi32, #tpu.memory_space<vmem>>) semaphore(%arg15 : memref<!tpu.dma_semaphore, #tpu.memory_space<semaphore_mem>>) {add = true}
      %dma_wait3A_264 = arith.constant 0 : i32
      %dma_wait3A_265 = arith.constant 0 : i32
      %dma_wait3A_266 = arith.constant 0 : i32
      %dma_wait3A_267 = tpu.memref_slice %arg10[%dma_wait3A_265, %dma_wait3A_266] : memref<160x128xf32, #tpu.memory_space<vmem>> -> memref<80x128xf32, #tpu.memory_space<vmem>>
      %dma_wait3A_268 = arith.constant 0 : i32
      %dma_wait3A_269 = tpu.memref_slice %arg9[%dma_wait3A_264, %dma_wait3A_268] : memref<100x80xi32, #tpu.memory_space<vmem>> -> memref<1x80xi32, #tpu.memory_space<vmem>>
      %dma_wait3A_270 = tpu.memref_squeeze %dma_wait3A_269 : memref<1x80xi32, #tpu.memory_space<vmem>> -> memref<80xi32, #tpu.memory_space<vmem>>
      %dma_wait3A_271 = arith.constant 0 : i32
      %dma_wait3A_272 = arith.constant 0 : i32
      %dma_wait3A_273 = tpu.memref_slice %arg12[%dma_wait3A_271, %dma_wait3A_272] : memref<8064x128xf32, #tpu.memory_space<vmem_shared>> -> memref<8064x128xf32, #tpu.memory_space<vmem_shared>>
      tpu.wait_indirect_dma semaphore(%arg15 : memref<!tpu.dma_semaphore, #tpu.memory_space<semaphore_mem>>) src(%dma_wait3A_267 : memref<80x128xf32, #tpu.memory_space<vmem>>) dst(%dma_wait3A_273 : memref<8064x128xf32, #tpu.memory_space<vmem_shared>>)
      %dma_wait3A_274 = arith.constant 0 : i32
      %dma_wait3A_275 = arith.constant 80 : i32
      %dma_wait3A_276 = arith.constant 0 : i32
      %dma_wait3A_277 = tpu.memref_slice %arg10[%dma_wait3A_275, %dma_wait3A_276] : memref<160x128xf32, #tpu.memory_space<vmem>> -> memref<80x128xf32, #tpu.memory_space<vmem>>
      %dma_wait3A_278 = arith.constant 0 : i32
      %dma_wait3A_279 = tpu.memref_slice %arg9[%dma_wait3A_274, %dma_wait3A_278] : memref<100x80xi32, #tpu.memory_space<vmem>> -> memref<1x80xi32, #tpu.memory_space<vmem>>
      %dma_wait3A_280 = tpu.memref_squeeze %dma_wait3A_279 : memref<1x80xi32, #tpu.memory_space<vmem>> -> memref<80xi32, #tpu.memory_space<vmem>>
      %dma_wait3A_281 = arith.constant 0 : i32
      %dma_wait3A_282 = arith.constant 0 : i32
      %dma_wait3A_283 = tpu.memref_slice %arg12[%dma_wait3A_281, %dma_wait3A_282] : memref<8064x128xf32, #tpu.memory_space<vmem_shared>> -> memref<8064x128xf32, #tpu.memory_space<vmem_shared>>
      tpu.wait_indirect_dma semaphore(%arg15 : memref<!tpu.dma_semaphore, #tpu.memory_space<semaphore_mem>>) src(%dma_wait3A_277 : memref<80x128xf32, #tpu.memory_space<vmem>>) dst(%dma_wait3A_283 : memref<8064x128xf32, #tpu.memory_space<vmem_shared>>)
      %add3A_284 = arith.constant 2 : i32
      %add3A_285 = arith.addi %mul3A_191, %add3A_284 : i32
      %min3A = arith.constant 49 : i32
      %min3A_286 = arith.minsi %add3A_285, %min3A : i32
      %mul3A_287 = arith.constant 2 : i32
      %mul3A_288 = arith.muli %min3A_286, %mul3A_287 : i32
      %add3A_289 = arith.constant 0 : i32
      %add3A_290 = arith.addi %mul3A_288, %add3A_289 : i32
      %mul3A_291 = arith.constant 80 : i32
      %mul3A_292 = arith.muli %add3A_290, %mul3A_291 : i32
      %multiple_of3A_293 = tpu.assume_multiple %mul3A_292, 8 : i32
      %dma_start3A_294 = arith.constant 0 : i32
      %dma_start3A_295 = arith.constant 0 : i32
      %dma_start3A_296 = tpu.memref_slice %arg10[%dma_start3A_294, %dma_start3A_295] : memref<160x128xf32, #tpu.memory_space<vmem>> -> memref<80x128xf32, #tpu.memory_space<vmem>>
      %dma_start3A_297 = tpu.memref_slice %arg8[%multiple_of3A_293] : memref<8000xi32, #tpu.memory_space<vmem>> -> memref<80xi32, #tpu.memory_space<vmem>>
      %dma_start3A_298 = arith.constant 0 : i32
      %dma_start3A_299 = arith.constant 0 : i32
      %dma_start3A_300 = tpu.memref_slice %arg2[%dma_start3A_298, %dma_start3A_299] : memref<8000x128xf32, #tpu.memory_space<hbm>> -> memref<8000x128xf32, #tpu.memory_space<hbm>>
      tpu.enqueue_indirect_dma source(%dma_start3A_300 : memref<8000x128xf32, #tpu.memory_space<hbm>>) target(%dma_start3A_296 : memref<80x128xf32, #tpu.memory_space<vmem>>) offsets(%dma_start3A_297 : memref<80xi32, #tpu.memory_space<vmem>>) semaphore(%arg13 : memref<!tpu.dma_semaphore, #tpu.memory_space<semaphore_mem>>)
      %mul3A_301 = arith.constant 2 : i32
      %mul3A_302 = arith.muli %min3A_286, %mul3A_301 : i32
      %add3A_303 = arith.constant 1 : i32
      %add3A_304 = arith.addi %mul3A_302, %add3A_303 : i32
      %mul3A_305 = arith.constant 80 : i32
      %mul3A_306 = arith.muli %add3A_304, %mul3A_305 : i32
      %multiple_of3A_307 = tpu.assume_multiple %mul3A_306, 8 : i32
      %dma_start3A_308 = arith.constant 80 : i32
      %dma_start3A_309 = arith.constant 0 : i32
      %dma_start3A_310 = tpu.memref_slice %arg10[%dma_start3A_308, %dma_start3A_309] : memref<160x128xf32, #tpu.memory_space<vmem>> -> memref<80x128xf32, #tpu.memory_space<vmem>>
      %dma_start3A_311 = tpu.memref_slice %arg8[%multiple_of3A_307] : memref<8000xi32, #tpu.memory_space<vmem>> -> memref<80xi32, #tpu.memory_space<vmem>>
      %dma_start3A_312 = arith.constant 0 : i32
      %dma_start3A_313 = arith.constant 0 : i32
      %dma_start3A_314 = tpu.memref_slice %arg2[%dma_start3A_312, %dma_start3A_313] : memref<8000x128xf32, #tpu.memory_space<hbm>> -> memref<8000x128xf32, #tpu.memory_space<hbm>>
      tpu.enqueue_indirect_dma source(%dma_start3A_314 : memref<8000x128xf32, #tpu.memory_space<hbm>>) target(%dma_start3A_310 : memref<80x128xf32, #tpu.memory_space<vmem>>) offsets(%dma_start3A_311 : memref<80xi32, #tpu.memory_space<vmem>>) semaphore(%arg13 : memref<!tpu.dma_semaphore, #tpu.memory_space<semaphore_mem>>)
      %dma_wait3A_315 = arith.constant 0 : i32
      %dma_wait3A_316 = arith.constant 0 : i32
      %dma_wait3A_317 = tpu.memref_slice %arg11[%dma_wait3A_315, %dma_wait3A_316] : memref<160x128xf32, #tpu.memory_space<vmem>> -> memref<80x128xf32, #tpu.memory_space<vmem>>
      %dma_wait3A_318 = arith.constant 0 : i32
      %dma_wait3A_319 = tpu.memref_slice %arg8[%dma_wait3A_318] : memref<8000xi32, #tpu.memory_space<vmem>> -> memref<80xi32, #tpu.memory_space<vmem>>
      %dma_wait3A_320 = arith.constant 0 : i32
      %dma_wait3A_321 = arith.constant 0 : i32
      %dma_wait3A_322 = tpu.memref_slice %arg2[%dma_wait3A_320, %dma_wait3A_321] : memref<8000x128xf32, #tpu.memory_space<hbm>> -> memref<8000x128xf32, #tpu.memory_space<hbm>>
      tpu.wait_indirect_dma semaphore(%arg14 : memref<!tpu.dma_semaphore, #tpu.memory_space<semaphore_mem>>) src(%dma_wait3A_322 : memref<8000x128xf32, #tpu.memory_space<hbm>>) dst(%dma_wait3A_317 : memref<80x128xf32, #tpu.memory_space<vmem>>)
      %dma_wait3A_323 = arith.constant 80 : i32
      %dma_wait3A_324 = arith.constant 0 : i32
      %dma_wait3A_325 = tpu.memref_slice %arg11[%dma_wait3A_323, %dma_wait3A_324] : memref<160x128xf32, #tpu.memory_space<vmem>> -> memref<80x128xf32, #tpu.memory_space<vmem>>
      %dma_wait3A_326 = arith.constant 0 : i32
      %dma_wait3A_327 = tpu.memref_slice %arg8[%dma_wait3A_326] : memref<8000xi32, #tpu.memory_space<vmem>> -> memref<80xi32, #tpu.memory_space<vmem>>
      %dma_wait3A_328 = arith.constant 0 : i32
      %dma_wait3A_329 = arith.constant 0 : i32
      %dma_wait3A_330 = tpu.memref_slice %arg2[%dma_wait3A_328, %dma_wait3A_329] : memref<8000x128xf32, #tpu.memory_space<hbm>> -> memref<8000x128xf32, #tpu.memory_space<hbm>>
      tpu.wait_indirect_dma semaphore(%arg14 : memref<!tpu.dma_semaphore, #tpu.memory_space<semaphore_mem>>) src(%dma_wait3A_330 : memref<8000x128xf32, #tpu.memory_space<hbm>>) dst(%dma_wait3A_325 : memref<80x128xf32, #tpu.memory_space<vmem>>)
      %mul3A_331 = arith.constant 2 : i32
      %mul3A_332 = arith.muli %add3A_193, %mul3A_331 : i32
      %add3A_333 = arith.constant 0 : i32
      %add3A_334 = arith.addi %mul3A_332, %add3A_333 : i32
      %dma_start3A_335 = arith.constant 0 : i32
      %dma_start3A_336 = arith.constant 0 : i32
      %dma_start3A_337 = tpu.memref_slice %arg11[%dma_start3A_335, %dma_start3A_336] : memref<160x128xf32, #tpu.memory_space<vmem>> -> memref<80x128xf32, #tpu.memory_space<vmem>>
      %dma_start3A_338 = arith.constant 0 : i32
      %dma_start3A_339 = tpu.memref_slice %arg9[%add3A_334, %dma_start3A_338] : memref<100x80xi32, #tpu.memory_space<vmem>> -> memref<1x80xi32, #tpu.memory_space<vmem>>
      %dma_start3A_340 = tpu.memref_squeeze %dma_start3A_339 : memref<1x80xi32, #tpu.memory_space<vmem>> -> memref<80xi32, #tpu.memory_space<vmem>>
      %dma_start3A_341 = arith.constant 0 : i32
      %dma_start3A_342 = arith.constant 0 : i32
      %dma_start3A_343 = tpu.memref_slice %arg12[%dma_start3A_341, %dma_start3A_342] : memref<8064x128xf32, #tpu.memory_space<vmem_shared>> -> memref<8064x128xf32, #tpu.memory_space<vmem_shared>>
      tpu.enqueue_indirect_dma source(%dma_start3A_337 : memref<80x128xf32, #tpu.memory_space<vmem>>) target(%dma_start3A_343 : memref<8064x128xf32, #tpu.memory_space<vmem_shared>>) offsets(%dma_start3A_340 : memref<80xi32, #tpu.memory_space<vmem>>) semaphore(%arg16 : memref<!tpu.dma_semaphore, #tpu.memory_space<semaphore_mem>>) {add = true}
      %mul3A_344 = arith.constant 2 : i32
      %mul3A_345 = arith.muli %add3A_193, %mul3A_344 : i32
      %add3A_346 = arith.constant 1 : i32
      %add3A_347 = arith.addi %mul3A_345, %add3A_346 : i32
      %dma_start3A_348 = arith.constant 80 : i32
      %dma_start3A_349 = arith.constant 0 : i32
      %dma_start3A_350 = tpu.memref_slice %arg11[%dma_start3A_348, %dma_start3A_349] : memref<160x128xf32, #tpu.memory_space<vmem>> -> memref<80x128xf32, #tpu.memory_space<vmem>>
      %dma_start3A_351 = arith.constant 0 : i32
      %dma_start3A_352 = tpu.memref_slice %arg9[%add3A_347, %dma_start3A_351] : memref<100x80xi32, #tpu.memory_space<vmem>> -> memref<1x80xi32, #tpu.memory_space<vmem>>
      %dma_start3A_353 = tpu.memref_squeeze %dma_start3A_352 : memref<1x80xi32, #tpu.memory_space<vmem>> -> memref<80xi32, #tpu.memory_space<vmem>>
      %dma_start3A_354 = arith.constant 0 : i32
      %dma_start3A_355 = arith.constant 0 : i32
      %dma_start3A_356 = tpu.memref_slice %arg12[%dma_start3A_354, %dma_start3A_355] : memref<8064x128xf32, #tpu.memory_space<vmem_shared>> -> memref<8064x128xf32, #tpu.memory_space<vmem_shared>>
      tpu.enqueue_indirect_dma source(%dma_start3A_350 : memref<80x128xf32, #tpu.memory_space<vmem>>) target(%dma_start3A_356 : memref<8064x128xf32, #tpu.memory_space<vmem_shared>>) offsets(%dma_start3A_353 : memref<80xi32, #tpu.memory_space<vmem>>) semaphore(%arg16 : memref<!tpu.dma_semaphore, #tpu.memory_space<semaphore_mem>>) {add = true}
      %dma_wait3A_357 = arith.constant 0 : i32
      %dma_wait3A_358 = arith.constant 0 : i32
      %dma_wait3A_359 = arith.constant 0 : i32
      %dma_wait3A_360 = tpu.memref_slice %arg11[%dma_wait3A_358, %dma_wait3A_359] : memref<160x128xf32, #tpu.memory_space<vmem>> -> memref<80x128xf32, #tpu.memory_space<vmem>>
      %dma_wait3A_361 = arith.constant 0 : i32
      %dma_wait3A_362 = tpu.memref_slice %arg9[%dma_wait3A_357, %dma_wait3A_361] : memref<100x80xi32, #tpu.memory_space<vmem>> -> memref<1x80xi32, #tpu.memory_space<vmem>>
      %dma_wait3A_363 = tpu.memref_squeeze %dma_wait3A_362 : memref<1x80xi32, #tpu.memory_space<vmem>> -> memref<80xi32, #tpu.memory_space<vmem>>
      %dma_wait3A_364 = arith.constant 0 : i32
      %dma_wait3A_365 = arith.constant 0 : i32
      %dma_wait3A_366 = tpu.memref_slice %arg12[%dma_wait3A_364, %dma_wait3A_365] : memref<8064x128xf32, #tpu.memory_space<vmem_shared>> -> memref<8064x128xf32, #tpu.memory_space<vmem_shared>>
      tpu.wait_indirect_dma semaphore(%arg16 : memref<!tpu.dma_semaphore, #tpu.memory_space<semaphore_mem>>) src(%dma_wait3A_360 : memref<80x128xf32, #tpu.memory_space<vmem>>) dst(%dma_wait3A_366 : memref<8064x128xf32, #tpu.memory_space<vmem_shared>>)
      %dma_wait3A_367 = arith.constant 0 : i32
      %dma_wait3A_368 = arith.constant 80 : i32
      %dma_wait3A_369 = arith.constant 0 : i32
      %dma_wait3A_370 = tpu.memref_slice %arg11[%dma_wait3A_368, %dma_wait3A_369] : memref<160x128xf32, #tpu.memory_space<vmem>> -> memref<80x128xf32, #tpu.memory_space<vmem>>
      %dma_wait3A_371 = arith.constant 0 : i32
      %dma_wait3A_372 = tpu.memref_slice %arg9[%dma_wait3A_367, %dma_wait3A_371] : memref<100x80xi32, #tpu.memory_space<vmem>> -> memref<1x80xi32, #tpu.memory_space<vmem>>
      %dma_wait3A_373 = tpu.memref_squeeze %dma_wait3A_372 : memref<1x80xi32, #tpu.memory_space<vmem>> -> memref<80xi32, #tpu.memory_space<vmem>>
      %dma_wait3A_374 = arith.constant 0 : i32
      %dma_wait3A_375 = arith.constant 0 : i32
      %dma_wait3A_376 = tpu.memref_slice %arg12[%dma_wait3A_374, %dma_wait3A_375] : memref<8064x128xf32, #tpu.memory_space<vmem_shared>> -> memref<8064x128xf32, #tpu.memory_space<vmem_shared>>
      tpu.wait_indirect_dma semaphore(%arg16 : memref<!tpu.dma_semaphore, #tpu.memory_space<semaphore_mem>>) src(%dma_wait3A_370 : memref<80x128xf32, #tpu.memory_space<vmem>>) dst(%dma_wait3A_376 : memref<8064x128xf32, #tpu.memory_space<vmem_shared>>)
    }
    %scan3A_21 = arith.constant 25 : i32
    %dma_wait3A = arith.constant 0 : i32
    %dma_wait3A_22 = arith.constant 0 : i32
    %dma_wait3A_23 = tpu.memref_slice %arg10[%dma_wait3A, %dma_wait3A_22] : memref<160x128xf32, #tpu.memory_space<vmem>> -> memref<80x128xf32, #tpu.memory_space<vmem>>
    %dma_wait3A_24 = arith.constant 0 : i32
    %dma_wait3A_25 = tpu.memref_slice %arg8[%dma_wait3A_24] : memref<8000xi32, #tpu.memory_space<vmem>> -> memref<80xi32, #tpu.memory_space<vmem>>
    %dma_wait3A_26 = arith.constant 0 : i32
    %dma_wait3A_27 = arith.constant 0 : i32
    %dma_wait3A_28 = tpu.memref_slice %arg2[%dma_wait3A_26, %dma_wait3A_27] : memref<8000x128xf32, #tpu.memory_space<hbm>> -> memref<8000x128xf32, #tpu.memory_space<hbm>>
    tpu.wait_indirect_dma semaphore(%arg13 : memref<!tpu.dma_semaphore, #tpu.memory_space<semaphore_mem>>) src(%dma_wait3A_28 : memref<8000x128xf32, #tpu.memory_space<hbm>>) dst(%dma_wait3A_23 : memref<80x128xf32, #tpu.memory_space<vmem>>)
    %dma_wait3A_29 = arith.constant 80 : i32
    %dma_wait3A_30 = arith.constant 0 : i32
    %dma_wait3A_31 = tpu.memref_slice %arg10[%dma_wait3A_29, %dma_wait3A_30] : memref<160x128xf32, #tpu.memory_space<vmem>> -> memref<80x128xf32, #tpu.memory_space<vmem>>
    %dma_wait3A_32 = arith.constant 0 : i32
    %dma_wait3A_33 = tpu.memref_slice %arg8[%dma_wait3A_32] : memref<8000xi32, #tpu.memory_space<vmem>> -> memref<80xi32, #tpu.memory_space<vmem>>
    %dma_wait3A_34 = arith.constant 0 : i32
    %dma_wait3A_35 = arith.constant 0 : i32
    %dma_wait3A_36 = tpu.memref_slice %arg2[%dma_wait3A_34, %dma_wait3A_35] : memref<8000x128xf32, #tpu.memory_space<hbm>> -> memref<8000x128xf32, #tpu.memory_space<hbm>>
    tpu.wait_indirect_dma semaphore(%arg13 : memref<!tpu.dma_semaphore, #tpu.memory_space<semaphore_mem>>) src(%dma_wait3A_36 : memref<8000x128xf32, #tpu.memory_space<hbm>>) dst(%dma_wait3A_31 : memref<80x128xf32, #tpu.memory_space<vmem>>)
    %barrier3A_37 = arith.constant 0 : index
    tpu.barrier barrier_id(%barrier3A_37)
    %run_scoped3A = arith.constant 0 : i32
    "tpu.region"() ({
      %run_scoped3A_186 = tpu.sem_alloc : memref<!tpu.dma_semaphore, #tpu.memory_space<semaphore_mem>>
      %dma_start3A_187 = arith.constant 0 : i32
      %dma_start3A_188 = tpu.memref_slice %arg7[%run_scoped3A, %arg0, %multiple_of3A, %dma_start3A_187] : memref<2x2x8064x128xf32, #tpu.memory_space<hbm>> -> memref<1x1x504x128xf32, #tpu.memory_space<hbm>>
      %dma_start3A_189 = tpu.memref_squeeze %dma_start3A_188 : memref<1x1x504x128xf32, #tpu.memory_space<hbm>> -> memref<504x128xf32, #tpu.memory_space<hbm>>
      %dma_start3A_190 = arith.constant 0 : i32
      %dma_start3A_191 = tpu.memref_slice %arg12[%multiple_of3A, %dma_start3A_190] : memref<8064x128xf32, #tpu.memory_space<vmem_shared>> -> memref<504x128xf32, #tpu.memory_space<vmem_shared>>
      tpu.enqueue_dma source(%dma_start3A_191 : memref<504x128xf32, #tpu.memory_space<vmem_shared>>) target(%dma_start3A_189 : memref<504x128xf32, #tpu.memory_space<hbm>>) target_semaphore(%run_scoped3A_186 : memref<!tpu.dma_semaphore, #tpu.memory_space<semaphore_mem>>)
      %dma_wait3A_192 = arith.constant 0 : i32
      %dma_wait3A_193 = tpu.memref_slice %arg7[%run_scoped3A, %arg0, %multiple_of3A, %dma_wait3A_192] : memref<2x2x8064x128xf32, #tpu.memory_space<hbm>> -> memref<1x1x504x128xf32, #tpu.memory_space<hbm>>
      %dma_wait3A_194 = tpu.memref_squeeze %dma_wait3A_193 : memref<1x1x504x128xf32, #tpu.memory_space<hbm>> -> memref<504x128xf32, #tpu.memory_space<hbm>>
      %dma_wait3A_195 = arith.constant 0 : i32
      %dma_wait3A_196 = tpu.memref_slice %arg12[%multiple_of3A, %dma_wait3A_195] : memref<8064x128xf32, #tpu.memory_space<vmem_shared>> -> memref<504x128xf32, #tpu.memory_space<vmem_shared>>
      tpu.wait_dma2 semaphore(%run_scoped3A_186 : memref<!tpu.dma_semaphore, #tpu.memory_space<semaphore_mem>>) src(%dma_wait3A_196 : memref<504x128xf32, #tpu.memory_space<vmem_shared>>) dst(%dma_wait3A_194 : memref<504x128xf32, #tpu.memory_space<hbm>>)
      tpu.yield
    }) : () -> ()
    "tpu.region"() ({
      %run_scoped3A_186 = tpu.sem_alloc : memref<!tpu.dma_semaphore, #tpu.memory_space<semaphore_mem>>
      %dma_start3A_187 = arith.constant 0 : i32
      %dma_start3A_188 = arith.constant 0 : i32
      %dma_start3A_189 = tpu.memref_slice %arg10[%dma_start3A_187, %dma_start3A_188] : memref<160x128xf32, #tpu.memory_space<vmem>> -> memref<80x128xf32, #tpu.memory_space<vmem>>
      %dma_start3A_190 = arith.constant 0 : i32
      %dma_start3A_191 = arith.constant 0 : i32
      %dma_start3A_192 = tpu.memref_slice %arg10[%dma_start3A_190, %dma_start3A_191] : memref<160x128xf32, #tpu.memory_space<vmem>> -> memref<80x128xf32, #tpu.memory_space<vmem>>
      tpu.enqueue_dma source(%arg3 : memref<80x128xf32, #tpu.memory_space<hbm>>) target(%dma_start3A_192 : memref<80x128xf32, #tpu.memory_space<vmem>>) target_semaphore(%run_scoped3A_186 : memref<!tpu.dma_semaphore, #tpu.memory_space<semaphore_mem>>)
      %dma_wait3A_193 = arith.constant 0 : i32
      %dma_wait3A_194 = arith.constant 0 : i32
      %dma_wait3A_195 = tpu.memref_slice %arg10[%dma_wait3A_193, %dma_wait3A_194] : memref<160x128xf32, #tpu.memory_space<vmem>> -> memref<80x128xf32, #tpu.memory_space<vmem>>
      %dma_wait3A_196 = arith.constant 0 : i32
      %dma_wait3A_197 = arith.constant 0 : i32
      %dma_wait3A_198 = tpu.memref_slice %arg10[%dma_wait3A_196, %dma_wait3A_197] : memref<160x128xf32, #tpu.memory_space<vmem>> -> memref<80x128xf32, #tpu.memory_space<vmem>>
      tpu.wait_dma2 semaphore(%run_scoped3A_186 : memref<!tpu.dma_semaphore, #tpu.memory_space<semaphore_mem>>) src(%arg3 : memref<80x128xf32, #tpu.memory_space<hbm>>) dst(%dma_wait3A_198 : memref<80x128xf32, #tpu.memory_space<vmem>>)
      tpu.yield
    }) : () -> ()
    "tpu.region"() ({
      %run_scoped3A_186 = tpu.sem_alloc : memref<!tpu.dma_semaphore, #tpu.memory_space<semaphore_mem>>
      %dma_start3A_187 = arith.constant 0 : i32
      %dma_start3A_188 = tpu.memref_slice %arg12[%multiple_of3A, %dma_start3A_187] : memref<8064x128xf32, #tpu.memory_space<vmem_shared>> -> memref<504x128xf32, #tpu.memory_space<vmem_shared>>
      tpu.enqueue_dma source(%arg6 : memref<504x128xf32, #tpu.memory_space<hbm>>) target(%dma_start3A_188 : memref<504x128xf32, #tpu.memory_space<vmem_shared>>) target_semaphore(%run_scoped3A_186 : memref<!tpu.dma_semaphore, #tpu.memory_space<semaphore_mem>>)
      %dma_wait3A_189 = arith.constant 0 : i32
      %dma_wait3A_190 = tpu.memref_slice %arg12[%multiple_of3A, %dma_wait3A_189] : memref<8064x128xf32, #tpu.memory_space<vmem_shared>> -> memref<504x128xf32, #tpu.memory_space<vmem_shared>>
      tpu.wait_dma2 semaphore(%run_scoped3A_186 : memref<!tpu.dma_semaphore, #tpu.memory_space<semaphore_mem>>) src(%arg6 : memref<504x128xf32, #tpu.memory_space<hbm>>) dst(%dma_wait3A_190 : memref<504x128xf32, #tpu.memory_space<vmem_shared>>)
      tpu.yield
    }) : () -> ()
    %barrier3A_38 = arith.constant 0 : index
    tpu.barrier barrier_id(%barrier3A_38)
    %dma_start3A_39 = arith.constant 0 : i32
    %dma_start3A_40 = arith.constant 0 : i32
    %dma_start3A_41 = arith.constant 0 : i32
    %dma_start3A_42 = tpu.memref_slice %arg10[%dma_start3A_40, %dma_start3A_41] : memref<160x128xf32, #tpu.memory_space<vmem>> -> memref<80x128xf32, #tpu.memory_space<vmem>>
    %dma_start3A_43 = arith.constant 0 : i32
    %dma_start3A_44 = tpu.memref_slice %arg9[%dma_start3A_39, %dma_start3A_43] : memref<100x80xi32, #tpu.memory_space<vmem>> -> memref<1x80xi32, #tpu.memory_space<vmem>>
    %dma_start3A_45 = tpu.memref_squeeze %dma_start3A_44 : memref<1x80xi32, #tpu.memory_space<vmem>> -> memref<80xi32, #tpu.memory_space<vmem>>
    %dma_start3A_46 = arith.constant 0 : i32
    %dma_start3A_47 = arith.constant 0 : i32
    %dma_start3A_48 = tpu.memref_slice %arg12[%dma_start3A_46, %dma_start3A_47] : memref<8064x128xf32, #tpu.memory_space<vmem_shared>> -> memref<8064x128xf32, #tpu.memory_space<vmem_shared>>
    tpu.enqueue_indirect_dma source(%dma_start3A_42 : memref<80x128xf32, #tpu.memory_space<vmem>>) target(%dma_start3A_48 : memref<8064x128xf32, #tpu.memory_space<vmem_shared>>) offsets(%dma_start3A_45 : memref<80xi32, #tpu.memory_space<vmem>>) semaphore(%arg15 : memref<!tpu.dma_semaphore, #tpu.memory_space<semaphore_mem>>) {add = true}
    %dma_start3A_49 = arith.constant 1 : i32
    %dma_start3A_50 = arith.constant 0 : i32
    %dma_start3A_51 = arith.constant 0 : i32
    %dma_start3A_52 = tpu.memref_slice %arg10[%dma_start3A_50, %dma_start3A_51] : memref<160x128xf32, #tpu.memory_space<vmem>> -> memref<80x128xf32, #tpu.memory_space<vmem>>
    %dma_start3A_53 = arith.constant 0 : i32
    %dma_start3A_54 = tpu.memref_slice %arg9[%dma_start3A_49, %dma_start3A_53] : memref<100x80xi32, #tpu.memory_space<vmem>> -> memref<1x80xi32, #tpu.memory_space<vmem>>
    %dma_start3A_55 = tpu.memref_squeeze %dma_start3A_54 : memref<1x80xi32, #tpu.memory_space<vmem>> -> memref<80xi32, #tpu.memory_space<vmem>>
    %dma_start3A_56 = arith.constant 0 : i32
    %dma_start3A_57 = arith.constant 0 : i32
    %dma_start3A_58 = tpu.memref_slice %arg12[%dma_start3A_56, %dma_start3A_57] : memref<8064x128xf32, #tpu.memory_space<vmem_shared>> -> memref<8064x128xf32, #tpu.memory_space<vmem_shared>>
    tpu.enqueue_indirect_dma source(%dma_start3A_52 : memref<80x128xf32, #tpu.memory_space<vmem>>) target(%dma_start3A_58 : memref<8064x128xf32, #tpu.memory_space<vmem_shared>>) offsets(%dma_start3A_55 : memref<80xi32, #tpu.memory_space<vmem>>) semaphore(%arg15 : memref<!tpu.dma_semaphore, #tpu.memory_space<semaphore_mem>>) {add = true}
    %dma_start3A_59 = arith.constant 2 : i32
    %dma_start3A_60 = arith.constant 0 : i32
    %dma_start3A_61 = arith.constant 0 : i32
    %dma_start3A_62 = tpu.memref_slice %arg10[%dma_start3A_60, %dma_start3A_61] : memref<160x128xf32, #tpu.memory_space<vmem>> -> memref<80x128xf32, #tpu.memory_space<vmem>>
    %dma_start3A_63 = arith.constant 0 : i32
    %dma_start3A_64 = tpu.memref_slice %arg9[%dma_start3A_59, %dma_start3A_63] : memref<100x80xi32, #tpu.memory_space<vmem>> -> memref<1x80xi32, #tpu.memory_space<vmem>>
    %dma_start3A_65 = tpu.memref_squeeze %dma_start3A_64 : memref<1x80xi32, #tpu.memory_space<vmem>> -> memref<80xi32, #tpu.memory_space<vmem>>
    %dma_start3A_66 = arith.constant 0 : i32
    %dma_start3A_67 = arith.constant 0 : i32
    %dma_start3A_68 = tpu.memref_slice %arg12[%dma_start3A_66, %dma_start3A_67] : memref<8064x128xf32, #tpu.memory_space<vmem_shared>> -> memref<8064x128xf32, #tpu.memory_space<vmem_shared>>
    tpu.enqueue_indirect_dma source(%dma_start3A_62 : memref<80x128xf32, #tpu.memory_space<vmem>>) target(%dma_start3A_68 : memref<8064x128xf32, #tpu.memory_space<vmem_shared>>) offsets(%dma_start3A_65 : memref<80xi32, #tpu.memory_space<vmem>>) semaphore(%arg15 : memref<!tpu.dma_semaphore, #tpu.memory_space<semaphore_mem>>) {add = true}
    %dma_start3A_69 = arith.constant 3 : i32
    %dma_start3A_70 = arith.constant 0 : i32
    %dma_start3A_71 = arith.constant 0 : i32
    %dma_start3A_72 = tpu.memref_slice %arg10[%dma_start3A_70, %dma_start3A_71] : memref<160x128xf32, #tpu.memory_space<vmem>> -> memref<80x128xf32, #tpu.memory_space<vmem>>
    %dma_start3A_73 = arith.constant 0 : i32
    %dma_start3A_74 = tpu.memref_slice %arg9[%dma_start3A_69, %dma_start3A_73] : memref<100x80xi32, #tpu.memory_space<vmem>> -> memref<1x80xi32, #tpu.memory_space<vmem>>
    %dma_start3A_75 = tpu.memref_squeeze %dma_start3A_74 : memref<1x80xi32, #tpu.memory_space<vmem>> -> memref<80xi32, #tpu.memory_space<vmem>>
    %dma_start3A_76 = arith.constant 0 : i32
    %dma_start3A_77 = arith.constant 0 : i32
    %dma_start3A_78 = tpu.memref_slice %arg12[%dma_start3A_76, %dma_start3A_77] : memref<8064x128xf32, #tpu.memory_space<vmem_shared>> -> memref<8064x128xf32, #tpu.memory_space<vmem_shared>>
    tpu.enqueue_indirect_dma source(%dma_start3A_72 : memref<80x128xf32, #tpu.memory_space<vmem>>) target(%dma_start3A_78 : memref<8064x128xf32, #tpu.memory_space<vmem_shared>>) offsets(%dma_start3A_75 : memref<80xi32, #tpu.memory_space<vmem>>) semaphore(%arg15 : memref<!tpu.dma_semaphore, #tpu.memory_space<semaphore_mem>>) {add = true}
    %dma_start3A_79 = arith.constant 4 : i32
    %dma_start3A_80 = arith.constant 0 : i32
    %dma_start3A_81 = arith.constant 0 : i32
    %dma_start3A_82 = tpu.memref_slice %arg10[%dma_start3A_80, %dma_start3A_81] : memref<160x128xf32, #tpu.memory_space<vmem>> -> memref<80x128xf32, #tpu.memory_space<vmem>>
    %dma_start3A_83 = arith.constant 0 : i32
    %dma_start3A_84 = tpu.memref_slice %arg9[%dma_start3A_79, %dma_start3A_83] : memref<100x80xi32, #tpu.memory_space<vmem>> -> memref<1x80xi32, #tpu.memory_space<vmem>>
    %dma_start3A_85 = tpu.memref_squeeze %dma_start3A_84 : memref<1x80xi32, #tpu.memory_space<vmem>> -> memref<80xi32, #tpu.memory_space<vmem>>
    %dma_start3A_86 = arith.constant 0 : i32
    %dma_start3A_87 = arith.constant 0 : i32
    %dma_start3A_88 = tpu.memref_slice %arg12[%dma_start3A_86, %dma_start3A_87] : memref<8064x128xf32, #tpu.memory_space<vmem_shared>> -> memref<8064x128xf32, #tpu.memory_space<vmem_shared>>
    tpu.enqueue_indirect_dma source(%dma_start3A_82 : memref<80x128xf32, #tpu.memory_space<vmem>>) target(%dma_start3A_88 : memref<8064x128xf32, #tpu.memory_space<vmem_shared>>) offsets(%dma_start3A_85 : memref<80xi32, #tpu.memory_space<vmem>>) semaphore(%arg15 : memref<!tpu.dma_semaphore, #tpu.memory_space<semaphore_mem>>) {add = true}
    %dma_start3A_89 = arith.constant 5 : i32
    %dma_start3A_90 = arith.constant 0 : i32
    %dma_start3A_91 = arith.constant 0 : i32
    %dma_start3A_92 = tpu.memref_slice %arg10[%dma_start3A_90, %dma_start3A_91] : memref<160x128xf32, #tpu.memory_space<vmem>> -> memref<80x128xf32, #tpu.memory_space<vmem>>
    %dma_start3A_93 = arith.constant 0 : i32
    %dma_start3A_94 = tpu.memref_slice %arg9[%dma_start3A_89, %dma_start3A_93] : memref<100x80xi32, #tpu.memory_space<vmem>> -> memref<1x80xi32, #tpu.memory_space<vmem>>
    %dma_start3A_95 = tpu.memref_squeeze %dma_start3A_94 : memref<1x80xi32, #tpu.memory_space<vmem>> -> memref<80xi32, #tpu.memory_space<vmem>>
    %dma_start3A_96 = arith.constant 0 : i32
    %dma_start3A_97 = arith.constant 0 : i32
    %dma_start3A_98 = tpu.memref_slice %arg12[%dma_start3A_96, %dma_start3A_97] : memref<8064x128xf32, #tpu.memory_space<vmem_shared>> -> memref<8064x128xf32, #tpu.memory_space<vmem_shared>>
    tpu.enqueue_indirect_dma source(%dma_start3A_92 : memref<80x128xf32, #tpu.memory_space<vmem>>) target(%dma_start3A_98 : memref<8064x128xf32, #tpu.memory_space<vmem_shared>>) offsets(%dma_start3A_95 : memref<80xi32, #tpu.memory_space<vmem>>) semaphore(%arg15 : memref<!tpu.dma_semaphore, #tpu.memory_space<semaphore_mem>>) {add = true}
    %dma_start3A_99 = arith.constant 6 : i32
    %dma_start3A_100 = arith.constant 0 : i32
    %dma_start3A_101 = arith.constant 0 : i32
    %dma_start3A_102 = tpu.memref_slice %arg10[%dma_start3A_100, %dma_start3A_101] : memref<160x128xf32, #tpu.memory_space<vmem>> -> memref<80x128xf32, #tpu.memory_space<vmem>>
    %dma_start3A_103 = arith.constant 0 : i32
    %dma_start3A_104 = tpu.memref_slice %arg9[%dma_start3A_99, %dma_start3A_103] : memref<100x80xi32, #tpu.memory_space<vmem>> -> memref<1x80xi32, #tpu.memory_space<vmem>>
    %dma_start3A_105 = tpu.memref_squeeze %dma_start3A_104 : memref<1x80xi32, #tpu.memory_space<vmem>> -> memref<80xi32, #tpu.memory_space<vmem>>
    %dma_start3A_106 = arith.constant 0 : i32
    %dma_start3A_107 = arith.constant 0 : i32
    %dma_start3A_108 = tpu.memref_slice %arg12[%dma_start3A_106, %dma_start3A_107] : memref<8064x128xf32, #tpu.memory_space<vmem_shared>> -> memref<8064x128xf32, #tpu.memory_space<vmem_shared>>
    tpu.enqueue_indirect_dma source(%dma_start3A_102 : memref<80x128xf32, #tpu.memory_space<vmem>>) target(%dma_start3A_108 : memref<8064x128xf32, #tpu.memory_space<vmem_shared>>) offsets(%dma_start3A_105 : memref<80xi32, #tpu.memory_space<vmem>>) semaphore(%arg15 : memref<!tpu.dma_semaphore, #tpu.memory_space<semaphore_mem>>) {add = true}
    %scan3A_109 = arith.constant 0 : i32
    %scan3A_110 = arith.constant 93 : i32
    %scan3A_111 = arith.addi %scan3A_109, %scan3A_110 : i32
    %scan3A_112 = arith.constant 1 : i32
    scf.for %scan3A_186 = %scan3A_109 to %scan3A_111 step %scan3A_112  : i32 {
      %mul3A_187 = arith.constant 1 : i32
      %mul3A_188 = arith.muli %scan3A_186, %mul3A_187 : i32
      %add3A = arith.constant 7 : i32
      %add3A_189 = arith.addi %add3A, %mul3A_188 : i32
      %dma_start3A_190 = arith.constant 0 : i32
      %dma_start3A_191 = arith.constant 0 : i32
      %dma_start3A_192 = tpu.memref_slice %arg10[%dma_start3A_190, %dma_start3A_191] : memref<160x128xf32, #tpu.memory_space<vmem>> -> memref<80x128xf32, #tpu.memory_space<vmem>>
      %dma_start3A_193 = arith.constant 0 : i32
      %dma_start3A_194 = tpu.memref_slice %arg9[%add3A_189, %dma_start3A_193] : memref<100x80xi32, #tpu.memory_space<vmem>> -> memref<1x80xi32, #tpu.memory_space<vmem>>
      %dma_start3A_195 = tpu.memref_squeeze %dma_start3A_194 : memref<1x80xi32, #tpu.memory_space<vmem>> -> memref<80xi32, #tpu.memory_space<vmem>>
      %dma_start3A_196 = arith.constant 0 : i32
      %dma_start3A_197 = arith.constant 0 : i32
      %dma_start3A_198 = tpu.memref_slice %arg12[%dma_start3A_196, %dma_start3A_197] : memref<8064x128xf32, #tpu.memory_space<vmem_shared>> -> memref<8064x128xf32, #tpu.memory_space<vmem_shared>>
      tpu.enqueue_indirect_dma source(%dma_start3A_192 : memref<80x128xf32, #tpu.memory_space<vmem>>) target(%dma_start3A_198 : memref<8064x128xf32, #tpu.memory_space<vmem_shared>>) offsets(%dma_start3A_195 : memref<80xi32, #tpu.memory_space<vmem>>) semaphore(%arg15 : memref<!tpu.dma_semaphore, #tpu.memory_space<semaphore_mem>>) {add = true}
      %dma_wait3A_199 = arith.constant 0 : i32
      %dma_wait3A_200 = arith.constant 0 : i32
      %dma_wait3A_201 = arith.constant 0 : i32
      %dma_wait3A_202 = tpu.memref_slice %arg10[%dma_wait3A_200, %dma_wait3A_201] : memref<160x128xf32, #tpu.memory_space<vmem>> -> memref<80x128xf32, #tpu.memory_space<vmem>>
      %dma_wait3A_203 = arith.constant 0 : i32
      %dma_wait3A_204 = tpu.memref_slice %arg9[%dma_wait3A_199, %dma_wait3A_203] : memref<100x80xi32, #tpu.memory_space<vmem>> -> memref<1x80xi32, #tpu.memory_space<vmem>>
      %dma_wait3A_205 = tpu.memref_squeeze %dma_wait3A_204 : memref<1x80xi32, #tpu.memory_space<vmem>> -> memref<80xi32, #tpu.memory_space<vmem>>
      %dma_wait3A_206 = arith.constant 0 : i32
      %dma_wait3A_207 = arith.constant 0 : i32
      %dma_wait3A_208 = tpu.memref_slice %arg12[%dma_wait3A_206, %dma_wait3A_207] : memref<8064x128xf32, #tpu.memory_space<vmem_shared>> -> memref<8064x128xf32, #tpu.memory_space<vmem_shared>>
      tpu.wait_indirect_dma semaphore(%arg15 : memref<!tpu.dma_semaphore, #tpu.memory_space<semaphore_mem>>) src(%dma_wait3A_202 : memref<80x128xf32, #tpu.memory_space<vmem>>) dst(%dma_wait3A_208 : memref<8064x128xf32, #tpu.memory_space<vmem_shared>>)
    }
    %scan3A_113 = arith.constant 93 : i32
    %dma_wait3A_114 = arith.constant 0 : i32
    %dma_wait3A_115 = arith.constant 0 : i32
    %dma_wait3A_116 = arith.constant 0 : i32
    %dma_wait3A_117 = tpu.memref_slice %arg10[%dma_wait3A_115, %dma_wait3A_116] : memref<160x128xf32, #tpu.memory_space<vmem>> -> memref<80x128xf32, #tpu.memory_space<vmem>>
    %dma_wait3A_118 = arith.constant 0 : i32
    %dma_wait3A_119 = tpu.memref_slice %arg9[%dma_wait3A_114, %dma_wait3A_118] : memref<100x80xi32, #tpu.memory_space<vmem>> -> memref<1x80xi32, #tpu.memory_space<vmem>>
    %dma_wait3A_120 = tpu.memref_squeeze %dma_wait3A_119 : memref<1x80xi32, #tpu.memory_space<vmem>> -> memref<80xi32, #tpu.memory_space<vmem>>
    %dma_wait3A_121 = arith.constant 0 : i32
    %dma_wait3A_122 = arith.constant 0 : i32
    %dma_wait3A_123 = tpu.memref_slice %arg12[%dma_wait3A_121, %dma_wait3A_122] : memref<8064x128xf32, #tpu.memory_space<vmem_shared>> -> memref<8064x128xf32, #tpu.memory_space<vmem_shared>>
    tpu.wait_indirect_dma semaphore(%arg15 : memref<!tpu.dma_semaphore, #tpu.memory_space<semaphore_mem>>) src(%dma_wait3A_117 : memref<80x128xf32, #tpu.memory_space<vmem>>) dst(%dma_wait3A_123 : memref<8064x128xf32, #tpu.memory_space<vmem_shared>>)
    %dma_wait3A_124 = arith.constant 0 : i32
    %dma_wait3A_125 = arith.constant 0 : i32
    %dma_wait3A_126 = arith.constant 0 : i32
    %dma_wait3A_127 = tpu.memref_slice %arg10[%dma_wait3A_125, %dma_wait3A_126] : memref<160x128xf32, #tpu.memory_space<vmem>> -> memref<80x128xf32, #tpu.memory_space<vmem>>
    %dma_wait3A_128 = arith.constant 0 : i32
    %dma_wait3A_129 = tpu.memref_slice %arg9[%dma_wait3A_124, %dma_wait3A_128] : memref<100x80xi32, #tpu.memory_space<vmem>> -> memref<1x80xi32, #tpu.memory_space<vmem>>
    %dma_wait3A_130 = tpu.memref_squeeze %dma_wait3A_129 : memref<1x80xi32, #tpu.memory_space<vmem>> -> memref<80xi32, #tpu.memory_space<vmem>>
    %dma_wait3A_131 = arith.constant 0 : i32
    %dma_wait3A_132 = arith.constant 0 : i32
    %dma_wait3A_133 = tpu.memref_slice %arg12[%dma_wait3A_131, %dma_wait3A_132] : memref<8064x128xf32, #tpu.memory_space<vmem_shared>> -> memref<8064x128xf32, #tpu.memory_space<vmem_shared>>
    tpu.wait_indirect_dma semaphore(%arg15 : memref<!tpu.dma_semaphore, #tpu.memory_space<semaphore_mem>>) src(%dma_wait3A_127 : memref<80x128xf32, #tpu.memory_space<vmem>>) dst(%dma_wait3A_133 : memref<8064x128xf32, #tpu.memory_space<vmem_shared>>)
    %dma_wait3A_134 = arith.constant 0 : i32
    %dma_wait3A_135 = arith.constant 0 : i32
    %dma_wait3A_136 = arith.constant 0 : i32
    %dma_wait3A_137 = tpu.memref_slice %arg10[%dma_wait3A_135, %dma_wait3A_136] : memref<160x128xf32, #tpu.memory_space<vmem>> -> memref<80x128xf32, #tpu.memory_space<vmem>>
    %dma_wait3A_138 = arith.constant 0 : i32
    %dma_wait3A_139 = tpu.memref_slice %arg9[%dma_wait3A_134, %dma_wait3A_138] : memref<100x80xi32, #tpu.memory_space<vmem>> -> memref<1x80xi32, #tpu.memory_space<vmem>>
    %dma_wait3A_140 = tpu.memref_squeeze %dma_wait3A_139 : memref<1x80xi32, #tpu.memory_space<vmem>> -> memref<80xi32, #tpu.memory_space<vmem>>
    %dma_wait3A_141 = arith.constant 0 : i32
    %dma_wait3A_142 = arith.constant 0 : i32
    %dma_wait3A_143 = tpu.memref_slice %arg12[%dma_wait3A_141, %dma_wait3A_142] : memref<8064x128xf32, #tpu.memory_space<vmem_shared>> -> memref<8064x128xf32, #tpu.memory_space<vmem_shared>>
    tpu.wait_indirect_dma semaphore(%arg15 : memref<!tpu.dma_semaphore, #tpu.memory_space<semaphore_mem>>) src(%dma_wait3A_137 : memref<80x128xf32, #tpu.memory_space<vmem>>) dst(%dma_wait3A_143 : memref<8064x128xf32, #tpu.memory_space<vmem_shared>>)
    %dma_wait3A_144 = arith.constant 0 : i32
    %dma_wait3A_145 = arith.constant 0 : i32
    %dma_wait3A_146 = arith.constant 0 : i32
    %dma_wait3A_147 = tpu.memref_slice %arg10[%dma_wait3A_145, %dma_wait3A_146] : memref<160x128xf32, #tpu.memory_space<vmem>> -> memref<80x128xf32, #tpu.memory_space<vmem>>
    %dma_wait3A_148 = arith.constant 0 : i32
    %dma_wait3A_149 = tpu.memref_slice %arg9[%dma_wait3A_144, %dma_wait3A_148] : memref<100x80xi32, #tpu.memory_space<vmem>> -> memref<1x80xi32, #tpu.memory_space<vmem>>
    %dma_wait3A_150 = tpu.memref_squeeze %dma_wait3A_149 : memref<1x80xi32, #tpu.memory_space<vmem>> -> memref<80xi32, #tpu.memory_space<vmem>>
    %dma_wait3A_151 = arith.constant 0 : i32
    %dma_wait3A_152 = arith.constant 0 : i32
    %dma_wait3A_153 = tpu.memref_slice %arg12[%dma_wait3A_151, %dma_wait3A_152] : memref<8064x128xf32, #tpu.memory_space<vmem_shared>> -> memref<8064x128xf32, #tpu.memory_space<vmem_shared>>
    tpu.wait_indirect_dma semaphore(%arg15 : memref<!tpu.dma_semaphore, #tpu.memory_space<semaphore_mem>>) src(%dma_wait3A_147 : memref<80x128xf32, #tpu.memory_space<vmem>>) dst(%dma_wait3A_153 : memref<8064x128xf32, #tpu.memory_space<vmem_shared>>)
    %dma_wait3A_154 = arith.constant 0 : i32
    %dma_wait3A_155 = arith.constant 0 : i32
    %dma_wait3A_156 = arith.constant 0 : i32
    %dma_wait3A_157 = tpu.memref_slice %arg10[%dma_wait3A_155, %dma_wait3A_156] : memref<160x128xf32, #tpu.memory_space<vmem>> -> memref<80x128xf32, #tpu.memory_space<vmem>>
    %dma_wait3A_158 = arith.constant 0 : i32
    %dma_wait3A_159 = tpu.memref_slice %arg9[%dma_wait3A_154, %dma_wait3A_158] : memref<100x80xi32, #tpu.memory_space<vmem>> -> memref<1x80xi32, #tpu.memory_space<vmem>>
    %dma_wait3A_160 = tpu.memref_squeeze %dma_wait3A_159 : memref<1x80xi32, #tpu.memory_space<vmem>> -> memref<80xi32, #tpu.memory_space<vmem>>
    %dma_wait3A_161 = arith.constant 0 : i32
    %dma_wait3A_162 = arith.constant 0 : i32
    %dma_wait3A_163 = tpu.memref_slice %arg12[%dma_wait3A_161, %dma_wait3A_162] : memref<8064x128xf32, #tpu.memory_space<vmem_shared>> -> memref<8064x128xf32, #tpu.memory_space<vmem_shared>>
    tpu.wait_indirect_dma semaphore(%arg15 : memref<!tpu.dma_semaphore, #tpu.memory_space<semaphore_mem>>) src(%dma_wait3A_157 : memref<80x128xf32, #tpu.memory_space<vmem>>) dst(%dma_wait3A_163 : memref<8064x128xf32, #tpu.memory_space<vmem_shared>>)
    %dma_wait3A_164 = arith.constant 0 : i32
    %dma_wait3A_165 = arith.constant 0 : i32
    %dma_wait3A_166 = arith.constant 0 : i32
    %dma_wait3A_167 = tpu.memref_slice %arg10[%dma_wait3A_165, %dma_wait3A_166] : memref<160x128xf32, #tpu.memory_space<vmem>> -> memref<80x128xf32, #tpu.memory_space<vmem>>
    %dma_wait3A_168 = arith.constant 0 : i32
    %dma_wait3A_169 = tpu.memref_slice %arg9[%dma_wait3A_164, %dma_wait3A_168] : memref<100x80xi32, #tpu.memory_space<vmem>> -> memref<1x80xi32, #tpu.memory_space<vmem>>
    %dma_wait3A_170 = tpu.memref_squeeze %dma_wait3A_169 : memref<1x80xi32, #tpu.memory_space<vmem>> -> memref<80xi32, #tpu.memory_space<vmem>>
    %dma_wait3A_171 = arith.constant 0 : i32
    %dma_wait3A_172 = arith.constant 0 : i32
    %dma_wait3A_173 = tpu.memref_slice %arg12[%dma_wait3A_171, %dma_wait3A_172] : memref<8064x128xf32, #tpu.memory_space<vmem_shared>> -> memref<8064x128xf32, #tpu.memory_space<vmem_shared>>
    tpu.wait_indirect_dma semaphore(%arg15 : memref<!tpu.dma_semaphore, #tpu.memory_space<semaphore_mem>>) src(%dma_wait3A_167 : memref<80x128xf32, #tpu.memory_space<vmem>>) dst(%dma_wait3A_173 : memref<8064x128xf32, #tpu.memory_space<vmem_shared>>)
    %dma_wait3A_174 = arith.constant 0 : i32
    %dma_wait3A_175 = arith.constant 0 : i32
    %dma_wait3A_176 = arith.constant 0 : i32
    %dma_wait3A_177 = tpu.memref_slice %arg10[%dma_wait3A_175, %dma_wait3A_176] : memref<160x128xf32, #tpu.memory_space<vmem>> -> memref<80x128xf32, #tpu.memory_space<vmem>>
    %dma_wait3A_178 = arith.constant 0 : i32
    %dma_wait3A_179 = tpu.memref_slice %arg9[%dma_wait3A_174, %dma_wait3A_178] : memref<100x80xi32, #tpu.memory_space<vmem>> -> memref<1x80xi32, #tpu.memory_space<vmem>>
    %dma_wait3A_180 = tpu.memref_squeeze %dma_wait3A_179 : memref<1x80xi32, #tpu.memory_space<vmem>> -> memref<80xi32, #tpu.memory_space<vmem>>
    %dma_wait3A_181 = arith.constant 0 : i32
    %dma_wait3A_182 = arith.constant 0 : i32
    %dma_wait3A_183 = tpu.memref_slice %arg12[%dma_wait3A_181, %dma_wait3A_182] : memref<8064x128xf32, #tpu.memory_space<vmem_shared>> -> memref<8064x128xf32, #tpu.memory_space<vmem_shared>>
    tpu.wait_indirect_dma semaphore(%arg15 : memref<!tpu.dma_semaphore, #tpu.memory_space<semaphore_mem>>) src(%dma_wait3A_177 : memref<80x128xf32, #tpu.memory_space<vmem>>) dst(%dma_wait3A_183 : memref<8064x128xf32, #tpu.memory_space<vmem_shared>>)
    %barrier3A_184 = arith.constant 0 : index
    tpu.barrier barrier_id(%barrier3A_184)
    %run_scoped3A_185 = arith.constant 1 : i32
    "tpu.region"() ({
      %run_scoped3A_186 = tpu.sem_alloc : memref<!tpu.dma_semaphore, #tpu.memory_space<semaphore_mem>>
      %dma_start3A_187 = arith.constant 0 : i32
      %dma_start3A_188 = tpu.memref_slice %arg7[%run_scoped3A_185, %arg0, %multiple_of3A, %dma_start3A_187] : memref<2x2x8064x128xf32, #tpu.memory_space<hbm>> -> memref<1x1x504x128xf32, #tpu.memory_space<hbm>>
      %dma_start3A_189 = tpu.memref_squeeze %dma_start3A_188 : memref<1x1x504x128xf32, #tpu.memory_space<hbm>> -> memref<504x128xf32, #tpu.memory_space<hbm>>
      %dma_start3A_190 = arith.constant 0 : i32
      %dma_start3A_191 = tpu.memref_slice %arg12[%multiple_of3A, %dma_start3A_190] : memref<8064x128xf32, #tpu.memory_space<vmem_shared>> -> memref<504x128xf32, #tpu.memory_space<vmem_shared>>
      tpu.enqueue_dma source(%dma_start3A_191 : memref<504x128xf32, #tpu.memory_space<vmem_shared>>) target(%dma_start3A_189 : memref<504x128xf32, #tpu.memory_space<hbm>>) target_semaphore(%run_scoped3A_186 : memref<!tpu.dma_semaphore, #tpu.memory_space<semaphore_mem>>)
      %dma_wait3A_192 = arith.constant 0 : i32
      %dma_wait3A_193 = tpu.memref_slice %arg7[%run_scoped3A_185, %arg0, %multiple_of3A, %dma_wait3A_192] : memref<2x2x8064x128xf32, #tpu.memory_space<hbm>> -> memref<1x1x504x128xf32, #tpu.memory_space<hbm>>
      %dma_wait3A_194 = tpu.memref_squeeze %dma_wait3A_193 : memref<1x1x504x128xf32, #tpu.memory_space<hbm>> -> memref<504x128xf32, #tpu.memory_space<hbm>>
      %dma_wait3A_195 = arith.constant 0 : i32
      %dma_wait3A_196 = tpu.memref_slice %arg12[%multiple_of3A, %dma_wait3A_195] : memref<8064x128xf32, #tpu.memory_space<vmem_shared>> -> memref<504x128xf32, #tpu.memory_space<vmem_shared>>
      tpu.wait_dma2 semaphore(%run_scoped3A_186 : memref<!tpu.dma_semaphore, #tpu.memory_space<semaphore_mem>>) src(%dma_wait3A_196 : memref<504x128xf32, #tpu.memory_space<vmem_shared>>) dst(%dma_wait3A_194 : memref<504x128xf32, #tpu.memory_space<hbm>>)
      tpu.yield
    }) : () -> ()
    return
  }
}

#map = affine_map<(d0, d1) -> (0, 0)>
#map1 = affine_map<(d0, d1) -> (0, 0, 0)>
#map2 = affine_map<(d0, d1) -> (0, 0, 0, 0)>
module attributes {stable_mosaic.version = 14 : i64} {
  func.func @_sc_l2_body(%arg0: i32, %arg1: i32, %arg2: memref<8000x128xf32, #tpu.memory_space<hbm>>, %arg3: memref<8000x128xf32, #tpu.memory_space<hbm>>, %arg4: memref<8000x128xf32, #tpu.memory_space<hbm>>, %arg5: memref<8000x128xf32, #tpu.memory_space<hbm>>, %arg6: memref<2x16x8000xi32, #tpu.memory_space<hbm>>, %arg7: memref<2x16x100x80xi32, #tpu.memory_space<hbm>>, %arg8: memref<504x128xf32, #tpu.memory_space<hbm>>, %arg9: memref<2x4x8064x128xf32, #tpu.memory_space<hbm>>, %arg10: memref<8000xi32, #tpu.memory_space<vmem>>, %arg11: memref<100x80xi32, #tpu.memory_space<vmem>>, %arg12: memref<160x128xf32, #tpu.memory_space<vmem>>, %arg13: memref<160x128xf32, #tpu.memory_space<vmem>>, %arg14: memref<8064x128xf32, #tpu.memory_space<vmem_shared>>, %arg15: memref<!tpu.dma_semaphore, #tpu.memory_space<semaphore_mem>>, %arg16: memref<!tpu.dma_semaphore, #tpu.memory_space<semaphore_mem>>, %arg17: memref<!tpu.dma_semaphore, #tpu.memory_space<semaphore_mem>>, %arg18: memref<!tpu.dma_semaphore, #tpu.memory_space<semaphore_mem>>) attributes {dimension_semantics = [#tpu.dimension_semantics<core_parallel>, #tpu.dimension_semantics<subcore_parallel>], iteration_bounds = array<i64: 2, 16>, scalar_prefetch = 0 : i64, scratch_operands = 9 : i64, tpu.core_type = #tpu.core_type<sc_vector_subcore>, window_params = [{transform_indices = #map}, {transform_indices = #map}, {transform_indices = #map}, {transform_indices = #map}, {transform_indices = #map1}, {transform_indices = #map2}, {transform_indices = #map}, {transform_indices = #map2}]} {
    %mul3A = arith.constant 504 : i32
    %mul3A_0 = arith.muli %arg1, %mul3A : i32
    %multiple_of3A = tpu.assume_multiple %mul3A_0, 8 : i32
    "tpu.region"() ({
      %run_scoped3A_164 = tpu.sem_alloc : memref<!tpu.dma_semaphore, #tpu.memory_space<semaphore_mem>>
      %dma_start3A_165 = arith.constant 0 : i32
      %dma_start3A_166 = tpu.memref_slice %arg6[%arg0, %arg1, %dma_start3A_165] : memref<2x16x8000xi32, #tpu.memory_space<hbm>> -> memref<1x1x8000xi32, #tpu.memory_space<hbm>>
      %dma_start3A_167 = tpu.memref_squeeze %dma_start3A_166 : memref<1x1x8000xi32, #tpu.memory_space<hbm>> -> memref<8000xi32, #tpu.memory_space<hbm>>
      %dma_start3A_168 = arith.constant 0 : i32
      %dma_start3A_169 = tpu.memref_slice %arg6[%arg0, %arg1, %dma_start3A_168] : memref<2x16x8000xi32, #tpu.memory_space<hbm>> -> memref<1x1x8000xi32, #tpu.memory_space<hbm>>
      %dma_start3A_170 = tpu.memref_squeeze %dma_start3A_169 : memref<1x1x8000xi32, #tpu.memory_space<hbm>> -> memref<8000xi32, #tpu.memory_space<hbm>>
      tpu.enqueue_dma source(%dma_start3A_170 : memref<8000xi32, #tpu.memory_space<hbm>>) target(%arg10 : memref<8000xi32, #tpu.memory_space<vmem>>) target_semaphore(%run_scoped3A_164 : memref<!tpu.dma_semaphore, #tpu.memory_space<semaphore_mem>>)
      %dma_wait3A_171 = arith.constant 0 : i32
      %dma_wait3A_172 = tpu.memref_slice %arg6[%arg0, %arg1, %dma_wait3A_171] : memref<2x16x8000xi32, #tpu.memory_space<hbm>> -> memref<1x1x8000xi32, #tpu.memory_space<hbm>>
      %dma_wait3A_173 = tpu.memref_squeeze %dma_wait3A_172 : memref<1x1x8000xi32, #tpu.memory_space<hbm>> -> memref<8000xi32, #tpu.memory_space<hbm>>
      %dma_wait3A_174 = arith.constant 0 : i32
      %dma_wait3A_175 = tpu.memref_slice %arg6[%arg0, %arg1, %dma_wait3A_174] : memref<2x16x8000xi32, #tpu.memory_space<hbm>> -> memref<1x1x8000xi32, #tpu.memory_space<hbm>>
      %dma_wait3A_176 = tpu.memref_squeeze %dma_wait3A_175 : memref<1x1x8000xi32, #tpu.memory_space<hbm>> -> memref<8000xi32, #tpu.memory_space<hbm>>
      tpu.wait_dma2 semaphore(%run_scoped3A_164 : memref<!tpu.dma_semaphore, #tpu.memory_space<semaphore_mem>>) src(%dma_wait3A_176 : memref<8000xi32, #tpu.memory_space<hbm>>) dst(%arg10 : memref<8000xi32, #tpu.memory_space<vmem>>)
      tpu.yield
    }) : () -> ()
    "tpu.region"() ({
      %run_scoped3A_164 = tpu.sem_alloc : memref<!tpu.dma_semaphore, #tpu.memory_space<semaphore_mem>>
      %dma_start3A_165 = arith.constant 0 : i32
      %dma_start3A_166 = arith.constant 0 : i32
      %dma_start3A_167 = tpu.memref_slice %arg7[%arg0, %arg1, %dma_start3A_165, %dma_start3A_166] : memref<2x16x100x80xi32, #tpu.memory_space<hbm>> -> memref<1x1x100x80xi32, #tpu.memory_space<hbm>>
      %dma_start3A_168 = tpu.memref_squeeze %dma_start3A_167 : memref<1x1x100x80xi32, #tpu.memory_space<hbm>> -> memref<100x80xi32, #tpu.memory_space<hbm>>
      %dma_start3A_169 = arith.constant 0 : i32
      %dma_start3A_170 = arith.constant 0 : i32
      %dma_start3A_171 = tpu.memref_slice %arg7[%arg0, %arg1, %dma_start3A_169, %dma_start3A_170] : memref<2x16x100x80xi32, #tpu.memory_space<hbm>> -> memref<1x1x100x80xi32, #tpu.memory_space<hbm>>
      %dma_start3A_172 = tpu.memref_squeeze %dma_start3A_171 : memref<1x1x100x80xi32, #tpu.memory_space<hbm>> -> memref<100x80xi32, #tpu.memory_space<hbm>>
      tpu.enqueue_dma source(%dma_start3A_172 : memref<100x80xi32, #tpu.memory_space<hbm>>) target(%arg11 : memref<100x80xi32, #tpu.memory_space<vmem>>) target_semaphore(%run_scoped3A_164 : memref<!tpu.dma_semaphore, #tpu.memory_space<semaphore_mem>>)
      %dma_wait3A_173 = arith.constant 0 : i32
      %dma_wait3A_174 = arith.constant 0 : i32
      %dma_wait3A_175 = tpu.memref_slice %arg7[%arg0, %arg1, %dma_wait3A_173, %dma_wait3A_174] : memref<2x16x100x80xi32, #tpu.memory_space<hbm>> -> memref<1x1x100x80xi32, #tpu.memory_space<hbm>>
      %dma_wait3A_176 = tpu.memref_squeeze %dma_wait3A_175 : memref<1x1x100x80xi32, #tpu.memory_space<hbm>> -> memref<100x80xi32, #tpu.memory_space<hbm>>
      %dma_wait3A_177 = arith.constant 0 : i32
      %dma_wait3A_178 = arith.constant 0 : i32
      %dma_wait3A_179 = tpu.memref_slice %arg7[%arg0, %arg1, %dma_wait3A_177, %dma_wait3A_178] : memref<2x16x100x80xi32, #tpu.memory_space<hbm>> -> memref<1x1x100x80xi32, #tpu.memory_space<hbm>>
      %dma_wait3A_180 = tpu.memref_squeeze %dma_wait3A_179 : memref<1x1x100x80xi32, #tpu.memory_space<hbm>> -> memref<100x80xi32, #tpu.memory_space<hbm>>
      tpu.wait_dma2 semaphore(%run_scoped3A_164 : memref<!tpu.dma_semaphore, #tpu.memory_space<semaphore_mem>>) src(%dma_wait3A_180 : memref<100x80xi32, #tpu.memory_space<hbm>>) dst(%arg11 : memref<100x80xi32, #tpu.memory_space<vmem>>)
      tpu.yield
    }) : () -> ()
    "tpu.region"() ({
      %run_scoped3A_164 = tpu.sem_alloc : memref<!tpu.dma_semaphore, #tpu.memory_space<semaphore_mem>>
      %dma_start3A_165 = arith.constant 0 : i32
      %dma_start3A_166 = tpu.memref_slice %arg14[%multiple_of3A, %dma_start3A_165] : memref<8064x128xf32, #tpu.memory_space<vmem_shared>> -> memref<504x128xf32, #tpu.memory_space<vmem_shared>>
      tpu.enqueue_dma source(%arg8 : memref<504x128xf32, #tpu.memory_space<hbm>>) target(%dma_start3A_166 : memref<504x128xf32, #tpu.memory_space<vmem_shared>>) target_semaphore(%run_scoped3A_164 : memref<!tpu.dma_semaphore, #tpu.memory_space<semaphore_mem>>)
      %dma_wait3A_167 = arith.constant 0 : i32
      %dma_wait3A_168 = tpu.memref_slice %arg14[%multiple_of3A, %dma_wait3A_167] : memref<8064x128xf32, #tpu.memory_space<vmem_shared>> -> memref<504x128xf32, #tpu.memory_space<vmem_shared>>
      tpu.wait_dma2 semaphore(%run_scoped3A_164 : memref<!tpu.dma_semaphore, #tpu.memory_space<semaphore_mem>>) src(%arg8 : memref<504x128xf32, #tpu.memory_space<hbm>>) dst(%dma_wait3A_168 : memref<504x128xf32, #tpu.memory_space<vmem_shared>>)
      tpu.yield
    }) : () -> ()
    %barrier3A = arith.constant 0 : index
    tpu.barrier barrier_id(%barrier3A)
    %multiple_of3A_1 = arith.constant 0 : i32
    %multiple_of3A_2 = tpu.assume_multiple %multiple_of3A_1, 8 : i32
    %dma_start3A = arith.constant 0 : i32
    %dma_start3A_3 = arith.constant 0 : i32
    %dma_start3A_4 = tpu.memref_slice %arg12[%dma_start3A, %dma_start3A_3] : memref<160x128xf32, #tpu.memory_space<vmem>> -> memref<80x128xf32, #tpu.memory_space<vmem>>
    %dma_start3A_5 = tpu.memref_slice %arg10[%multiple_of3A_2] : memref<8000xi32, #tpu.memory_space<vmem>> -> memref<80xi32, #tpu.memory_space<vmem>>
    %dma_start3A_6 = arith.constant 0 : i32
    %dma_start3A_7 = arith.constant 0 : i32
    %dma_start3A_8 = tpu.memref_slice %arg2[%dma_start3A_6, %dma_start3A_7] : memref<8000x128xf32, #tpu.memory_space<hbm>> -> memref<8000x128xf32, #tpu.memory_space<hbm>>
    tpu.enqueue_indirect_dma source(%dma_start3A_8 : memref<8000x128xf32, #tpu.memory_space<hbm>>) target(%dma_start3A_4 : memref<80x128xf32, #tpu.memory_space<vmem>>) offsets(%dma_start3A_5 : memref<80xi32, #tpu.memory_space<vmem>>) semaphore(%arg15 : memref<!tpu.dma_semaphore, #tpu.memory_space<semaphore_mem>>)
    %multiple_of3A_9 = arith.constant 80 : i32
    %multiple_of3A_10 = tpu.assume_multiple %multiple_of3A_9, 8 : i32
    %dma_start3A_11 = arith.constant 80 : i32
    %dma_start3A_12 = arith.constant 0 : i32
    %dma_start3A_13 = tpu.memref_slice %arg12[%dma_start3A_11, %dma_start3A_12] : memref<160x128xf32, #tpu.memory_space<vmem>> -> memref<80x128xf32, #tpu.memory_space<vmem>>
    %dma_start3A_14 = tpu.memref_slice %arg10[%multiple_of3A_10] : memref<8000xi32, #tpu.memory_space<vmem>> -> memref<80xi32, #tpu.memory_space<vmem>>
    %dma_start3A_15 = arith.constant 0 : i32
    %dma_start3A_16 = arith.constant 0 : i32
    %dma_start3A_17 = tpu.memref_slice %arg2[%dma_start3A_15, %dma_start3A_16] : memref<8000x128xf32, #tpu.memory_space<hbm>> -> memref<8000x128xf32, #tpu.memory_space<hbm>>
    tpu.enqueue_indirect_dma source(%dma_start3A_17 : memref<8000x128xf32, #tpu.memory_space<hbm>>) target(%dma_start3A_13 : memref<80x128xf32, #tpu.memory_space<vmem>>) offsets(%dma_start3A_14 : memref<80xi32, #tpu.memory_space<vmem>>) semaphore(%arg15 : memref<!tpu.dma_semaphore, #tpu.memory_space<semaphore_mem>>)
    %scan3A = arith.constant 0 : i32
    %scan3A_18 = arith.constant 25 : i32
    %scan3A_19 = arith.addi %scan3A, %scan3A_18 : i32
    %scan3A_20 = arith.constant 1 : i32
    scf.for %scan3A_164 = %scan3A to %scan3A_19 step %scan3A_20  : i32 {
      %mul3A_165 = arith.constant 1 : i32
      %mul3A_166 = arith.muli %scan3A_164, %mul3A_165 : i32
      %add3A = arith.constant 0 : i32
      %add3A_167 = arith.addi %add3A, %mul3A_166 : i32
      %mul3A_168 = arith.constant 2 : i32
      %mul3A_169 = arith.muli %add3A_167, %mul3A_168 : i32
      %add3A_170 = arith.constant 1 : i32
      %add3A_171 = arith.addi %mul3A_169, %add3A_170 : i32
      %dma_wait3A_172 = arith.constant 0 : i32
      %dma_wait3A_173 = arith.constant 0 : i32
      %dma_wait3A_174 = tpu.memref_slice %arg12[%dma_wait3A_172, %dma_wait3A_173] : memref<160x128xf32, #tpu.memory_space<vmem>> -> memref<80x128xf32, #tpu.memory_space<vmem>>
      %dma_wait3A_175 = arith.constant 0 : i32
      %dma_wait3A_176 = tpu.memref_slice %arg10[%dma_wait3A_175] : memref<8000xi32, #tpu.memory_space<vmem>> -> memref<80xi32, #tpu.memory_space<vmem>>
      %dma_wait3A_177 = arith.constant 0 : i32
      %dma_wait3A_178 = arith.constant 0 : i32
      %dma_wait3A_179 = tpu.memref_slice %arg2[%dma_wait3A_177, %dma_wait3A_178] : memref<8000x128xf32, #tpu.memory_space<hbm>> -> memref<8000x128xf32, #tpu.memory_space<hbm>>
      tpu.wait_indirect_dma semaphore(%arg15 : memref<!tpu.dma_semaphore, #tpu.memory_space<semaphore_mem>>) src(%dma_wait3A_179 : memref<8000x128xf32, #tpu.memory_space<hbm>>) dst(%dma_wait3A_174 : memref<80x128xf32, #tpu.memory_space<vmem>>)
      %dma_wait3A_180 = arith.constant 80 : i32
      %dma_wait3A_181 = arith.constant 0 : i32
      %dma_wait3A_182 = tpu.memref_slice %arg12[%dma_wait3A_180, %dma_wait3A_181] : memref<160x128xf32, #tpu.memory_space<vmem>> -> memref<80x128xf32, #tpu.memory_space<vmem>>
      %dma_wait3A_183 = arith.constant 0 : i32
      %dma_wait3A_184 = tpu.memref_slice %arg10[%dma_wait3A_183] : memref<8000xi32, #tpu.memory_space<vmem>> -> memref<80xi32, #tpu.memory_space<vmem>>
      %dma_wait3A_185 = arith.constant 0 : i32
      %dma_wait3A_186 = arith.constant 0 : i32
      %dma_wait3A_187 = tpu.memref_slice %arg2[%dma_wait3A_185, %dma_wait3A_186] : memref<8000x128xf32, #tpu.memory_space<hbm>> -> memref<8000x128xf32, #tpu.memory_space<hbm>>
      tpu.wait_indirect_dma semaphore(%arg15 : memref<!tpu.dma_semaphore, #tpu.memory_space<semaphore_mem>>) src(%dma_wait3A_187 : memref<8000x128xf32, #tpu.memory_space<hbm>>) dst(%dma_wait3A_182 : memref<80x128xf32, #tpu.memory_space<vmem>>)
      %mul3A_188 = arith.constant 2 : i32
      %mul3A_189 = arith.muli %add3A_171, %mul3A_188 : i32
      %add3A_190 = arith.constant 0 : i32
      %add3A_191 = arith.addi %mul3A_189, %add3A_190 : i32
      %mul3A_192 = arith.constant 80 : i32
      %mul3A_193 = arith.muli %add3A_191, %mul3A_192 : i32
      %multiple_of3A_194 = tpu.assume_multiple %mul3A_193, 8 : i32
      %dma_start3A_195 = arith.constant 0 : i32
      %dma_start3A_196 = arith.constant 0 : i32
      %dma_start3A_197 = tpu.memref_slice %arg13[%dma_start3A_195, %dma_start3A_196] : memref<160x128xf32, #tpu.memory_space<vmem>> -> memref<80x128xf32, #tpu.memory_space<vmem>>
      %dma_start3A_198 = tpu.memref_slice %arg10[%multiple_of3A_194] : memref<8000xi32, #tpu.memory_space<vmem>> -> memref<80xi32, #tpu.memory_space<vmem>>
      %dma_start3A_199 = arith.constant 0 : i32
      %dma_start3A_200 = arith.constant 0 : i32
      %dma_start3A_201 = tpu.memref_slice %arg2[%dma_start3A_199, %dma_start3A_200] : memref<8000x128xf32, #tpu.memory_space<hbm>> -> memref<8000x128xf32, #tpu.memory_space<hbm>>
      tpu.enqueue_indirect_dma source(%dma_start3A_201 : memref<8000x128xf32, #tpu.memory_space<hbm>>) target(%dma_start3A_197 : memref<80x128xf32, #tpu.memory_space<vmem>>) offsets(%dma_start3A_198 : memref<80xi32, #tpu.memory_space<vmem>>) semaphore(%arg16 : memref<!tpu.dma_semaphore, #tpu.memory_space<semaphore_mem>>)
      %mul3A_202 = arith.constant 2 : i32
      %mul3A_203 = arith.muli %add3A_171, %mul3A_202 : i32
      %add3A_204 = arith.constant 1 : i32
      %add3A_205 = arith.addi %mul3A_203, %add3A_204 : i32
      %mul3A_206 = arith.constant 80 : i32
      %mul3A_207 = arith.muli %add3A_205, %mul3A_206 : i32
      %multiple_of3A_208 = tpu.assume_multiple %mul3A_207, 8 : i32
      %dma_start3A_209 = arith.constant 80 : i32
      %dma_start3A_210 = arith.constant 0 : i32
      %dma_start3A_211 = tpu.memref_slice %arg13[%dma_start3A_209, %dma_start3A_210] : memref<160x128xf32, #tpu.memory_space<vmem>> -> memref<80x128xf32, #tpu.memory_space<vmem>>
      %dma_start3A_212 = tpu.memref_slice %arg10[%multiple_of3A_208] : memref<8000xi32, #tpu.memory_space<vmem>> -> memref<80xi32, #tpu.memory_space<vmem>>
      %dma_start3A_213 = arith.constant 0 : i32
      %dma_start3A_214 = arith.constant 0 : i32
      %dma_start3A_215 = tpu.memref_slice %arg2[%dma_start3A_213, %dma_start3A_214] : memref<8000x128xf32, #tpu.memory_space<hbm>> -> memref<8000x128xf32, #tpu.memory_space<hbm>>
      tpu.enqueue_indirect_dma source(%dma_start3A_215 : memref<8000x128xf32, #tpu.memory_space<hbm>>) target(%dma_start3A_211 : memref<80x128xf32, #tpu.memory_space<vmem>>) offsets(%dma_start3A_212 : memref<80xi32, #tpu.memory_space<vmem>>) semaphore(%arg16 : memref<!tpu.dma_semaphore, #tpu.memory_space<semaphore_mem>>)
      %mul3A_216 = arith.constant 2 : i32
      %mul3A_217 = arith.muli %mul3A_169, %mul3A_216 : i32
      %add3A_218 = arith.constant 0 : i32
      %add3A_219 = arith.addi %mul3A_217, %add3A_218 : i32
      %dma_start3A_220 = arith.constant 0 : i32
      %dma_start3A_221 = arith.constant 0 : i32
      %dma_start3A_222 = tpu.memref_slice %arg12[%dma_start3A_220, %dma_start3A_221] : memref<160x128xf32, #tpu.memory_space<vmem>> -> memref<80x128xf32, #tpu.memory_space<vmem>>
      %dma_start3A_223 = arith.constant 0 : i32
      %dma_start3A_224 = tpu.memref_slice %arg11[%add3A_219, %dma_start3A_223] : memref<100x80xi32, #tpu.memory_space<vmem>> -> memref<1x80xi32, #tpu.memory_space<vmem>>
      %dma_start3A_225 = tpu.memref_squeeze %dma_start3A_224 : memref<1x80xi32, #tpu.memory_space<vmem>> -> memref<80xi32, #tpu.memory_space<vmem>>
      %dma_start3A_226 = arith.constant 0 : i32
      %dma_start3A_227 = arith.constant 0 : i32
      %dma_start3A_228 = tpu.memref_slice %arg14[%dma_start3A_226, %dma_start3A_227] : memref<8064x128xf32, #tpu.memory_space<vmem_shared>> -> memref<8064x128xf32, #tpu.memory_space<vmem_shared>>
      tpu.enqueue_indirect_dma source(%dma_start3A_222 : memref<80x128xf32, #tpu.memory_space<vmem>>) target(%dma_start3A_228 : memref<8064x128xf32, #tpu.memory_space<vmem_shared>>) offsets(%dma_start3A_225 : memref<80xi32, #tpu.memory_space<vmem>>) semaphore(%arg17 : memref<!tpu.dma_semaphore, #tpu.memory_space<semaphore_mem>>) {add = true}
      %mul3A_229 = arith.constant 2 : i32
      %mul3A_230 = arith.muli %mul3A_169, %mul3A_229 : i32
      %add3A_231 = arith.constant 1 : i32
      %add3A_232 = arith.addi %mul3A_230, %add3A_231 : i32
      %dma_start3A_233 = arith.constant 80 : i32
      %dma_start3A_234 = arith.constant 0 : i32
      %dma_start3A_235 = tpu.memref_slice %arg12[%dma_start3A_233, %dma_start3A_234] : memref<160x128xf32, #tpu.memory_space<vmem>> -> memref<80x128xf32, #tpu.memory_space<vmem>>
      %dma_start3A_236 = arith.constant 0 : i32
      %dma_start3A_237 = tpu.memref_slice %arg11[%add3A_232, %dma_start3A_236] : memref<100x80xi32, #tpu.memory_space<vmem>> -> memref<1x80xi32, #tpu.memory_space<vmem>>
      %dma_start3A_238 = tpu.memref_squeeze %dma_start3A_237 : memref<1x80xi32, #tpu.memory_space<vmem>> -> memref<80xi32, #tpu.memory_space<vmem>>
      %dma_start3A_239 = arith.constant 0 : i32
      %dma_start3A_240 = arith.constant 0 : i32
      %dma_start3A_241 = tpu.memref_slice %arg14[%dma_start3A_239, %dma_start3A_240] : memref<8064x128xf32, #tpu.memory_space<vmem_shared>> -> memref<8064x128xf32, #tpu.memory_space<vmem_shared>>
      tpu.enqueue_indirect_dma source(%dma_start3A_235 : memref<80x128xf32, #tpu.memory_space<vmem>>) target(%dma_start3A_241 : memref<8064x128xf32, #tpu.memory_space<vmem_shared>>) offsets(%dma_start3A_238 : memref<80xi32, #tpu.memory_space<vmem>>) semaphore(%arg17 : memref<!tpu.dma_semaphore, #tpu.memory_space<semaphore_mem>>) {add = true}
      %dma_wait3A_242 = arith.constant 0 : i32
      %dma_wait3A_243 = arith.constant 0 : i32
      %dma_wait3A_244 = arith.constant 0 : i32
      %dma_wait3A_245 = tpu.memref_slice %arg12[%dma_wait3A_243, %dma_wait3A_244] : memref<160x128xf32, #tpu.memory_space<vmem>> -> memref<80x128xf32, #tpu.memory_space<vmem>>
      %dma_wait3A_246 = arith.constant 0 : i32
      %dma_wait3A_247 = tpu.memref_slice %arg11[%dma_wait3A_242, %dma_wait3A_246] : memref<100x80xi32, #tpu.memory_space<vmem>> -> memref<1x80xi32, #tpu.memory_space<vmem>>
      %dma_wait3A_248 = tpu.memref_squeeze %dma_wait3A_247 : memref<1x80xi32, #tpu.memory_space<vmem>> -> memref<80xi32, #tpu.memory_space<vmem>>
      %dma_wait3A_249 = arith.constant 0 : i32
      %dma_wait3A_250 = arith.constant 0 : i32
      %dma_wait3A_251 = tpu.memref_slice %arg14[%dma_wait3A_249, %dma_wait3A_250] : memref<8064x128xf32, #tpu.memory_space<vmem_shared>> -> memref<8064x128xf32, #tpu.memory_space<vmem_shared>>
      tpu.wait_indirect_dma semaphore(%arg17 : memref<!tpu.dma_semaphore, #tpu.memory_space<semaphore_mem>>) src(%dma_wait3A_245 : memref<80x128xf32, #tpu.memory_space<vmem>>) dst(%dma_wait3A_251 : memref<8064x128xf32, #tpu.memory_space<vmem_shared>>)
      %dma_wait3A_252 = arith.constant 0 : i32
      %dma_wait3A_253 = arith.constant 80 : i32
      %dma_wait3A_254 = arith.constant 0 : i32
      %dma_wait3A_255 = tpu.memref_slice %arg12[%dma_wait3A_253, %dma_wait3A_254] : memref<160x128xf32, #tpu.memory_space<vmem>> -> memref<80x128xf32, #tpu.memory_space<vmem>>
      %dma_wait3A_256 = arith.constant 0 : i32
      %dma_wait3A_257 = tpu.memref_slice %arg11[%dma_wait3A_252, %dma_wait3A_256] : memref<100x80xi32, #tpu.memory_space<vmem>> -> memref<1x80xi32, #tpu.memory_space<vmem>>
      %dma_wait3A_258 = tpu.memref_squeeze %dma_wait3A_257 : memref<1x80xi32, #tpu.memory_space<vmem>> -> memref<80xi32, #tpu.memory_space<vmem>>
      %dma_wait3A_259 = arith.constant 0 : i32
      %dma_wait3A_260 = arith.constant 0 : i32
      %dma_wait3A_261 = tpu.memref_slice %arg14[%dma_wait3A_259, %dma_wait3A_260] : memref<8064x128xf32, #tpu.memory_space<vmem_shared>> -> memref<8064x128xf32, #tpu.memory_space<vmem_shared>>
      tpu.wait_indirect_dma semaphore(%arg17 : memref<!tpu.dma_semaphore, #tpu.memory_space<semaphore_mem>>) src(%dma_wait3A_255 : memref<80x128xf32, #tpu.memory_space<vmem>>) dst(%dma_wait3A_261 : memref<8064x128xf32, #tpu.memory_space<vmem_shared>>)
      %add3A_262 = arith.constant 2 : i32
      %add3A_263 = arith.addi %mul3A_169, %add3A_262 : i32
      %min3A = arith.constant 49 : i32
      %min3A_264 = arith.minsi %add3A_263, %min3A : i32
      %mul3A_265 = arith.constant 2 : i32
      %mul3A_266 = arith.muli %min3A_264, %mul3A_265 : i32
      %add3A_267 = arith.constant 0 : i32
      %add3A_268 = arith.addi %mul3A_266, %add3A_267 : i32
      %mul3A_269 = arith.constant 80 : i32
      %mul3A_270 = arith.muli %add3A_268, %mul3A_269 : i32
      %multiple_of3A_271 = tpu.assume_multiple %mul3A_270, 8 : i32
      %dma_start3A_272 = arith.constant 0 : i32
      %dma_start3A_273 = arith.constant 0 : i32
      %dma_start3A_274 = tpu.memref_slice %arg12[%dma_start3A_272, %dma_start3A_273] : memref<160x128xf32, #tpu.memory_space<vmem>> -> memref<80x128xf32, #tpu.memory_space<vmem>>
      %dma_start3A_275 = tpu.memref_slice %arg10[%multiple_of3A_271] : memref<8000xi32, #tpu.memory_space<vmem>> -> memref<80xi32, #tpu.memory_space<vmem>>
      %dma_start3A_276 = arith.constant 0 : i32
      %dma_start3A_277 = arith.constant 0 : i32
      %dma_start3A_278 = tpu.memref_slice %arg2[%dma_start3A_276, %dma_start3A_277] : memref<8000x128xf32, #tpu.memory_space<hbm>> -> memref<8000x128xf32, #tpu.memory_space<hbm>>
      tpu.enqueue_indirect_dma source(%dma_start3A_278 : memref<8000x128xf32, #tpu.memory_space<hbm>>) target(%dma_start3A_274 : memref<80x128xf32, #tpu.memory_space<vmem>>) offsets(%dma_start3A_275 : memref<80xi32, #tpu.memory_space<vmem>>) semaphore(%arg15 : memref<!tpu.dma_semaphore, #tpu.memory_space<semaphore_mem>>)
      %mul3A_279 = arith.constant 2 : i32
      %mul3A_280 = arith.muli %min3A_264, %mul3A_279 : i32
      %add3A_281 = arith.constant 1 : i32
      %add3A_282 = arith.addi %mul3A_280, %add3A_281 : i32
      %mul3A_283 = arith.constant 80 : i32
      %mul3A_284 = arith.muli %add3A_282, %mul3A_283 : i32
      %multiple_of3A_285 = tpu.assume_multiple %mul3A_284, 8 : i32
      %dma_start3A_286 = arith.constant 80 : i32
      %dma_start3A_287 = arith.constant 0 : i32
      %dma_start3A_288 = tpu.memref_slice %arg12[%dma_start3A_286, %dma_start3A_287] : memref<160x128xf32, #tpu.memory_space<vmem>> -> memref<80x128xf32, #tpu.memory_space<vmem>>
      %dma_start3A_289 = tpu.memref_slice %arg10[%multiple_of3A_285] : memref<8000xi32, #tpu.memory_space<vmem>> -> memref<80xi32, #tpu.memory_space<vmem>>
      %dma_start3A_290 = arith.constant 0 : i32
      %dma_start3A_291 = arith.constant 0 : i32
      %dma_start3A_292 = tpu.memref_slice %arg2[%dma_start3A_290, %dma_start3A_291] : memref<8000x128xf32, #tpu.memory_space<hbm>> -> memref<8000x128xf32, #tpu.memory_space<hbm>>
      tpu.enqueue_indirect_dma source(%dma_start3A_292 : memref<8000x128xf32, #tpu.memory_space<hbm>>) target(%dma_start3A_288 : memref<80x128xf32, #tpu.memory_space<vmem>>) offsets(%dma_start3A_289 : memref<80xi32, #tpu.memory_space<vmem>>) semaphore(%arg15 : memref<!tpu.dma_semaphore, #tpu.memory_space<semaphore_mem>>)
      %dma_wait3A_293 = arith.constant 0 : i32
      %dma_wait3A_294 = arith.constant 0 : i32
      %dma_wait3A_295 = tpu.memref_slice %arg13[%dma_wait3A_293, %dma_wait3A_294] : memref<160x128xf32, #tpu.memory_space<vmem>> -> memref<80x128xf32, #tpu.memory_space<vmem>>
      %dma_wait3A_296 = arith.constant 0 : i32
      %dma_wait3A_297 = tpu.memref_slice %arg10[%dma_wait3A_296] : memref<8000xi32, #tpu.memory_space<vmem>> -> memref<80xi32, #tpu.memory_space<vmem>>
      %dma_wait3A_298 = arith.constant 0 : i32
      %dma_wait3A_299 = arith.constant 0 : i32
      %dma_wait3A_300 = tpu.memref_slice %arg2[%dma_wait3A_298, %dma_wait3A_299] : memref<8000x128xf32, #tpu.memory_space<hbm>> -> memref<8000x128xf32, #tpu.memory_space<hbm>>
      tpu.wait_indirect_dma semaphore(%arg16 : memref<!tpu.dma_semaphore, #tpu.memory_space<semaphore_mem>>) src(%dma_wait3A_300 : memref<8000x128xf32, #tpu.memory_space<hbm>>) dst(%dma_wait3A_295 : memref<80x128xf32, #tpu.memory_space<vmem>>)
      %dma_wait3A_301 = arith.constant 80 : i32
      %dma_wait3A_302 = arith.constant 0 : i32
      %dma_wait3A_303 = tpu.memref_slice %arg13[%dma_wait3A_301, %dma_wait3A_302] : memref<160x128xf32, #tpu.memory_space<vmem>> -> memref<80x128xf32, #tpu.memory_space<vmem>>
      %dma_wait3A_304 = arith.constant 0 : i32
      %dma_wait3A_305 = tpu.memref_slice %arg10[%dma_wait3A_304] : memref<8000xi32, #tpu.memory_space<vmem>> -> memref<80xi32, #tpu.memory_space<vmem>>
      %dma_wait3A_306 = arith.constant 0 : i32
      %dma_wait3A_307 = arith.constant 0 : i32
      %dma_wait3A_308 = tpu.memref_slice %arg2[%dma_wait3A_306, %dma_wait3A_307] : memref<8000x128xf32, #tpu.memory_space<hbm>> -> memref<8000x128xf32, #tpu.memory_space<hbm>>
      tpu.wait_indirect_dma semaphore(%arg16 : memref<!tpu.dma_semaphore, #tpu.memory_space<semaphore_mem>>) src(%dma_wait3A_308 : memref<8000x128xf32, #tpu.memory_space<hbm>>) dst(%dma_wait3A_303 : memref<80x128xf32, #tpu.memory_space<vmem>>)
      %mul3A_309 = arith.constant 2 : i32
      %mul3A_310 = arith.muli %add3A_171, %mul3A_309 : i32
      %add3A_311 = arith.constant 0 : i32
      %add3A_312 = arith.addi %mul3A_310, %add3A_311 : i32
      %dma_start3A_313 = arith.constant 0 : i32
      %dma_start3A_314 = arith.constant 0 : i32
      %dma_start3A_315 = tpu.memref_slice %arg13[%dma_start3A_313, %dma_start3A_314] : memref<160x128xf32, #tpu.memory_space<vmem>> -> memref<80x128xf32, #tpu.memory_space<vmem>>
      %dma_start3A_316 = arith.constant 0 : i32
      %dma_start3A_317 = tpu.memref_slice %arg11[%add3A_312, %dma_start3A_316] : memref<100x80xi32, #tpu.memory_space<vmem>> -> memref<1x80xi32, #tpu.memory_space<vmem>>
      %dma_start3A_318 = tpu.memref_squeeze %dma_start3A_317 : memref<1x80xi32, #tpu.memory_space<vmem>> -> memref<80xi32, #tpu.memory_space<vmem>>
      %dma_start3A_319 = arith.constant 0 : i32
      %dma_start3A_320 = arith.constant 0 : i32
      %dma_start3A_321 = tpu.memref_slice %arg14[%dma_start3A_319, %dma_start3A_320] : memref<8064x128xf32, #tpu.memory_space<vmem_shared>> -> memref<8064x128xf32, #tpu.memory_space<vmem_shared>>
      tpu.enqueue_indirect_dma source(%dma_start3A_315 : memref<80x128xf32, #tpu.memory_space<vmem>>) target(%dma_start3A_321 : memref<8064x128xf32, #tpu.memory_space<vmem_shared>>) offsets(%dma_start3A_318 : memref<80xi32, #tpu.memory_space<vmem>>) semaphore(%arg18 : memref<!tpu.dma_semaphore, #tpu.memory_space<semaphore_mem>>) {add = true}
      %mul3A_322 = arith.constant 2 : i32
      %mul3A_323 = arith.muli %add3A_171, %mul3A_322 : i32
      %add3A_324 = arith.constant 1 : i32
      %add3A_325 = arith.addi %mul3A_323, %add3A_324 : i32
      %dma_start3A_326 = arith.constant 80 : i32
      %dma_start3A_327 = arith.constant 0 : i32
      %dma_start3A_328 = tpu.memref_slice %arg13[%dma_start3A_326, %dma_start3A_327] : memref<160x128xf32, #tpu.memory_space<vmem>> -> memref<80x128xf32, #tpu.memory_space<vmem>>
      %dma_start3A_329 = arith.constant 0 : i32
      %dma_start3A_330 = tpu.memref_slice %arg11[%add3A_325, %dma_start3A_329] : memref<100x80xi32, #tpu.memory_space<vmem>> -> memref<1x80xi32, #tpu.memory_space<vmem>>
      %dma_start3A_331 = tpu.memref_squeeze %dma_start3A_330 : memref<1x80xi32, #tpu.memory_space<vmem>> -> memref<80xi32, #tpu.memory_space<vmem>>
      %dma_start3A_332 = arith.constant 0 : i32
      %dma_start3A_333 = arith.constant 0 : i32
      %dma_start3A_334 = tpu.memref_slice %arg14[%dma_start3A_332, %dma_start3A_333] : memref<8064x128xf32, #tpu.memory_space<vmem_shared>> -> memref<8064x128xf32, #tpu.memory_space<vmem_shared>>
      tpu.enqueue_indirect_dma source(%dma_start3A_328 : memref<80x128xf32, #tpu.memory_space<vmem>>) target(%dma_start3A_334 : memref<8064x128xf32, #tpu.memory_space<vmem_shared>>) offsets(%dma_start3A_331 : memref<80xi32, #tpu.memory_space<vmem>>) semaphore(%arg18 : memref<!tpu.dma_semaphore, #tpu.memory_space<semaphore_mem>>) {add = true}
      %dma_wait3A_335 = arith.constant 0 : i32
      %dma_wait3A_336 = arith.constant 0 : i32
      %dma_wait3A_337 = arith.constant 0 : i32
      %dma_wait3A_338 = tpu.memref_slice %arg13[%dma_wait3A_336, %dma_wait3A_337] : memref<160x128xf32, #tpu.memory_space<vmem>> -> memref<80x128xf32, #tpu.memory_space<vmem>>
      %dma_wait3A_339 = arith.constant 0 : i32
      %dma_wait3A_340 = tpu.memref_slice %arg11[%dma_wait3A_335, %dma_wait3A_339] : memref<100x80xi32, #tpu.memory_space<vmem>> -> memref<1x80xi32, #tpu.memory_space<vmem>>
      %dma_wait3A_341 = tpu.memref_squeeze %dma_wait3A_340 : memref<1x80xi32, #tpu.memory_space<vmem>> -> memref<80xi32, #tpu.memory_space<vmem>>
      %dma_wait3A_342 = arith.constant 0 : i32
      %dma_wait3A_343 = arith.constant 0 : i32
      %dma_wait3A_344 = tpu.memref_slice %arg14[%dma_wait3A_342, %dma_wait3A_343] : memref<8064x128xf32, #tpu.memory_space<vmem_shared>> -> memref<8064x128xf32, #tpu.memory_space<vmem_shared>>
      tpu.wait_indirect_dma semaphore(%arg18 : memref<!tpu.dma_semaphore, #tpu.memory_space<semaphore_mem>>) src(%dma_wait3A_338 : memref<80x128xf32, #tpu.memory_space<vmem>>) dst(%dma_wait3A_344 : memref<8064x128xf32, #tpu.memory_space<vmem_shared>>)
      %dma_wait3A_345 = arith.constant 0 : i32
      %dma_wait3A_346 = arith.constant 80 : i32
      %dma_wait3A_347 = arith.constant 0 : i32
      %dma_wait3A_348 = tpu.memref_slice %arg13[%dma_wait3A_346, %dma_wait3A_347] : memref<160x128xf32, #tpu.memory_space<vmem>> -> memref<80x128xf32, #tpu.memory_space<vmem>>
      %dma_wait3A_349 = arith.constant 0 : i32
      %dma_wait3A_350 = tpu.memref_slice %arg11[%dma_wait3A_345, %dma_wait3A_349] : memref<100x80xi32, #tpu.memory_space<vmem>> -> memref<1x80xi32, #tpu.memory_space<vmem>>
      %dma_wait3A_351 = tpu.memref_squeeze %dma_wait3A_350 : memref<1x80xi32, #tpu.memory_space<vmem>> -> memref<80xi32, #tpu.memory_space<vmem>>
      %dma_wait3A_352 = arith.constant 0 : i32
      %dma_wait3A_353 = arith.constant 0 : i32
      %dma_wait3A_354 = tpu.memref_slice %arg14[%dma_wait3A_352, %dma_wait3A_353] : memref<8064x128xf32, #tpu.memory_space<vmem_shared>> -> memref<8064x128xf32, #tpu.memory_space<vmem_shared>>
      tpu.wait_indirect_dma semaphore(%arg18 : memref<!tpu.dma_semaphore, #tpu.memory_space<semaphore_mem>>) src(%dma_wait3A_348 : memref<80x128xf32, #tpu.memory_space<vmem>>) dst(%dma_wait3A_354 : memref<8064x128xf32, #tpu.memory_space<vmem_shared>>)
    }
    %scan3A_21 = arith.constant 25 : i32
    %dma_wait3A = arith.constant 0 : i32
    %dma_wait3A_22 = arith.constant 0 : i32
    %dma_wait3A_23 = tpu.memref_slice %arg12[%dma_wait3A, %dma_wait3A_22] : memref<160x128xf32, #tpu.memory_space<vmem>> -> memref<80x128xf32, #tpu.memory_space<vmem>>
    %dma_wait3A_24 = arith.constant 0 : i32
    %dma_wait3A_25 = tpu.memref_slice %arg10[%dma_wait3A_24] : memref<8000xi32, #tpu.memory_space<vmem>> -> memref<80xi32, #tpu.memory_space<vmem>>
    %dma_wait3A_26 = arith.constant 0 : i32
    %dma_wait3A_27 = arith.constant 0 : i32
    %dma_wait3A_28 = tpu.memref_slice %arg2[%dma_wait3A_26, %dma_wait3A_27] : memref<8000x128xf32, #tpu.memory_space<hbm>> -> memref<8000x128xf32, #tpu.memory_space<hbm>>
    tpu.wait_indirect_dma semaphore(%arg15 : memref<!tpu.dma_semaphore, #tpu.memory_space<semaphore_mem>>) src(%dma_wait3A_28 : memref<8000x128xf32, #tpu.memory_space<hbm>>) dst(%dma_wait3A_23 : memref<80x128xf32, #tpu.memory_space<vmem>>)
    %dma_wait3A_29 = arith.constant 80 : i32
    %dma_wait3A_30 = arith.constant 0 : i32
    %dma_wait3A_31 = tpu.memref_slice %arg12[%dma_wait3A_29, %dma_wait3A_30] : memref<160x128xf32, #tpu.memory_space<vmem>> -> memref<80x128xf32, #tpu.memory_space<vmem>>
    %dma_wait3A_32 = arith.constant 0 : i32
    %dma_wait3A_33 = tpu.memref_slice %arg10[%dma_wait3A_32] : memref<8000xi32, #tpu.memory_space<vmem>> -> memref<80xi32, #tpu.memory_space<vmem>>
    %dma_wait3A_34 = arith.constant 0 : i32
    %dma_wait3A_35 = arith.constant 0 : i32
    %dma_wait3A_36 = tpu.memref_slice %arg2[%dma_wait3A_34, %dma_wait3A_35] : memref<8000x128xf32, #tpu.memory_space<hbm>> -> memref<8000x128xf32, #tpu.memory_space<hbm>>
    tpu.wait_indirect_dma semaphore(%arg15 : memref<!tpu.dma_semaphore, #tpu.memory_space<semaphore_mem>>) src(%dma_wait3A_36 : memref<8000x128xf32, #tpu.memory_space<hbm>>) dst(%dma_wait3A_31 : memref<80x128xf32, #tpu.memory_space<vmem>>)
    %barrier3A_37 = arith.constant 0 : index
    tpu.barrier barrier_id(%barrier3A_37)
    %run_scoped3A = arith.constant 0 : i32
    "tpu.region"() ({
      %run_scoped3A_164 = tpu.sem_alloc : memref<!tpu.dma_semaphore, #tpu.memory_space<semaphore_mem>>
      %dma_start3A_165 = arith.constant 0 : i32
      %dma_start3A_166 = tpu.memref_slice %arg9[%arg0, %run_scoped3A, %multiple_of3A, %dma_start3A_165] : memref<2x4x8064x128xf32, #tpu.memory_space<hbm>> -> memref<1x1x504x128xf32, #tpu.memory_space<hbm>>
      %dma_start3A_167 = tpu.memref_squeeze %dma_start3A_166 : memref<1x1x504x128xf32, #tpu.memory_space<hbm>> -> memref<504x128xf32, #tpu.memory_space<hbm>>
      %dma_start3A_168 = arith.constant 0 : i32
      %dma_start3A_169 = tpu.memref_slice %arg14[%multiple_of3A, %dma_start3A_168] : memref<8064x128xf32, #tpu.memory_space<vmem_shared>> -> memref<504x128xf32, #tpu.memory_space<vmem_shared>>
      tpu.enqueue_dma source(%dma_start3A_169 : memref<504x128xf32, #tpu.memory_space<vmem_shared>>) target(%dma_start3A_167 : memref<504x128xf32, #tpu.memory_space<hbm>>) target_semaphore(%run_scoped3A_164 : memref<!tpu.dma_semaphore, #tpu.memory_space<semaphore_mem>>)
      %dma_wait3A_170 = arith.constant 0 : i32
      %dma_wait3A_171 = tpu.memref_slice %arg9[%arg0, %run_scoped3A, %multiple_of3A, %dma_wait3A_170] : memref<2x4x8064x128xf32, #tpu.memory_space<hbm>> -> memref<1x1x504x128xf32, #tpu.memory_space<hbm>>
      %dma_wait3A_172 = tpu.memref_squeeze %dma_wait3A_171 : memref<1x1x504x128xf32, #tpu.memory_space<hbm>> -> memref<504x128xf32, #tpu.memory_space<hbm>>
      %dma_wait3A_173 = arith.constant 0 : i32
      %dma_wait3A_174 = tpu.memref_slice %arg14[%multiple_of3A, %dma_wait3A_173] : memref<8064x128xf32, #tpu.memory_space<vmem_shared>> -> memref<504x128xf32, #tpu.memory_space<vmem_shared>>
      tpu.wait_dma2 semaphore(%run_scoped3A_164 : memref<!tpu.dma_semaphore, #tpu.memory_space<semaphore_mem>>) src(%dma_wait3A_174 : memref<504x128xf32, #tpu.memory_space<vmem_shared>>) dst(%dma_wait3A_172 : memref<504x128xf32, #tpu.memory_space<hbm>>)
      tpu.yield
    }) : () -> ()
    "tpu.region"() ({
      %run_scoped3A_164 = tpu.sem_alloc : memref<!tpu.dma_semaphore, #tpu.memory_space<semaphore_mem>>
      %dma_start3A_165 = arith.constant 0 : i32
      %dma_start3A_166 = tpu.memref_slice %arg14[%multiple_of3A, %dma_start3A_165] : memref<8064x128xf32, #tpu.memory_space<vmem_shared>> -> memref<504x128xf32, #tpu.memory_space<vmem_shared>>
      tpu.enqueue_dma source(%arg8 : memref<504x128xf32, #tpu.memory_space<hbm>>) target(%dma_start3A_166 : memref<504x128xf32, #tpu.memory_space<vmem_shared>>) target_semaphore(%run_scoped3A_164 : memref<!tpu.dma_semaphore, #tpu.memory_space<semaphore_mem>>)
      %dma_wait3A_167 = arith.constant 0 : i32
      %dma_wait3A_168 = tpu.memref_slice %arg14[%multiple_of3A, %dma_wait3A_167] : memref<8064x128xf32, #tpu.memory_space<vmem_shared>> -> memref<504x128xf32, #tpu.memory_space<vmem_shared>>
      tpu.wait_dma2 semaphore(%run_scoped3A_164 : memref<!tpu.dma_semaphore, #tpu.memory_space<semaphore_mem>>) src(%arg8 : memref<504x128xf32, #tpu.memory_space<hbm>>) dst(%dma_wait3A_168 : memref<504x128xf32, #tpu.memory_space<vmem_shared>>)
      tpu.yield
    }) : () -> ()
    %barrier3A_38 = arith.constant 0 : index
    tpu.barrier barrier_id(%barrier3A_38)
    %multiple_of3A_39 = arith.constant 0 : i32
    %multiple_of3A_40 = tpu.assume_multiple %multiple_of3A_39, 8 : i32
    %dma_start3A_41 = arith.constant 0 : i32
    %dma_start3A_42 = arith.constant 0 : i32
    %dma_start3A_43 = tpu.memref_slice %arg12[%dma_start3A_41, %dma_start3A_42] : memref<160x128xf32, #tpu.memory_space<vmem>> -> memref<80x128xf32, #tpu.memory_space<vmem>>
    %dma_start3A_44 = tpu.memref_slice %arg10[%multiple_of3A_40] : memref<8000xi32, #tpu.memory_space<vmem>> -> memref<80xi32, #tpu.memory_space<vmem>>
    %dma_start3A_45 = arith.constant 0 : i32
    %dma_start3A_46 = arith.constant 0 : i32
    %dma_start3A_47 = tpu.memref_slice %arg3[%dma_start3A_45, %dma_start3A_46] : memref<8000x128xf32, #tpu.memory_space<hbm>> -> memref<8000x128xf32, #tpu.memory_space<hbm>>
    tpu.enqueue_indirect_dma source(%dma_start3A_47 : memref<8000x128xf32, #tpu.memory_space<hbm>>) target(%dma_start3A_43 : memref<80x128xf32, #tpu.memory_space<vmem>>) offsets(%dma_start3A_44 : memref<80xi32, #tpu.memory_space<vmem>>) semaphore(%arg15 : memref<!tpu.dma_semaphore, #tpu.memory_space<semaphore_mem>>)
    %multiple_of3A_48 = arith.constant 80 : i32
    %multiple_of3A_49 = tpu.assume_multiple %multiple_of3A_48, 8 : i32
    %dma_start3A_50 = arith.constant 80 : i32
    %dma_start3A_51 = arith.constant 0 : i32
    %dma_start3A_52 = tpu.memref_slice %arg12[%dma_start3A_50, %dma_start3A_51] : memref<160x128xf32, #tpu.memory_space<vmem>> -> memref<80x128xf32, #tpu.memory_space<vmem>>
    %dma_start3A_53 = tpu.memref_slice %arg10[%multiple_of3A_49] : memref<8000xi32, #tpu.memory_space<vmem>> -> memref<80xi32, #tpu.memory_space<vmem>>
    %dma_start3A_54 = arith.constant 0 : i32
    %dma_start3A_55 = arith.constant 0 : i32
    %dma_start3A_56 = tpu.memref_slice %arg3[%dma_start3A_54, %dma_start3A_55] : memref<8000x128xf32, #tpu.memory_space<hbm>> -> memref<8000x128xf32, #tpu.memory_space<hbm>>
    tpu.enqueue_indirect_dma source(%dma_start3A_56 : memref<8000x128xf32, #tpu.memory_space<hbm>>) target(%dma_start3A_52 : memref<80x128xf32, #tpu.memory_space<vmem>>) offsets(%dma_start3A_53 : memref<80xi32, #tpu.memory_space<vmem>>) semaphore(%arg15 : memref<!tpu.dma_semaphore, #tpu.memory_space<semaphore_mem>>)
    %scan3A_57 = arith.constant 0 : i32
    %scan3A_58 = arith.constant 25 : i32
    %scan3A_59 = arith.addi %scan3A_57, %scan3A_58 : i32
    %scan3A_60 = arith.constant 1 : i32
    scf.for %scan3A_164 = %scan3A_57 to %scan3A_59 step %scan3A_60  : i32 {
      %mul3A_165 = arith.constant 1 : i32
      %mul3A_166 = arith.muli %scan3A_164, %mul3A_165 : i32
      %add3A = arith.constant 0 : i32
      %add3A_167 = arith.addi %add3A, %mul3A_166 : i32
      %mul3A_168 = arith.constant 2 : i32
      %mul3A_169 = arith.muli %add3A_167, %mul3A_168 : i32
      %add3A_170 = arith.constant 1 : i32
      %add3A_171 = arith.addi %mul3A_169, %add3A_170 : i32
      %dma_wait3A_172 = arith.constant 0 : i32
      %dma_wait3A_173 = arith.constant 0 : i32
      %dma_wait3A_174 = tpu.memref_slice %arg12[%dma_wait3A_172, %dma_wait3A_173] : memref<160x128xf32, #tpu.memory_space<vmem>> -> memref<80x128xf32, #tpu.memory_space<vmem>>
      %dma_wait3A_175 = arith.constant 0 : i32
      %dma_wait3A_176 = tpu.memref_slice %arg10[%dma_wait3A_175] : memref<8000xi32, #tpu.memory_space<vmem>> -> memref<80xi32, #tpu.memory_space<vmem>>
      %dma_wait3A_177 = arith.constant 0 : i32
      %dma_wait3A_178 = arith.constant 0 : i32
      %dma_wait3A_179 = tpu.memref_slice %arg3[%dma_wait3A_177, %dma_wait3A_178] : memref<8000x128xf32, #tpu.memory_space<hbm>> -> memref<8000x128xf32, #tpu.memory_space<hbm>>
      tpu.wait_indirect_dma semaphore(%arg15 : memref<!tpu.dma_semaphore, #tpu.memory_space<semaphore_mem>>) src(%dma_wait3A_179 : memref<8000x128xf32, #tpu.memory_space<hbm>>) dst(%dma_wait3A_174 : memref<80x128xf32, #tpu.memory_space<vmem>>)
      %dma_wait3A_180 = arith.constant 80 : i32
      %dma_wait3A_181 = arith.constant 0 : i32
      %dma_wait3A_182 = tpu.memref_slice %arg12[%dma_wait3A_180, %dma_wait3A_181] : memref<160x128xf32, #tpu.memory_space<vmem>> -> memref<80x128xf32, #tpu.memory_space<vmem>>
      %dma_wait3A_183 = arith.constant 0 : i32
      %dma_wait3A_184 = tpu.memref_slice %arg10[%dma_wait3A_183] : memref<8000xi32, #tpu.memory_space<vmem>> -> memref<80xi32, #tpu.memory_space<vmem>>
      %dma_wait3A_185 = arith.constant 0 : i32
      %dma_wait3A_186 = arith.constant 0 : i32
      %dma_wait3A_187 = tpu.memref_slice %arg3[%dma_wait3A_185, %dma_wait3A_186] : memref<8000x128xf32, #tpu.memory_space<hbm>> -> memref<8000x128xf32, #tpu.memory_space<hbm>>
      tpu.wait_indirect_dma semaphore(%arg15 : memref<!tpu.dma_semaphore, #tpu.memory_space<semaphore_mem>>) src(%dma_wait3A_187 : memref<8000x128xf32, #tpu.memory_space<hbm>>) dst(%dma_wait3A_182 : memref<80x128xf32, #tpu.memory_space<vmem>>)
      %mul3A_188 = arith.constant 2 : i32
      %mul3A_189 = arith.muli %add3A_171, %mul3A_188 : i32
      %add3A_190 = arith.constant 0 : i32
      %add3A_191 = arith.addi %mul3A_189, %add3A_190 : i32
      %mul3A_192 = arith.constant 80 : i32
      %mul3A_193 = arith.muli %add3A_191, %mul3A_192 : i32
      %multiple_of3A_194 = tpu.assume_multiple %mul3A_193, 8 : i32
      %dma_start3A_195 = arith.constant 0 : i32
      %dma_start3A_196 = arith.constant 0 : i32
      %dma_start3A_197 = tpu.memref_slice %arg13[%dma_start3A_195, %dma_start3A_196] : memref<160x128xf32, #tpu.memory_space<vmem>> -> memref<80x128xf32, #tpu.memory_space<vmem>>
      %dma_start3A_198 = tpu.memref_slice %arg10[%multiple_of3A_194] : memref<8000xi32, #tpu.memory_space<vmem>> -> memref<80xi32, #tpu.memory_space<vmem>>
      %dma_start3A_199 = arith.constant 0 : i32
      %dma_start3A_200 = arith.constant 0 : i32
      %dma_start3A_201 = tpu.memref_slice %arg3[%dma_start3A_199, %dma_start3A_200] : memref<8000x128xf32, #tpu.memory_space<hbm>> -> memref<8000x128xf32, #tpu.memory_space<hbm>>
      tpu.enqueue_indirect_dma source(%dma_start3A_201 : memref<8000x128xf32, #tpu.memory_space<hbm>>) target(%dma_start3A_197 : memref<80x128xf32, #tpu.memory_space<vmem>>) offsets(%dma_start3A_198 : memref<80xi32, #tpu.memory_space<vmem>>) semaphore(%arg16 : memref<!tpu.dma_semaphore, #tpu.memory_space<semaphore_mem>>)
      %mul3A_202 = arith.constant 2 : i32
      %mul3A_203 = arith.muli %add3A_171, %mul3A_202 : i32
      %add3A_204 = arith.constant 1 : i32
      %add3A_205 = arith.addi %mul3A_203, %add3A_204 : i32
      %mul3A_206 = arith.constant 80 : i32
      %mul3A_207 = arith.muli %add3A_205, %mul3A_206 : i32
      %multiple_of3A_208 = tpu.assume_multiple %mul3A_207, 8 : i32
      %dma_start3A_209 = arith.constant 80 : i32
      %dma_start3A_210 = arith.constant 0 : i32
      %dma_start3A_211 = tpu.memref_slice %arg13[%dma_start3A_209, %dma_start3A_210] : memref<160x128xf32, #tpu.memory_space<vmem>> -> memref<80x128xf32, #tpu.memory_space<vmem>>
      %dma_start3A_212 = tpu.memref_slice %arg10[%multiple_of3A_208] : memref<8000xi32, #tpu.memory_space<vmem>> -> memref<80xi32, #tpu.memory_space<vmem>>
      %dma_start3A_213 = arith.constant 0 : i32
      %dma_start3A_214 = arith.constant 0 : i32
      %dma_start3A_215 = tpu.memref_slice %arg3[%dma_start3A_213, %dma_start3A_214] : memref<8000x128xf32, #tpu.memory_space<hbm>> -> memref<8000x128xf32, #tpu.memory_space<hbm>>
      tpu.enqueue_indirect_dma source(%dma_start3A_215 : memref<8000x128xf32, #tpu.memory_space<hbm>>) target(%dma_start3A_211 : memref<80x128xf32, #tpu.memory_space<vmem>>) offsets(%dma_start3A_212 : memref<80xi32, #tpu.memory_space<vmem>>) semaphore(%arg16 : memref<!tpu.dma_semaphore, #tpu.memory_space<semaphore_mem>>)
      %mul3A_216 = arith.constant 2 : i32
      %mul3A_217 = arith.muli %mul3A_169, %mul3A_216 : i32
      %add3A_218 = arith.constant 0 : i32
      %add3A_219 = arith.addi %mul3A_217, %add3A_218 : i32
      %dma_start3A_220 = arith.constant 0 : i32
      %dma_start3A_221 = arith.constant 0 : i32
      %dma_start3A_222 = tpu.memref_slice %arg12[%dma_start3A_220, %dma_start3A_221] : memref<160x128xf32, #tpu.memory_space<vmem>> -> memref<80x128xf32, #tpu.memory_space<vmem>>
      %dma_start3A_223 = arith.constant 0 : i32
      %dma_start3A_224 = tpu.memref_slice %arg11[%add3A_219, %dma_start3A_223] : memref<100x80xi32, #tpu.memory_space<vmem>> -> memref<1x80xi32, #tpu.memory_space<vmem>>
      %dma_start3A_225 = tpu.memref_squeeze %dma_start3A_224 : memref<1x80xi32, #tpu.memory_space<vmem>> -> memref<80xi32, #tpu.memory_space<vmem>>
      %dma_start3A_226 = arith.constant 0 : i32
      %dma_start3A_227 = arith.constant 0 : i32
      %dma_start3A_228 = tpu.memref_slice %arg14[%dma_start3A_226, %dma_start3A_227] : memref<8064x128xf32, #tpu.memory_space<vmem_shared>> -> memref<8064x128xf32, #tpu.memory_space<vmem_shared>>
      tpu.enqueue_indirect_dma source(%dma_start3A_222 : memref<80x128xf32, #tpu.memory_space<vmem>>) target(%dma_start3A_228 : memref<8064x128xf32, #tpu.memory_space<vmem_shared>>) offsets(%dma_start3A_225 : memref<80xi32, #tpu.memory_space<vmem>>) semaphore(%arg17 : memref<!tpu.dma_semaphore, #tpu.memory_space<semaphore_mem>>) {add = true}
      %mul3A_229 = arith.constant 2 : i32
      %mul3A_230 = arith.muli %mul3A_169, %mul3A_229 : i32
      %add3A_231 = arith.constant 1 : i32
      %add3A_232 = arith.addi %mul3A_230, %add3A_231 : i32
      %dma_start3A_233 = arith.constant 80 : i32
      %dma_start3A_234 = arith.constant 0 : i32
      %dma_start3A_235 = tpu.memref_slice %arg12[%dma_start3A_233, %dma_start3A_234] : memref<160x128xf32, #tpu.memory_space<vmem>> -> memref<80x128xf32, #tpu.memory_space<vmem>>
      %dma_start3A_236 = arith.constant 0 : i32
      %dma_start3A_237 = tpu.memref_slice %arg11[%add3A_232, %dma_start3A_236] : memref<100x80xi32, #tpu.memory_space<vmem>> -> memref<1x80xi32, #tpu.memory_space<vmem>>
      %dma_start3A_238 = tpu.memref_squeeze %dma_start3A_237 : memref<1x80xi32, #tpu.memory_space<vmem>> -> memref<80xi32, #tpu.memory_space<vmem>>
      %dma_start3A_239 = arith.constant 0 : i32
      %dma_start3A_240 = arith.constant 0 : i32
      %dma_start3A_241 = tpu.memref_slice %arg14[%dma_start3A_239, %dma_start3A_240] : memref<8064x128xf32, #tpu.memory_space<vmem_shared>> -> memref<8064x128xf32, #tpu.memory_space<vmem_shared>>
      tpu.enqueue_indirect_dma source(%dma_start3A_235 : memref<80x128xf32, #tpu.memory_space<vmem>>) target(%dma_start3A_241 : memref<8064x128xf32, #tpu.memory_space<vmem_shared>>) offsets(%dma_start3A_238 : memref<80xi32, #tpu.memory_space<vmem>>) semaphore(%arg17 : memref<!tpu.dma_semaphore, #tpu.memory_space<semaphore_mem>>) {add = true}
      %dma_wait3A_242 = arith.constant 0 : i32
      %dma_wait3A_243 = arith.constant 0 : i32
      %dma_wait3A_244 = arith.constant 0 : i32
      %dma_wait3A_245 = tpu.memref_slice %arg12[%dma_wait3A_243, %dma_wait3A_244] : memref<160x128xf32, #tpu.memory_space<vmem>> -> memref<80x128xf32, #tpu.memory_space<vmem>>
      %dma_wait3A_246 = arith.constant 0 : i32
      %dma_wait3A_247 = tpu.memref_slice %arg11[%dma_wait3A_242, %dma_wait3A_246] : memref<100x80xi32, #tpu.memory_space<vmem>> -> memref<1x80xi32, #tpu.memory_space<vmem>>
      %dma_wait3A_248 = tpu.memref_squeeze %dma_wait3A_247 : memref<1x80xi32, #tpu.memory_space<vmem>> -> memref<80xi32, #tpu.memory_space<vmem>>
      %dma_wait3A_249 = arith.constant 0 : i32
      %dma_wait3A_250 = arith.constant 0 : i32
      %dma_wait3A_251 = tpu.memref_slice %arg14[%dma_wait3A_249, %dma_wait3A_250] : memref<8064x128xf32, #tpu.memory_space<vmem_shared>> -> memref<8064x128xf32, #tpu.memory_space<vmem_shared>>
      tpu.wait_indirect_dma semaphore(%arg17 : memref<!tpu.dma_semaphore, #tpu.memory_space<semaphore_mem>>) src(%dma_wait3A_245 : memref<80x128xf32, #tpu.memory_space<vmem>>) dst(%dma_wait3A_251 : memref<8064x128xf32, #tpu.memory_space<vmem_shared>>)
      %dma_wait3A_252 = arith.constant 0 : i32
      %dma_wait3A_253 = arith.constant 80 : i32
      %dma_wait3A_254 = arith.constant 0 : i32
      %dma_wait3A_255 = tpu.memref_slice %arg12[%dma_wait3A_253, %dma_wait3A_254] : memref<160x128xf32, #tpu.memory_space<vmem>> -> memref<80x128xf32, #tpu.memory_space<vmem>>
      %dma_wait3A_256 = arith.constant 0 : i32
      %dma_wait3A_257 = tpu.memref_slice %arg11[%dma_wait3A_252, %dma_wait3A_256] : memref<100x80xi32, #tpu.memory_space<vmem>> -> memref<1x80xi32, #tpu.memory_space<vmem>>
      %dma_wait3A_258 = tpu.memref_squeeze %dma_wait3A_257 : memref<1x80xi32, #tpu.memory_space<vmem>> -> memref<80xi32, #tpu.memory_space<vmem>>
      %dma_wait3A_259 = arith.constant 0 : i32
      %dma_wait3A_260 = arith.constant 0 : i32
      %dma_wait3A_261 = tpu.memref_slice %arg14[%dma_wait3A_259, %dma_wait3A_260] : memref<8064x128xf32, #tpu.memory_space<vmem_shared>> -> memref<8064x128xf32, #tpu.memory_space<vmem_shared>>
      tpu.wait_indirect_dma semaphore(%arg17 : memref<!tpu.dma_semaphore, #tpu.memory_space<semaphore_mem>>) src(%dma_wait3A_255 : memref<80x128xf32, #tpu.memory_space<vmem>>) dst(%dma_wait3A_261 : memref<8064x128xf32, #tpu.memory_space<vmem_shared>>)
      %add3A_262 = arith.constant 2 : i32
      %add3A_263 = arith.addi %mul3A_169, %add3A_262 : i32
      %min3A = arith.constant 49 : i32
      %min3A_264 = arith.minsi %add3A_263, %min3A : i32
      %mul3A_265 = arith.constant 2 : i32
      %mul3A_266 = arith.muli %min3A_264, %mul3A_265 : i32
      %add3A_267 = arith.constant 0 : i32
      %add3A_268 = arith.addi %mul3A_266, %add3A_267 : i32
      %mul3A_269 = arith.constant 80 : i32
      %mul3A_270 = arith.muli %add3A_268, %mul3A_269 : i32
      %multiple_of3A_271 = tpu.assume_multiple %mul3A_270, 8 : i32
      %dma_start3A_272 = arith.constant 0 : i32
      %dma_start3A_273 = arith.constant 0 : i32
      %dma_start3A_274 = tpu.memref_slice %arg12[%dma_start3A_272, %dma_start3A_273] : memref<160x128xf32, #tpu.memory_space<vmem>> -> memref<80x128xf32, #tpu.memory_space<vmem>>
      %dma_start3A_275 = tpu.memref_slice %arg10[%multiple_of3A_271] : memref<8000xi32, #tpu.memory_space<vmem>> -> memref<80xi32, #tpu.memory_space<vmem>>
      %dma_start3A_276 = arith.constant 0 : i32
      %dma_start3A_277 = arith.constant 0 : i32
      %dma_start3A_278 = tpu.memref_slice %arg3[%dma_start3A_276, %dma_start3A_277] : memref<8000x128xf32, #tpu.memory_space<hbm>> -> memref<8000x128xf32, #tpu.memory_space<hbm>>
      tpu.enqueue_indirect_dma source(%dma_start3A_278 : memref<8000x128xf32, #tpu.memory_space<hbm>>) target(%dma_start3A_274 : memref<80x128xf32, #tpu.memory_space<vmem>>) offsets(%dma_start3A_275 : memref<80xi32, #tpu.memory_space<vmem>>) semaphore(%arg15 : memref<!tpu.dma_semaphore, #tpu.memory_space<semaphore_mem>>)
      %mul3A_279 = arith.constant 2 : i32
      %mul3A_280 = arith.muli %min3A_264, %mul3A_279 : i32
      %add3A_281 = arith.constant 1 : i32
      %add3A_282 = arith.addi %mul3A_280, %add3A_281 : i32
      %mul3A_283 = arith.constant 80 : i32
      %mul3A_284 = arith.muli %add3A_282, %mul3A_283 : i32
      %multiple_of3A_285 = tpu.assume_multiple %mul3A_284, 8 : i32
      %dma_start3A_286 = arith.constant 80 : i32
      %dma_start3A_287 = arith.constant 0 : i32
      %dma_start3A_288 = tpu.memref_slice %arg12[%dma_start3A_286, %dma_start3A_287] : memref<160x128xf32, #tpu.memory_space<vmem>> -> memref<80x128xf32, #tpu.memory_space<vmem>>
      %dma_start3A_289 = tpu.memref_slice %arg10[%multiple_of3A_285] : memref<8000xi32, #tpu.memory_space<vmem>> -> memref<80xi32, #tpu.memory_space<vmem>>
      %dma_start3A_290 = arith.constant 0 : i32
      %dma_start3A_291 = arith.constant 0 : i32
      %dma_start3A_292 = tpu.memref_slice %arg3[%dma_start3A_290, %dma_start3A_291] : memref<8000x128xf32, #tpu.memory_space<hbm>> -> memref<8000x128xf32, #tpu.memory_space<hbm>>
      tpu.enqueue_indirect_dma source(%dma_start3A_292 : memref<8000x128xf32, #tpu.memory_space<hbm>>) target(%dma_start3A_288 : memref<80x128xf32, #tpu.memory_space<vmem>>) offsets(%dma_start3A_289 : memref<80xi32, #tpu.memory_space<vmem>>) semaphore(%arg15 : memref<!tpu.dma_semaphore, #tpu.memory_space<semaphore_mem>>)
      %dma_wait3A_293 = arith.constant 0 : i32
      %dma_wait3A_294 = arith.constant 0 : i32
      %dma_wait3A_295 = tpu.memref_slice %arg13[%dma_wait3A_293, %dma_wait3A_294] : memref<160x128xf32, #tpu.memory_space<vmem>> -> memref<80x128xf32, #tpu.memory_space<vmem>>
      %dma_wait3A_296 = arith.constant 0 : i32
      %dma_wait3A_297 = tpu.memref_slice %arg10[%dma_wait3A_296] : memref<8000xi32, #tpu.memory_space<vmem>> -> memref<80xi32, #tpu.memory_space<vmem>>
      %dma_wait3A_298 = arith.constant 0 : i32
      %dma_wait3A_299 = arith.constant 0 : i32
      %dma_wait3A_300 = tpu.memref_slice %arg3[%dma_wait3A_298, %dma_wait3A_299] : memref<8000x128xf32, #tpu.memory_space<hbm>> -> memref<8000x128xf32, #tpu.memory_space<hbm>>
      tpu.wait_indirect_dma semaphore(%arg16 : memref<!tpu.dma_semaphore, #tpu.memory_space<semaphore_mem>>) src(%dma_wait3A_300 : memref<8000x128xf32, #tpu.memory_space<hbm>>) dst(%dma_wait3A_295 : memref<80x128xf32, #tpu.memory_space<vmem>>)
      %dma_wait3A_301 = arith.constant 80 : i32
      %dma_wait3A_302 = arith.constant 0 : i32
      %dma_wait3A_303 = tpu.memref_slice %arg13[%dma_wait3A_301, %dma_wait3A_302] : memref<160x128xf32, #tpu.memory_space<vmem>> -> memref<80x128xf32, #tpu.memory_space<vmem>>
      %dma_wait3A_304 = arith.constant 0 : i32
      %dma_wait3A_305 = tpu.memref_slice %arg10[%dma_wait3A_304] : memref<8000xi32, #tpu.memory_space<vmem>> -> memref<80xi32, #tpu.memory_space<vmem>>
      %dma_wait3A_306 = arith.constant 0 : i32
      %dma_wait3A_307 = arith.constant 0 : i32
      %dma_wait3A_308 = tpu.memref_slice %arg3[%dma_wait3A_306, %dma_wait3A_307] : memref<8000x128xf32, #tpu.memory_space<hbm>> -> memref<8000x128xf32, #tpu.memory_space<hbm>>
      tpu.wait_indirect_dma semaphore(%arg16 : memref<!tpu.dma_semaphore, #tpu.memory_space<semaphore_mem>>) src(%dma_wait3A_308 : memref<8000x128xf32, #tpu.memory_space<hbm>>) dst(%dma_wait3A_303 : memref<80x128xf32, #tpu.memory_space<vmem>>)
      %mul3A_309 = arith.constant 2 : i32
      %mul3A_310 = arith.muli %add3A_171, %mul3A_309 : i32
      %add3A_311 = arith.constant 0 : i32
      %add3A_312 = arith.addi %mul3A_310, %add3A_311 : i32
      %dma_start3A_313 = arith.constant 0 : i32
      %dma_start3A_314 = arith.constant 0 : i32
      %dma_start3A_315 = tpu.memref_slice %arg13[%dma_start3A_313, %dma_start3A_314] : memref<160x128xf32, #tpu.memory_space<vmem>> -> memref<80x128xf32, #tpu.memory_space<vmem>>
      %dma_start3A_316 = arith.constant 0 : i32
      %dma_start3A_317 = tpu.memref_slice %arg11[%add3A_312, %dma_start3A_316] : memref<100x80xi32, #tpu.memory_space<vmem>> -> memref<1x80xi32, #tpu.memory_space<vmem>>
      %dma_start3A_318 = tpu.memref_squeeze %dma_start3A_317 : memref<1x80xi32, #tpu.memory_space<vmem>> -> memref<80xi32, #tpu.memory_space<vmem>>
      %dma_start3A_319 = arith.constant 0 : i32
      %dma_start3A_320 = arith.constant 0 : i32
      %dma_start3A_321 = tpu.memref_slice %arg14[%dma_start3A_319, %dma_start3A_320] : memref<8064x128xf32, #tpu.memory_space<vmem_shared>> -> memref<8064x128xf32, #tpu.memory_space<vmem_shared>>
      tpu.enqueue_indirect_dma source(%dma_start3A_315 : memref<80x128xf32, #tpu.memory_space<vmem>>) target(%dma_start3A_321 : memref<8064x128xf32, #tpu.memory_space<vmem_shared>>) offsets(%dma_start3A_318 : memref<80xi32, #tpu.memory_space<vmem>>) semaphore(%arg18 : memref<!tpu.dma_semaphore, #tpu.memory_space<semaphore_mem>>) {add = true}
      %mul3A_322 = arith.constant 2 : i32
      %mul3A_323 = arith.muli %add3A_171, %mul3A_322 : i32
      %add3A_324 = arith.constant 1 : i32
      %add3A_325 = arith.addi %mul3A_323, %add3A_324 : i32
      %dma_start3A_326 = arith.constant 80 : i32
      %dma_start3A_327 = arith.constant 0 : i32
      %dma_start3A_328 = tpu.memref_slice %arg13[%dma_start3A_326, %dma_start3A_327] : memref<160x128xf32, #tpu.memory_space<vmem>> -> memref<80x128xf32, #tpu.memory_space<vmem>>
      %dma_start3A_329 = arith.constant 0 : i32
      %dma_start3A_330 = tpu.memref_slice %arg11[%add3A_325, %dma_start3A_329] : memref<100x80xi32, #tpu.memory_space<vmem>> -> memref<1x80xi32, #tpu.memory_space<vmem>>
      %dma_start3A_331 = tpu.memref_squeeze %dma_start3A_330 : memref<1x80xi32, #tpu.memory_space<vmem>> -> memref<80xi32, #tpu.memory_space<vmem>>
      %dma_start3A_332 = arith.constant 0 : i32
      %dma_start3A_333 = arith.constant 0 : i32
      %dma_start3A_334 = tpu.memref_slice %arg14[%dma_start3A_332, %dma_start3A_333] : memref<8064x128xf32, #tpu.memory_space<vmem_shared>> -> memref<8064x128xf32, #tpu.memory_space<vmem_shared>>
      tpu.enqueue_indirect_dma source(%dma_start3A_328 : memref<80x128xf32, #tpu.memory_space<vmem>>) target(%dma_start3A_334 : memref<8064x128xf32, #tpu.memory_space<vmem_shared>>) offsets(%dma_start3A_331 : memref<80xi32, #tpu.memory_space<vmem>>) semaphore(%arg18 : memref<!tpu.dma_semaphore, #tpu.memory_space<semaphore_mem>>) {add = true}
      %dma_wait3A_335 = arith.constant 0 : i32
      %dma_wait3A_336 = arith.constant 0 : i32
      %dma_wait3A_337 = arith.constant 0 : i32
      %dma_wait3A_338 = tpu.memref_slice %arg13[%dma_wait3A_336, %dma_wait3A_337] : memref<160x128xf32, #tpu.memory_space<vmem>> -> memref<80x128xf32, #tpu.memory_space<vmem>>
      %dma_wait3A_339 = arith.constant 0 : i32
      %dma_wait3A_340 = tpu.memref_slice %arg11[%dma_wait3A_335, %dma_wait3A_339] : memref<100x80xi32, #tpu.memory_space<vmem>> -> memref<1x80xi32, #tpu.memory_space<vmem>>
      %dma_wait3A_341 = tpu.memref_squeeze %dma_wait3A_340 : memref<1x80xi32, #tpu.memory_space<vmem>> -> memref<80xi32, #tpu.memory_space<vmem>>
      %dma_wait3A_342 = arith.constant 0 : i32
      %dma_wait3A_343 = arith.constant 0 : i32
      %dma_wait3A_344 = tpu.memref_slice %arg14[%dma_wait3A_342, %dma_wait3A_343] : memref<8064x128xf32, #tpu.memory_space<vmem_shared>> -> memref<8064x128xf32, #tpu.memory_space<vmem_shared>>
      tpu.wait_indirect_dma semaphore(%arg18 : memref<!tpu.dma_semaphore, #tpu.memory_space<semaphore_mem>>) src(%dma_wait3A_338 : memref<80x128xf32, #tpu.memory_space<vmem>>) dst(%dma_wait3A_344 : memref<8064x128xf32, #tpu.memory_space<vmem_shared>>)
      %dma_wait3A_345 = arith.constant 0 : i32
      %dma_wait3A_346 = arith.constant 80 : i32
      %dma_wait3A_347 = arith.constant 0 : i32
      %dma_wait3A_348 = tpu.memref_slice %arg13[%dma_wait3A_346, %dma_wait3A_347] : memref<160x128xf32, #tpu.memory_space<vmem>> -> memref<80x128xf32, #tpu.memory_space<vmem>>
      %dma_wait3A_349 = arith.constant 0 : i32
      %dma_wait3A_350 = tpu.memref_slice %arg11[%dma_wait3A_345, %dma_wait3A_349] : memref<100x80xi32, #tpu.memory_space<vmem>> -> memref<1x80xi32, #tpu.memory_space<vmem>>
      %dma_wait3A_351 = tpu.memref_squeeze %dma_wait3A_350 : memref<1x80xi32, #tpu.memory_space<vmem>> -> memref<80xi32, #tpu.memory_space<vmem>>
      %dma_wait3A_352 = arith.constant 0 : i32
      %dma_wait3A_353 = arith.constant 0 : i32
      %dma_wait3A_354 = tpu.memref_slice %arg14[%dma_wait3A_352, %dma_wait3A_353] : memref<8064x128xf32, #tpu.memory_space<vmem_shared>> -> memref<8064x128xf32, #tpu.memory_space<vmem_shared>>
      tpu.wait_indirect_dma semaphore(%arg18 : memref<!tpu.dma_semaphore, #tpu.memory_space<semaphore_mem>>) src(%dma_wait3A_348 : memref<80x128xf32, #tpu.memory_space<vmem>>) dst(%dma_wait3A_354 : memref<8064x128xf32, #tpu.memory_space<vmem_shared>>)
    }
    %scan3A_61 = arith.constant 25 : i32
    %dma_wait3A_62 = arith.constant 0 : i32
    %dma_wait3A_63 = arith.constant 0 : i32
    %dma_wait3A_64 = tpu.memref_slice %arg12[%dma_wait3A_62, %dma_wait3A_63] : memref<160x128xf32, #tpu.memory_space<vmem>> -> memref<80x128xf32, #tpu.memory_space<vmem>>
    %dma_wait3A_65 = arith.constant 0 : i32
    %dma_wait3A_66 = tpu.memref_slice %arg10[%dma_wait3A_65] : memref<8000xi32, #tpu.memory_space<vmem>> -> memref<80xi32, #tpu.memory_space<vmem>>
    %dma_wait3A_67 = arith.constant 0 : i32
    %dma_wait3A_68 = arith.constant 0 : i32
    %dma_wait3A_69 = tpu.memref_slice %arg3[%dma_wait3A_67, %dma_wait3A_68] : memref<8000x128xf32, #tpu.memory_space<hbm>> -> memref<8000x128xf32, #tpu.memory_space<hbm>>
    tpu.wait_indirect_dma semaphore(%arg15 : memref<!tpu.dma_semaphore, #tpu.memory_space<semaphore_mem>>) src(%dma_wait3A_69 : memref<8000x128xf32, #tpu.memory_space<hbm>>) dst(%dma_wait3A_64 : memref<80x128xf32, #tpu.memory_space<vmem>>)
    %dma_wait3A_70 = arith.constant 80 : i32
    %dma_wait3A_71 = arith.constant 0 : i32
    %dma_wait3A_72 = tpu.memref_slice %arg12[%dma_wait3A_70, %dma_wait3A_71] : memref<160x128xf32, #tpu.memory_space<vmem>> -> memref<80x128xf32, #tpu.memory_space<vmem>>
    %dma_wait3A_73 = arith.constant 0 : i32
    %dma_wait3A_74 = tpu.memref_slice %arg10[%dma_wait3A_73] : memref<8000xi32, #tpu.memory_space<vmem>> -> memref<80xi32, #tpu.memory_space<vmem>>
    %dma_wait3A_75 = arith.constant 0 : i32
    %dma_wait3A_76 = arith.constant 0 : i32
    %dma_wait3A_77 = tpu.memref_slice %arg3[%dma_wait3A_75, %dma_wait3A_76] : memref<8000x128xf32, #tpu.memory_space<hbm>> -> memref<8000x128xf32, #tpu.memory_space<hbm>>
    tpu.wait_indirect_dma semaphore(%arg15 : memref<!tpu.dma_semaphore, #tpu.memory_space<semaphore_mem>>) src(%dma_wait3A_77 : memref<8000x128xf32, #tpu.memory_space<hbm>>) dst(%dma_wait3A_72 : memref<80x128xf32, #tpu.memory_space<vmem>>)
    %barrier3A_78 = arith.constant 0 : index
    tpu.barrier barrier_id(%barrier3A_78)
    %run_scoped3A_79 = arith.constant 1 : i32
    "tpu.region"() ({
      %run_scoped3A_164 = tpu.sem_alloc : memref<!tpu.dma_semaphore, #tpu.memory_space<semaphore_mem>>
      %dma_start3A_165 = arith.constant 0 : i32
      %dma_start3A_166 = tpu.memref_slice %arg9[%arg0, %run_scoped3A_79, %multiple_of3A, %dma_start3A_165] : memref<2x4x8064x128xf32, #tpu.memory_space<hbm>> -> memref<1x1x504x128xf32, #tpu.memory_space<hbm>>
      %dma_start3A_167 = tpu.memref_squeeze %dma_start3A_166 : memref<1x1x504x128xf32, #tpu.memory_space<hbm>> -> memref<504x128xf32, #tpu.memory_space<hbm>>
      %dma_start3A_168 = arith.constant 0 : i32
      %dma_start3A_169 = tpu.memref_slice %arg14[%multiple_of3A, %dma_start3A_168] : memref<8064x128xf32, #tpu.memory_space<vmem_shared>> -> memref<504x128xf32, #tpu.memory_space<vmem_shared>>
      tpu.enqueue_dma source(%dma_start3A_169 : memref<504x128xf32, #tpu.memory_space<vmem_shared>>) target(%dma_start3A_167 : memref<504x128xf32, #tpu.memory_space<hbm>>) target_semaphore(%run_scoped3A_164 : memref<!tpu.dma_semaphore, #tpu.memory_space<semaphore_mem>>)
      %dma_wait3A_170 = arith.constant 0 : i32
      %dma_wait3A_171 = tpu.memref_slice %arg9[%arg0, %run_scoped3A_79, %multiple_of3A, %dma_wait3A_170] : memref<2x4x8064x128xf32, #tpu.memory_space<hbm>> -> memref<1x1x504x128xf32, #tpu.memory_space<hbm>>
      %dma_wait3A_172 = tpu.memref_squeeze %dma_wait3A_171 : memref<1x1x504x128xf32, #tpu.memory_space<hbm>> -> memref<504x128xf32, #tpu.memory_space<hbm>>
      %dma_wait3A_173 = arith.constant 0 : i32
      %dma_wait3A_174 = tpu.memref_slice %arg14[%multiple_of3A, %dma_wait3A_173] : memref<8064x128xf32, #tpu.memory_space<vmem_shared>> -> memref<504x128xf32, #tpu.memory_space<vmem_shared>>
      tpu.wait_dma2 semaphore(%run_scoped3A_164 : memref<!tpu.dma_semaphore, #tpu.memory_space<semaphore_mem>>) src(%dma_wait3A_174 : memref<504x128xf32, #tpu.memory_space<vmem_shared>>) dst(%dma_wait3A_172 : memref<504x128xf32, #tpu.memory_space<hbm>>)
      tpu.yield
    }) : () -> ()
    "tpu.region"() ({
      %run_scoped3A_164 = tpu.sem_alloc : memref<!tpu.dma_semaphore, #tpu.memory_space<semaphore_mem>>
      %dma_start3A_165 = arith.constant 0 : i32
      %dma_start3A_166 = tpu.memref_slice %arg14[%multiple_of3A, %dma_start3A_165] : memref<8064x128xf32, #tpu.memory_space<vmem_shared>> -> memref<504x128xf32, #tpu.memory_space<vmem_shared>>
      tpu.enqueue_dma source(%arg8 : memref<504x128xf32, #tpu.memory_space<hbm>>) target(%dma_start3A_166 : memref<504x128xf32, #tpu.memory_space<vmem_shared>>) target_semaphore(%run_scoped3A_164 : memref<!tpu.dma_semaphore, #tpu.memory_space<semaphore_mem>>)
      %dma_wait3A_167 = arith.constant 0 : i32
      %dma_wait3A_168 = tpu.memref_slice %arg14[%multiple_of3A, %dma_wait3A_167] : memref<8064x128xf32, #tpu.memory_space<vmem_shared>> -> memref<504x128xf32, #tpu.memory_space<vmem_shared>>
      tpu.wait_dma2 semaphore(%run_scoped3A_164 : memref<!tpu.dma_semaphore, #tpu.memory_space<semaphore_mem>>) src(%arg8 : memref<504x128xf32, #tpu.memory_space<hbm>>) dst(%dma_wait3A_168 : memref<504x128xf32, #tpu.memory_space<vmem_shared>>)
      tpu.yield
    }) : () -> ()
    %barrier3A_80 = arith.constant 0 : index
    tpu.barrier barrier_id(%barrier3A_80)
    %multiple_of3A_81 = arith.constant 0 : i32
    %multiple_of3A_82 = tpu.assume_multiple %multiple_of3A_81, 8 : i32
    %dma_start3A_83 = arith.constant 0 : i32
    %dma_start3A_84 = arith.constant 0 : i32
    %dma_start3A_85 = tpu.memref_slice %arg12[%dma_start3A_83, %dma_start3A_84] : memref<160x128xf32, #tpu.memory_space<vmem>> -> memref<80x128xf32, #tpu.memory_space<vmem>>
    %dma_start3A_86 = tpu.memref_slice %arg10[%multiple_of3A_82] : memref<8000xi32, #tpu.memory_space<vmem>> -> memref<80xi32, #tpu.memory_space<vmem>>
    %dma_start3A_87 = arith.constant 0 : i32
    %dma_start3A_88 = arith.constant 0 : i32
    %dma_start3A_89 = tpu.memref_slice %arg4[%dma_start3A_87, %dma_start3A_88] : memref<8000x128xf32, #tpu.memory_space<hbm>> -> memref<8000x128xf32, #tpu.memory_space<hbm>>
    tpu.enqueue_indirect_dma source(%dma_start3A_89 : memref<8000x128xf32, #tpu.memory_space<hbm>>) target(%dma_start3A_85 : memref<80x128xf32, #tpu.memory_space<vmem>>) offsets(%dma_start3A_86 : memref<80xi32, #tpu.memory_space<vmem>>) semaphore(%arg15 : memref<!tpu.dma_semaphore, #tpu.memory_space<semaphore_mem>>)
    %multiple_of3A_90 = arith.constant 80 : i32
    %multiple_of3A_91 = tpu.assume_multiple %multiple_of3A_90, 8 : i32
    %dma_start3A_92 = arith.constant 80 : i32
    %dma_start3A_93 = arith.constant 0 : i32
    %dma_start3A_94 = tpu.memref_slice %arg12[%dma_start3A_92, %dma_start3A_93] : memref<160x128xf32, #tpu.memory_space<vmem>> -> memref<80x128xf32, #tpu.memory_space<vmem>>
    %dma_start3A_95 = tpu.memref_slice %arg10[%multiple_of3A_91] : memref<8000xi32, #tpu.memory_space<vmem>> -> memref<80xi32, #tpu.memory_space<vmem>>
    %dma_start3A_96 = arith.constant 0 : i32
    %dma_start3A_97 = arith.constant 0 : i32
    %dma_start3A_98 = tpu.memref_slice %arg4[%dma_start3A_96, %dma_start3A_97] : memref<8000x128xf32, #tpu.memory_space<hbm>> -> memref<8000x128xf32, #tpu.memory_space<hbm>>
    tpu.enqueue_indirect_dma source(%dma_start3A_98 : memref<8000x128xf32, #tpu.memory_space<hbm>>) target(%dma_start3A_94 : memref<80x128xf32, #tpu.memory_space<vmem>>) offsets(%dma_start3A_95 : memref<80xi32, #tpu.memory_space<vmem>>) semaphore(%arg15 : memref<!tpu.dma_semaphore, #tpu.memory_space<semaphore_mem>>)
    %scan3A_99 = arith.constant 0 : i32
    %scan3A_100 = arith.constant 25 : i32
    %scan3A_101 = arith.addi %scan3A_99, %scan3A_100 : i32
    %scan3A_102 = arith.constant 1 : i32
    scf.for %scan3A_164 = %scan3A_99 to %scan3A_101 step %scan3A_102  : i32 {
      %mul3A_165 = arith.constant 1 : i32
      %mul3A_166 = arith.muli %scan3A_164, %mul3A_165 : i32
      %add3A = arith.constant 0 : i32
      %add3A_167 = arith.addi %add3A, %mul3A_166 : i32
      %mul3A_168 = arith.constant 2 : i32
      %mul3A_169 = arith.muli %add3A_167, %mul3A_168 : i32
      %add3A_170 = arith.constant 1 : i32
      %add3A_171 = arith.addi %mul3A_169, %add3A_170 : i32
      %dma_wait3A_172 = arith.constant 0 : i32
      %dma_wait3A_173 = arith.constant 0 : i32
      %dma_wait3A_174 = tpu.memref_slice %arg12[%dma_wait3A_172, %dma_wait3A_173] : memref<160x128xf32, #tpu.memory_space<vmem>> -> memref<80x128xf32, #tpu.memory_space<vmem>>
      %dma_wait3A_175 = arith.constant 0 : i32
      %dma_wait3A_176 = tpu.memref_slice %arg10[%dma_wait3A_175] : memref<8000xi32, #tpu.memory_space<vmem>> -> memref<80xi32, #tpu.memory_space<vmem>>
      %dma_wait3A_177 = arith.constant 0 : i32
      %dma_wait3A_178 = arith.constant 0 : i32
      %dma_wait3A_179 = tpu.memref_slice %arg4[%dma_wait3A_177, %dma_wait3A_178] : memref<8000x128xf32, #tpu.memory_space<hbm>> -> memref<8000x128xf32, #tpu.memory_space<hbm>>
      tpu.wait_indirect_dma semaphore(%arg15 : memref<!tpu.dma_semaphore, #tpu.memory_space<semaphore_mem>>) src(%dma_wait3A_179 : memref<8000x128xf32, #tpu.memory_space<hbm>>) dst(%dma_wait3A_174 : memref<80x128xf32, #tpu.memory_space<vmem>>)
      %dma_wait3A_180 = arith.constant 80 : i32
      %dma_wait3A_181 = arith.constant 0 : i32
      %dma_wait3A_182 = tpu.memref_slice %arg12[%dma_wait3A_180, %dma_wait3A_181] : memref<160x128xf32, #tpu.memory_space<vmem>> -> memref<80x128xf32, #tpu.memory_space<vmem>>
      %dma_wait3A_183 = arith.constant 0 : i32
      %dma_wait3A_184 = tpu.memref_slice %arg10[%dma_wait3A_183] : memref<8000xi32, #tpu.memory_space<vmem>> -> memref<80xi32, #tpu.memory_space<vmem>>
      %dma_wait3A_185 = arith.constant 0 : i32
      %dma_wait3A_186 = arith.constant 0 : i32
      %dma_wait3A_187 = tpu.memref_slice %arg4[%dma_wait3A_185, %dma_wait3A_186] : memref<8000x128xf32, #tpu.memory_space<hbm>> -> memref<8000x128xf32, #tpu.memory_space<hbm>>
      tpu.wait_indirect_dma semaphore(%arg15 : memref<!tpu.dma_semaphore, #tpu.memory_space<semaphore_mem>>) src(%dma_wait3A_187 : memref<8000x128xf32, #tpu.memory_space<hbm>>) dst(%dma_wait3A_182 : memref<80x128xf32, #tpu.memory_space<vmem>>)
      %mul3A_188 = arith.constant 2 : i32
      %mul3A_189 = arith.muli %add3A_171, %mul3A_188 : i32
      %add3A_190 = arith.constant 0 : i32
      %add3A_191 = arith.addi %mul3A_189, %add3A_190 : i32
      %mul3A_192 = arith.constant 80 : i32
      %mul3A_193 = arith.muli %add3A_191, %mul3A_192 : i32
      %multiple_of3A_194 = tpu.assume_multiple %mul3A_193, 8 : i32
      %dma_start3A_195 = arith.constant 0 : i32
      %dma_start3A_196 = arith.constant 0 : i32
      %dma_start3A_197 = tpu.memref_slice %arg13[%dma_start3A_195, %dma_start3A_196] : memref<160x128xf32, #tpu.memory_space<vmem>> -> memref<80x128xf32, #tpu.memory_space<vmem>>
      %dma_start3A_198 = tpu.memref_slice %arg10[%multiple_of3A_194] : memref<8000xi32, #tpu.memory_space<vmem>> -> memref<80xi32, #tpu.memory_space<vmem>>
      %dma_start3A_199 = arith.constant 0 : i32
      %dma_start3A_200 = arith.constant 0 : i32
      %dma_start3A_201 = tpu.memref_slice %arg4[%dma_start3A_199, %dma_start3A_200] : memref<8000x128xf32, #tpu.memory_space<hbm>> -> memref<8000x128xf32, #tpu.memory_space<hbm>>
      tpu.enqueue_indirect_dma source(%dma_start3A_201 : memref<8000x128xf32, #tpu.memory_space<hbm>>) target(%dma_start3A_197 : memref<80x128xf32, #tpu.memory_space<vmem>>) offsets(%dma_start3A_198 : memref<80xi32, #tpu.memory_space<vmem>>) semaphore(%arg16 : memref<!tpu.dma_semaphore, #tpu.memory_space<semaphore_mem>>)
      %mul3A_202 = arith.constant 2 : i32
      %mul3A_203 = arith.muli %add3A_171, %mul3A_202 : i32
      %add3A_204 = arith.constant 1 : i32
      %add3A_205 = arith.addi %mul3A_203, %add3A_204 : i32
      %mul3A_206 = arith.constant 80 : i32
      %mul3A_207 = arith.muli %add3A_205, %mul3A_206 : i32
      %multiple_of3A_208 = tpu.assume_multiple %mul3A_207, 8 : i32
      %dma_start3A_209 = arith.constant 80 : i32
      %dma_start3A_210 = arith.constant 0 : i32
      %dma_start3A_211 = tpu.memref_slice %arg13[%dma_start3A_209, %dma_start3A_210] : memref<160x128xf32, #tpu.memory_space<vmem>> -> memref<80x128xf32, #tpu.memory_space<vmem>>
      %dma_start3A_212 = tpu.memref_slice %arg10[%multiple_of3A_208] : memref<8000xi32, #tpu.memory_space<vmem>> -> memref<80xi32, #tpu.memory_space<vmem>>
      %dma_start3A_213 = arith.constant 0 : i32
      %dma_start3A_214 = arith.constant 0 : i32
      %dma_start3A_215 = tpu.memref_slice %arg4[%dma_start3A_213, %dma_start3A_214] : memref<8000x128xf32, #tpu.memory_space<hbm>> -> memref<8000x128xf32, #tpu.memory_space<hbm>>
      tpu.enqueue_indirect_dma source(%dma_start3A_215 : memref<8000x128xf32, #tpu.memory_space<hbm>>) target(%dma_start3A_211 : memref<80x128xf32, #tpu.memory_space<vmem>>) offsets(%dma_start3A_212 : memref<80xi32, #tpu.memory_space<vmem>>) semaphore(%arg16 : memref<!tpu.dma_semaphore, #tpu.memory_space<semaphore_mem>>)
      %mul3A_216 = arith.constant 2 : i32
      %mul3A_217 = arith.muli %mul3A_169, %mul3A_216 : i32
      %add3A_218 = arith.constant 0 : i32
      %add3A_219 = arith.addi %mul3A_217, %add3A_218 : i32
      %dma_start3A_220 = arith.constant 0 : i32
      %dma_start3A_221 = arith.constant 0 : i32
      %dma_start3A_222 = tpu.memref_slice %arg12[%dma_start3A_220, %dma_start3A_221] : memref<160x128xf32, #tpu.memory_space<vmem>> -> memref<80x128xf32, #tpu.memory_space<vmem>>
      %dma_start3A_223 = arith.constant 0 : i32
      %dma_start3A_224 = tpu.memref_slice %arg11[%add3A_219, %dma_start3A_223] : memref<100x80xi32, #tpu.memory_space<vmem>> -> memref<1x80xi32, #tpu.memory_space<vmem>>
      %dma_start3A_225 = tpu.memref_squeeze %dma_start3A_224 : memref<1x80xi32, #tpu.memory_space<vmem>> -> memref<80xi32, #tpu.memory_space<vmem>>
      %dma_start3A_226 = arith.constant 0 : i32
      %dma_start3A_227 = arith.constant 0 : i32
      %dma_start3A_228 = tpu.memref_slice %arg14[%dma_start3A_226, %dma_start3A_227] : memref<8064x128xf32, #tpu.memory_space<vmem_shared>> -> memref<8064x128xf32, #tpu.memory_space<vmem_shared>>
      tpu.enqueue_indirect_dma source(%dma_start3A_222 : memref<80x128xf32, #tpu.memory_space<vmem>>) target(%dma_start3A_228 : memref<8064x128xf32, #tpu.memory_space<vmem_shared>>) offsets(%dma_start3A_225 : memref<80xi32, #tpu.memory_space<vmem>>) semaphore(%arg17 : memref<!tpu.dma_semaphore, #tpu.memory_space<semaphore_mem>>) {add = true}
      %mul3A_229 = arith.constant 2 : i32
      %mul3A_230 = arith.muli %mul3A_169, %mul3A_229 : i32
      %add3A_231 = arith.constant 1 : i32
      %add3A_232 = arith.addi %mul3A_230, %add3A_231 : i32
      %dma_start3A_233 = arith.constant 80 : i32
      %dma_start3A_234 = arith.constant 0 : i32
      %dma_start3A_235 = tpu.memref_slice %arg12[%dma_start3A_233, %dma_start3A_234] : memref<160x128xf32, #tpu.memory_space<vmem>> -> memref<80x128xf32, #tpu.memory_space<vmem>>
      %dma_start3A_236 = arith.constant 0 : i32
      %dma_start3A_237 = tpu.memref_slice %arg11[%add3A_232, %dma_start3A_236] : memref<100x80xi32, #tpu.memory_space<vmem>> -> memref<1x80xi32, #tpu.memory_space<vmem>>
      %dma_start3A_238 = tpu.memref_squeeze %dma_start3A_237 : memref<1x80xi32, #tpu.memory_space<vmem>> -> memref<80xi32, #tpu.memory_space<vmem>>
      %dma_start3A_239 = arith.constant 0 : i32
      %dma_start3A_240 = arith.constant 0 : i32
      %dma_start3A_241 = tpu.memref_slice %arg14[%dma_start3A_239, %dma_start3A_240] : memref<8064x128xf32, #tpu.memory_space<vmem_shared>> -> memref<8064x128xf32, #tpu.memory_space<vmem_shared>>
      tpu.enqueue_indirect_dma source(%dma_start3A_235 : memref<80x128xf32, #tpu.memory_space<vmem>>) target(%dma_start3A_241 : memref<8064x128xf32, #tpu.memory_space<vmem_shared>>) offsets(%dma_start3A_238 : memref<80xi32, #tpu.memory_space<vmem>>) semaphore(%arg17 : memref<!tpu.dma_semaphore, #tpu.memory_space<semaphore_mem>>) {add = true}
      %dma_wait3A_242 = arith.constant 0 : i32
      %dma_wait3A_243 = arith.constant 0 : i32
      %dma_wait3A_244 = arith.constant 0 : i32
      %dma_wait3A_245 = tpu.memref_slice %arg12[%dma_wait3A_243, %dma_wait3A_244] : memref<160x128xf32, #tpu.memory_space<vmem>> -> memref<80x128xf32, #tpu.memory_space<vmem>>
      %dma_wait3A_246 = arith.constant 0 : i32
      %dma_wait3A_247 = tpu.memref_slice %arg11[%dma_wait3A_242, %dma_wait3A_246] : memref<100x80xi32, #tpu.memory_space<vmem>> -> memref<1x80xi32, #tpu.memory_space<vmem>>
      %dma_wait3A_248 = tpu.memref_squeeze %dma_wait3A_247 : memref<1x80xi32, #tpu.memory_space<vmem>> -> memref<80xi32, #tpu.memory_space<vmem>>
      %dma_wait3A_249 = arith.constant 0 : i32
      %dma_wait3A_250 = arith.constant 0 : i32
      %dma_wait3A_251 = tpu.memref_slice %arg14[%dma_wait3A_249, %dma_wait3A_250] : memref<8064x128xf32, #tpu.memory_space<vmem_shared>> -> memref<8064x128xf32, #tpu.memory_space<vmem_shared>>
      tpu.wait_indirect_dma semaphore(%arg17 : memref<!tpu.dma_semaphore, #tpu.memory_space<semaphore_mem>>) src(%dma_wait3A_245 : memref<80x128xf32, #tpu.memory_space<vmem>>) dst(%dma_wait3A_251 : memref<8064x128xf32, #tpu.memory_space<vmem_shared>>)
      %dma_wait3A_252 = arith.constant 0 : i32
      %dma_wait3A_253 = arith.constant 80 : i32
      %dma_wait3A_254 = arith.constant 0 : i32
      %dma_wait3A_255 = tpu.memref_slice %arg12[%dma_wait3A_253, %dma_wait3A_254] : memref<160x128xf32, #tpu.memory_space<vmem>> -> memref<80x128xf32, #tpu.memory_space<vmem>>
      %dma_wait3A_256 = arith.constant 0 : i32
      %dma_wait3A_257 = tpu.memref_slice %arg11[%dma_wait3A_252, %dma_wait3A_256] : memref<100x80xi32, #tpu.memory_space<vmem>> -> memref<1x80xi32, #tpu.memory_space<vmem>>
      %dma_wait3A_258 = tpu.memref_squeeze %dma_wait3A_257 : memref<1x80xi32, #tpu.memory_space<vmem>> -> memref<80xi32, #tpu.memory_space<vmem>>
      %dma_wait3A_259 = arith.constant 0 : i32
      %dma_wait3A_260 = arith.constant 0 : i32
      %dma_wait3A_261 = tpu.memref_slice %arg14[%dma_wait3A_259, %dma_wait3A_260] : memref<8064x128xf32, #tpu.memory_space<vmem_shared>> -> memref<8064x128xf32, #tpu.memory_space<vmem_shared>>
      tpu.wait_indirect_dma semaphore(%arg17 : memref<!tpu.dma_semaphore, #tpu.memory_space<semaphore_mem>>) src(%dma_wait3A_255 : memref<80x128xf32, #tpu.memory_space<vmem>>) dst(%dma_wait3A_261 : memref<8064x128xf32, #tpu.memory_space<vmem_shared>>)
      %add3A_262 = arith.constant 2 : i32
      %add3A_263 = arith.addi %mul3A_169, %add3A_262 : i32
      %min3A = arith.constant 49 : i32
      %min3A_264 = arith.minsi %add3A_263, %min3A : i32
      %mul3A_265 = arith.constant 2 : i32
      %mul3A_266 = arith.muli %min3A_264, %mul3A_265 : i32
      %add3A_267 = arith.constant 0 : i32
      %add3A_268 = arith.addi %mul3A_266, %add3A_267 : i32
      %mul3A_269 = arith.constant 80 : i32
      %mul3A_270 = arith.muli %add3A_268, %mul3A_269 : i32
      %multiple_of3A_271 = tpu.assume_multiple %mul3A_270, 8 : i32
      %dma_start3A_272 = arith.constant 0 : i32
      %dma_start3A_273 = arith.constant 0 : i32
      %dma_start3A_274 = tpu.memref_slice %arg12[%dma_start3A_272, %dma_start3A_273] : memref<160x128xf32, #tpu.memory_space<vmem>> -> memref<80x128xf32, #tpu.memory_space<vmem>>
      %dma_start3A_275 = tpu.memref_slice %arg10[%multiple_of3A_271] : memref<8000xi32, #tpu.memory_space<vmem>> -> memref<80xi32, #tpu.memory_space<vmem>>
      %dma_start3A_276 = arith.constant 0 : i32
      %dma_start3A_277 = arith.constant 0 : i32
      %dma_start3A_278 = tpu.memref_slice %arg4[%dma_start3A_276, %dma_start3A_277] : memref<8000x128xf32, #tpu.memory_space<hbm>> -> memref<8000x128xf32, #tpu.memory_space<hbm>>
      tpu.enqueue_indirect_dma source(%dma_start3A_278 : memref<8000x128xf32, #tpu.memory_space<hbm>>) target(%dma_start3A_274 : memref<80x128xf32, #tpu.memory_space<vmem>>) offsets(%dma_start3A_275 : memref<80xi32, #tpu.memory_space<vmem>>) semaphore(%arg15 : memref<!tpu.dma_semaphore, #tpu.memory_space<semaphore_mem>>)
      %mul3A_279 = arith.constant 2 : i32
      %mul3A_280 = arith.muli %min3A_264, %mul3A_279 : i32
      %add3A_281 = arith.constant 1 : i32
      %add3A_282 = arith.addi %mul3A_280, %add3A_281 : i32
      %mul3A_283 = arith.constant 80 : i32
      %mul3A_284 = arith.muli %add3A_282, %mul3A_283 : i32
      %multiple_of3A_285 = tpu.assume_multiple %mul3A_284, 8 : i32
      %dma_start3A_286 = arith.constant 80 : i32
      %dma_start3A_287 = arith.constant 0 : i32
      %dma_start3A_288 = tpu.memref_slice %arg12[%dma_start3A_286, %dma_start3A_287] : memref<160x128xf32, #tpu.memory_space<vmem>> -> memref<80x128xf32, #tpu.memory_space<vmem>>
      %dma_start3A_289 = tpu.memref_slice %arg10[%multiple_of3A_285] : memref<8000xi32, #tpu.memory_space<vmem>> -> memref<80xi32, #tpu.memory_space<vmem>>
      %dma_start3A_290 = arith.constant 0 : i32
      %dma_start3A_291 = arith.constant 0 : i32
      %dma_start3A_292 = tpu.memref_slice %arg4[%dma_start3A_290, %dma_start3A_291] : memref<8000x128xf32, #tpu.memory_space<hbm>> -> memref<8000x128xf32, #tpu.memory_space<hbm>>
      tpu.enqueue_indirect_dma source(%dma_start3A_292 : memref<8000x128xf32, #tpu.memory_space<hbm>>) target(%dma_start3A_288 : memref<80x128xf32, #tpu.memory_space<vmem>>) offsets(%dma_start3A_289 : memref<80xi32, #tpu.memory_space<vmem>>) semaphore(%arg15 : memref<!tpu.dma_semaphore, #tpu.memory_space<semaphore_mem>>)
      %dma_wait3A_293 = arith.constant 0 : i32
      %dma_wait3A_294 = arith.constant 0 : i32
      %dma_wait3A_295 = tpu.memref_slice %arg13[%dma_wait3A_293, %dma_wait3A_294] : memref<160x128xf32, #tpu.memory_space<vmem>> -> memref<80x128xf32, #tpu.memory_space<vmem>>
      %dma_wait3A_296 = arith.constant 0 : i32
      %dma_wait3A_297 = tpu.memref_slice %arg10[%dma_wait3A_296] : memref<8000xi32, #tpu.memory_space<vmem>> -> memref<80xi32, #tpu.memory_space<vmem>>
      %dma_wait3A_298 = arith.constant 0 : i32
      %dma_wait3A_299 = arith.constant 0 : i32
      %dma_wait3A_300 = tpu.memref_slice %arg4[%dma_wait3A_298, %dma_wait3A_299] : memref<8000x128xf32, #tpu.memory_space<hbm>> -> memref<8000x128xf32, #tpu.memory_space<hbm>>
      tpu.wait_indirect_dma semaphore(%arg16 : memref<!tpu.dma_semaphore, #tpu.memory_space<semaphore_mem>>) src(%dma_wait3A_300 : memref<8000x128xf32, #tpu.memory_space<hbm>>) dst(%dma_wait3A_295 : memref<80x128xf32, #tpu.memory_space<vmem>>)
      %dma_wait3A_301 = arith.constant 80 : i32
      %dma_wait3A_302 = arith.constant 0 : i32
      %dma_wait3A_303 = tpu.memref_slice %arg13[%dma_wait3A_301, %dma_wait3A_302] : memref<160x128xf32, #tpu.memory_space<vmem>> -> memref<80x128xf32, #tpu.memory_space<vmem>>
      %dma_wait3A_304 = arith.constant 0 : i32
      %dma_wait3A_305 = tpu.memref_slice %arg10[%dma_wait3A_304] : memref<8000xi32, #tpu.memory_space<vmem>> -> memref<80xi32, #tpu.memory_space<vmem>>
      %dma_wait3A_306 = arith.constant 0 : i32
      %dma_wait3A_307 = arith.constant 0 : i32
      %dma_wait3A_308 = tpu.memref_slice %arg4[%dma_wait3A_306, %dma_wait3A_307] : memref<8000x128xf32, #tpu.memory_space<hbm>> -> memref<8000x128xf32, #tpu.memory_space<hbm>>
      tpu.wait_indirect_dma semaphore(%arg16 : memref<!tpu.dma_semaphore, #tpu.memory_space<semaphore_mem>>) src(%dma_wait3A_308 : memref<8000x128xf32, #tpu.memory_space<hbm>>) dst(%dma_wait3A_303 : memref<80x128xf32, #tpu.memory_space<vmem>>)
      %mul3A_309 = arith.constant 2 : i32
      %mul3A_310 = arith.muli %add3A_171, %mul3A_309 : i32
      %add3A_311 = arith.constant 0 : i32
      %add3A_312 = arith.addi %mul3A_310, %add3A_311 : i32
      %dma_start3A_313 = arith.constant 0 : i32
      %dma_start3A_314 = arith.constant 0 : i32
      %dma_start3A_315 = tpu.memref_slice %arg13[%dma_start3A_313, %dma_start3A_314] : memref<160x128xf32, #tpu.memory_space<vmem>> -> memref<80x128xf32, #tpu.memory_space<vmem>>
      %dma_start3A_316 = arith.constant 0 : i32
      %dma_start3A_317 = tpu.memref_slice %arg11[%add3A_312, %dma_start3A_316] : memref<100x80xi32, #tpu.memory_space<vmem>> -> memref<1x80xi32, #tpu.memory_space<vmem>>
      %dma_start3A_318 = tpu.memref_squeeze %dma_start3A_317 : memref<1x80xi32, #tpu.memory_space<vmem>> -> memref<80xi32, #tpu.memory_space<vmem>>
      %dma_start3A_319 = arith.constant 0 : i32
      %dma_start3A_320 = arith.constant 0 : i32
      %dma_start3A_321 = tpu.memref_slice %arg14[%dma_start3A_319, %dma_start3A_320] : memref<8064x128xf32, #tpu.memory_space<vmem_shared>> -> memref<8064x128xf32, #tpu.memory_space<vmem_shared>>
      tpu.enqueue_indirect_dma source(%dma_start3A_315 : memref<80x128xf32, #tpu.memory_space<vmem>>) target(%dma_start3A_321 : memref<8064x128xf32, #tpu.memory_space<vmem_shared>>) offsets(%dma_start3A_318 : memref<80xi32, #tpu.memory_space<vmem>>) semaphore(%arg18 : memref<!tpu.dma_semaphore, #tpu.memory_space<semaphore_mem>>) {add = true}
      %mul3A_322 = arith.constant 2 : i32
      %mul3A_323 = arith.muli %add3A_171, %mul3A_322 : i32
      %add3A_324 = arith.constant 1 : i32
      %add3A_325 = arith.addi %mul3A_323, %add3A_324 : i32
      %dma_start3A_326 = arith.constant 80 : i32
      %dma_start3A_327 = arith.constant 0 : i32
      %dma_start3A_328 = tpu.memref_slice %arg13[%dma_start3A_326, %dma_start3A_327] : memref<160x128xf32, #tpu.memory_space<vmem>> -> memref<80x128xf32, #tpu.memory_space<vmem>>
      %dma_start3A_329 = arith.constant 0 : i32
      %dma_start3A_330 = tpu.memref_slice %arg11[%add3A_325, %dma_start3A_329] : memref<100x80xi32, #tpu.memory_space<vmem>> -> memref<1x80xi32, #tpu.memory_space<vmem>>
      %dma_start3A_331 = tpu.memref_squeeze %dma_start3A_330 : memref<1x80xi32, #tpu.memory_space<vmem>> -> memref<80xi32, #tpu.memory_space<vmem>>
      %dma_start3A_332 = arith.constant 0 : i32
      %dma_start3A_333 = arith.constant 0 : i32
      %dma_start3A_334 = tpu.memref_slice %arg14[%dma_start3A_332, %dma_start3A_333] : memref<8064x128xf32, #tpu.memory_space<vmem_shared>> -> memref<8064x128xf32, #tpu.memory_space<vmem_shared>>
      tpu.enqueue_indirect_dma source(%dma_start3A_328 : memref<80x128xf32, #tpu.memory_space<vmem>>) target(%dma_start3A_334 : memref<8064x128xf32, #tpu.memory_space<vmem_shared>>) offsets(%dma_start3A_331 : memref<80xi32, #tpu.memory_space<vmem>>) semaphore(%arg18 : memref<!tpu.dma_semaphore, #tpu.memory_space<semaphore_mem>>) {add = true}
      %dma_wait3A_335 = arith.constant 0 : i32
      %dma_wait3A_336 = arith.constant 0 : i32
      %dma_wait3A_337 = arith.constant 0 : i32
      %dma_wait3A_338 = tpu.memref_slice %arg13[%dma_wait3A_336, %dma_wait3A_337] : memref<160x128xf32, #tpu.memory_space<vmem>> -> memref<80x128xf32, #tpu.memory_space<vmem>>
      %dma_wait3A_339 = arith.constant 0 : i32
      %dma_wait3A_340 = tpu.memref_slice %arg11[%dma_wait3A_335, %dma_wait3A_339] : memref<100x80xi32, #tpu.memory_space<vmem>> -> memref<1x80xi32, #tpu.memory_space<vmem>>
      %dma_wait3A_341 = tpu.memref_squeeze %dma_wait3A_340 : memref<1x80xi32, #tpu.memory_space<vmem>> -> memref<80xi32, #tpu.memory_space<vmem>>
      %dma_wait3A_342 = arith.constant 0 : i32
      %dma_wait3A_343 = arith.constant 0 : i32
      %dma_wait3A_344 = tpu.memref_slice %arg14[%dma_wait3A_342, %dma_wait3A_343] : memref<8064x128xf32, #tpu.memory_space<vmem_shared>> -> memref<8064x128xf32, #tpu.memory_space<vmem_shared>>
      tpu.wait_indirect_dma semaphore(%arg18 : memref<!tpu.dma_semaphore, #tpu.memory_space<semaphore_mem>>) src(%dma_wait3A_338 : memref<80x128xf32, #tpu.memory_space<vmem>>) dst(%dma_wait3A_344 : memref<8064x128xf32, #tpu.memory_space<vmem_shared>>)
      %dma_wait3A_345 = arith.constant 0 : i32
      %dma_wait3A_346 = arith.constant 80 : i32
      %dma_wait3A_347 = arith.constant 0 : i32
      %dma_wait3A_348 = tpu.memref_slice %arg13[%dma_wait3A_346, %dma_wait3A_347] : memref<160x128xf32, #tpu.memory_space<vmem>> -> memref<80x128xf32, #tpu.memory_space<vmem>>
      %dma_wait3A_349 = arith.constant 0 : i32
      %dma_wait3A_350 = tpu.memref_slice %arg11[%dma_wait3A_345, %dma_wait3A_349] : memref<100x80xi32, #tpu.memory_space<vmem>> -> memref<1x80xi32, #tpu.memory_space<vmem>>
      %dma_wait3A_351 = tpu.memref_squeeze %dma_wait3A_350 : memref<1x80xi32, #tpu.memory_space<vmem>> -> memref<80xi32, #tpu.memory_space<vmem>>
      %dma_wait3A_352 = arith.constant 0 : i32
      %dma_wait3A_353 = arith.constant 0 : i32
      %dma_wait3A_354 = tpu.memref_slice %arg14[%dma_wait3A_352, %dma_wait3A_353] : memref<8064x128xf32, #tpu.memory_space<vmem_shared>> -> memref<8064x128xf32, #tpu.memory_space<vmem_shared>>
      tpu.wait_indirect_dma semaphore(%arg18 : memref<!tpu.dma_semaphore, #tpu.memory_space<semaphore_mem>>) src(%dma_wait3A_348 : memref<80x128xf32, #tpu.memory_space<vmem>>) dst(%dma_wait3A_354 : memref<8064x128xf32, #tpu.memory_space<vmem_shared>>)
    }
    %scan3A_103 = arith.constant 25 : i32
    %dma_wait3A_104 = arith.constant 0 : i32
    %dma_wait3A_105 = arith.constant 0 : i32
    %dma_wait3A_106 = tpu.memref_slice %arg12[%dma_wait3A_104, %dma_wait3A_105] : memref<160x128xf32, #tpu.memory_space<vmem>> -> memref<80x128xf32, #tpu.memory_space<vmem>>
    %dma_wait3A_107 = arith.constant 0 : i32
    %dma_wait3A_108 = tpu.memref_slice %arg10[%dma_wait3A_107] : memref<8000xi32, #tpu.memory_space<vmem>> -> memref<80xi32, #tpu.memory_space<vmem>>
    %dma_wait3A_109 = arith.constant 0 : i32
    %dma_wait3A_110 = arith.constant 0 : i32
    %dma_wait3A_111 = tpu.memref_slice %arg4[%dma_wait3A_109, %dma_wait3A_110] : memref<8000x128xf32, #tpu.memory_space<hbm>> -> memref<8000x128xf32, #tpu.memory_space<hbm>>
    tpu.wait_indirect_dma semaphore(%arg15 : memref<!tpu.dma_semaphore, #tpu.memory_space<semaphore_mem>>) src(%dma_wait3A_111 : memref<8000x128xf32, #tpu.memory_space<hbm>>) dst(%dma_wait3A_106 : memref<80x128xf32, #tpu.memory_space<vmem>>)
    %dma_wait3A_112 = arith.constant 80 : i32
    %dma_wait3A_113 = arith.constant 0 : i32
    %dma_wait3A_114 = tpu.memref_slice %arg12[%dma_wait3A_112, %dma_wait3A_113] : memref<160x128xf32, #tpu.memory_space<vmem>> -> memref<80x128xf32, #tpu.memory_space<vmem>>
    %dma_wait3A_115 = arith.constant 0 : i32
    %dma_wait3A_116 = tpu.memref_slice %arg10[%dma_wait3A_115] : memref<8000xi32, #tpu.memory_space<vmem>> -> memref<80xi32, #tpu.memory_space<vmem>>
    %dma_wait3A_117 = arith.constant 0 : i32
    %dma_wait3A_118 = arith.constant 0 : i32
    %dma_wait3A_119 = tpu.memref_slice %arg4[%dma_wait3A_117, %dma_wait3A_118] : memref<8000x128xf32, #tpu.memory_space<hbm>> -> memref<8000x128xf32, #tpu.memory_space<hbm>>
    tpu.wait_indirect_dma semaphore(%arg15 : memref<!tpu.dma_semaphore, #tpu.memory_space<semaphore_mem>>) src(%dma_wait3A_119 : memref<8000x128xf32, #tpu.memory_space<hbm>>) dst(%dma_wait3A_114 : memref<80x128xf32, #tpu.memory_space<vmem>>)
    %barrier3A_120 = arith.constant 0 : index
    tpu.barrier barrier_id(%barrier3A_120)
    %run_scoped3A_121 = arith.constant 2 : i32
    "tpu.region"() ({
      %run_scoped3A_164 = tpu.sem_alloc : memref<!tpu.dma_semaphore, #tpu.memory_space<semaphore_mem>>
      %dma_start3A_165 = arith.constant 0 : i32
      %dma_start3A_166 = tpu.memref_slice %arg9[%arg0, %run_scoped3A_121, %multiple_of3A, %dma_start3A_165] : memref<2x4x8064x128xf32, #tpu.memory_space<hbm>> -> memref<1x1x504x128xf32, #tpu.memory_space<hbm>>
      %dma_start3A_167 = tpu.memref_squeeze %dma_start3A_166 : memref<1x1x504x128xf32, #tpu.memory_space<hbm>> -> memref<504x128xf32, #tpu.memory_space<hbm>>
      %dma_start3A_168 = arith.constant 0 : i32
      %dma_start3A_169 = tpu.memref_slice %arg14[%multiple_of3A, %dma_start3A_168] : memref<8064x128xf32, #tpu.memory_space<vmem_shared>> -> memref<504x128xf32, #tpu.memory_space<vmem_shared>>
      tpu.enqueue_dma source(%dma_start3A_169 : memref<504x128xf32, #tpu.memory_space<vmem_shared>>) target(%dma_start3A_167 : memref<504x128xf32, #tpu.memory_space<hbm>>) target_semaphore(%run_scoped3A_164 : memref<!tpu.dma_semaphore, #tpu.memory_space<semaphore_mem>>)
      %dma_wait3A_170 = arith.constant 0 : i32
      %dma_wait3A_171 = tpu.memref_slice %arg9[%arg0, %run_scoped3A_121, %multiple_of3A, %dma_wait3A_170] : memref<2x4x8064x128xf32, #tpu.memory_space<hbm>> -> memref<1x1x504x128xf32, #tpu.memory_space<hbm>>
      %dma_wait3A_172 = tpu.memref_squeeze %dma_wait3A_171 : memref<1x1x504x128xf32, #tpu.memory_space<hbm>> -> memref<504x128xf32, #tpu.memory_space<hbm>>
      %dma_wait3A_173 = arith.constant 0 : i32
      %dma_wait3A_174 = tpu.memref_slice %arg14[%multiple_of3A, %dma_wait3A_173] : memref<8064x128xf32, #tpu.memory_space<vmem_shared>> -> memref<504x128xf32, #tpu.memory_space<vmem_shared>>
      tpu.wait_dma2 semaphore(%run_scoped3A_164 : memref<!tpu.dma_semaphore, #tpu.memory_space<semaphore_mem>>) src(%dma_wait3A_174 : memref<504x128xf32, #tpu.memory_space<vmem_shared>>) dst(%dma_wait3A_172 : memref<504x128xf32, #tpu.memory_space<hbm>>)
      tpu.yield
    }) : () -> ()
    "tpu.region"() ({
      %run_scoped3A_164 = tpu.sem_alloc : memref<!tpu.dma_semaphore, #tpu.memory_space<semaphore_mem>>
      %dma_start3A_165 = arith.constant 0 : i32
      %dma_start3A_166 = tpu.memref_slice %arg14[%multiple_of3A, %dma_start3A_165] : memref<8064x128xf32, #tpu.memory_space<vmem_shared>> -> memref<504x128xf32, #tpu.memory_space<vmem_shared>>
      tpu.enqueue_dma source(%arg8 : memref<504x128xf32, #tpu.memory_space<hbm>>) target(%dma_start3A_166 : memref<504x128xf32, #tpu.memory_space<vmem_shared>>) target_semaphore(%run_scoped3A_164 : memref<!tpu.dma_semaphore, #tpu.memory_space<semaphore_mem>>)
      %dma_wait3A_167 = arith.constant 0 : i32
      %dma_wait3A_168 = tpu.memref_slice %arg14[%multiple_of3A, %dma_wait3A_167] : memref<8064x128xf32, #tpu.memory_space<vmem_shared>> -> memref<504x128xf32, #tpu.memory_space<vmem_shared>>
      tpu.wait_dma2 semaphore(%run_scoped3A_164 : memref<!tpu.dma_semaphore, #tpu.memory_space<semaphore_mem>>) src(%arg8 : memref<504x128xf32, #tpu.memory_space<hbm>>) dst(%dma_wait3A_168 : memref<504x128xf32, #tpu.memory_space<vmem_shared>>)
      tpu.yield
    }) : () -> ()
    %barrier3A_122 = arith.constant 0 : index
    tpu.barrier barrier_id(%barrier3A_122)
    %multiple_of3A_123 = arith.constant 0 : i32
    %multiple_of3A_124 = tpu.assume_multiple %multiple_of3A_123, 8 : i32
    %dma_start3A_125 = arith.constant 0 : i32
    %dma_start3A_126 = arith.constant 0 : i32
    %dma_start3A_127 = tpu.memref_slice %arg12[%dma_start3A_125, %dma_start3A_126] : memref<160x128xf32, #tpu.memory_space<vmem>> -> memref<80x128xf32, #tpu.memory_space<vmem>>
    %dma_start3A_128 = tpu.memref_slice %arg10[%multiple_of3A_124] : memref<8000xi32, #tpu.memory_space<vmem>> -> memref<80xi32, #tpu.memory_space<vmem>>
    %dma_start3A_129 = arith.constant 0 : i32
    %dma_start3A_130 = arith.constant 0 : i32
    %dma_start3A_131 = tpu.memref_slice %arg5[%dma_start3A_129, %dma_start3A_130] : memref<8000x128xf32, #tpu.memory_space<hbm>> -> memref<8000x128xf32, #tpu.memory_space<hbm>>
    tpu.enqueue_indirect_dma source(%dma_start3A_131 : memref<8000x128xf32, #tpu.memory_space<hbm>>) target(%dma_start3A_127 : memref<80x128xf32, #tpu.memory_space<vmem>>) offsets(%dma_start3A_128 : memref<80xi32, #tpu.memory_space<vmem>>) semaphore(%arg15 : memref<!tpu.dma_semaphore, #tpu.memory_space<semaphore_mem>>)
    %multiple_of3A_132 = arith.constant 80 : i32
    %multiple_of3A_133 = tpu.assume_multiple %multiple_of3A_132, 8 : i32
    %dma_start3A_134 = arith.constant 80 : i32
    %dma_start3A_135 = arith.constant 0 : i32
    %dma_start3A_136 = tpu.memref_slice %arg12[%dma_start3A_134, %dma_start3A_135] : memref<160x128xf32, #tpu.memory_space<vmem>> -> memref<80x128xf32, #tpu.memory_space<vmem>>
    %dma_start3A_137 = tpu.memref_slice %arg10[%multiple_of3A_133] : memref<8000xi32, #tpu.memory_space<vmem>> -> memref<80xi32, #tpu.memory_space<vmem>>
    %dma_start3A_138 = arith.constant 0 : i32
    %dma_start3A_139 = arith.constant 0 : i32
    %dma_start3A_140 = tpu.memref_slice %arg5[%dma_start3A_138, %dma_start3A_139] : memref<8000x128xf32, #tpu.memory_space<hbm>> -> memref<8000x128xf32, #tpu.memory_space<hbm>>
    tpu.enqueue_indirect_dma source(%dma_start3A_140 : memref<8000x128xf32, #tpu.memory_space<hbm>>) target(%dma_start3A_136 : memref<80x128xf32, #tpu.memory_space<vmem>>) offsets(%dma_start3A_137 : memref<80xi32, #tpu.memory_space<vmem>>) semaphore(%arg15 : memref<!tpu.dma_semaphore, #tpu.memory_space<semaphore_mem>>)
    %scan3A_141 = arith.constant 0 : i32
    %scan3A_142 = arith.constant 25 : i32
    %scan3A_143 = arith.addi %scan3A_141, %scan3A_142 : i32
    %scan3A_144 = arith.constant 1 : i32
    scf.for %scan3A_164 = %scan3A_141 to %scan3A_143 step %scan3A_144  : i32 {
      %mul3A_165 = arith.constant 1 : i32
      %mul3A_166 = arith.muli %scan3A_164, %mul3A_165 : i32
      %add3A = arith.constant 0 : i32
      %add3A_167 = arith.addi %add3A, %mul3A_166 : i32
      %mul3A_168 = arith.constant 2 : i32
      %mul3A_169 = arith.muli %add3A_167, %mul3A_168 : i32
      %add3A_170 = arith.constant 1 : i32
      %add3A_171 = arith.addi %mul3A_169, %add3A_170 : i32
      %dma_wait3A_172 = arith.constant 0 : i32
      %dma_wait3A_173 = arith.constant 0 : i32
      %dma_wait3A_174 = tpu.memref_slice %arg12[%dma_wait3A_172, %dma_wait3A_173] : memref<160x128xf32, #tpu.memory_space<vmem>> -> memref<80x128xf32, #tpu.memory_space<vmem>>
      %dma_wait3A_175 = arith.constant 0 : i32
      %dma_wait3A_176 = tpu.memref_slice %arg10[%dma_wait3A_175] : memref<8000xi32, #tpu.memory_space<vmem>> -> memref<80xi32, #tpu.memory_space<vmem>>
      %dma_wait3A_177 = arith.constant 0 : i32
      %dma_wait3A_178 = arith.constant 0 : i32
      %dma_wait3A_179 = tpu.memref_slice %arg5[%dma_wait3A_177, %dma_wait3A_178] : memref<8000x128xf32, #tpu.memory_space<hbm>> -> memref<8000x128xf32, #tpu.memory_space<hbm>>
      tpu.wait_indirect_dma semaphore(%arg15 : memref<!tpu.dma_semaphore, #tpu.memory_space<semaphore_mem>>) src(%dma_wait3A_179 : memref<8000x128xf32, #tpu.memory_space<hbm>>) dst(%dma_wait3A_174 : memref<80x128xf32, #tpu.memory_space<vmem>>)
      %dma_wait3A_180 = arith.constant 80 : i32
      %dma_wait3A_181 = arith.constant 0 : i32
      %dma_wait3A_182 = tpu.memref_slice %arg12[%dma_wait3A_180, %dma_wait3A_181] : memref<160x128xf32, #tpu.memory_space<vmem>> -> memref<80x128xf32, #tpu.memory_space<vmem>>
      %dma_wait3A_183 = arith.constant 0 : i32
      %dma_wait3A_184 = tpu.memref_slice %arg10[%dma_wait3A_183] : memref<8000xi32, #tpu.memory_space<vmem>> -> memref<80xi32, #tpu.memory_space<vmem>>
      %dma_wait3A_185 = arith.constant 0 : i32
      %dma_wait3A_186 = arith.constant 0 : i32
      %dma_wait3A_187 = tpu.memref_slice %arg5[%dma_wait3A_185, %dma_wait3A_186] : memref<8000x128xf32, #tpu.memory_space<hbm>> -> memref<8000x128xf32, #tpu.memory_space<hbm>>
      tpu.wait_indirect_dma semaphore(%arg15 : memref<!tpu.dma_semaphore, #tpu.memory_space<semaphore_mem>>) src(%dma_wait3A_187 : memref<8000x128xf32, #tpu.memory_space<hbm>>) dst(%dma_wait3A_182 : memref<80x128xf32, #tpu.memory_space<vmem>>)
      %mul3A_188 = arith.constant 2 : i32
      %mul3A_189 = arith.muli %add3A_171, %mul3A_188 : i32
      %add3A_190 = arith.constant 0 : i32
      %add3A_191 = arith.addi %mul3A_189, %add3A_190 : i32
      %mul3A_192 = arith.constant 80 : i32
      %mul3A_193 = arith.muli %add3A_191, %mul3A_192 : i32
      %multiple_of3A_194 = tpu.assume_multiple %mul3A_193, 8 : i32
      %dma_start3A_195 = arith.constant 0 : i32
      %dma_start3A_196 = arith.constant 0 : i32
      %dma_start3A_197 = tpu.memref_slice %arg13[%dma_start3A_195, %dma_start3A_196] : memref<160x128xf32, #tpu.memory_space<vmem>> -> memref<80x128xf32, #tpu.memory_space<vmem>>
      %dma_start3A_198 = tpu.memref_slice %arg10[%multiple_of3A_194] : memref<8000xi32, #tpu.memory_space<vmem>> -> memref<80xi32, #tpu.memory_space<vmem>>
      %dma_start3A_199 = arith.constant 0 : i32
      %dma_start3A_200 = arith.constant 0 : i32
      %dma_start3A_201 = tpu.memref_slice %arg5[%dma_start3A_199, %dma_start3A_200] : memref<8000x128xf32, #tpu.memory_space<hbm>> -> memref<8000x128xf32, #tpu.memory_space<hbm>>
      tpu.enqueue_indirect_dma source(%dma_start3A_201 : memref<8000x128xf32, #tpu.memory_space<hbm>>) target(%dma_start3A_197 : memref<80x128xf32, #tpu.memory_space<vmem>>) offsets(%dma_start3A_198 : memref<80xi32, #tpu.memory_space<vmem>>) semaphore(%arg16 : memref<!tpu.dma_semaphore, #tpu.memory_space<semaphore_mem>>)
      %mul3A_202 = arith.constant 2 : i32
      %mul3A_203 = arith.muli %add3A_171, %mul3A_202 : i32
      %add3A_204 = arith.constant 1 : i32
      %add3A_205 = arith.addi %mul3A_203, %add3A_204 : i32
      %mul3A_206 = arith.constant 80 : i32
      %mul3A_207 = arith.muli %add3A_205, %mul3A_206 : i32
      %multiple_of3A_208 = tpu.assume_multiple %mul3A_207, 8 : i32
      %dma_start3A_209 = arith.constant 80 : i32
      %dma_start3A_210 = arith.constant 0 : i32
      %dma_start3A_211 = tpu.memref_slice %arg13[%dma_start3A_209, %dma_start3A_210] : memref<160x128xf32, #tpu.memory_space<vmem>> -> memref<80x128xf32, #tpu.memory_space<vmem>>
      %dma_start3A_212 = tpu.memref_slice %arg10[%multiple_of3A_208] : memref<8000xi32, #tpu.memory_space<vmem>> -> memref<80xi32, #tpu.memory_space<vmem>>
      %dma_start3A_213 = arith.constant 0 : i32
      %dma_start3A_214 = arith.constant 0 : i32
      %dma_start3A_215 = tpu.memref_slice %arg5[%dma_start3A_213, %dma_start3A_214] : memref<8000x128xf32, #tpu.memory_space<hbm>> -> memref<8000x128xf32, #tpu.memory_space<hbm>>
      tpu.enqueue_indirect_dma source(%dma_start3A_215 : memref<8000x128xf32, #tpu.memory_space<hbm>>) target(%dma_start3A_211 : memref<80x128xf32, #tpu.memory_space<vmem>>) offsets(%dma_start3A_212 : memref<80xi32, #tpu.memory_space<vmem>>) semaphore(%arg16 : memref<!tpu.dma_semaphore, #tpu.memory_space<semaphore_mem>>)
      %mul3A_216 = arith.constant 2 : i32
      %mul3A_217 = arith.muli %mul3A_169, %mul3A_216 : i32
      %add3A_218 = arith.constant 0 : i32
      %add3A_219 = arith.addi %mul3A_217, %add3A_218 : i32
      %dma_start3A_220 = arith.constant 0 : i32
      %dma_start3A_221 = arith.constant 0 : i32
      %dma_start3A_222 = tpu.memref_slice %arg12[%dma_start3A_220, %dma_start3A_221] : memref<160x128xf32, #tpu.memory_space<vmem>> -> memref<80x128xf32, #tpu.memory_space<vmem>>
      %dma_start3A_223 = arith.constant 0 : i32
      %dma_start3A_224 = tpu.memref_slice %arg11[%add3A_219, %dma_start3A_223] : memref<100x80xi32, #tpu.memory_space<vmem>> -> memref<1x80xi32, #tpu.memory_space<vmem>>
      %dma_start3A_225 = tpu.memref_squeeze %dma_start3A_224 : memref<1x80xi32, #tpu.memory_space<vmem>> -> memref<80xi32, #tpu.memory_space<vmem>>
      %dma_start3A_226 = arith.constant 0 : i32
      %dma_start3A_227 = arith.constant 0 : i32
      %dma_start3A_228 = tpu.memref_slice %arg14[%dma_start3A_226, %dma_start3A_227] : memref<8064x128xf32, #tpu.memory_space<vmem_shared>> -> memref<8064x128xf32, #tpu.memory_space<vmem_shared>>
      tpu.enqueue_indirect_dma source(%dma_start3A_222 : memref<80x128xf32, #tpu.memory_space<vmem>>) target(%dma_start3A_228 : memref<8064x128xf32, #tpu.memory_space<vmem_shared>>) offsets(%dma_start3A_225 : memref<80xi32, #tpu.memory_space<vmem>>) semaphore(%arg17 : memref<!tpu.dma_semaphore, #tpu.memory_space<semaphore_mem>>) {add = true}
      %mul3A_229 = arith.constant 2 : i32
      %mul3A_230 = arith.muli %mul3A_169, %mul3A_229 : i32
      %add3A_231 = arith.constant 1 : i32
      %add3A_232 = arith.addi %mul3A_230, %add3A_231 : i32
      %dma_start3A_233 = arith.constant 80 : i32
      %dma_start3A_234 = arith.constant 0 : i32
      %dma_start3A_235 = tpu.memref_slice %arg12[%dma_start3A_233, %dma_start3A_234] : memref<160x128xf32, #tpu.memory_space<vmem>> -> memref<80x128xf32, #tpu.memory_space<vmem>>
      %dma_start3A_236 = arith.constant 0 : i32
      %dma_start3A_237 = tpu.memref_slice %arg11[%add3A_232, %dma_start3A_236] : memref<100x80xi32, #tpu.memory_space<vmem>> -> memref<1x80xi32, #tpu.memory_space<vmem>>
      %dma_start3A_238 = tpu.memref_squeeze %dma_start3A_237 : memref<1x80xi32, #tpu.memory_space<vmem>> -> memref<80xi32, #tpu.memory_space<vmem>>
      %dma_start3A_239 = arith.constant 0 : i32
      %dma_start3A_240 = arith.constant 0 : i32
      %dma_start3A_241 = tpu.memref_slice %arg14[%dma_start3A_239, %dma_start3A_240] : memref<8064x128xf32, #tpu.memory_space<vmem_shared>> -> memref<8064x128xf32, #tpu.memory_space<vmem_shared>>
      tpu.enqueue_indirect_dma source(%dma_start3A_235 : memref<80x128xf32, #tpu.memory_space<vmem>>) target(%dma_start3A_241 : memref<8064x128xf32, #tpu.memory_space<vmem_shared>>) offsets(%dma_start3A_238 : memref<80xi32, #tpu.memory_space<vmem>>) semaphore(%arg17 : memref<!tpu.dma_semaphore, #tpu.memory_space<semaphore_mem>>) {add = true}
      %dma_wait3A_242 = arith.constant 0 : i32
      %dma_wait3A_243 = arith.constant 0 : i32
      %dma_wait3A_244 = arith.constant 0 : i32
      %dma_wait3A_245 = tpu.memref_slice %arg12[%dma_wait3A_243, %dma_wait3A_244] : memref<160x128xf32, #tpu.memory_space<vmem>> -> memref<80x128xf32, #tpu.memory_space<vmem>>
      %dma_wait3A_246 = arith.constant 0 : i32
      %dma_wait3A_247 = tpu.memref_slice %arg11[%dma_wait3A_242, %dma_wait3A_246] : memref<100x80xi32, #tpu.memory_space<vmem>> -> memref<1x80xi32, #tpu.memory_space<vmem>>
      %dma_wait3A_248 = tpu.memref_squeeze %dma_wait3A_247 : memref<1x80xi32, #tpu.memory_space<vmem>> -> memref<80xi32, #tpu.memory_space<vmem>>
      %dma_wait3A_249 = arith.constant 0 : i32
      %dma_wait3A_250 = arith.constant 0 : i32
      %dma_wait3A_251 = tpu.memref_slice %arg14[%dma_wait3A_249, %dma_wait3A_250] : memref<8064x128xf32, #tpu.memory_space<vmem_shared>> -> memref<8064x128xf32, #tpu.memory_space<vmem_shared>>
      tpu.wait_indirect_dma semaphore(%arg17 : memref<!tpu.dma_semaphore, #tpu.memory_space<semaphore_mem>>) src(%dma_wait3A_245 : memref<80x128xf32, #tpu.memory_space<vmem>>) dst(%dma_wait3A_251 : memref<8064x128xf32, #tpu.memory_space<vmem_shared>>)
      %dma_wait3A_252 = arith.constant 0 : i32
      %dma_wait3A_253 = arith.constant 80 : i32
      %dma_wait3A_254 = arith.constant 0 : i32
      %dma_wait3A_255 = tpu.memref_slice %arg12[%dma_wait3A_253, %dma_wait3A_254] : memref<160x128xf32, #tpu.memory_space<vmem>> -> memref<80x128xf32, #tpu.memory_space<vmem>>
      %dma_wait3A_256 = arith.constant 0 : i32
      %dma_wait3A_257 = tpu.memref_slice %arg11[%dma_wait3A_252, %dma_wait3A_256] : memref<100x80xi32, #tpu.memory_space<vmem>> -> memref<1x80xi32, #tpu.memory_space<vmem>>
      %dma_wait3A_258 = tpu.memref_squeeze %dma_wait3A_257 : memref<1x80xi32, #tpu.memory_space<vmem>> -> memref<80xi32, #tpu.memory_space<vmem>>
      %dma_wait3A_259 = arith.constant 0 : i32
      %dma_wait3A_260 = arith.constant 0 : i32
      %dma_wait3A_261 = tpu.memref_slice %arg14[%dma_wait3A_259, %dma_wait3A_260] : memref<8064x128xf32, #tpu.memory_space<vmem_shared>> -> memref<8064x128xf32, #tpu.memory_space<vmem_shared>>
      tpu.wait_indirect_dma semaphore(%arg17 : memref<!tpu.dma_semaphore, #tpu.memory_space<semaphore_mem>>) src(%dma_wait3A_255 : memref<80x128xf32, #tpu.memory_space<vmem>>) dst(%dma_wait3A_261 : memref<8064x128xf32, #tpu.memory_space<vmem_shared>>)
      %add3A_262 = arith.constant 2 : i32
      %add3A_263 = arith.addi %mul3A_169, %add3A_262 : i32
      %min3A = arith.constant 49 : i32
      %min3A_264 = arith.minsi %add3A_263, %min3A : i32
      %mul3A_265 = arith.constant 2 : i32
      %mul3A_266 = arith.muli %min3A_264, %mul3A_265 : i32
      %add3A_267 = arith.constant 0 : i32
      %add3A_268 = arith.addi %mul3A_266, %add3A_267 : i32
      %mul3A_269 = arith.constant 80 : i32
      %mul3A_270 = arith.muli %add3A_268, %mul3A_269 : i32
      %multiple_of3A_271 = tpu.assume_multiple %mul3A_270, 8 : i32
      %dma_start3A_272 = arith.constant 0 : i32
      %dma_start3A_273 = arith.constant 0 : i32
      %dma_start3A_274 = tpu.memref_slice %arg12[%dma_start3A_272, %dma_start3A_273] : memref<160x128xf32, #tpu.memory_space<vmem>> -> memref<80x128xf32, #tpu.memory_space<vmem>>
      %dma_start3A_275 = tpu.memref_slice %arg10[%multiple_of3A_271] : memref<8000xi32, #tpu.memory_space<vmem>> -> memref<80xi32, #tpu.memory_space<vmem>>
      %dma_start3A_276 = arith.constant 0 : i32
      %dma_start3A_277 = arith.constant 0 : i32
      %dma_start3A_278 = tpu.memref_slice %arg5[%dma_start3A_276, %dma_start3A_277] : memref<8000x128xf32, #tpu.memory_space<hbm>> -> memref<8000x128xf32, #tpu.memory_space<hbm>>
      tpu.enqueue_indirect_dma source(%dma_start3A_278 : memref<8000x128xf32, #tpu.memory_space<hbm>>) target(%dma_start3A_274 : memref<80x128xf32, #tpu.memory_space<vmem>>) offsets(%dma_start3A_275 : memref<80xi32, #tpu.memory_space<vmem>>) semaphore(%arg15 : memref<!tpu.dma_semaphore, #tpu.memory_space<semaphore_mem>>)
      %mul3A_279 = arith.constant 2 : i32
      %mul3A_280 = arith.muli %min3A_264, %mul3A_279 : i32
      %add3A_281 = arith.constant 1 : i32
      %add3A_282 = arith.addi %mul3A_280, %add3A_281 : i32
      %mul3A_283 = arith.constant 80 : i32
      %mul3A_284 = arith.muli %add3A_282, %mul3A_283 : i32
      %multiple_of3A_285 = tpu.assume_multiple %mul3A_284, 8 : i32
      %dma_start3A_286 = arith.constant 80 : i32
      %dma_start3A_287 = arith.constant 0 : i32
      %dma_start3A_288 = tpu.memref_slice %arg12[%dma_start3A_286, %dma_start3A_287] : memref<160x128xf32, #tpu.memory_space<vmem>> -> memref<80x128xf32, #tpu.memory_space<vmem>>
      %dma_start3A_289 = tpu.memref_slice %arg10[%multiple_of3A_285] : memref<8000xi32, #tpu.memory_space<vmem>> -> memref<80xi32, #tpu.memory_space<vmem>>
      %dma_start3A_290 = arith.constant 0 : i32
      %dma_start3A_291 = arith.constant 0 : i32
      %dma_start3A_292 = tpu.memref_slice %arg5[%dma_start3A_290, %dma_start3A_291] : memref<8000x128xf32, #tpu.memory_space<hbm>> -> memref<8000x128xf32, #tpu.memory_space<hbm>>
      tpu.enqueue_indirect_dma source(%dma_start3A_292 : memref<8000x128xf32, #tpu.memory_space<hbm>>) target(%dma_start3A_288 : memref<80x128xf32, #tpu.memory_space<vmem>>) offsets(%dma_start3A_289 : memref<80xi32, #tpu.memory_space<vmem>>) semaphore(%arg15 : memref<!tpu.dma_semaphore, #tpu.memory_space<semaphore_mem>>)
      %dma_wait3A_293 = arith.constant 0 : i32
      %dma_wait3A_294 = arith.constant 0 : i32
      %dma_wait3A_295 = tpu.memref_slice %arg13[%dma_wait3A_293, %dma_wait3A_294] : memref<160x128xf32, #tpu.memory_space<vmem>> -> memref<80x128xf32, #tpu.memory_space<vmem>>
      %dma_wait3A_296 = arith.constant 0 : i32
      %dma_wait3A_297 = tpu.memref_slice %arg10[%dma_wait3A_296] : memref<8000xi32, #tpu.memory_space<vmem>> -> memref<80xi32, #tpu.memory_space<vmem>>
      %dma_wait3A_298 = arith.constant 0 : i32
      %dma_wait3A_299 = arith.constant 0 : i32
      %dma_wait3A_300 = tpu.memref_slice %arg5[%dma_wait3A_298, %dma_wait3A_299] : memref<8000x128xf32, #tpu.memory_space<hbm>> -> memref<8000x128xf32, #tpu.memory_space<hbm>>
      tpu.wait_indirect_dma semaphore(%arg16 : memref<!tpu.dma_semaphore, #tpu.memory_space<semaphore_mem>>) src(%dma_wait3A_300 : memref<8000x128xf32, #tpu.memory_space<hbm>>) dst(%dma_wait3A_295 : memref<80x128xf32, #tpu.memory_space<vmem>>)
      %dma_wait3A_301 = arith.constant 80 : i32
      %dma_wait3A_302 = arith.constant 0 : i32
      %dma_wait3A_303 = tpu.memref_slice %arg13[%dma_wait3A_301, %dma_wait3A_302] : memref<160x128xf32, #tpu.memory_space<vmem>> -> memref<80x128xf32, #tpu.memory_space<vmem>>
      %dma_wait3A_304 = arith.constant 0 : i32
      %dma_wait3A_305 = tpu.memref_slice %arg10[%dma_wait3A_304] : memref<8000xi32, #tpu.memory_space<vmem>> -> memref<80xi32, #tpu.memory_space<vmem>>
      %dma_wait3A_306 = arith.constant 0 : i32
      %dma_wait3A_307 = arith.constant 0 : i32
      %dma_wait3A_308 = tpu.memref_slice %arg5[%dma_wait3A_306, %dma_wait3A_307] : memref<8000x128xf32, #tpu.memory_space<hbm>> -> memref<8000x128xf32, #tpu.memory_space<hbm>>
      tpu.wait_indirect_dma semaphore(%arg16 : memref<!tpu.dma_semaphore, #tpu.memory_space<semaphore_mem>>) src(%dma_wait3A_308 : memref<8000x128xf32, #tpu.memory_space<hbm>>) dst(%dma_wait3A_303 : memref<80x128xf32, #tpu.memory_space<vmem>>)
      %mul3A_309 = arith.constant 2 : i32
      %mul3A_310 = arith.muli %add3A_171, %mul3A_309 : i32
      %add3A_311 = arith.constant 0 : i32
      %add3A_312 = arith.addi %mul3A_310, %add3A_311 : i32
      %dma_start3A_313 = arith.constant 0 : i32
      %dma_start3A_314 = arith.constant 0 : i32
      %dma_start3A_315 = tpu.memref_slice %arg13[%dma_start3A_313, %dma_start3A_314] : memref<160x128xf32, #tpu.memory_space<vmem>> -> memref<80x128xf32, #tpu.memory_space<vmem>>
      %dma_start3A_316 = arith.constant 0 : i32
      %dma_start3A_317 = tpu.memref_slice %arg11[%add3A_312, %dma_start3A_316] : memref<100x80xi32, #tpu.memory_space<vmem>> -> memref<1x80xi32, #tpu.memory_space<vmem>>
      %dma_start3A_318 = tpu.memref_squeeze %dma_start3A_317 : memref<1x80xi32, #tpu.memory_space<vmem>> -> memref<80xi32, #tpu.memory_space<vmem>>
      %dma_start3A_319 = arith.constant 0 : i32
      %dma_start3A_320 = arith.constant 0 : i32
      %dma_start3A_321 = tpu.memref_slice %arg14[%dma_start3A_319, %dma_start3A_320] : memref<8064x128xf32, #tpu.memory_space<vmem_shared>> -> memref<8064x128xf32, #tpu.memory_space<vmem_shared>>
      tpu.enqueue_indirect_dma source(%dma_start3A_315 : memref<80x128xf32, #tpu.memory_space<vmem>>) target(%dma_start3A_321 : memref<8064x128xf32, #tpu.memory_space<vmem_shared>>) offsets(%dma_start3A_318 : memref<80xi32, #tpu.memory_space<vmem>>) semaphore(%arg18 : memref<!tpu.dma_semaphore, #tpu.memory_space<semaphore_mem>>) {add = true}
      %mul3A_322 = arith.constant 2 : i32
      %mul3A_323 = arith.muli %add3A_171, %mul3A_322 : i32
      %add3A_324 = arith.constant 1 : i32
      %add3A_325 = arith.addi %mul3A_323, %add3A_324 : i32
      %dma_start3A_326 = arith.constant 80 : i32
      %dma_start3A_327 = arith.constant 0 : i32
      %dma_start3A_328 = tpu.memref_slice %arg13[%dma_start3A_326, %dma_start3A_327] : memref<160x128xf32, #tpu.memory_space<vmem>> -> memref<80x128xf32, #tpu.memory_space<vmem>>
      %dma_start3A_329 = arith.constant 0 : i32
      %dma_start3A_330 = tpu.memref_slice %arg11[%add3A_325, %dma_start3A_329] : memref<100x80xi32, #tpu.memory_space<vmem>> -> memref<1x80xi32, #tpu.memory_space<vmem>>
      %dma_start3A_331 = tpu.memref_squeeze %dma_start3A_330 : memref<1x80xi32, #tpu.memory_space<vmem>> -> memref<80xi32, #tpu.memory_space<vmem>>
      %dma_start3A_332 = arith.constant 0 : i32
      %dma_start3A_333 = arith.constant 0 : i32
      %dma_start3A_334 = tpu.memref_slice %arg14[%dma_start3A_332, %dma_start3A_333] : memref<8064x128xf32, #tpu.memory_space<vmem_shared>> -> memref<8064x128xf32, #tpu.memory_space<vmem_shared>>
      tpu.enqueue_indirect_dma source(%dma_start3A_328 : memref<80x128xf32, #tpu.memory_space<vmem>>) target(%dma_start3A_334 : memref<8064x128xf32, #tpu.memory_space<vmem_shared>>) offsets(%dma_start3A_331 : memref<80xi32, #tpu.memory_space<vmem>>) semaphore(%arg18 : memref<!tpu.dma_semaphore, #tpu.memory_space<semaphore_mem>>) {add = true}
      %dma_wait3A_335 = arith.constant 0 : i32
      %dma_wait3A_336 = arith.constant 0 : i32
      %dma_wait3A_337 = arith.constant 0 : i32
      %dma_wait3A_338 = tpu.memref_slice %arg13[%dma_wait3A_336, %dma_wait3A_337] : memref<160x128xf32, #tpu.memory_space<vmem>> -> memref<80x128xf32, #tpu.memory_space<vmem>>
      %dma_wait3A_339 = arith.constant 0 : i32
      %dma_wait3A_340 = tpu.memref_slice %arg11[%dma_wait3A_335, %dma_wait3A_339] : memref<100x80xi32, #tpu.memory_space<vmem>> -> memref<1x80xi32, #tpu.memory_space<vmem>>
      %dma_wait3A_341 = tpu.memref_squeeze %dma_wait3A_340 : memref<1x80xi32, #tpu.memory_space<vmem>> -> memref<80xi32, #tpu.memory_space<vmem>>
      %dma_wait3A_342 = arith.constant 0 : i32
      %dma_wait3A_343 = arith.constant 0 : i32
      %dma_wait3A_344 = tpu.memref_slice %arg14[%dma_wait3A_342, %dma_wait3A_343] : memref<8064x128xf32, #tpu.memory_space<vmem_shared>> -> memref<8064x128xf32, #tpu.memory_space<vmem_shared>>
      tpu.wait_indirect_dma semaphore(%arg18 : memref<!tpu.dma_semaphore, #tpu.memory_space<semaphore_mem>>) src(%dma_wait3A_338 : memref<80x128xf32, #tpu.memory_space<vmem>>) dst(%dma_wait3A_344 : memref<8064x128xf32, #tpu.memory_space<vmem_shared>>)
      %dma_wait3A_345 = arith.constant 0 : i32
      %dma_wait3A_346 = arith.constant 80 : i32
      %dma_wait3A_347 = arith.constant 0 : i32
      %dma_wait3A_348 = tpu.memref_slice %arg13[%dma_wait3A_346, %dma_wait3A_347] : memref<160x128xf32, #tpu.memory_space<vmem>> -> memref<80x128xf32, #tpu.memory_space<vmem>>
      %dma_wait3A_349 = arith.constant 0 : i32
      %dma_wait3A_350 = tpu.memref_slice %arg11[%dma_wait3A_345, %dma_wait3A_349] : memref<100x80xi32, #tpu.memory_space<vmem>> -> memref<1x80xi32, #tpu.memory_space<vmem>>
      %dma_wait3A_351 = tpu.memref_squeeze %dma_wait3A_350 : memref<1x80xi32, #tpu.memory_space<vmem>> -> memref<80xi32, #tpu.memory_space<vmem>>
      %dma_wait3A_352 = arith.constant 0 : i32
      %dma_wait3A_353 = arith.constant 0 : i32
      %dma_wait3A_354 = tpu.memref_slice %arg14[%dma_wait3A_352, %dma_wait3A_353] : memref<8064x128xf32, #tpu.memory_space<vmem_shared>> -> memref<8064x128xf32, #tpu.memory_space<vmem_shared>>
      tpu.wait_indirect_dma semaphore(%arg18 : memref<!tpu.dma_semaphore, #tpu.memory_space<semaphore_mem>>) src(%dma_wait3A_348 : memref<80x128xf32, #tpu.memory_space<vmem>>) dst(%dma_wait3A_354 : memref<8064x128xf32, #tpu.memory_space<vmem_shared>>)
    }
    %scan3A_145 = arith.constant 25 : i32
    %dma_wait3A_146 = arith.constant 0 : i32
    %dma_wait3A_147 = arith.constant 0 : i32
    %dma_wait3A_148 = tpu.memref_slice %arg12[%dma_wait3A_146, %dma_wait3A_147] : memref<160x128xf32, #tpu.memory_space<vmem>> -> memref<80x128xf32, #tpu.memory_space<vmem>>
    %dma_wait3A_149 = arith.constant 0 : i32
    %dma_wait3A_150 = tpu.memref_slice %arg10[%dma_wait3A_149] : memref<8000xi32, #tpu.memory_space<vmem>> -> memref<80xi32, #tpu.memory_space<vmem>>
    %dma_wait3A_151 = arith.constant 0 : i32
    %dma_wait3A_152 = arith.constant 0 : i32
    %dma_wait3A_153 = tpu.memref_slice %arg5[%dma_wait3A_151, %dma_wait3A_152] : memref<8000x128xf32, #tpu.memory_space<hbm>> -> memref<8000x128xf32, #tpu.memory_space<hbm>>
    tpu.wait_indirect_dma semaphore(%arg15 : memref<!tpu.dma_semaphore, #tpu.memory_space<semaphore_mem>>) src(%dma_wait3A_153 : memref<8000x128xf32, #tpu.memory_space<hbm>>) dst(%dma_wait3A_148 : memref<80x128xf32, #tpu.memory_space<vmem>>)
    %dma_wait3A_154 = arith.constant 80 : i32
    %dma_wait3A_155 = arith.constant 0 : i32
    %dma_wait3A_156 = tpu.memref_slice %arg12[%dma_wait3A_154, %dma_wait3A_155] : memref<160x128xf32, #tpu.memory_space<vmem>> -> memref<80x128xf32, #tpu.memory_space<vmem>>
    %dma_wait3A_157 = arith.constant 0 : i32
    %dma_wait3A_158 = tpu.memref_slice %arg10[%dma_wait3A_157] : memref<8000xi32, #tpu.memory_space<vmem>> -> memref<80xi32, #tpu.memory_space<vmem>>
    %dma_wait3A_159 = arith.constant 0 : i32
    %dma_wait3A_160 = arith.constant 0 : i32
    %dma_wait3A_161 = tpu.memref_slice %arg5[%dma_wait3A_159, %dma_wait3A_160] : memref<8000x128xf32, #tpu.memory_space<hbm>> -> memref<8000x128xf32, #tpu.memory_space<hbm>>
    tpu.wait_indirect_dma semaphore(%arg15 : memref<!tpu.dma_semaphore, #tpu.memory_space<semaphore_mem>>) src(%dma_wait3A_161 : memref<8000x128xf32, #tpu.memory_space<hbm>>) dst(%dma_wait3A_156 : memref<80x128xf32, #tpu.memory_space<vmem>>)
    %barrier3A_162 = arith.constant 0 : index
    tpu.barrier barrier_id(%barrier3A_162)
    %run_scoped3A_163 = arith.constant 3 : i32
    "tpu.region"() ({
      %run_scoped3A_164 = tpu.sem_alloc : memref<!tpu.dma_semaphore, #tpu.memory_space<semaphore_mem>>
      %dma_start3A_165 = arith.constant 0 : i32
      %dma_start3A_166 = tpu.memref_slice %arg9[%arg0, %run_scoped3A_163, %multiple_of3A, %dma_start3A_165] : memref<2x4x8064x128xf32, #tpu.memory_space<hbm>> -> memref<1x1x504x128xf32, #tpu.memory_space<hbm>>
      %dma_start3A_167 = tpu.memref_squeeze %dma_start3A_166 : memref<1x1x504x128xf32, #tpu.memory_space<hbm>> -> memref<504x128xf32, #tpu.memory_space<hbm>>
      %dma_start3A_168 = arith.constant 0 : i32
      %dma_start3A_169 = tpu.memref_slice %arg14[%multiple_of3A, %dma_start3A_168] : memref<8064x128xf32, #tpu.memory_space<vmem_shared>> -> memref<504x128xf32, #tpu.memory_space<vmem_shared>>
      tpu.enqueue_dma source(%dma_start3A_169 : memref<504x128xf32, #tpu.memory_space<vmem_shared>>) target(%dma_start3A_167 : memref<504x128xf32, #tpu.memory_space<hbm>>) target_semaphore(%run_scoped3A_164 : memref<!tpu.dma_semaphore, #tpu.memory_space<semaphore_mem>>)
      %dma_wait3A_170 = arith.constant 0 : i32
      %dma_wait3A_171 = tpu.memref_slice %arg9[%arg0, %run_scoped3A_163, %multiple_of3A, %dma_wait3A_170] : memref<2x4x8064x128xf32, #tpu.memory_space<hbm>> -> memref<1x1x504x128xf32, #tpu.memory_space<hbm>>
      %dma_wait3A_172 = tpu.memref_squeeze %dma_wait3A_171 : memref<1x1x504x128xf32, #tpu.memory_space<hbm>> -> memref<504x128xf32, #tpu.memory_space<hbm>>
      %dma_wait3A_173 = arith.constant 0 : i32
      %dma_wait3A_174 = tpu.memref_slice %arg14[%multiple_of3A, %dma_wait3A_173] : memref<8064x128xf32, #tpu.memory_space<vmem_shared>> -> memref<504x128xf32, #tpu.memory_space<vmem_shared>>
      tpu.wait_dma2 semaphore(%run_scoped3A_164 : memref<!tpu.dma_semaphore, #tpu.memory_space<semaphore_mem>>) src(%dma_wait3A_174 : memref<504x128xf32, #tpu.memory_space<vmem_shared>>) dst(%dma_wait3A_172 : memref<504x128xf32, #tpu.memory_space<hbm>>)
      tpu.yield
    }) : () -> ()
    return
  }
}

module attributes {stable_mosaic.version = 14 : i64} {
  func.func @_l1_dense_body(%arg0: i32, %arg1: memref<2x1000x128xf32, #tpu.memory_space<vmem>>, %arg2: memref<2x1000x1xf32, #tpu.memory_space<vmem>>, %arg3: memref<1000x128xf32, #tpu.memory_space<vmem>>, %arg4: memref<256x256xbf16, #tpu.memory_space<vmem>>, %arg5: memref<256x256xbf16, #tpu.memory_space<vmem>>, %arg6: memref<1x256xf32, #tpu.memory_space<vmem>>, %arg7: memref<1x256xf32, #tpu.memory_space<vmem>>, %arg8: memref<1000x128xf32, #tpu.memory_space<vmem>>, %arg9: memref<1000x128xf32, #tpu.memory_space<vmem>>, %arg10: memref<1000x128xf32, #tpu.memory_space<vmem>>, %arg11: memref<1000x128xf32, #tpu.memory_space<vmem>>) attributes {dimension_semantics = [#tpu.dimension_semantics<arbitrary>], iteration_bounds = array<i64: 8>, scalar_prefetch = 0 : i64, scratch_operands = 0 : i64, tpu.core_type = #tpu.core_type<tc>, window_params = [{transform_indices = @transform_0, window_bounds = array<i64: 2, 1000, 128>}, {transform_indices = @transform_1, window_bounds = array<i64: 2, 1000, 1>}, {transform_indices = @transform_2, window_bounds = array<i64: 1000, 128>}, {pipeline_mode = #tpu.pipeline_mode<synchronous>, transform_indices = @transform_3, window_bounds = array<i64: 256, 256>}, {pipeline_mode = #tpu.pipeline_mode<synchronous>, transform_indices = @transform_4, window_bounds = array<i64: 256, 256>}, {pipeline_mode = #tpu.pipeline_mode<synchronous>, transform_indices = @transform_5, window_bounds = array<i64: 1, 256>}, {pipeline_mode = #tpu.pipeline_mode<synchronous>, transform_indices = @transform_6, window_bounds = array<i64: 1, 256>}, {transform_indices = @transform_7, window_bounds = array<i64: 1000, 128>}, {transform_indices = @transform_8, window_bounds = array<i64: 1000, 128>}, {transform_indices = @transform_9, window_bounds = array<i64: 1000, 128>}, {transform_indices = @transform_10, window_bounds = array<i64: 1000, 128>}]} {
    %get3A = arith.constant 0 : index
    %get3A_0 = arith.constant 0 : index
    %get3A_1 = arith.constant 0 : index
    %get3A_2 = vector.load %arg1[%get3A, %get3A_0, %get3A_1] : memref<2x1000x128xf32, #tpu.memory_space<vmem>>, vector<1x1000x128xf32>
    %get3A_3 = vector.shape_cast %get3A_2 : vector<1x1000x128xf32> to vector<1000x128xf32>
    %get3A_4 = arith.constant 0 : index
    %get3A_5 = arith.constant 0 : index
    %get3A_6 = arith.constant 0 : index
    %get3A_7 = vector.load %arg2[%get3A_4, %get3A_5, %get3A_6] : memref<2x1000x1xf32, #tpu.memory_space<vmem>>, vector<1x1000x1xf32>
    %get3A_8 = vector.shape_cast %get3A_7 : vector<1x1000x1xf32> to vector<1000x1xf32>
    %jit3A = arith.constant 1.000000e+00 : f32
    %max3A = vector.broadcast %jit3A : f32 to vector<1000x1xf32>
    %max3A_9 = arith.maximumf %max3A, %get3A_8 : vector<1000x1xf32>
    %div3A = vector.broadcast %max3A_9 : vector<1000x1xf32> to vector<1000x128xf32>
    %div3A_10 = arith.divf %get3A_3, %div3A : vector<1000x128xf32>
    %convert_element_type3A = arith.truncf %div3A_10 : vector<1000x128xf32> to vector<1000x128xbf16>
    %get3A_11 = arith.constant 1 : index
    %get3A_12 = arith.constant 0 : index
    %get3A_13 = arith.constant 0 : index
    %get3A_14 = vector.load %arg1[%get3A_11, %get3A_12, %get3A_13] : memref<2x1000x128xf32, #tpu.memory_space<vmem>>, vector<1x1000x128xf32>
    %get3A_15 = vector.shape_cast %get3A_14 : vector<1x1000x128xf32> to vector<1000x128xf32>
    %get3A_16 = arith.constant 1 : index
    %get3A_17 = arith.constant 0 : index
    %get3A_18 = arith.constant 0 : index
    %get3A_19 = vector.load %arg2[%get3A_16, %get3A_17, %get3A_18] : memref<2x1000x1xf32, #tpu.memory_space<vmem>>, vector<1x1000x1xf32>
    %get3A_20 = vector.shape_cast %get3A_19 : vector<1x1000x1xf32> to vector<1000x1xf32>
    %jit3A_21 = arith.constant 1.000000e+00 : f32
    %max3A_22 = vector.broadcast %jit3A_21 : f32 to vector<1000x1xf32>
    %max3A_23 = arith.maximumf %max3A_22, %get3A_20 : vector<1000x1xf32>
    %div3A_24 = vector.broadcast %max3A_23 : vector<1000x1xf32> to vector<1000x128xf32>
    %div3A_25 = arith.divf %get3A_15, %div3A_24 : vector<1000x128xf32>
    %convert_element_type3A_26 = arith.truncf %div3A_25 : vector<1000x128xf32> to vector<1000x128xbf16>
    %get3A_27 = arith.constant 0 : index
    %get3A_28 = arith.constant 0 : index
    %get3A_29 = vector.load %arg3[%get3A_27, %get3A_28] : memref<1000x128xf32, #tpu.memory_space<vmem>>, vector<1000x128xf32>
    %convert_element_type3A_30 = arith.truncf %get3A_29 : vector<1000x128xf32> to vector<1000x128xbf16>
    %get3A_31 = arith.constant 0 : index
    %get3A_32 = arith.constant 0 : index
    %get3A_33 = vector.load %arg4[%get3A_31, %get3A_32] : memref<256x256xbf16, #tpu.memory_space<vmem>>, vector<256x256xbf16>
    %get3A_34 = arith.constant 0 : index
    %get3A_35 = arith.constant 0 : index
    %get3A_36 = vector.load %arg5[%get3A_34, %get3A_35] : memref<256x256xbf16, #tpu.memory_space<vmem>>, vector<256x256xbf16>
    %slice3A = vector.extract_strided_slice %get3A_33 {offsets = [0, 0], sizes = [256, 128], strides = [1, 1]} : vector<256x256xbf16> to vector<256x128xbf16>
    %dot_general3A = arith.constant dense<0.000000e+00> : vector<1000x256xf32>
    %dot_general3A_37 = tpu.matmul %convert_element_type3A, %slice3A, %dot_general3A {dimension_numbers = #tpu.dot_dimension_numbers<[1], [1], [0], [0], [0, 0, 1, 0], [], []>, transpose_lhs_hint = false} : vector<1000x128xbf16>, vector<256x128xbf16>, vector<1000x256xf32> -> vector<1000x256xf32>
    %slice3A_38 = vector.extract_strided_slice %get3A_33 {offsets = [0, 128], sizes = [256, 128], strides = [1, 1]} : vector<256x256xbf16> to vector<256x128xbf16>
    %dot_general3A_39 = arith.constant dense<0.000000e+00> : vector<1000x256xf32>
    %dot_general3A_40 = tpu.matmul %convert_element_type3A_30, %slice3A_38, %dot_general3A_39 {dimension_numbers = #tpu.dot_dimension_numbers<[1], [1], [0], [0], [0, 0, 1, 0], [], []>, transpose_lhs_hint = false} : vector<1000x128xbf16>, vector<256x128xbf16>, vector<1000x256xf32> -> vector<1000x256xf32>
    %add3A = arith.addf %dot_general3A_37, %dot_general3A_40 : vector<1000x256xf32>
    %get3A_41 = arith.constant 0 : index
    %get3A_42 = arith.constant 0 : index
    %get3A_43 = vector.load %arg6[%get3A_41, %get3A_42] : memref<1x256xf32, #tpu.memory_space<vmem>>, vector<1x256xf32>
    %add3A_44 = vector.broadcast %get3A_43 : vector<1x256xf32> to vector<1000x256xf32>
    %add3A_45 = arith.addf %add3A, %add3A_44 : vector<1000x256xf32>
    %slice3A_46 = vector.extract_strided_slice %get3A_36 {offsets = [0, 0], sizes = [256, 128], strides = [1, 1]} : vector<256x256xbf16> to vector<256x128xbf16>
    %dot_general3A_47 = arith.constant dense<0.000000e+00> : vector<1000x256xf32>
    %dot_general3A_48 = tpu.matmul %convert_element_type3A_26, %slice3A_46, %dot_general3A_47 {dimension_numbers = #tpu.dot_dimension_numbers<[1], [1], [0], [0], [0, 0, 1, 0], [], []>, transpose_lhs_hint = false} : vector<1000x128xbf16>, vector<256x128xbf16>, vector<1000x256xf32> -> vector<1000x256xf32>
    %slice3A_49 = vector.extract_strided_slice %get3A_36 {offsets = [0, 128], sizes = [256, 128], strides = [1, 1]} : vector<256x256xbf16> to vector<256x128xbf16>
    %dot_general3A_50 = arith.constant dense<0.000000e+00> : vector<1000x256xf32>
    %dot_general3A_51 = tpu.matmul %convert_element_type3A_30, %slice3A_49, %dot_general3A_50 {dimension_numbers = #tpu.dot_dimension_numbers<[1], [1], [0], [0], [0, 0, 1, 0], [], []>, transpose_lhs_hint = false} : vector<1000x128xbf16>, vector<256x128xbf16>, vector<1000x256xf32> -> vector<1000x256xf32>
    %add3A_52 = arith.addf %dot_general3A_48, %dot_general3A_51 : vector<1000x256xf32>
    %get3A_53 = arith.constant 0 : index
    %get3A_54 = arith.constant 0 : index
    %get3A_55 = vector.load %arg7[%get3A_53, %get3A_54] : memref<1x256xf32, #tpu.memory_space<vmem>>, vector<1x256xf32>
    %add3A_56 = vector.broadcast %get3A_55 : vector<1x256xf32> to vector<1000x256xf32>
    %add3A_57 = arith.addf %add3A_52, %add3A_56 : vector<1000x256xf32>
    %slice3A_58 = vector.extract_strided_slice %add3A_45 {offsets = [0, 0], sizes = [1000, 128], strides = [1, 1]} : vector<1000x256xf32> to vector<1000x128xf32>
    %swap3A = arith.constant 0 : index
    %swap3A_59 = arith.constant 0 : index
    %swap3A_60 = vector.load %arg8[%swap3A, %swap3A_59] : memref<1000x128xf32, #tpu.memory_space<vmem>>, vector<1000x128xf32>
    tpu.vector_store %arg8[%swap3A, %swap3A_59], %slice3A_58 {strides = array<i32>} : memref<1000x128xf32, #tpu.memory_space<vmem>>, vector<1000x128xf32>,
    %slice3A_61 = vector.extract_strided_slice %add3A_45 {offsets = [0, 128], sizes = [1000, 128], strides = [1, 1]} : vector<1000x256xf32> to vector<1000x128xf32>
    %swap3A_62 = arith.constant 0 : index
    %swap3A_63 = arith.constant 0 : index
    %swap3A_64 = vector.load %arg9[%swap3A_62, %swap3A_63] : memref<1000x128xf32, #tpu.memory_space<vmem>>, vector<1000x128xf32>
    tpu.vector_store %arg9[%swap3A_62, %swap3A_63], %slice3A_61 {strides = array<i32>} : memref<1000x128xf32, #tpu.memory_space<vmem>>, vector<1000x128xf32>,
    %slice3A_65 = vector.extract_strided_slice %add3A_57 {offsets = [0, 0], sizes = [1000, 128], strides = [1, 1]} : vector<1000x256xf32> to vector<1000x128xf32>
    %swap3A_66 = arith.constant 0 : index
    %swap3A_67 = arith.constant 0 : index
    %swap3A_68 = vector.load %arg10[%swap3A_66, %swap3A_67] : memref<1000x128xf32, #tpu.memory_space<vmem>>, vector<1000x128xf32>
    tpu.vector_store %arg10[%swap3A_66, %swap3A_67], %slice3A_65 {strides = array<i32>} : memref<1000x128xf32, #tpu.memory_space<vmem>>, vector<1000x128xf32>,
    %slice3A_69 = vector.extract_strided_slice %add3A_57 {offsets = [0, 128], sizes = [1000, 128], strides = [1, 1]} : vector<1000x256xf32> to vector<1000x128xf32>
    %swap3A_70 = arith.constant 0 : index
    %swap3A_71 = arith.constant 0 : index
    %swap3A_72 = vector.load %arg11[%swap3A_70, %swap3A_71] : memref<1000x128xf32, #tpu.memory_space<vmem>>, vector<1000x128xf32>
    tpu.vector_store %arg11[%swap3A_70, %swap3A_71], %slice3A_69 {strides = array<i32>} : memref<1000x128xf32, #tpu.memory_space<vmem>>, vector<1000x128xf32>,
    return
  }
  func.func @transform_0(%arg0: i32) -> (i32, i32, i32) {
    %c0_i32 = arith.constant 0 : i32
    %c0_i32_0 = arith.constant 0 : i32
    %c0_i32_1 = arith.constant 0 : i32
    return %c0_i32, %arg0, %c0_i32_0 : i32, i32, i32
  }
  func.func @transform_1(%arg0: i32) -> (i32, i32, i32) {
    %c0_i32 = arith.constant 0 : i32
    %c0_i32_0 = arith.constant 0 : i32
    %c0_i32_1 = arith.constant 0 : i32
    return %c0_i32, %arg0, %c0_i32_0 : i32, i32, i32
  }
  func.func @transform_2(%arg0: i32) -> (i32, i32) {
    %c0_i32 = arith.constant 0 : i32
    %c0_i32_0 = arith.constant 0 : i32
    return %arg0, %c0_i32 : i32, i32
  }
  func.func @transform_3(%arg0: i32) -> (i32, i32) {
    %c0_i32 = arith.constant 0 : i32
    %c0_i32_0 = arith.constant 0 : i32
    %c0_i32_1 = arith.constant 0 : i32
    return %c0_i32, %c0_i32_0 : i32, i32
  }
  func.func @transform_4(%arg0: i32) -> (i32, i32) {
    %c0_i32 = arith.constant 0 : i32
    %c0_i32_0 = arith.constant 0 : i32
    %c0_i32_1 = arith.constant 0 : i32
    return %c0_i32, %c0_i32_0 : i32, i32
  }
  func.func @transform_5(%arg0: i32) -> (i32, i32) {
    %c0_i32 = arith.constant 0 : i32
    %c0_i32_0 = arith.constant 0 : i32
    %c0_i32_1 = arith.constant 0 : i32
    return %c0_i32, %c0_i32_0 : i32, i32
  }
  func.func @transform_6(%arg0: i32) -> (i32, i32) {
    %c0_i32 = arith.constant 0 : i32
    %c0_i32_0 = arith.constant 0 : i32
    %c0_i32_1 = arith.constant 0 : i32
    return %c0_i32, %c0_i32_0 : i32, i32
  }
  func.func @transform_7(%arg0: i32) -> (i32, i32) {
    %c0_i32 = arith.constant 0 : i32
    %c0_i32_0 = arith.constant 0 : i32
    return %arg0, %c0_i32 : i32, i32
  }
  func.func @transform_8(%arg0: i32) -> (i32, i32) {
    %c0_i32 = arith.constant 0 : i32
    %c0_i32_0 = arith.constant 0 : i32
    return %arg0, %c0_i32 : i32, i32
  }
  func.func @transform_9(%arg0: i32) -> (i32, i32) {
    %c0_i32 = arith.constant 0 : i32
    %c0_i32_0 = arith.constant 0 : i32
    return %arg0, %c0_i32 : i32, i32
  }
  func.func @transform_10(%arg0: i32) -> (i32, i32) {
    %c0_i32 = arith.constant 0 : i32
    %c0_i32_0 = arith.constant 0 : i32
    return %arg0, %c0_i32 : i32, i32
  }
}

module attributes {stable_mosaic.version = 14 : i64} {
  func.func @_l2_dense_body(%arg0: i32, %arg1: memref<2x4x1000x128xf32, #tpu.memory_space<vmem>>, %arg2: memref<2x1000x1xf32, #tpu.memory_space<vmem>>, %arg3: memref<1000x128xf32, #tpu.memory_space<vmem>>, %arg4: memref<1000x128xf32, #tpu.memory_space<vmem>>, %arg5: memref<1000x128xf32, #tpu.memory_space<vmem>>, %arg6: memref<1000x128xf32, #tpu.memory_space<vmem>>, %arg7: memref<256x768xbf16, #tpu.memory_space<vmem>>, %arg8: memref<256x768xbf16, #tpu.memory_space<vmem>>, %arg9: memref<1x256xf32, #tpu.memory_space<vmem>>, %arg10: memref<1x256xf32, #tpu.memory_space<vmem>>, %arg11: memref<1000x512xbf16, #tpu.memory_space<vmem>>) attributes {dimension_semantics = [#tpu.dimension_semantics<arbitrary>], iteration_bounds = array<i64: 8>, scalar_prefetch = 0 : i64, scratch_operands = 0 : i64, tpu.core_type = #tpu.core_type<tc>, window_params = [{transform_indices = @transform_0, window_bounds = array<i64: 2, 4, 1000, 128>}, {transform_indices = @transform_1, window_bounds = array<i64: 2, 1000, 1>}, {transform_indices = @transform_2, window_bounds = array<i64: 1000, 128>}, {transform_indices = @transform_3, window_bounds = array<i64: 1000, 128>}, {transform_indices = @transform_4, window_bounds = array<i64: 1000, 128>}, {transform_indices = @transform_5, window_bounds = array<i64: 1000, 128>}, {pipeline_mode = #tpu.pipeline_mode<synchronous>, transform_indices = @transform_6, window_bounds = array<i64: 256, 768>}, {pipeline_mode = #tpu.pipeline_mode<synchronous>, transform_indices = @transform_7, window_bounds = array<i64: 256, 768>}, {pipeline_mode = #tpu.pipeline_mode<synchronous>, transform_indices = @transform_8, window_bounds = array<i64: 1, 256>}, {pipeline_mode = #tpu.pipeline_mode<synchronous>, transform_indices = @transform_9, window_bounds = array<i64: 1, 256>}, {transform_indices = @transform_10, window_bounds = array<i64: 1000, 512>}]} {
    %get3A = arith.constant 0 : index
    %get3A_0 = arith.constant 0 : index
    %get3A_1 = arith.constant 0 : index
    %get3A_2 = vector.load %arg2[%get3A, %get3A_0, %get3A_1] : memref<2x1000x1xf32, #tpu.memory_space<vmem>>, vector<1x1000x1xf32>
    %get3A_3 = vector.shape_cast %get3A_2 : vector<1x1000x1xf32> to vector<1000x1xf32>
    %jit3A = arith.constant 1.000000e+00 : f32
    %max3A = vector.broadcast %jit3A : f32 to vector<1000x1xf32>
    %max3A_4 = arith.maximumf %max3A, %get3A_3 : vector<1000x1xf32>
    %div3A = arith.constant 1.000000e+00 : f32
    %div3A_5 = vector.broadcast %div3A : f32 to vector<1000x1xf32>
    %div3A_6 = arith.divf %div3A_5, %max3A_4 : vector<1000x1xf32>
    %get3A_7 = arith.constant 1 : index
    %get3A_8 = arith.constant 0 : index
    %get3A_9 = arith.constant 0 : index
    %get3A_10 = vector.load %arg2[%get3A_7, %get3A_8, %get3A_9] : memref<2x1000x1xf32, #tpu.memory_space<vmem>>, vector<1x1000x1xf32>
    %get3A_11 = vector.shape_cast %get3A_10 : vector<1x1000x1xf32> to vector<1000x1xf32>
    %jit3A_12 = arith.constant 1.000000e+00 : f32
    %max3A_13 = vector.broadcast %jit3A_12 : f32 to vector<1000x1xf32>
    %max3A_14 = arith.maximumf %max3A_13, %get3A_11 : vector<1000x1xf32>
    %div3A_15 = arith.constant 1.000000e+00 : f32
    %div3A_16 = vector.broadcast %div3A_15 : f32 to vector<1000x1xf32>
    %div3A_17 = arith.divf %div3A_16, %max3A_14 : vector<1000x1xf32>
    %get3A_18 = arith.constant 0 : index
    %get3A_19 = arith.constant 0 : index
    %get3A_20 = vector.load %arg7[%get3A_18, %get3A_19] : memref<256x768xbf16, #tpu.memory_space<vmem>>, vector<256x768xbf16>
    %get3A_21 = arith.constant 0 : index
    %get3A_22 = arith.constant 0 : index
    %get3A_23 = vector.load %arg8[%get3A_21, %get3A_22] : memref<256x768xbf16, #tpu.memory_space<vmem>>, vector<256x768xbf16>
    %get3A_24 = arith.constant 0 : index
    %get3A_25 = arith.constant 0 : index
    %get3A_26 = vector.load %arg9[%get3A_24, %get3A_25] : memref<1x256xf32, #tpu.memory_space<vmem>>, vector<1x256xf32>
    %get3A_27 = arith.constant 0 : index
    %get3A_28 = arith.constant 0 : index
    %get3A_29 = vector.load %arg10[%get3A_27, %get3A_28] : memref<1x256xf32, #tpu.memory_space<vmem>>, vector<1x256xf32>
    %get3A_30 = arith.constant 0 : index
    %get3A_31 = arith.constant 0 : index
    %get3A_32 = arith.constant 0 : index
    %get3A_33 = arith.constant 0 : index
    %get3A_34 = vector.load %arg1[%get3A_30, %get3A_31, %get3A_32, %get3A_33] : memref<2x4x1000x128xf32, #tpu.memory_space<vmem>>, vector<1x1x1000x128xf32>
    %get3A_35 = vector.shape_cast %get3A_34 : vector<1x1x1000x128xf32> to vector<1000x128xf32>
    %mul3A = vector.broadcast %div3A_6 : vector<1000x1xf32> to vector<1000x128xf32>
    %mul3A_36 = arith.mulf %get3A_35, %mul3A : vector<1000x128xf32>
    %convert_element_type3A = arith.truncf %mul3A_36 : vector<1000x128xf32> to vector<1000x128xbf16>
    %slice3A = vector.extract_strided_slice %get3A_20 {offsets = [0, 0], sizes = [256, 128], strides = [1, 1]} : vector<256x768xbf16> to vector<256x128xbf16>
    %dot_general3A = arith.constant dense<0.000000e+00> : vector<1000x256xf32>
    %dot_general3A_37 = tpu.matmul %convert_element_type3A, %slice3A, %dot_general3A {dimension_numbers = #tpu.dot_dimension_numbers<[1], [1], [0], [0], [0, 0, 1, 0], [], []>, transpose_lhs_hint = false} : vector<1000x128xbf16>, vector<256x128xbf16>, vector<1000x256xf32> -> vector<1000x256xf32>
    %add3A = vector.broadcast %get3A_26 : vector<1x256xf32> to vector<1000x256xf32>
    %add3A_38 = arith.addf %add3A, %dot_general3A_37 : vector<1000x256xf32>
    %get3A_39 = arith.constant 1 : index
    %get3A_40 = arith.constant 2 : index
    %get3A_41 = arith.constant 0 : index
    %get3A_42 = arith.constant 0 : index
    %get3A_43 = vector.load %arg1[%get3A_39, %get3A_40, %get3A_41, %get3A_42] : memref<2x4x1000x128xf32, #tpu.memory_space<vmem>>, vector<1x1x1000x128xf32>
    %get3A_44 = vector.shape_cast %get3A_43 : vector<1x1x1000x128xf32> to vector<1000x128xf32>
    %mul3A_45 = vector.broadcast %div3A_17 : vector<1000x1xf32> to vector<1000x128xf32>
    %mul3A_46 = arith.mulf %get3A_44, %mul3A_45 : vector<1000x128xf32>
    %convert_element_type3A_47 = arith.truncf %mul3A_46 : vector<1000x128xf32> to vector<1000x128xbf16>
    %slice3A_48 = vector.extract_strided_slice %get3A_20 {offsets = [0, 256], sizes = [256, 128], strides = [1, 1]} : vector<256x768xbf16> to vector<256x128xbf16>
    %dot_general3A_49 = arith.constant dense<0.000000e+00> : vector<1000x256xf32>
    %dot_general3A_50 = tpu.matmul %convert_element_type3A_47, %slice3A_48, %dot_general3A_49 {dimension_numbers = #tpu.dot_dimension_numbers<[1], [1], [0], [0], [0, 0, 1, 0], [], []>, transpose_lhs_hint = false} : vector<1000x128xbf16>, vector<256x128xbf16>, vector<1000x256xf32> -> vector<1000x256xf32>
    %add3A_51 = arith.addf %add3A_38, %dot_general3A_50 : vector<1000x256xf32>
    %get3A_52 = arith.constant 0 : index
    %get3A_53 = arith.constant 2 : index
    %get3A_54 = arith.constant 0 : index
    %get3A_55 = arith.constant 0 : index
    %get3A_56 = vector.load %arg1[%get3A_52, %get3A_53, %get3A_54, %get3A_55] : memref<2x4x1000x128xf32, #tpu.memory_space<vmem>>, vector<1x1x1000x128xf32>
    %get3A_57 = vector.shape_cast %get3A_56 : vector<1x1x1000x128xf32> to vector<1000x128xf32>
    %mul3A_58 = vector.broadcast %div3A_6 : vector<1000x1xf32> to vector<1000x128xf32>
    %mul3A_59 = arith.mulf %get3A_57, %mul3A_58 : vector<1000x128xf32>
    %convert_element_type3A_60 = arith.truncf %mul3A_59 : vector<1000x128xf32> to vector<1000x128xbf16>
    %slice3A_61 = vector.extract_strided_slice %get3A_23 {offsets = [0, 0], sizes = [256, 128], strides = [1, 1]} : vector<256x768xbf16> to vector<256x128xbf16>
    %dot_general3A_62 = arith.constant dense<0.000000e+00> : vector<1000x256xf32>
    %dot_general3A_63 = tpu.matmul %convert_element_type3A_60, %slice3A_61, %dot_general3A_62 {dimension_numbers = #tpu.dot_dimension_numbers<[1], [1], [0], [0], [0, 0, 1, 0], [], []>, transpose_lhs_hint = false} : vector<1000x128xbf16>, vector<256x128xbf16>, vector<1000x256xf32> -> vector<1000x256xf32>
    %add3A_64 = vector.broadcast %get3A_29 : vector<1x256xf32> to vector<1000x256xf32>
    %add3A_65 = arith.addf %add3A_64, %dot_general3A_63 : vector<1000x256xf32>
    %get3A_66 = arith.constant 1 : index
    %get3A_67 = arith.constant 0 : index
    %get3A_68 = arith.constant 0 : index
    %get3A_69 = arith.constant 0 : index
    %get3A_70 = vector.load %arg1[%get3A_66, %get3A_67, %get3A_68, %get3A_69] : memref<2x4x1000x128xf32, #tpu.memory_space<vmem>>, vector<1x1x1000x128xf32>
    %get3A_71 = vector.shape_cast %get3A_70 : vector<1x1x1000x128xf32> to vector<1000x128xf32>
    %mul3A_72 = vector.broadcast %div3A_17 : vector<1000x1xf32> to vector<1000x128xf32>
    %mul3A_73 = arith.mulf %get3A_71, %mul3A_72 : vector<1000x128xf32>
    %convert_element_type3A_74 = arith.truncf %mul3A_73 : vector<1000x128xf32> to vector<1000x128xbf16>
    %slice3A_75 = vector.extract_strided_slice %get3A_23 {offsets = [0, 256], sizes = [256, 128], strides = [1, 1]} : vector<256x768xbf16> to vector<256x128xbf16>
    %dot_general3A_76 = arith.constant dense<0.000000e+00> : vector<1000x256xf32>
    %dot_general3A_77 = tpu.matmul %convert_element_type3A_74, %slice3A_75, %dot_general3A_76 {dimension_numbers = #tpu.dot_dimension_numbers<[1], [1], [0], [0], [0, 0, 1, 0], [], []>, transpose_lhs_hint = false} : vector<1000x128xbf16>, vector<256x128xbf16>, vector<1000x256xf32> -> vector<1000x256xf32>
    %add3A_78 = arith.addf %add3A_65, %dot_general3A_77 : vector<1000x256xf32>
    %get3A_79 = arith.constant 0 : index
    %get3A_80 = arith.constant 1 : index
    %get3A_81 = arith.constant 0 : index
    %get3A_82 = arith.constant 0 : index
    %get3A_83 = vector.load %arg1[%get3A_79, %get3A_80, %get3A_81, %get3A_82] : memref<2x4x1000x128xf32, #tpu.memory_space<vmem>>, vector<1x1x1000x128xf32>
    %get3A_84 = vector.shape_cast %get3A_83 : vector<1x1x1000x128xf32> to vector<1000x128xf32>
    %mul3A_85 = vector.broadcast %div3A_6 : vector<1000x1xf32> to vector<1000x128xf32>
    %mul3A_86 = arith.mulf %get3A_84, %mul3A_85 : vector<1000x128xf32>
    %convert_element_type3A_87 = arith.truncf %mul3A_86 : vector<1000x128xf32> to vector<1000x128xbf16>
    %slice3A_88 = vector.extract_strided_slice %get3A_20 {offsets = [0, 128], sizes = [256, 128], strides = [1, 1]} : vector<256x768xbf16> to vector<256x128xbf16>
    %dot_general3A_89 = arith.constant dense<0.000000e+00> : vector<1000x256xf32>
    %dot_general3A_90 = tpu.matmul %convert_element_type3A_87, %slice3A_88, %dot_general3A_89 {dimension_numbers = #tpu.dot_dimension_numbers<[1], [1], [0], [0], [0, 0, 1, 0], [], []>, transpose_lhs_hint = false} : vector<1000x128xbf16>, vector<256x128xbf16>, vector<1000x256xf32> -> vector<1000x256xf32>
    %add3A_91 = arith.addf %add3A_51, %dot_general3A_90 : vector<1000x256xf32>
    %get3A_92 = arith.constant 1 : index
    %get3A_93 = arith.constant 3 : index
    %get3A_94 = arith.constant 0 : index
    %get3A_95 = arith.constant 0 : index
    %get3A_96 = vector.load %arg1[%get3A_92, %get3A_93, %get3A_94, %get3A_95] : memref<2x4x1000x128xf32, #tpu.memory_space<vmem>>, vector<1x1x1000x128xf32>
    %get3A_97 = vector.shape_cast %get3A_96 : vector<1x1x1000x128xf32> to vector<1000x128xf32>
    %mul3A_98 = vector.broadcast %div3A_17 : vector<1000x1xf32> to vector<1000x128xf32>
    %mul3A_99 = arith.mulf %get3A_97, %mul3A_98 : vector<1000x128xf32>
    %convert_element_type3A_100 = arith.truncf %mul3A_99 : vector<1000x128xf32> to vector<1000x128xbf16>
    %slice3A_101 = vector.extract_strided_slice %get3A_20 {offsets = [0, 384], sizes = [256, 128], strides = [1, 1]} : vector<256x768xbf16> to vector<256x128xbf16>
    %dot_general3A_102 = arith.constant dense<0.000000e+00> : vector<1000x256xf32>
    %dot_general3A_103 = tpu.matmul %convert_element_type3A_100, %slice3A_101, %dot_general3A_102 {dimension_numbers = #tpu.dot_dimension_numbers<[1], [1], [0], [0], [0, 0, 1, 0], [], []>, transpose_lhs_hint = false} : vector<1000x128xbf16>, vector<256x128xbf16>, vector<1000x256xf32> -> vector<1000x256xf32>
    %add3A_104 = arith.addf %add3A_91, %dot_general3A_103 : vector<1000x256xf32>
    %get3A_105 = arith.constant 0 : index
    %get3A_106 = arith.constant 3 : index
    %get3A_107 = arith.constant 0 : index
    %get3A_108 = arith.constant 0 : index
    %get3A_109 = vector.load %arg1[%get3A_105, %get3A_106, %get3A_107, %get3A_108] : memref<2x4x1000x128xf32, #tpu.memory_space<vmem>>, vector<1x1x1000x128xf32>
    %get3A_110 = vector.shape_cast %get3A_109 : vector<1x1x1000x128xf32> to vector<1000x128xf32>
    %mul3A_111 = vector.broadcast %div3A_6 : vector<1000x1xf32> to vector<1000x128xf32>
    %mul3A_112 = arith.mulf %get3A_110, %mul3A_111 : vector<1000x128xf32>
    %convert_element_type3A_113 = arith.truncf %mul3A_112 : vector<1000x128xf32> to vector<1000x128xbf16>
    %slice3A_114 = vector.extract_strided_slice %get3A_23 {offsets = [0, 128], sizes = [256, 128], strides = [1, 1]} : vector<256x768xbf16> to vector<256x128xbf16>
    %dot_general3A_115 = arith.constant dense<0.000000e+00> : vector<1000x256xf32>
    %dot_general3A_116 = tpu.matmul %convert_element_type3A_113, %slice3A_114, %dot_general3A_115 {dimension_numbers = #tpu.dot_dimension_numbers<[1], [1], [0], [0], [0, 0, 1, 0], [], []>, transpose_lhs_hint = false} : vector<1000x128xbf16>, vector<256x128xbf16>, vector<1000x256xf32> -> vector<1000x256xf32>
    %add3A_117 = arith.addf %add3A_78, %dot_general3A_116 : vector<1000x256xf32>
    %get3A_118 = arith.constant 1 : index
    %get3A_119 = arith.constant 1 : index
    %get3A_120 = arith.constant 0 : index
    %get3A_121 = arith.constant 0 : index
    %get3A_122 = vector.load %arg1[%get3A_118, %get3A_119, %get3A_120, %get3A_121] : memref<2x4x1000x128xf32, #tpu.memory_space<vmem>>, vector<1x1x1000x128xf32>
    %get3A_123 = vector.shape_cast %get3A_122 : vector<1x1x1000x128xf32> to vector<1000x128xf32>
    %mul3A_124 = vector.broadcast %div3A_17 : vector<1000x1xf32> to vector<1000x128xf32>
    %mul3A_125 = arith.mulf %get3A_123, %mul3A_124 : vector<1000x128xf32>
    %convert_element_type3A_126 = arith.truncf %mul3A_125 : vector<1000x128xf32> to vector<1000x128xbf16>
    %slice3A_127 = vector.extract_strided_slice %get3A_23 {offsets = [0, 384], sizes = [256, 128], strides = [1, 1]} : vector<256x768xbf16> to vector<256x128xbf16>
    %dot_general3A_128 = arith.constant dense<0.000000e+00> : vector<1000x256xf32>
    %dot_general3A_129 = tpu.matmul %convert_element_type3A_126, %slice3A_127, %dot_general3A_128 {dimension_numbers = #tpu.dot_dimension_numbers<[1], [1], [0], [0], [0, 0, 1, 0], [], []>, transpose_lhs_hint = false} : vector<1000x128xbf16>, vector<256x128xbf16>, vector<1000x256xf32> -> vector<1000x256xf32>
    %add3A_130 = arith.addf %add3A_117, %dot_general3A_129 : vector<1000x256xf32>
    %get3A_131 = arith.constant 0 : index
    %get3A_132 = arith.constant 0 : index
    %get3A_133 = vector.load %arg3[%get3A_131, %get3A_132] : memref<1000x128xf32, #tpu.memory_space<vmem>>, vector<1000x128xf32>
    %convert_element_type3A_134 = arith.truncf %get3A_133 : vector<1000x128xf32> to vector<1000x128xbf16>
    %slice3A_135 = vector.extract_strided_slice %get3A_20 {offsets = [0, 512], sizes = [256, 128], strides = [1, 1]} : vector<256x768xbf16> to vector<256x128xbf16>
    %dot_general3A_136 = arith.constant dense<0.000000e+00> : vector<1000x256xf32>
    %dot_general3A_137 = tpu.matmul %convert_element_type3A_134, %slice3A_135, %dot_general3A_136 {dimension_numbers = #tpu.dot_dimension_numbers<[1], [1], [0], [0], [0, 0, 1, 0], [], []>, transpose_lhs_hint = false} : vector<1000x128xbf16>, vector<256x128xbf16>, vector<1000x256xf32> -> vector<1000x256xf32>
    %add3A_138 = arith.addf %add3A_104, %dot_general3A_137 : vector<1000x256xf32>
    %get3A_139 = arith.constant 0 : index
    %get3A_140 = arith.constant 0 : index
    %get3A_141 = vector.load %arg4[%get3A_139, %get3A_140] : memref<1000x128xf32, #tpu.memory_space<vmem>>, vector<1000x128xf32>
    %convert_element_type3A_142 = arith.truncf %get3A_141 : vector<1000x128xf32> to vector<1000x128xbf16>
    %slice3A_143 = vector.extract_strided_slice %get3A_20 {offsets = [0, 640], sizes = [256, 128], strides = [1, 1]} : vector<256x768xbf16> to vector<256x128xbf16>
    %dot_general3A_144 = arith.constant dense<0.000000e+00> : vector<1000x256xf32>
    %dot_general3A_145 = tpu.matmul %convert_element_type3A_142, %slice3A_143, %dot_general3A_144 {dimension_numbers = #tpu.dot_dimension_numbers<[1], [1], [0], [0], [0, 0, 1, 0], [], []>, transpose_lhs_hint = false} : vector<1000x128xbf16>, vector<256x128xbf16>, vector<1000x256xf32> -> vector<1000x256xf32>
    %add3A_146 = arith.addf %add3A_138, %dot_general3A_145 : vector<1000x256xf32>
    %get3A_147 = arith.constant 0 : index
    %get3A_148 = arith.constant 0 : index
    %get3A_149 = vector.load %arg5[%get3A_147, %get3A_148] : memref<1000x128xf32, #tpu.memory_space<vmem>>, vector<1000x128xf32>
    %convert_element_type3A_150 = arith.truncf %get3A_149 : vector<1000x128xf32> to vector<1000x128xbf16>
    %slice3A_151 = vector.extract_strided_slice %get3A_23 {offsets = [0, 512], sizes = [256, 128], strides = [1, 1]} : vector<256x768xbf16> to vector<256x128xbf16>
    %dot_general3A_152 = arith.constant dense<0.000000e+00> : vector<1000x256xf32>
    %dot_general3A_153 = tpu.matmul %convert_element_type3A_150, %slice3A_151, %dot_general3A_152 {dimension_numbers = #tpu.dot_dimension_numbers<[1], [1], [0], [0], [0, 0, 1, 0], [], []>, transpose_lhs_hint = false} : vector<1000x128xbf16>, vector<256x128xbf16>, vector<1000x256xf32> -> vector<1000x256xf32>
    %add3A_154 = arith.addf %add3A_130, %dot_general3A_153 : vector<1000x256xf32>
    %get3A_155 = arith.constant 0 : index
    %get3A_156 = arith.constant 0 : index
    %get3A_157 = vector.load %arg6[%get3A_155, %get3A_156] : memref<1000x128xf32, #tpu.memory_space<vmem>>, vector<1000x128xf32>
    %convert_element_type3A_158 = arith.truncf %get3A_157 : vector<1000x128xf32> to vector<1000x128xbf16>
    %slice3A_159 = vector.extract_strided_slice %get3A_23 {offsets = [0, 640], sizes = [256, 128], strides = [1, 1]} : vector<256x768xbf16> to vector<256x128xbf16>
    %dot_general3A_160 = arith.constant dense<0.000000e+00> : vector<1000x256xf32>
    %dot_general3A_161 = tpu.matmul %convert_element_type3A_158, %slice3A_159, %dot_general3A_160 {dimension_numbers = #tpu.dot_dimension_numbers<[1], [1], [0], [0], [0, 0, 1, 0], [], []>, transpose_lhs_hint = false} : vector<1000x128xbf16>, vector<256x128xbf16>, vector<1000x256xf32> -> vector<1000x256xf32>
    %add3A_162 = arith.addf %add3A_154, %dot_general3A_161 : vector<1000x256xf32>
    %max3A_163 = arith.constant 0.000000e+00 : f32
    %max3A_164 = vector.broadcast %max3A_163 : f32 to vector<1000x256xf32>
    %max3A_165 = arith.maximumf %add3A_146, %max3A_164 : vector<1000x256xf32>
    %convert_element_type3A_166 = arith.truncf %max3A_165 : vector<1000x256xf32> to vector<1000x256xbf16>
    %swap3A = arith.constant 0 : index
    %swap3A_167 = arith.constant 0 : index
    %swap3A_168 = vector.load %arg11[%swap3A, %swap3A_167] : memref<1000x512xbf16, #tpu.memory_space<vmem>>, vector<1000x256xbf16>
    tpu.vector_store %arg11[%swap3A, %swap3A_167], %convert_element_type3A_166 {strides = array<i32>} : memref<1000x512xbf16, #tpu.memory_space<vmem>>, vector<1000x256xbf16>,
    %max3A_169 = arith.constant 0.000000e+00 : f32
    %max3A_170 = vector.broadcast %max3A_169 : f32 to vector<1000x256xf32>
    %max3A_171 = arith.maximumf %add3A_162, %max3A_170 : vector<1000x256xf32>
    %convert_element_type3A_172 = arith.truncf %max3A_171 : vector<1000x256xf32> to vector<1000x256xbf16>
    %swap3A_173 = arith.constant 0 : index
    %swap3A_174 = arith.constant 256 : index
    %swap3A_175 = vector.load %arg11[%swap3A_173, %swap3A_174] : memref<1000x512xbf16, #tpu.memory_space<vmem>>, vector<1000x256xbf16>
    tpu.vector_store %arg11[%swap3A_173, %swap3A_174], %convert_element_type3A_172 {strides = array<i32>} : memref<1000x512xbf16, #tpu.memory_space<vmem>>, vector<1000x256xbf16>,
    return
  }
  func.func @transform_0(%arg0: i32) -> (i32, i32, i32, i32) {
    %c0_i32 = arith.constant 0 : i32
    %c0_i32_0 = arith.constant 0 : i32
    %c0_i32_1 = arith.constant 0 : i32
    %c0_i32_2 = arith.constant 0 : i32
    return %c0_i32, %c0_i32_0, %arg0, %c0_i32_1 : i32, i32, i32, i32
  }
  func.func @transform_1(%arg0: i32) -> (i32, i32, i32) {
    %c0_i32 = arith.constant 0 : i32
    %c0_i32_0 = arith.constant 0 : i32
    %c0_i32_1 = arith.constant 0 : i32
    return %c0_i32, %arg0, %c0_i32_0 : i32, i32, i32
  }
  func.func @transform_2(%arg0: i32) -> (i32, i32) {
    %c0_i32 = arith.constant 0 : i32
    %c0_i32_0 = arith.constant 0 : i32
    return %arg0, %c0_i32 : i32, i32
  }
  func.func @transform_3(%arg0: i32) -> (i32, i32) {
    %c0_i32 = arith.constant 0 : i32
    %c0_i32_0 = arith.constant 0 : i32
    return %arg0, %c0_i32 : i32, i32
  }
  func.func @transform_4(%arg0: i32) -> (i32, i32) {
    %c0_i32 = arith.constant 0 : i32
    %c0_i32_0 = arith.constant 0 : i32
    return %arg0, %c0_i32 : i32, i32
  }
  func.func @transform_5(%arg0: i32) -> (i32, i32) {
    %c0_i32 = arith.constant 0 : i32
    %c0_i32_0 = arith.constant 0 : i32
    return %arg0, %c0_i32 : i32, i32
  }
  func.func @transform_6(%arg0: i32) -> (i32, i32) {
    %c0_i32 = arith.constant 0 : i32
    %c0_i32_0 = arith.constant 0 : i32
    %c0_i32_1 = arith.constant 0 : i32
    return %c0_i32, %c0_i32_0 : i32, i32
  }
  func.func @transform_7(%arg0: i32) -> (i32, i32) {
    %c0_i32 = arith.constant 0 : i32
    %c0_i32_0 = arith.constant 0 : i32
    %c0_i32_1 = arith.constant 0 : i32
    return %c0_i32, %c0_i32_0 : i32, i32
  }
  func.func @transform_8(%arg0: i32) -> (i32, i32) {
    %c0_i32 = arith.constant 0 : i32
    %c0_i32_0 = arith.constant 0 : i32
    %c0_i32_1 = arith.constant 0 : i32
    return %c0_i32, %c0_i32_0 : i32, i32
  }
  func.func @transform_9(%arg0: i32) -> (i32, i32) {
    %c0_i32 = arith.constant 0 : i32
    %c0_i32_0 = arith.constant 0 : i32
    %c0_i32_1 = arith.constant 0 : i32
    return %c0_i32, %c0_i32_0 : i32, i32
  }
  func.func @transform_10(%arg0: i32) -> (i32, i32) {
    %c0_i32 = arith.constant 0 : i32
    %c0_i32_0 = arith.constant 0 : i32
    return %arg0, %c0_i32 : i32, i32
  }
}

module attributes {stable_mosaic.version = 14 : i64} {
  func.func @_lstm_body(%arg0: i32, %arg1: memref<1x320x512xbf16, #tpu.memory_space<vmem>>, %arg2: memref<1x320x2xf32, #tpu.memory_space<vmem>>, %arg3: memref<2048x512xbf16, #tpu.memory_space<vmem>>, %arg4: memref<2048x512xbf16, #tpu.memory_space<vmem>>, %arg5: memref<1x2048xf32, #tpu.memory_space<vmem>>, %arg6: memref<1x2048xf32, #tpu.memory_space<vmem>>, %arg7: memref<1x2048xf32, #tpu.memory_space<vmem>>, %arg8: memref<128x512xbf16, #tpu.memory_space<vmem>>, %arg9: memref<1x128xf32, #tpu.memory_space<vmem>>, %arg10: memref<320x512xf32, #tpu.memory_space<vmem>>, %arg11: memref<320x512xf32, #tpu.memory_space<vmem>>, %arg12: memref<320x128xf32, #tpu.memory_space<vmem>>, %arg13: memref<320x512xf32, #tpu.memory_space<vmem>>, %arg14: memref<320x512xf32, #tpu.memory_space<vmem>>) attributes {dimension_semantics = [#tpu.dimension_semantics<arbitrary>], iteration_bounds = array<i64: 25>, scalar_prefetch = 0 : i64, scratch_operands = 2 : i64, tpu.core_type = #tpu.core_type<tc>, window_params = [{transform_indices = @transform_0, window_bounds = array<i64: 1, 320, 512>}, {transform_indices = @transform_1, window_bounds = array<i64: 1, 320, 2>}, {pipeline_mode = #tpu.pipeline_mode<synchronous>, transform_indices = @transform_2, window_bounds = array<i64: 2048, 512>}, {pipeline_mode = #tpu.pipeline_mode<synchronous>, transform_indices = @transform_3, window_bounds = array<i64: 2048, 512>}, {pipeline_mode = #tpu.pipeline_mode<synchronous>, transform_indices = @transform_4, window_bounds = array<i64: 1, 2048>}, {pipeline_mode = #tpu.pipeline_mode<synchronous>, transform_indices = @transform_5, window_bounds = array<i64: 1, 2048>}, {pipeline_mode = #tpu.pipeline_mode<synchronous>, transform_indices = @transform_6, window_bounds = array<i64: 1, 2048>}, {pipeline_mode = #tpu.pipeline_mode<synchronous>, transform_indices = @transform_7, window_bounds = array<i64: 128, 512>}, {pipeline_mode = #tpu.pipeline_mode<synchronous>, transform_indices = @transform_8, window_bounds = array<i64: 1, 128>}, {pipeline_mode = #tpu.pipeline_mode<synchronous>, transform_indices = @transform_9, window_bounds = array<i64: 320, 512>}, {pipeline_mode = #tpu.pipeline_mode<synchronous>, transform_indices = @transform_10, window_bounds = array<i64: 320, 512>}, {pipeline_mode = #tpu.pipeline_mode<synchronous>, transform_indices = @transform_11, window_bounds = array<i64: 320, 128>}]} {
    %eq3A = arith.constant 0 : i32
    %eq3A_0 = arith.cmpi eq, %arg0, %eq3A : i32
    %convert_element_type3A = arith.extui %eq3A_0 : i1 to i32
    %cond3A = arith.constant 0 : i32
    %cond3A_1 = arith.cmpi ne, %convert_element_type3A, %cond3A : i32
    scf.if %cond3A_1 {
      %get3A_82 = arith.constant 0 : index
      %get3A_83 = arith.constant 0 : index
      %get3A_84 = vector.load %arg10[%get3A_82, %get3A_83] : memref<320x512xf32, #tpu.memory_space<vmem>>, vector<320x512xf32>
      %swap3A_85 = arith.constant 0 : index
      %swap3A_86 = arith.constant 0 : index
      %swap3A_87 = vector.load %arg13[%swap3A_85, %swap3A_86] : memref<320x512xf32, #tpu.memory_space<vmem>>, vector<320x512xf32>
      tpu.vector_store %arg13[%swap3A_85, %swap3A_86], %get3A_84 {strides = array<i32>} : memref<320x512xf32, #tpu.memory_space<vmem>>, vector<320x512xf32>,
      %get3A_88 = arith.constant 0 : index
      %get3A_89 = arith.constant 0 : index
      %get3A_90 = vector.load %arg11[%get3A_88, %get3A_89] : memref<320x512xf32, #tpu.memory_space<vmem>>, vector<320x512xf32>
      %swap3A_91 = arith.constant 0 : index
      %swap3A_92 = arith.constant 0 : index
      %swap3A_93 = vector.load %arg14[%swap3A_91, %swap3A_92] : memref<320x512xf32, #tpu.memory_space<vmem>>, vector<320x512xf32>
      tpu.vector_store %arg14[%swap3A_91, %swap3A_92], %get3A_90 {strides = array<i32>} : memref<320x512xf32, #tpu.memory_space<vmem>>, vector<320x512xf32>,
    } else {
    }
    %get3A = arith.constant 0 : index
    %get3A_2 = arith.constant 0 : index
    %get3A_3 = arith.constant 0 : index
    %get3A_4 = vector.load %arg1[%get3A, %get3A_2, %get3A_3] : memref<1x320x512xbf16, #tpu.memory_space<vmem>>, vector<1x320x512xbf16>
    %get3A_5 = vector.shape_cast %get3A_4 : vector<1x320x512xbf16> to vector<320x512xbf16>
    %get3A_6 = arith.constant 0 : index
    %get3A_7 = arith.constant 0 : index
    %get3A_8 = arith.constant 0 : index
    %get3A_9 = vector.load %arg2[%get3A_6, %get3A_7, %get3A_8] : memref<1x320x2xf32, #tpu.memory_space<vmem>>, vector<1x320x2xf32>
    %get3A_10 = vector.shape_cast %get3A_9 : vector<1x320x2xf32> to vector<320x2xf32>
    %get3A_11 = arith.constant 0 : index
    %get3A_12 = arith.constant 0 : index
    %get3A_13 = vector.load %arg13[%get3A_11, %get3A_12] : memref<320x512xf32, #tpu.memory_space<vmem>>, vector<320x512xf32>
    %convert_element_type3A_14 = arith.truncf %get3A_13 : vector<320x512xf32> to vector<320x512xbf16>
    %get3A_15 = arith.constant 0 : index
    %get3A_16 = arith.constant 0 : index
    %get3A_17 = vector.load %arg3[%get3A_15, %get3A_16] : memref<2048x512xbf16, #tpu.memory_space<vmem>>, vector<2048x512xbf16>
    %dot_general3A = arith.constant dense<0.000000e+00> : vector<320x2048xf32>
    %dot_general3A_18 = tpu.matmul %get3A_5, %get3A_17, %dot_general3A {dimension_numbers = #tpu.dot_dimension_numbers<[1], [1], [0], [0], [0, 0, 1, 0], [], []>, transpose_lhs_hint = false} : vector<320x512xbf16>, vector<2048x512xbf16>, vector<320x2048xf32> -> vector<320x2048xf32>
    %get3A_19 = arith.constant 0 : index
    %get3A_20 = arith.constant 0 : index
    %get3A_21 = vector.load %arg4[%get3A_19, %get3A_20] : memref<2048x512xbf16, #tpu.memory_space<vmem>>, vector<2048x512xbf16>
    %dot_general3A_22 = arith.constant dense<0.000000e+00> : vector<320x2048xf32>
    %dot_general3A_23 = tpu.matmul %convert_element_type3A_14, %get3A_21, %dot_general3A_22 {dimension_numbers = #tpu.dot_dimension_numbers<[1], [1], [0], [0], [0, 0, 1, 0], [], []>, transpose_lhs_hint = false} : vector<320x512xbf16>, vector<2048x512xbf16>, vector<320x2048xf32> -> vector<320x2048xf32>
    %add3A = arith.addf %dot_general3A_18, %dot_general3A_23 : vector<320x2048xf32>
    %get3A_24 = arith.constant 0 : index
    %get3A_25 = arith.constant 0 : index
    %get3A_26 = vector.load %arg5[%get3A_24, %get3A_25] : memref<1x2048xf32, #tpu.memory_space<vmem>>, vector<1x2048xf32>
    %add3A_27 = vector.broadcast %get3A_26 : vector<1x2048xf32> to vector<320x2048xf32>
    %add3A_28 = arith.addf %add3A, %add3A_27 : vector<320x2048xf32>
    %slice3A = vector.extract_strided_slice %get3A_10 {offsets = [0, 0], sizes = [320, 1], strides = [1, 1]} : vector<320x2xf32> to vector<320x1xf32>
    %get3A_29 = arith.constant 0 : index
    %get3A_30 = arith.constant 0 : index
    %get3A_31 = vector.load %arg6[%get3A_29, %get3A_30] : memref<1x2048xf32, #tpu.memory_space<vmem>>, vector<1x2048xf32>
    %mul3A = vector.broadcast %slice3A : vector<320x1xf32> to vector<320x2048xf32>
    %mul3A_32 = vector.broadcast %get3A_31 : vector<1x2048xf32> to vector<320x2048xf32>
    %mul3A_33 = arith.mulf %mul3A, %mul3A_32 : vector<320x2048xf32>
    %add3A_34 = arith.addf %add3A_28, %mul3A_33 : vector<320x2048xf32>
    %slice3A_35 = vector.extract_strided_slice %get3A_10 {offsets = [0, 1], sizes = [320, 1], strides = [1, 1]} : vector<320x2xf32> to vector<320x1xf32>
    %get3A_36 = arith.constant 0 : index
    %get3A_37 = arith.constant 0 : index
    %get3A_38 = vector.load %arg7[%get3A_36, %get3A_37] : memref<1x2048xf32, #tpu.memory_space<vmem>>, vector<1x2048xf32>
    %mul3A_39 = vector.broadcast %slice3A_35 : vector<320x1xf32> to vector<320x2048xf32>
    %mul3A_40 = vector.broadcast %get3A_38 : vector<1x2048xf32> to vector<320x2048xf32>
    %mul3A_41 = arith.mulf %mul3A_39, %mul3A_40 : vector<320x2048xf32>
    %add3A_42 = arith.addf %add3A_34, %mul3A_41 : vector<320x2048xf32>
    %slice3A_43 = vector.extract_strided_slice %add3A_42 {offsets = [0, 0], sizes = [320, 512], strides = [1, 1]} : vector<320x2048xf32> to vector<320x512xf32>
    %slice3A_44 = vector.extract_strided_slice %add3A_42 {offsets = [0, 512], sizes = [320, 512], strides = [1, 1]} : vector<320x2048xf32> to vector<320x512xf32>
    %slice3A_45 = vector.extract_strided_slice %add3A_42 {offsets = [0, 1024], sizes = [320, 512], strides = [1, 1]} : vector<320x2048xf32> to vector<320x512xf32>
    %slice3A_46 = vector.extract_strided_slice %add3A_42 {offsets = [0, 1536], sizes = [320, 512], strides = [1, 1]} : vector<320x2048xf32> to vector<320x512xf32>
    %logistic3A = arith.negf %slice3A_44 : vector<320x512xf32>
    %logistic3A_47 = math.exp %logistic3A : vector<320x512xf32>
    %logistic3A_48 = arith.constant 1.000000e+00 : f32
    %logistic3A_49 = vector.broadcast %logistic3A_48 : f32 to vector<320x512xf32>
    %logistic3A_50 = arith.addf %logistic3A_49, %logistic3A_47 : vector<320x512xf32>
    %logistic3A_51 = arith.divf %logistic3A_49, %logistic3A_50 : vector<320x512xf32>
    %get3A_52 = arith.constant 0 : index
    %get3A_53 = arith.constant 0 : index
    %get3A_54 = vector.load %arg14[%get3A_52, %get3A_53] : memref<320x512xf32, #tpu.memory_space<vmem>>, vector<320x512xf32>
    %mul3A_55 = arith.mulf %logistic3A_51, %get3A_54 : vector<320x512xf32>
    %logistic3A_56 = arith.negf %slice3A_43 : vector<320x512xf32>
    %logistic3A_57 = math.exp %logistic3A_56 : vector<320x512xf32>
    %logistic3A_58 = arith.constant 1.000000e+00 : f32
    %logistic3A_59 = vector.broadcast %logistic3A_58 : f32 to vector<320x512xf32>
    %logistic3A_60 = arith.addf %logistic3A_59, %logistic3A_57 : vector<320x512xf32>
    %logistic3A_61 = arith.divf %logistic3A_59, %logistic3A_60 : vector<320x512xf32>
    %tanh3A = math.tanh %slice3A_45 : vector<320x512xf32>
    %mul3A_62 = arith.mulf %logistic3A_61, %tanh3A : vector<320x512xf32>
    %add3A_63 = arith.addf %mul3A_55, %mul3A_62 : vector<320x512xf32>
    %logistic3A_64 = arith.negf %slice3A_46 : vector<320x512xf32>
    %logistic3A_65 = math.exp %logistic3A_64 : vector<320x512xf32>
    %logistic3A_66 = arith.constant 1.000000e+00 : f32
    %logistic3A_67 = vector.broadcast %logistic3A_66 : f32 to vector<320x512xf32>
    %logistic3A_68 = arith.addf %logistic3A_67, %logistic3A_65 : vector<320x512xf32>
    %logistic3A_69 = arith.divf %logistic3A_67, %logistic3A_68 : vector<320x512xf32>
    %tanh3A_70 = math.tanh %add3A_63 : vector<320x512xf32>
    %mul3A_71 = arith.mulf %logistic3A_69, %tanh3A_70 : vector<320x512xf32>
    %swap3A = arith.constant 0 : index
    %swap3A_72 = arith.constant 0 : index
    %swap3A_73 = vector.load %arg13[%swap3A, %swap3A_72] : memref<320x512xf32, #tpu.memory_space<vmem>>, vector<320x512xf32>
    tpu.vector_store %arg13[%swap3A, %swap3A_72], %mul3A_71 {strides = array<i32>} : memref<320x512xf32, #tpu.memory_space<vmem>>, vector<320x512xf32>,
    %swap3A_74 = arith.constant 0 : index
    %swap3A_75 = arith.constant 0 : index
    %swap3A_76 = vector.load %arg14[%swap3A_74, %swap3A_75] : memref<320x512xf32, #tpu.memory_space<vmem>>, vector<320x512xf32>
    tpu.vector_store %arg14[%swap3A_74, %swap3A_75], %add3A_63 {strides = array<i32>} : memref<320x512xf32, #tpu.memory_space<vmem>>, vector<320x512xf32>,
    %eq3A_77 = arith.constant 24 : i32
    %eq3A_78 = arith.cmpi eq, %arg0, %eq3A_77 : i32
    %convert_element_type3A_79 = arith.extui %eq3A_78 : i1 to i32
    %cond3A_80 = arith.constant 0 : i32
    %cond3A_81 = arith.cmpi ne, %convert_element_type3A_79, %cond3A_80 : i32
    scf.if %cond3A_81 {
      %convert_element_type3A_82 = arith.truncf %mul3A_71 : vector<320x512xf32> to vector<320x512xbf16>
      %get3A_83 = arith.constant 0 : index
      %get3A_84 = arith.constant 0 : index
      %get3A_85 = vector.load %arg8[%get3A_83, %get3A_84] : memref<128x512xbf16, #tpu.memory_space<vmem>>, vector<128x512xbf16>
      %dot_general3A_86 = arith.constant dense<0.000000e+00> : vector<320x128xf32>
      %dot_general3A_87 = tpu.matmul %convert_element_type3A_82, %get3A_85, %dot_general3A_86 {dimension_numbers = #tpu.dot_dimension_numbers<[1], [1], [0], [0], [0, 0, 1, 0], [], []>, transpose_lhs_hint = false} : vector<320x512xbf16>, vector<128x512xbf16>, vector<320x128xf32> -> vector<320x128xf32>
      %get3A_88 = arith.constant 0 : index
      %get3A_89 = arith.constant 0 : index
      %get3A_90 = vector.load %arg9[%get3A_88, %get3A_89] : memref<1x128xf32, #tpu.memory_space<vmem>>, vector<1x128xf32>
      %add3A_91 = vector.broadcast %get3A_90 : vector<1x128xf32> to vector<320x128xf32>
      %add3A_92 = arith.addf %dot_general3A_87, %add3A_91 : vector<320x128xf32>
      %swap3A_93 = arith.constant 0 : index
      %swap3A_94 = arith.constant 0 : index
      %swap3A_95 = vector.load %arg12[%swap3A_93, %swap3A_94] : memref<320x128xf32, #tpu.memory_space<vmem>>, vector<320x128xf32>
      tpu.vector_store %arg12[%swap3A_93, %swap3A_94], %add3A_92 {strides = array<i32>} : memref<320x128xf32, #tpu.memory_space<vmem>>, vector<320x128xf32>,
    } else {
    }
    return
  }
  func.func @transform_0(%arg0: i32) -> (i32, i32, i32) {
    %c0_i32 = arith.constant 0 : i32
    %c0_i32_0 = arith.constant 0 : i32
    %c0_i32_1 = arith.constant 0 : i32
    return %arg0, %c0_i32, %c0_i32_0 : i32, i32, i32
  }
  func.func @transform_1(%arg0: i32) -> (i32, i32, i32) {
    %c0_i32 = arith.constant 0 : i32
    %c0_i32_0 = arith.constant 0 : i32
    %c0_i32_1 = arith.constant 0 : i32
    return %arg0, %c0_i32, %c0_i32_0 : i32, i32, i32
  }
  func.func @transform_2(%arg0: i32) -> (i32, i32) {
    %c0_i32 = arith.constant 0 : i32
    %c0_i32_0 = arith.constant 0 : i32
    %c0_i32_1 = arith.constant 0 : i32
    return %c0_i32, %c0_i32_0 : i32, i32
  }
  func.func @transform_3(%arg0: i32) -> (i32, i32) {
    %c0_i32 = arith.constant 0 : i32
    %c0_i32_0 = arith.constant 0 : i32
    %c0_i32_1 = arith.constant 0 : i32
    return %c0_i32, %c0_i32_0 : i32, i32
  }
  func.func @transform_4(%arg0: i32) -> (i32, i32) {
    %c0_i32 = arith.constant 0 : i32
    %c0_i32_0 = arith.constant 0 : i32
    %c0_i32_1 = arith.constant 0 : i32
    return %c0_i32, %c0_i32_0 : i32, i32
  }
  func.func @transform_5(%arg0: i32) -> (i32, i32) {
    %c0_i32 = arith.constant 0 : i32
    %c0_i32_0 = arith.constant 0 : i32
    %c0_i32_1 = arith.constant 0 : i32
    return %c0_i32, %c0_i32_0 : i32, i32
  }
  func.func @transform_6(%arg0: i32) -> (i32, i32) {
    %c0_i32 = arith.constant 0 : i32
    %c0_i32_0 = arith.constant 0 : i32
    %c0_i32_1 = arith.constant 0 : i32
    return %c0_i32, %c0_i32_0 : i32, i32
  }
  func.func @transform_7(%arg0: i32) -> (i32, i32) {
    %c0_i32 = arith.constant 0 : i32
    %c0_i32_0 = arith.constant 0 : i32
    %c0_i32_1 = arith.constant 0 : i32
    return %c0_i32, %c0_i32_0 : i32, i32
  }
  func.func @transform_8(%arg0: i32) -> (i32, i32) {
    %c0_i32 = arith.constant 0 : i32
    %c0_i32_0 = arith.constant 0 : i32
    %c0_i32_1 = arith.constant 0 : i32
    return %c0_i32, %c0_i32_0 : i32, i32
  }
  func.func @transform_9(%arg0: i32) -> (i32, i32) {
    %c0_i32 = arith.constant 0 : i32
    %c0_i32_0 = arith.constant 0 : i32
    %c0_i32_1 = arith.constant 0 : i32
    return %c0_i32, %c0_i32_0 : i32, i32
  }
  func.func @transform_10(%arg0: i32) -> (i32, i32) {
    %c0_i32 = arith.constant 0 : i32
    %c0_i32_0 = arith.constant 0 : i32
    %c0_i32_1 = arith.constant 0 : i32
    return %c0_i32, %c0_i32_0 : i32, i32
  }
  func.func @transform_11(%arg0: i32) -> (i32, i32) {
    %c0_i32 = arith.constant 0 : i32
    %c0_i32_0 = arith.constant 0 : i32
    %c0_i32_1 = arith.constant 0 : i32
    return %c0_i32, %c0_i32_0 : i32, i32
  }
}

</mosaic_0001>

<sc_bundles>
// kernel: kernel.10.cloned.1.call-start
scs
__scs_entry_jumppad:
0x0: {  	(pc) =	sbr.rel $0x88, $3  }
0x1: {  	(tag) =	ssettag $0x0;
	lr =	simm.s32 $0x1  }
0x2: {  	[smem:$0x3F8D] =	sst lr;
	_ =	strace $0xD0000000  }
0x3: {  	_ = 	snop  }
0x4: {  	_ = 	snop  }
0x5: {  	_ = 	snop  }
0x6: {  	_ = 	snop  }
0x7: {  	_ = 	snop  }
__scs_overlays_trampoline_lowered:
0x8: {  	[smem:$0x3F9C] =	sst s0  }
0x9: {  	[smem:$0x3F9D] =	sst s1  }
0xa: {  	[smem:$0x3F9E] =	sst s2  }
0xb: {  	[smem:$0x3F9F] =	sst s3  }
0xc: {  	[smem:$0x3FA0] =	sst s4  }
0xd: {  	[smem:$0x3FA1] =	sst s5  }
0xe: {  	[smem:$0x3FA2] =	sst s6  }
0xf: {  	[smem:$0x3FA3] =	sst s7  }
0x10: {  	[smem:$0x3FA4] =	sst s8  }
0x11: {  	[smem:$0x3FA5] =	sst s9;
	s0 =	simm.s32 @!p0 $0x0  }
0x12: {  	s1 =	sld [smem:$0x3F8B];
	s0 =	simm.s32 @p0 $0x1  }
0x13: {  	[smem:$0x3FA6] =	sst s0;
	s0 =	simm.s32 @!p1 $0x0  }
0x14: {  	s2 =	sld [smem:$0x3F8A];
	s0 =	simm.s32 @p1 $0x1  }
0x15: {  	[smem:$0x3FA7] =	sst s0;
	s0 =	simm.s32 @!p2 $0x0  }
0x16: {  	s3 =	sld [smem:$0x3FDB];
	s0 =	simm.s32 @p2 $0x1  }
0x17: {  	s4 =	simm.s32 $0x1BF5;
	[smem:$0x3FA9] =	sst s0  }
0x18: {  	s0 =	sld [smem:$0x3F8C];
	_ =	swait.ge [sflag:s4], $0x0  }
0x19: {  	s7 =	sld [smem:$0x3F8D]  }
0x1a: {  	s8 =	sadd.s32 $0xFFFFE003, lr  }
0x1b: {  	s9 =	sadd.s32 $0xFFFFFEF7, lr;
	s5 =	simm.s32 $0xFFFFFFFF;
	p2 =	slt.u32 s8, $0xFFFFF086  }
0x1c: {  	p1 =	slt.u32 s9, $0xF7A;
	s5 =	simm.s32 @!p2 $0x0  }
0x1d: {  	s5 =	simm.s32 @p1 $0x1;
	p0 =	seq.s32 s7, s2  }
0x1e: {  	s7 =	smul.u32 @!p0 $0xF7A, s2;
	p2 =	seq.s32 @!p0 s5, $0x0  }
0x1f: {  	s9 =	smul.u32 $0xF7A, s1;
	s8 =	simm.s32 @!p0 $0x1BF5;
	p2 =	por !p2, p0  }
0x20: {  	[sflag:s8] =	ssyncset.s32 @!p0 $0xFFFFF086;
	s6 =	sadd.s32 @!p0 s3, s7;
	s7 =	simm.s32 @!p0 $0x108  }
0x21: {  	s3 =	sadd.s32 s3, s9;
	s6 =	sadd.s32 @!p0 $0x88, s6;
	s7 =	simm.s32 @p2 $0x1082  }
0x22: {  	[simem:s7], [sflag:s8] =	dma.local @!p0 [hbm:s6], $0xF7A  }
0x23: {  	s9 =	sor.u32 $0xD0000000, s2;
	s6 =	simm.s32 $0x108;
	_ =	swait.ge @!p0 [sflag:s8], $0x0  }
0x24: {  	s3 =	sadd.s32 $0x88, s3;
	s6 =	simm.s32 @!p1 $0x1082;
	[sflag:s4] =	ssyncset.s32 $0xFFFFF086  }
0x25: {  	[simem:s6], [sflag:s4] =	dma.local [hbm:s3], $0xF7A  }
0x26: {  	[smem:$0x3F8D] =	sst s1;
	(tag) =	ssettag s2;
	_ =	strace s9  }
0x27: {  	s1 =	sld [smem:$0x3F9D]  }
0x28: {  	s2 =	sld [smem:$0x3F9E]  }
0x29: {  	s4 =	sld [smem:$0x3FA0]  }
0x2a: {  	p0 =	seq.s32 s5, $0x0;
	s5 =	sld [smem:$0x3FA1]  }
0x2b: {  	s6 =	sld [smem:$0x3FA2]  }
0x2c: {  	s7 =	sld [smem:$0x3FA3]  }
0x2d: {  	s3 =	simm.s32 $0x108;
	s8 =	sld [smem:$0x3FA4]  }
0x2e: {  	s3 =	simm.s32 @!p0 $0x1082;
	s9 =	sld [smem:$0x3FA5]  }
0x2f: {  	lr =	sadd.s32 s0, s3;
	s0 =	sld [smem:$0x3F9C]  }
0x30: {  	s3 =	sld [smem:$0x3F9F]  }
0x31: {  	[smem:$0x3FA8] =	sst s10  }
0x32: {  	s10 =	sld [smem:$0x3FA6];
	_ =	sdelay $0x3  }
0x33: {  	p0 =	seq.s32 s10, $0x1;
	s10 =	sld [smem:$0x3FA8];
	_ =	sdelay $0x3  }
0x34: {  	[smem:$0x3FA8] =	sst s10  }
0x35: {  	s10 =	sld [smem:$0x3FA7];
	_ =	sdelay $0x3  }
0x36: {  	p1 =	seq.s32 s10, $0x1;
	s10 =	sld [smem:$0x3FA8];
	_ =	sdelay $0x3  }
0x37: {  	[smem:$0x3FA8] =	sst s10  }
0x38: {  	s10 =	sld [smem:$0x3FA9]  }
0x39: {  	_ = 	snop;
	(pc) =	sbr.ind lr, $3  }
0x3a: {  	_ = 	snop  }
0x3b: {  	_ = 	snop  }
0x3c: {  	p2 =	seq.s32 s10, $0x1;
	s10 =	sld [smem:$0x3FA8]  }
0x3d: {  	_ =	shalt  }
0x3e: {  	_ =	shalt  }
0x3f: {  	_ =	shalt  }
0x40: {  	_ =	shalt  }
0x41: {  	_ =	shalt  }
0x42: {  	_ =	shalt  }
0x43: {  	_ =	shalt  }
0x44: {  	_ =	shalt  }
0x45: {  	_ =	shalt  }
0x46: {  	_ =	shalt  }
0x47: {  	_ =	shalt  }
0x48: {  	_ =	shalt  }
0x49: {  	_ =	shalt  }
0x4a: {  	_ =	shalt  }
0x4b: {  	_ =	shalt  }
0x4c: {  	_ =	shalt  }
0x4d: {  	_ =	shalt  }
0x4e: {  	_ =	shalt  }
0x4f: {  	_ =	shalt  }
0x50: {  	_ =	shalt  }
0x51: {  	_ =	shalt  }
0x52: {  	_ =	shalt  }
0x53: {  	_ =	shalt  }
0x54: {  	_ =	shalt  }
0x55: {  	_ =	shalt  }
0x56: {  	_ =	shalt  }
0x57: {  	_ =	shalt  }
0x58: {  	_ =	shalt  }
0x59: {  	_ =	shalt  }
0x5a: {  	_ =	shalt  }
0x5b: {  	_ =	shalt  }
0x5c: {  	_ =	shalt  }
0x5d: {  	_ =	shalt  }
0x5e: {  	_ =	shalt  }
0x5f: {  	_ =	shalt  }
0x60: {  	_ =	shalt  }
0x61: {  	_ =	shalt  }
0x62: {  	_ =	shalt  }
0x63: {  	_ =	shalt  }
0x64: {  	_ =	shalt  }
0x65: {  	_ =	shalt  }
0x66: {  	_ =	shalt  }
0x67: {  	_ =	shalt  }
0x68: {  	_ =	shalt  }
0x69: {  	_ =	shalt  }
0x6a: {  	_ =	shalt  }
0x6b: {  	_ =	shalt  }
0x6c: {  	_ =	shalt  }
0x6d: {  	_ =	shalt  }
0x6e: {  	_ =	shalt  }
0x6f: {  	_ =	shalt  }
0x70: {  	_ =	shalt  }
0x71: {  	_ =	shalt  }
0x72: {  	_ =	shalt  }
0x73: {  	_ =	shalt  }
0x74: {  	_ =	shalt  }
0x75: {  	_ =	shalt  }
0x76: {  	_ =	shalt  }
0x77: {  	_ =	shalt  }
0x78: {  	_ =	shalt  }
0x79: {  	_ =	shalt  }
0x7a: {  	_ =	shalt  }
0x7b: {  	_ =	shalt  }
0x7c: {  	_ =	shalt  }
0x7d: {  	_ =	shalt  }
0x7e: {  	_ =	shalt  }
0x7f: {  	_ =	shalt  }
0x80: {  	_ =	shalt  }
0x81: {  	_ =	shalt  }
0x82: {  	_ =	shalt  }
0x83: {  	_ =	shalt  }
0x84: {  	_ =	shalt  }
0x85: {  	_ =	shalt  }
0x86: {  	_ =	shalt  }
0x87: {  	_ =	shalt  }
.Lfunc_end0:
.L_simem_size_0:
called_computation.1_lowered:
.L_overlay_start_0:
0x88: {  	s2 =	sld [smem:$0x3FD9]  }
0x89: {  	s3 =	sld [smem:$0x3FFE];
	_ =	sdelay $0x1  }
0x8a: {  	s1 =	srdreg.scid  }
0x8b: {  	s0 =	sand.u32 $0x1, s1  }
0x8c: {  	s16 =	sshll.u32 s0, $0xA;
	s2 =	sadd.s32 s3, s2  }
0x8d: {  	s2 =	sadd.s32 s2, s16  }
0x8e: {  	[smem:$0x3FB4] =	sst s2  }
0x8f: {  	_ = 	snop  }
0x90: {  	(tm) =	ssettm $0x1  }
0x91: {  	s17 =	sld [smem:$0x3FFB];
	_ =	sdelay $0x3  }
0x92: {  	_ =	strace s17  }
0x93: {  	s2 =	sld [smem:$0x3FFC];
	_ =	sdelay $0x3  }
0x94: {  	_ =	strace s2  }
0x95: {  	s2 =	sld [smem:$0x3FFD];
	_ =	sdelay $0x3  }
0x96: {  	_ =	strace s2  }
0x97: {  	_ =	strace $0x8FFFFFFF  }
0x98: {  	s18 =	sld [smem:$0x3FDB];
	_ =	sdelay $0x1  }
0x99: {  	s19 =	simm.s32 $_scs_section_size  }
0x9a: {  	s4 =	simm.s32 $_size__tile_overlayer_lowered;
	s5 =	simm.s32 $_tile_overlayer_lowered  }
0x9b: {  	s22 =	simm.s32 $0x1BFF;
	s21 =	sshll.u32 s5, $0x1;
	s2 =	sadd.s32 s19, s18  }
0x9c: {  	s6 =	simm.s32 $0x0;
	s20 =	sshll.u32 s4, $0x1;
	s4 =	sadd.s32 s21, s2  }
0x9d: {  	[timem:s6], [sflag:s22] =	dma.local [hbm:s4], s20  }
0x9e: {  	_ =	swait.ge [sflag:s22], s20  }
0x9f: {  	s3 =	ssub.s32 $0x0, s20;
	[sflag:s22] =	ssyncset.done $0x0  }
0xa0: {  	[sflag:s22] =	ssyncadd.s32 s3;
	_ =	sdelay $0x1  }
0xa1: {  	s23 =	simm.s32 $0x1B8B  }
0xa2: {  	_ =	swait.ge [sflag:s23], $0x1  }
0xa3: {  	[sflag:s23] =	ssyncset.done $0x0  }
0xa4: {  	s25 =	simm.s32 $0x1B8E;
	s24 =	sld [smem:$0x3FFE];
	[sflag:s23] =	ssyncadd.s32 $0xFFFFFFFF  }
0xa5: {  	s26 =	simm.s32 $execute0_lowered;
	[smem:$0x3FD2] =	sst s25  }
0xa6: {  	s4 =	sshll.u32 s26, $0x1;
	_ =	strace $0x80000049;
	[dreg:$0x1] =	wrdreg $0xFFFFFFFF  }
0xa7: {  	s28 =	simm.s32 $_size_execute0_lowered;
	s2 =	sadd.s32 s2, s4;
	[dreg:$0x0] =	wrdreg $0x0  }
0xa8: {  	s4 =	sshll.u32 s28, $0x1;
	[dreg:$0x2] =	wrdreg s2  }
0xa9: {  	[dreg:$0x3] =	wrdreg s4  }
0xaa: {  	[dreg:$0x4] =	wrdreg $0xC0  }
0xab: {  	_ =	task [dreg:s6], $0x5FFFF  }
0xac: {  	[dreg:$0x1] =	wrdreg $0xFFFFFFFF  }
0xad: {  	[dreg:$0x0] =	wrdreg $0x60  }
0xae: {  	[dreg:$0x2] =	wrdreg s24  }
0xaf: {  	[dreg:$0x3] =	wrdreg $0xF3800  }
0xb0: {  	[dreg:$0x4] =	wrdreg $0x9  }
0xb1: {  	_ =	task.clear_ibuf [dreg:s6], $0x5FFFF;
	_ =	strace $0x90000049  }
0xb2: {  	s29 =	simm.s32 $0x9;
	_ =	strace $0x8000004B  }
0xb3: {  	_ =	swait.ge [sflag:s29], $0x1  }
0xb4: {  	[sflag:s29] =	ssyncadd.s32 $0xFFFFFFFF  }
0xb5: {  	_ =	strace $0x9000004B  }
0xb6: {  	_ =	sfence  }
0xb7: {  	s30 =	sld [smem:$0x0];
	_ =	sdelay $0x2  }
0xb8: {  	s31 =	sshll.u32 s1, $0xD;
	s1 =	sshrl.u32 s1, $0x2  }
0xb9: {  	s3 =	sand.u32 $0x4000, s31;
	s1 =	sadd.s32 s1, s30  }
0xba: {  	s0 =	sor.u32 s3, s0;
	s1 =	sshll.u32 s1, $0x11  }
0xbb: {  	s0 =	sor.u32 s1, s0  }
0xbc: {  	s0 =	sadd.s32 $0x8F2B, s0  }
0xbd: {  	[sflag:s0] =	ssyncadd.remote.s32 $0x1  }
0xbe: {  	_ =	sfence.sel $0xFFFF  }
0xbf: {  	[dreg:$0x0] =	wrdreg $0xFFFFFFFF;
	(pc) =	sbr.abs _section_cstart, $3  }
0xc0: {  	[dreg:$0x1] =	wrdreg $0xFFFFFFFF  }
0xc1: {  	_ =	task.clear_ibuf [dreg:s6], $0x2FFFF;
	_ =	strace $0x9FFFFFFF  }
0xc2: {  	(tm) =	ssettm $0x7FFFFFFF  }
0xc3: {  	_ =	shalt  }
tec
execute0_lowered:
.L_overlay_start_1:
0x0: {  	(tag) =	ssettag $0x1  }
0x1: {  	s0 =	rddreg [dreg:$0x0]  }
0x2: {  	s2 =	rddreg [dreg:$0x1]  }
0x3: {  	s1 =	srdreg.scid;
	s3 =	simm.s32 $0x0;
	s13 =	stileid.u32  }
0x4: {  	s28 =	simm.s32 $0xCB80;
	s29 =	simm.s32 $0x3;
	s11 =	smul.u32 $0x3400, s13  }
0x5: {  	s30 =	simm.s32 $0x2;
	s31 =	simm.s32 $0x4;
	s18 =	smul.u32 $0xFC00, s13  }
0x6: {  	s1 =	sand.u32 $0x1, s1;
	[smem:$0x7FF] =	sst s3;
	s20 =	smul.u32 $0x3F000, s13  }
0x7: {  	s4 =	sshrl.u32 s13, $0x3;
	s5 =	sadd.s32 $0x3A800, s0;
	s7 =	smul.u32 $0x1F800, s1  }
0x8: {  	s6 =	sadd.s32 $0x59C00, s0;
	s10 =	sshll.u32 s13, $0x7;
	s8 =	smul.u32 $0xFC00, s4  }
0x9: {  	s26 =	sshll.u32 s13, $0x6;
	_ =	strace $0x8000004A;
	s9 =	smul.u32 $0x34000, s1  }
0xa: {  	s4 =	sadd.s32 $0x1B400, s0;
	s17 =	smul.u32 $0x3F0000, s1;
	s1 =	ssub.s32 $0x2, s1  }
0xb: {  	s16 =	sand.u32 $0x380, s10;
	s19 =	sshrl.u32 s1, $0x1;
	s22 =	sshrl.u32 s20, $0x2  }
0xc: {  	s20 =	sor.u32 $0x1C05, s26;
	s26 =	simm.s32 $0xA380;
	s7 =	sadd.s32 s7, s8  }
0xd: {  	s9 =	sadd.s32 s11, s9;
	s10 =	sadd.s32 s18, s17;
	s1 =	ssub.s32 s1, s19  }
0xe: {  	s18 =	simm.s32 $0x5;
	s17 =	simm.s32 $0x5000;
	s19 =	simm.s32 $0x5080  }
0xf: {  	s8 =	sor.u32 s16, s7;
	s7 =	sadd.s32 $0x79000, s0;
	s9 =	sshrl.u32 s9, $0x3  }
0x10: {  	s10 =	sshrl.u32 s10, $0x3;
	s8 =	sshrl.u32 s8, $0x3;
	s9 =	sadd.s32 s9, s0  }
0x11: {  	s12 =	sadd.s32 s8, s0;
	s8 =	sadd.s32 $0x19400, s0;
	s9 =	sadd.s32 $0x4600, s9  }
0x12: {  	s0 =	sadd.s32 s10, s0;
	s21 =	sadd.s32 $0x11600, s12;
	[dreg:$0x4] =	wrdreg s9  }
0x13: {  	s15 =	smax.u32 s1, $0x1;
	s23 =	sadd.s32 $0xD8400, s0;
	[dreg:$0x3] =	wrdreg s21  }
0x14: {  	s1 =	simm.s32 $0x1EF0;
	s24 =	sadd.s32 $0xF7C00, s0;
	[dreg:$0x5] =	wrdreg s23  }
0x15: {  	s16 =	simm.s32 $0x4F80;
	s25 =	sadd.s32 $0x117400, s0;
	[dreg:$0x6] =	wrdreg s24  }
0x16: {  	s10 =	simm.s32 $0x0;
	s0 =	sadd.s32 $0x136C00, s0;
	[dreg:$0x7] =	wrdreg s25  }
0x17: {  	s9 =	sadd.s32 s22, s2;
	s22 =	simm.s32 $0x50;
	[dreg:$0x8] =	wrdreg s0  }
0x18: {  	s21 =	sshrl.u32 s9, $0x3;
	s23 =	simm.s32 $0x5380;
	s24 =	simm.s32 $0x7B80  }
0x19: {  	s25 =	simm.s32 $0x1;
	s0 =	simm.s32 $0x1EA0;
	s9 =	simm.s32 $0x5100  }
.LBB2_1:
0x1a: {  	s11 =	rddreg [dreg:$0x3];
	s12 =	simm.s32 $0x80;
	s13 =	simm.s32 $0x400  }
0x1b: {  	[tilespmem:s3], [sflag:$0x5] =	stream.strided.gather [hbm4b:s11+s12], $0x1F80, s13, s12, $0x38;
	[tilespmem:$0x1EF80] =	vst v63  }
0x1c: {  	_ =	swait.ge [sflag:s18], $0x1F80  }
0x1d: {  	[sflag:s18] =	ssyncset.done $0x0  }
0x1e: {  	s13 =	simm.s32 $0x1F80;
	s12 =	rddreg [dreg:$0x4];
	[sflag:s18] =	ssyncadd.s32 $0xFFFFE080  }
0x1f: {  	[tilespmem:s13], [sflag:$0x5] =	stream.linear.gather [hbm4b:s12+s3], $0x3200, $0x38;
	[tilespmem:$0x1EF80] =	vst v63  }
0x20: {  	_ =	swait.ge [sflag:s18], $0x3200  }
0x21: {  	[sflag:s18] =	ssyncset.done $0x0  }
0x22: {  	[sflag:s18] =	ssyncadd.s32 $0xFFFFCE00  }
0x23: {  	[spmem:s21], [sflag:s20] =	dma.local [hbm:s8], $0x1F80  }
0x24: {  	_ =	swait.ge [sflag:s18], $0x1F80  }
0x25: {  	[sflag:s18] =	ssyncset.done $0x0  }
0x26: {  	[sflag:s18] =	ssyncadd.s32 $0xFFFFE080  }
0x27: {  	[bflag:$0x0] =	sbarrier.arrive $0xFFFF  }
0x28: {  	[tilespmem:s23], [sflag:$0x1] =	stream.indirect.gather [hbm4b:s4+s22], $0x80, s3, s22, $0xb8;
	[tilespmem:$0x1EF80] =	vst v63  }
0x29: {  	_ = 	snop  }
0x2a: {  	[tilespmem:s24], [sflag:$0x1] =	stream.indirect.gather [hbm4b:s4+s22], $0x80, s22, s22, $0xb8;
	[tilespmem:$0x1EF80] =	vst v63  }
0x2b: {  	_ =	swait.ge [sflag:s25], $0x2800  }
0x2c: {  	[sflag:s25] =	ssyncset.done $0x0  }
0x2d: {  	[sflag:s25] =	ssyncadd.s32 $0xFFFFD800  }
0x2e: {  	_ =	swait.ge [sflag:s25], $0x2800  }
0x2f: {  	[sflag:s25] =	ssyncset.done $0x0  }
0x30: {  	s14 =	simm.s32 $0xA0;
	[sflag:s25] =	ssyncadd.s32 $0xFFFFD800  }
0x31: {  	[tilespmem:s26], [sflag:$0x2] =	stream.indirect.gather [hbm4b:s4+s22], $0x80, s14, s22, $0xb8;
	[tilespmem:$0x1EF80] =	vst v63  }
0x32: {  	s12 =	simm.s32 $0xF0  }
0x33: {  	[tilespmem:s28], [sflag:$0x2] =	stream.indirect.gather [hbm4b:s4+s22], $0x80, s12, s22, $0xb8;
	[tilespmem:$0x1EF80] =	vst v63  }
0x34: {  	s13 =	simm.s32 $0x1F80  }
0x35: {  	[spmem:s2] =	stream.indirect.scatter.add.f32 [tilespmem:s23], [sflag:$0x3], $0x80, s13, s22, $0xb8;
	[tilespmem:$0x1EF80] =	vst v63  }
0x36: {  	s14 =	simm.s32 $0x2000  }
0x37: {  	[spmem:s2] =	stream.indirect.scatter.add.f32 [tilespmem:s24], [sflag:$0x3], $0x80, s14, s22, $0xb8;
	[tilespmem:$0x1EF80] =	vst v63  }
0x38: {  	_ =	swait.ge [sflag:s29], $0x2800  }
0x39: {  	[sflag:s29] =	ssyncset.done $0x0  }
0x3a: {  	[sflag:s29] =	ssyncadd.s32 $0xFFFFD800  }
0x3b: {  	_ =	swait.ge [sflag:s29], $0x2800  }
0x3c: {  	[sflag:s29] =	ssyncset.done $0x0  }
0x3d: {  	s12 =	simm.s32 $0x140;
	[sflag:s29] =	ssyncadd.s32 $0xFFFFD800  }
0x3e: {  	[tilespmem:s23], [sflag:$0x1] =	stream.indirect.gather [hbm4b:s4+s22], $0x80, s12, s22, $0xb8;
	[tilespmem:$0x1EF80] =	vst v63  }
0x3f: {  	s11 =	simm.s32 $0x190  }
0x40: {  	[tilespmem:s24], [sflag:$0x1] =	stream.indirect.gather [hbm4b:s4+s22], $0x80, s11, s22, $0xb8;
	[tilespmem:$0x1EF80] =	vst v63  }
0x41: {  	_ =	swait.ge [sflag:s30], $0x2800  }
0x42: {  	[sflag:s30] =	ssyncset.done $0x0  }
0x43: {  	[sflag:s30] =	ssyncadd.s32 $0xFFFFD800  }
0x44: {  	_ =	swait.ge [sflag:s30], $0x2800  }
0x45: {  	[sflag:s30] =	ssyncset.done $0x0  }
0x46: {  	s13 =	simm.s32 $0x2080;
	[sflag:s30] =	ssyncadd.s32 $0xFFFFD800  }
0x47: {  	[spmem:s2] =	stream.indirect.scatter.add.f32 [tilespmem:s26], [sflag:$0x4], $0x80, s13, s22, $0xb8;
	[tilespmem:$0x1EF80] =	vst v63  }
0x48: {  	s14 =	simm.s32 $0x2100  }
0x49: {  	[spmem:s2] =	stream.indirect.scatter.add.f32 [tilespmem:s28], [sflag:$0x4], $0x80, s14, s22, $0xb8;
	[tilespmem:$0x1EF80] =	vst v63  }
0x4a: {  	_ =	swait.ge [sflag:s31], $0x2800  }
0x4b: {  	[sflag:s31] =	ssyncset.done $0x0  }
0x4c: {  	[sflag:s31] =	ssyncadd.s32 $0xFFFFD800  }
0x4d: {  	_ =	swait.ge [sflag:s31], $0x2800  }
0x4e: {  	s12 =	simm.s32 $0x800;
	[sflag:s31] =	ssyncset.done $0x0  }
.LBB2_2:
0x4f: {  	p0 =	sne.s32 s12, $0xB800;
	[sflag:s31] =	ssyncadd.s32 $0xFFFFD800;
	s11 =	sadd.s32 $0x140, s11  }
0x50: {  	s13 =	smov.u32 s12;
	s12 =	sadd.s32 $0x800, s12;
	_ =	swait.ge [sflag:s25], $0x2800  }
0x51: {  	[sflag:s25] =	ssyncset.done $0x0  }
0x52: {  	[sflag:s25] =	ssyncadd.s32 $0xFFFFD800  }
0x53: {  	_ =	swait.ge [sflag:s25], $0x2800  }
0x54: {  	[sflag:s25] =	ssyncset.done $0x0  }
0x55: {  	s14 =	sadd.s32 $0xFFFFFF10, s11;
	[sflag:s25] =	ssyncadd.s32 $0xFFFFD800  }
0x56: {  	[tilespmem:s26], [sflag:$0x2] =	stream.indirect.gather [hbm4b:s4+s22], $0x80, s14, s22, $0xb8;
	[tilespmem:$0x1EF80] =	vst v63  }
0x57: {  	s13 =	sshra.s32 s13, $0x2;
	s14 =	sadd.s32 $0xFFFFFF60, s11  }
0x58: {  	[tilespmem:s28], [sflag:$0x2] =	stream.indirect.gather [hbm4b:s4+s22], $0x80, s14, s22, $0xb8;
	[tilespmem:$0x1EF80] =	vst v63  }
0x59: {  	s14 =	sadd.s32 $0x1F80, s13  }
0x5a: {  	[spmem:s2] =	stream.indirect.scatter.add.f32 [tilespmem:s23], [sflag:$0x3], $0x80, s14, s22, $0xb8;
	[tilespmem:$0x1EF80] =	vst v63  }
0x5b: {  	s14 =	sadd.s32 $0x2000, s13  }
0x5c: {  	[spmem:s2] =	stream.indirect.scatter.add.f32 [tilespmem:s24], [sflag:$0x3], $0x80, s14, s22, $0xb8;
	[tilespmem:$0x1EF80] =	vst v63  }
0x5d: {  	_ =	swait.ge [sflag:s29], $0x2800  }
0x5e: {  	[sflag:s29] =	ssyncset.done $0x0  }
0x5f: {  	[sflag:s29] =	ssyncadd.s32 $0xFFFFD800  }
0x60: {  	_ =	swait.ge [sflag:s29], $0x2800  }
0x61: {  	[sflag:s29] =	ssyncset.done $0x0  }
0x62: {  	s14 =	sadd.s32 $0xFFFFFFB0, s11;
	[sflag:s29] =	ssyncadd.s32 $0xFFFFD800  }
0x63: {  	[tilespmem:s23], [sflag:$0x1] =	stream.indirect.gather [hbm4b:s4+s22], $0x80, s14, s22, $0xb8;
	[tilespmem:$0x1EF80] =	vst v63  }
0x64: {  	_ = 	snop  }
0x65: {  	[tilespmem:s24], [sflag:$0x1] =	stream.indirect.gather [hbm4b:s4+s22], $0x80, s11, s22, $0xb8;
	[tilespmem:$0x1EF80] =	vst v63  }
0x66: {  	_ =	swait.ge [sflag:s30], $0x2800  }
0x67: {  	[sflag:s30] =	ssyncset.done $0x0  }
0x68: {  	[sflag:s30] =	ssyncadd.s32 $0xFFFFD800  }
0x69: {  	_ =	swait.ge [sflag:s30], $0x2800  }
0x6a: {  	[sflag:s30] =	ssyncset.done $0x0  }
0x6b: {  	s14 =	sadd.s32 $0x2080, s13;
	[sflag:s30] =	ssyncadd.s32 $0xFFFFD800  }
0x6c: {  	[spmem:s2] =	stream.indirect.scatter.add.f32 [tilespmem:s26], [sflag:$0x4], $0x80, s14, s22, $0xb8;
	[tilespmem:$0x1EF80] =	vst v63  }
0x6d: {  	s13 =	sadd.s32 $0x2100, s13  }
0x6e: {  	[spmem:s2] =	stream.indirect.scatter.add.f32 [tilespmem:s28], [sflag:$0x4], $0x80, s13, s22, $0xb8;
	[tilespmem:$0x1EF80] =	vst v63  }
.Ltmp0:
0x6f: {  	_ =	swait.ge [sflag:s31], $0x2800;
	(pc) =	sbr.rel @p0 .LBB2_2-.Ltmp0, $4  }
0x70: {  	[sflag:s31] =	ssyncset.done $0x0  }
0x71: {  	[sflag:s31] =	ssyncadd.s32 $0xFFFFD800  }
0x72: {  	_ =	swait.ge [sflag:s31], $0x2800  }
0x73: {  	[sflag:s31] =	ssyncset.done $0x0  }
0x74: {  	[sflag:s31] =	ssyncadd.s32 $0xFFFFD800  }
0x75: {  	_ =	swait.ge [sflag:s25], $0x2800  }
0x76: {  	[sflag:s25] =	ssyncset.done $0x0  }
0x77: {  	[sflag:s25] =	ssyncadd.s32 $0xFFFFD800  }
0x78: {  	_ =	swait.ge [sflag:s25], $0x2800  }
0x79: {  	[sflag:s25] =	ssyncset.done $0x0  }
0x7a: {  	[sflag:s25] =	ssyncadd.s32 $0xFFFFD800  }
0x7b: {  	[tilespmem:s26], [sflag:$0x2] =	stream.indirect.gather [hbm4b:s4+s22], $0x80, s0, s22, $0xb8;
	[tilespmem:$0x1EF80] =	vst v63  }
0x7c: {  	_ = 	snop  }
0x7d: {  	[tilespmem:s28], [sflag:$0x2] =	stream.indirect.gather [hbm4b:s4+s22], $0x80, s1, s22, $0xb8;
	[tilespmem:$0x1EF80] =	vst v63  }
0x7e: {  	_ = 	snop  }
0x7f: {  	[spmem:s2] =	stream.indirect.scatter.add.f32 [tilespmem:s23], [sflag:$0x3], $0x80, s16, s22, $0xb8;
	[tilespmem:$0x1EF80] =	vst v63  }
0x80: {  	_ = 	snop  }
0x81: {  	[spmem:s2] =	stream.indirect.scatter.add.f32 [tilespmem:s24], [sflag:$0x3], $0x80, s17, s22, $0xb8;
	[tilespmem:$0x1EF80] =	vst v63  }
0x82: {  	_ =	swait.ge [sflag:s29], $0x2800  }
0x83: {  	[sflag:s29] =	ssyncset.done $0x0  }
0x84: {  	[sflag:s29] =	ssyncadd.s32 $0xFFFFD800  }
0x85: {  	_ =	swait.ge [sflag:s29], $0x2800  }
0x86: {  	[sflag:s29] =	ssyncset.done $0x0  }
0x87: {  	[sflag:s29] =	ssyncadd.s32 $0xFFFFD800  }
0x88: {  	[tilespmem:s23], [sflag:$0x1] =	stream.indirect.gather [hbm4b:s4+s22], $0x80, s0, s22, $0xb8;
	[tilespmem:$0x1EF80] =	vst v63  }
0x89: {  	_ = 	snop  }
0x8a: {  	[tilespmem:s24], [sflag:$0x1] =	stream.indirect.gather [hbm4b:s4+s22], $0x80, s1, s22, $0xb8;
	[tilespmem:$0x1EF80] =	vst v63  }
0x8b: {  	_ =	swait.ge [sflag:s30], $0x2800  }
0x8c: {  	[sflag:s30] =	ssyncset.done $0x0  }
0x8d: {  	[sflag:s30] =	ssyncadd.s32 $0xFFFFD800  }
0x8e: {  	_ =	swait.ge [sflag:s30], $0x2800  }
0x8f: {  	[sflag:s30] =	ssyncset.done $0x0  }
0x90: {  	[sflag:s30] =	ssyncadd.s32 $0xFFFFD800  }
0x91: {  	[spmem:s2] =	stream.indirect.scatter.add.f32 [tilespmem:s26], [sflag:$0x4], $0x80, s19, s22, $0xb8;
	[tilespmem:$0x1EF80] =	vst v63  }
0x92: {  	_ = 	snop  }
0x93: {  	[spmem:s2] =	stream.indirect.scatter.add.f32 [tilespmem:s28], [sflag:$0x4], $0x80, s9, s22, $0xb8;
	[tilespmem:$0x1EF80] =	vst v63  }
0x94: {  	_ =	swait.ge [sflag:s31], $0x2800  }
0x95: {  	[sflag:s31] =	ssyncset.done $0x0  }
0x96: {  	[sflag:s31] =	ssyncadd.s32 $0xFFFFD800  }
0x97: {  	_ =	swait.ge [sflag:s31], $0x2800  }
0x98: {  	[sflag:s31] =	ssyncset.done $0x0  }
0x99: {  	[sflag:s31] =	ssyncadd.s32 $0xFFFFD800  }
0x9a: {  	_ =	swait.ge [sflag:s25], $0x2800  }
0x9b: {  	[sflag:s25] =	ssyncset.done $0x0  }
0x9c: {  	[sflag:s25] =	ssyncadd.s32 $0xFFFFD800  }
0x9d: {  	_ =	swait.ge [sflag:s25], $0x2800  }
0x9e: {  	[sflag:s25] =	ssyncset.done $0x0  }
0x9f: {  	[sflag:s25] =	ssyncadd.s32 $0xFFFFD800  }
0xa0: {  	[bflag:$0x0] =	sbarrier.arrive $0xFFFF  }
0xa1: {  	s11 =	rddreg [dreg:$0x5]  }
0xa2: {  	[hbm:s11], [sflag:s20] =	dma.local [spmem:s21], $0x1F80  }
0xa3: {  	_ =	swait.ge [sflag:s18], $0x1F80  }
0xa4: {  	[sflag:s18] =	ssyncset.done $0x0  }
0xa5: {  	[sflag:s18] =	ssyncadd.s32 $0xFFFFE080  }
0xa6: {  	[spmem:s21], [sflag:s20] =	dma.local [hbm:s8], $0x1F80  }
0xa7: {  	_ =	swait.ge [sflag:s18], $0x1F80  }
0xa8: {  	[sflag:s18] =	ssyncset.done $0x0  }
0xa9: {  	[sflag:s18] =	ssyncadd.s32 $0xFFFFE080  }
0xaa: {  	s14 =	simm.s32 $0x0;
	[bflag:$0x0] =	sbarrier.arrive $0xFFFF  }
0xab: {  	[tilespmem:s23], [sflag:$0x1] =	stream.indirect.gather [hbm4b:s5+s22], $0x80, s14, s22, $0xb8;
	[tilespmem:$0x1EF80] =	vst v63  }
0xac: {  	_ = 	snop  }
0xad: {  	[tilespmem:s24], [sflag:$0x1] =	stream.indirect.gather [hbm4b:s5+s22], $0x80, s22, s22, $0xb8;
	[tilespmem:$0x1EF80] =	vst v63  }
0xae: {  	_ =	swait.ge [sflag:s25], $0x2800  }
0xaf: {  	[sflag:s25] =	ssyncset.done $0x0  }
0xb0: {  	[sflag:s25] =	ssyncadd.s32 $0xFFFFD800  }
0xb1: {  	_ =	swait.ge [sflag:s25], $0x2800  }
0xb2: {  	[sflag:s25] =	ssyncset.done $0x0  }
0xb3: {  	s12 =	simm.s32 $0xA0;
	[sflag:s25] =	ssyncadd.s32 $0xFFFFD800  }
0xb4: {  	[tilespmem:s26], [sflag:$0x2] =	stream.indirect.gather [hbm4b:s5+s22], $0x80, s12, s22, $0xb8;
	[tilespmem:$0x1EF80] =	vst v63  }
0xb5: {  	s13 =	simm.s32 $0xF0  }
0xb6: {  	[tilespmem:s28], [sflag:$0x2] =	stream.indirect.gather [hbm4b:s5+s22], $0x80, s13, s22, $0xb8;
	[tilespmem:$0x1EF80] =	vst v63  }
0xb7: {  	s14 =	simm.s32 $0x1F80  }
0xb8: {  	[spmem:s2] =	stream.indirect.scatter.add.f32 [tilespmem:s23], [sflag:$0x3], $0x80, s14, s22, $0xb8;
	[tilespmem:$0x1EF80] =	vst v63  }
0xb9: {  	s12 =	simm.s32 $0x2000  }
0xba: {  	[spmem:s2] =	stream.indirect.scatter.add.f32 [tilespmem:s24], [sflag:$0x3], $0x80, s12, s22, $0xb8;
	[tilespmem:$0x1EF80] =	vst v63  }
0xbb: {  	_ =	swait.ge [sflag:s29], $0x2800  }
0xbc: {  	[sflag:s29] =	ssyncset.done $0x0  }
0xbd: {  	[sflag:s29] =	ssyncadd.s32 $0xFFFFD800  }
0xbe: {  	_ =	swait.ge [sflag:s29], $0x2800  }
0xbf: {  	[sflag:s29] =	ssyncset.done $0x0  }
0xc0: {  	s13 =	simm.s32 $0x140;
	[sflag:s29] =	ssyncadd.s32 $0xFFFFD800  }
0xc1: {  	[tilespmem:s23], [sflag:$0x1] =	stream.indirect.gather [hbm4b:s5+s22], $0x80, s13, s22, $0xb8;
	[tilespmem:$0x1EF80] =	vst v63  }
0xc2: {  	s11 =	simm.s32 $0x190  }
0xc3: {  	[tilespmem:s24], [sflag:$0x1] =	stream.indirect.gather [hbm4b:s5+s22], $0x80, s11, s22, $0xb8;
	[tilespmem:$0x1EF80] =	vst v63  }
0xc4: {  	_ =	swait.ge [sflag:s30], $0x2800  }
0xc5: {  	[sflag:s30] =	ssyncset.done $0x0  }
0xc6: {  	[sflag:s30] =	ssyncadd.s32 $0xFFFFD800  }
0xc7: {  	_ =	swait.ge [sflag:s30], $0x2800  }
0xc8: {  	[sflag:s30] =	ssyncset.done $0x0  }
0xc9: {  	s12 =	simm.s32 $0x2080;
	[sflag:s30] =	ssyncadd.s32 $0xFFFFD800  }
0xca: {  	[spmem:s2] =	stream.indirect.scatter.add.f32 [tilespmem:s26], [sflag:$0x4], $0x80, s12, s22, $0xb8;
	[tilespmem:$0x1EF80] =	vst v63  }
0xcb: {  	s14 =	simm.s32 $0x2100  }
0xcc: {  	[spmem:s2] =	stream.indirect.scatter.add.f32 [tilespmem:s28], [sflag:$0x4], $0x80, s14, s22, $0xb8;
	[tilespmem:$0x1EF80] =	vst v63  }
0xcd: {  	_ =	swait.ge [sflag:s31], $0x2800  }
0xce: {  	[sflag:s31] =	ssyncset.done $0x0  }
0xcf: {  	[sflag:s31] =	ssyncadd.s32 $0xFFFFD800  }
0xd0: {  	_ =	swait.ge [sflag:s31], $0x2800  }
0xd1: {  	s12 =	simm.s32 $0x800;
	[sflag:s31] =	ssyncset.done $0x0  }
.LBB2_4:
0xd2: {  	p0 =	sne.s32 s12, $0xB800;
	[sflag:s31] =	ssyncadd.s32 $0xFFFFD800;
	s11 =	sadd.s32 $0x140, s11  }
0xd3: {  	s13 =	smov.u32 s12;
	s12 =	sadd.s32 $0x800, s12;
	_ =	swait.ge [sflag:s25], $0x2800  }
0xd4: {  	[sflag:s25] =	ssyncset.done $0x0  }
0xd5: {  	[sflag:s25] =	ssyncadd.s32 $0xFFFFD800  }
0xd6: {  	_ =	swait.ge [sflag:s25], $0x2800  }
0xd7: {  	[sflag:s25] =	ssyncset.done $0x0  }
0xd8: {  	s14 =	sadd.s32 $0xFFFFFF10, s11;
	[sflag:s25] =	ssyncadd.s32 $0xFFFFD800  }
0xd9: {  	[tilespmem:s26], [sflag:$0x2] =	stream.indirect.gather [hbm4b:s5+s22], $0x80, s14, s22, $0xb8;
	[tilespmem:$0x1EF80] =	vst v63  }
0xda: {  	s13 =	sshra.s32 s13, $0x2;
	s14 =	sadd.s32 $0xFFFFFF60, s11  }
0xdb: {  	[tilespmem:s28], [sflag:$0x2] =	stream.indirect.gather [hbm4b:s5+s22], $0x80, s14, s22, $0xb8;
	[tilespmem:$0x1EF80] =	vst v63  }
0xdc: {  	s14 =	sadd.s32 $0x1F80, s13  }
0xdd: {  	[spmem:s2] =	stream.indirect.scatter.add.f32 [tilespmem:s23], [sflag:$0x3], $0x80, s14, s22, $0xb8;
	[tilespmem:$0x1EF80] =	vst v63  }
0xde: {  	s14 =	sadd.s32 $0x2000, s13  }
0xdf: {  	[spmem:s2] =	stream.indirect.scatter.add.f32 [tilespmem:s24], [sflag:$0x3], $0x80, s14, s22, $0xb8;
	[tilespmem:$0x1EF80] =	vst v63  }
0xe0: {  	_ =	swait.ge [sflag:s29], $0x2800  }
0xe1: {  	[sflag:s29] =	ssyncset.done $0x0  }
0xe2: {  	[sflag:s29] =	ssyncadd.s32 $0xFFFFD800  }
0xe3: {  	_ =	swait.ge [sflag:s29], $0x2800  }
0xe4: {  	[sflag:s29] =	ssyncset.done $0x0  }
0xe5: {  	s14 =	sadd.s32 $0xFFFFFFB0, s11;
	[sflag:s29] =	ssyncadd.s32 $0xFFFFD800  }
0xe6: {  	[tilespmem:s23], [sflag:$0x1] =	stream.indirect.gather [hbm4b:s5+s22], $0x80, s14, s22, $0xb8;
	[tilespmem:$0x1EF80] =	vst v63  }
0xe7: {  	_ = 	snop  }
0xe8: {  	[tilespmem:s24], [sflag:$0x1] =	stream.indirect.gather [hbm4b:s5+s22], $0x80, s11, s22, $0xb8;
	[tilespmem:$0x1EF80] =	vst v63  }
0xe9: {  	_ =	swait.ge [sflag:s30], $0x2800  }
0xea: {  	[sflag:s30] =	ssyncset.done $0x0  }
0xeb: {  	[sflag:s30] =	ssyncadd.s32 $0xFFFFD800  }
0xec: {  	_ =	swait.ge [sflag:s30], $0x2800  }
0xed: {  	[sflag:s30] =	ssyncset.done $0x0  }
0xee: {  	s14 =	sadd.s32 $0x2080, s13;
	[sflag:s30] =	ssyncadd.s32 $0xFFFFD800  }
0xef: {  	[spmem:s2] =	stream.indirect.scatter.add.f32 [tilespmem:s26], [sflag:$0x4], $0x80, s14, s22, $0xb8;
	[tilespmem:$0x1EF80] =	vst v63  }
0xf0: {  	s13 =	sadd.s32 $0x2100, s13  }
0xf1: {  	[spmem:s2] =	stream.indirect.scatter.add.f32 [tilespmem:s28], [sflag:$0x4], $0x80, s13, s22, $0xb8;
	[tilespmem:$0x1EF80] =	vst v63  }
.Ltmp1:
0xf2: {  	_ =	swait.ge [sflag:s31], $0x2800;
	(pc) =	sbr.rel @p0 .LBB2_4-.Ltmp1, $4  }
0xf3: {  	[sflag:s31] =	ssyncset.done $0x0  }
0xf4: {  	[sflag:s31] =	ssyncadd.s32 $0xFFFFD800  }
0xf5: {  	_ =	swait.ge [sflag:s31], $0x2800  }
0xf6: {  	[sflag:s31] =	ssyncset.done $0x0  }
0xf7: {  	[sflag:s31] =	ssyncadd.s32 $0xFFFFD800  }
0xf8: {  	_ =	swait.ge [sflag:s25], $0x2800  }
0xf9: {  	[sflag:s25] =	ssyncset.done $0x0  }
0xfa: {  	[sflag:s25] =	ssyncadd.s32 $0xFFFFD800  }
0xfb: {  	_ =	swait.ge [sflag:s25], $0x2800  }
0xfc: {  	[sflag:s25] =	ssyncset.done $0x0  }
0xfd: {  	[sflag:s25] =	ssyncadd.s32 $0xFFFFD800  }
0xfe: {  	[tilespmem:s26], [sflag:$0x2] =	stream.indirect.gather [hbm4b:s5+s22], $0x80, s0, s22, $0xb8;
	[tilespmem:$0x1EF80] =	vst v63  }
0xff: {  	_ = 	snop  }
0x100: {  	[tilespmem:s28], [sflag:$0x2] =	stream.indirect.gather [hbm4b:s5+s22], $0x80, s1, s22, $0xb8;
	[tilespmem:$0x1EF80] =	vst v63  }
0x101: {  	_ = 	snop  }
0x102: {  	[spmem:s2] =	stream.indirect.scatter.add.f32 [tilespmem:s23], [sflag:$0x3], $0x80, s16, s22, $0xb8;
	[tilespmem:$0x1EF80] =	vst v63  }
0x103: {  	_ = 	snop  }
0x104: {  	[spmem:s2] =	stream.indirect.scatter.add.f32 [tilespmem:s24], [sflag:$0x3], $0x80, s17, s22, $0xb8;
	[tilespmem:$0x1EF80] =	vst v63  }
0x105: {  	_ =	swait.ge [sflag:s29], $0x2800  }
0x106: {  	[sflag:s29] =	ssyncset.done $0x0  }
0x107: {  	[sflag:s29] =	ssyncadd.s32 $0xFFFFD800  }
0x108: {  	_ =	swait.ge [sflag:s29], $0x2800  }
0x109: {  	[sflag:s29] =	ssyncset.done $0x0  }
0x10a: {  	[sflag:s29] =	ssyncadd.s32 $0xFFFFD800  }
0x10b: {  	[tilespmem:s23], [sflag:$0x1] =	stream.indirect.gather [hbm4b:s5+s22], $0x80, s0, s22, $0xb8;
	[tilespmem:$0x1EF80] =	vst v63  }
0x10c: {  	_ = 	snop  }
0x10d: {  	[tilespmem:s24], [sflag:$0x1] =	stream.indirect.gather [hbm4b:s5+s22], $0x80, s1, s22, $0xb8;
	[tilespmem:$0x1EF80] =	vst v63  }
0x10e: {  	_ =	swait.ge [sflag:s30], $0x2800  }
0x10f: {  	[sflag:s30] =	ssyncset.done $0x0  }
0x110: {  	[sflag:s30] =	ssyncadd.s32 $0xFFFFD800  }
0x111: {  	_ =	swait.ge [sflag:s30], $0x2800  }
0x112: {  	[sflag:s30] =	ssyncset.done $0x0  }
0x113: {  	[sflag:s30] =	ssyncadd.s32 $0xFFFFD800  }
0x114: {  	[spmem:s2] =	stream.indirect.scatter.add.f32 [tilespmem:s26], [sflag:$0x4], $0x80, s19, s22, $0xb8;
	[tilespmem:$0x1EF80] =	vst v63  }
0x115: {  	_ = 	snop  }
0x116: {  	[spmem:s2] =	stream.indirect.scatter.add.f32 [tilespmem:s28], [sflag:$0x4], $0x80, s9, s22, $0xb8;
	[tilespmem:$0x1EF80] =	vst v63  }
0x117: {  	_ =	swait.ge [sflag:s31], $0x2800  }
0x118: {  	[sflag:s31] =	ssyncset.done $0x0  }
0x119: {  	[sflag:s31] =	ssyncadd.s32 $0xFFFFD800  }
0x11a: {  	_ =	swait.ge [sflag:s31], $0x2800  }
0x11b: {  	[sflag:s31] =	ssyncset.done $0x0  }
0x11c: {  	[sflag:s31] =	ssyncadd.s32 $0xFFFFD800  }
0x11d: {  	_ =	swait.ge [sflag:s25], $0x2800  }
0x11e: {  	[sflag:s25] =	ssyncset.done $0x0  }
0x11f: {  	[sflag:s25] =	ssyncadd.s32 $0xFFFFD800  }
0x120: {  	_ =	swait.ge [sflag:s25], $0x2800  }
0x121: {  	[sflag:s25] =	ssyncset.done $0x0  }
0x122: {  	[sflag:s25] =	ssyncadd.s32 $0xFFFFD800  }
0x123: {  	[bflag:$0x0] =	sbarrier.arrive $0xFFFF  }
0x124: {  	s11 =	rddreg [dreg:$0x6]  }
0x125: {  	[hbm:s11], [sflag:s20] =	dma.local [spmem:s21], $0x1F80  }
0x126: {  	_ =	swait.ge [sflag:s18], $0x1F80  }
0x127: {  	[sflag:s18] =	ssyncset.done $0x0  }
0x128: {  	[sflag:s18] =	ssyncadd.s32 $0xFFFFE080  }
0x129: {  	[spmem:s21], [sflag:s20] =	dma.local [hbm:s8], $0x1F80  }
0x12a: {  	_ =	swait.ge [sflag:s18], $0x1F80  }
0x12b: {  	[sflag:s18] =	ssyncset.done $0x0  }
0x12c: {  	[sflag:s18] =	ssyncadd.s32 $0xFFFFE080  }
0x12d: {  	s14 =	simm.s32 $0x0;
	[bflag:$0x0] =	sbarrier.arrive $0xFFFF  }
0x12e: {  	[tilespmem:s23], [sflag:$0x1] =	stream.indirect.gather [hbm4b:s6+s22], $0x80, s14, s22, $0xb8;
	[tilespmem:$0x1EF80] =	vst v63  }
0x12f: {  	_ = 	snop  }
0x130: {  	[tilespmem:s24], [sflag:$0x1] =	stream.indirect.gather [hbm4b:s6+s22], $0x80, s22, s22, $0xb8;
	[tilespmem:$0x1EF80] =	vst v63  }
0x131: {  	_ =	swait.ge [sflag:s25], $0x2800  }
0x132: {  	[sflag:s25] =	ssyncset.done $0x0  }
0x133: {  	[sflag:s25] =	ssyncadd.s32 $0xFFFFD800  }
0x134: {  	_ =	swait.ge [sflag:s25], $0x2800  }
0x135: {  	[sflag:s25] =	ssyncset.done $0x0  }
0x136: {  	s12 =	simm.s32 $0xA0;
	[sflag:s25] =	ssyncadd.s32 $0xFFFFD800  }
0x137: {  	[tilespmem:s26], [sflag:$0x2] =	stream.indirect.gather [hbm4b:s6+s22], $0x80, s12, s22, $0xb8;
	[tilespmem:$0x1EF80] =	vst v63  }
0x138: {  	s13 =	simm.s32 $0xF0  }
0x139: {  	[tilespmem:s28], [sflag:$0x2] =	stream.indirect.gather [hbm4b:s6+s22], $0x80, s13, s22, $0xb8;
	[tilespmem:$0x1EF80] =	vst v63  }
0x13a: {  	s14 =	simm.s32 $0x1F80  }
0x13b: {  	[spmem:s2] =	stream.indirect.scatter.add.f32 [tilespmem:s23], [sflag:$0x3], $0x80, s14, s22, $0xb8;
	[tilespmem:$0x1EF80] =	vst v63  }
0x13c: {  	s12 =	simm.s32 $0x2000  }
0x13d: {  	[spmem:s2] =	stream.indirect.scatter.add.f32 [tilespmem:s24], [sflag:$0x3], $0x80, s12, s22, $0xb8;
	[tilespmem:$0x1EF80] =	vst v63  }
0x13e: {  	_ =	swait.ge [sflag:s29], $0x2800  }
0x13f: {  	[sflag:s29] =	ssyncset.done $0x0  }
0x140: {  	[sflag:s29] =	ssyncadd.s32 $0xFFFFD800  }
0x141: {  	_ =	swait.ge [sflag:s29], $0x2800  }
0x142: {  	[sflag:s29] =	ssyncset.done $0x0  }
0x143: {  	s13 =	simm.s32 $0x140;
	[sflag:s29] =	ssyncadd.s32 $0xFFFFD800  }
0x144: {  	[tilespmem:s23], [sflag:$0x1] =	stream.indirect.gather [hbm4b:s6+s22], $0x80, s13, s22, $0xb8;
	[tilespmem:$0x1EF80] =	vst v63  }
0x145: {  	s11 =	simm.s32 $0x190  }
0x146: {  	[tilespmem:s24], [sflag:$0x1] =	stream.indirect.gather [hbm4b:s6+s22], $0x80, s11, s22, $0xb8;
	[tilespmem:$0x1EF80] =	vst v63  }
0x147: {  	_ =	swait.ge [sflag:s30], $0x2800  }
0x148: {  	[sflag:s30] =	ssyncset.done $0x0  }
0x149: {  	[sflag:s30] =	ssyncadd.s32 $0xFFFFD800  }
0x14a: {  	_ =	swait.ge [sflag:s30], $0x2800  }
0x14b: {  	[sflag:s30] =	ssyncset.done $0x0  }
0x14c: {  	s12 =	simm.s32 $0x2080;
	[sflag:s30] =	ssyncadd.s32 $0xFFFFD800  }
0x14d: {  	[spmem:s2] =	stream.indirect.scatter.add.f32 [tilespmem:s26], [sflag:$0x4], $0x80, s12, s22, $0xb8;
	[tilespmem:$0x1EF80] =	vst v63  }
0x14e: {  	s14 =	simm.s32 $0x2100  }
0x14f: {  	[spmem:s2] =	stream.indirect.scatter.add.f32 [tilespmem:s28], [sflag:$0x4], $0x80, s14, s22, $0xb8;
	[tilespmem:$0x1EF80] =	vst v63  }
0x150: {  	_ =	swait.ge [sflag:s31], $0x2800  }
0x151: {  	[sflag:s31] =	ssyncset.done $0x0  }
0x152: {  	[sflag:s31] =	ssyncadd.s32 $0xFFFFD800  }
0x153: {  	_ =	swait.ge [sflag:s31], $0x2800  }
0x154: {  	s12 =	simm.s32 $0x800;
	[sflag:s31] =	ssyncset.done $0x0  }
.LBB2_6:
0x155: {  	p0 =	sne.s32 s12, $0xB800;
	[sflag:s31] =	ssyncadd.s32 $0xFFFFD800;
	s11 =	sadd.s32 $0x140, s11  }
0x156: {  	s13 =	smov.u32 s12;
	s12 =	sadd.s32 $0x800, s12;
	_ =	swait.ge [sflag:s25], $0x2800  }
0x157: {  	[sflag:s25] =	ssyncset.done $0x0  }
0x158: {  	[sflag:s25] =	ssyncadd.s32 $0xFFFFD800  }
0x159: {  	_ =	swait.ge [sflag:s25], $0x2800  }
0x15a: {  	[sflag:s25] =	ssyncset.done $0x0  }
0x15b: {  	s14 =	sadd.s32 $0xFFFFFF10, s11;
	[sflag:s25] =	ssyncadd.s32 $0xFFFFD800  }
0x15c: {  	[tilespmem:s26], [sflag:$0x2] =	stream.indirect.gather [hbm4b:s6+s22], $0x80, s14, s22, $0xb8;
	[tilespmem:$0x1EF80] =	vst v63  }
0x15d: {  	s13 =	sshra.s32 s13, $0x2;
	s14 =	sadd.s32 $0xFFFFFF60, s11  }
0x15e: {  	[tilespmem:s28], [sflag:$0x2] =	stream.indirect.gather [hbm4b:s6+s22], $0x80, s14, s22, $0xb8;
	[tilespmem:$0x1EF80] =	vst v63  }
0x15f: {  	s14 =	sadd.s32 $0x1F80, s13  }
0x160: {  	[spmem:s2] =	stream.indirect.scatter.add.f32 [tilespmem:s23], [sflag:$0x3], $0x80, s14, s22, $0xb8;
	[tilespmem:$0x1EF80] =	vst v63  }
0x161: {  	s14 =	sadd.s32 $0x2000, s13  }
0x162: {  	[spmem:s2] =	stream.indirect.scatter.add.f32 [tilespmem:s24], [sflag:$0x3], $0x80, s14, s22, $0xb8;
	[tilespmem:$0x1EF80] =	vst v63  }
0x163: {  	_ =	swait.ge [sflag:s29], $0x2800  }
0x164: {  	[sflag:s29] =	ssyncset.done $0x0  }
0x165: {  	[sflag:s29] =	ssyncadd.s32 $0xFFFFD800  }
0x166: {  	_ =	swait.ge [sflag:s29], $0x2800  }
0x167: {  	[sflag:s29] =	ssyncset.done $0x0  }
0x168: {  	s14 =	sadd.s32 $0xFFFFFFB0, s11;
	[sflag:s29] =	ssyncadd.s32 $0xFFFFD800  }
0x169: {  	[tilespmem:s23], [sflag:$0x1] =	stream.indirect.gather [hbm4b:s6+s22], $0x80, s14, s22, $0xb8;
	[tilespmem:$0x1EF80] =	vst v63  }
0x16a: {  	_ = 	snop  }
0x16b: {  	[tilespmem:s24], [sflag:$0x1] =	stream.indirect.gather [hbm4b:s6+s22], $0x80, s11, s22, $0xb8;
	[tilespmem:$0x1EF80] =	vst v63  }
0x16c: {  	_ =	swait.ge [sflag:s30], $0x2800  }
0x16d: {  	[sflag:s30] =	ssyncset.done $0x0  }
0x16e: {  	[sflag:s30] =	ssyncadd.s32 $0xFFFFD800  }
0x16f: {  	_ =	swait.ge [sflag:s30], $0x2800  }
0x170: {  	[sflag:s30] =	ssyncset.done $0x0  }
0x171: {  	s14 =	sadd.s32 $0x2080, s13;
	[sflag:s30] =	ssyncadd.s32 $0xFFFFD800  }
0x172: {  	[spmem:s2] =	stream.indirect.scatter.add.f32 [tilespmem:s26], [sflag:$0x4], $0x80, s14, s22, $0xb8;
	[tilespmem:$0x1EF80] =	vst v63  }
0x173: {  	s13 =	sadd.s32 $0x2100, s13  }
0x174: {  	[spmem:s2] =	stream.indirect.scatter.add.f32 [tilespmem:s28], [sflag:$0x4], $0x80, s13, s22, $0xb8;
	[tilespmem:$0x1EF80] =	vst v63  }
.Ltmp2:
0x175: {  	_ =	swait.ge [sflag:s31], $0x2800;
	(pc) =	sbr.rel @p0 .LBB2_6-.Ltmp2, $4  }
0x176: {  	[sflag:s31] =	ssyncset.done $0x0  }
0x177: {  	[sflag:s31] =	ssyncadd.s32 $0xFFFFD800  }
0x178: {  	_ =	swait.ge [sflag:s31], $0x2800  }
0x179: {  	[sflag:s31] =	ssyncset.done $0x0  }
0x17a: {  	[sflag:s31] =	ssyncadd.s32 $0xFFFFD800  }
0x17b: {  	_ =	swait.ge [sflag:s25], $0x2800  }
0x17c: {  	[sflag:s25] =	ssyncset.done $0x0  }
0x17d: {  	[sflag:s25] =	ssyncadd.s32 $0xFFFFD800  }
0x17e: {  	_ =	swait.ge [sflag:s25], $0x2800  }
0x17f: {  	[sflag:s25] =	ssyncset.done $0x0  }
0x180: {  	[sflag:s25] =	ssyncadd.s32 $0xFFFFD800  }
0x181: {  	[tilespmem:s26], [sflag:$0x2] =	stream.indirect.gather [hbm4b:s6+s22], $0x80, s0, s22, $0xb8;
	[tilespmem:$0x1EF80] =	vst v63  }
0x182: {  	_ = 	snop  }
0x183: {  	[tilespmem:s28], [sflag:$0x2] =	stream.indirect.gather [hbm4b:s6+s22], $0x80, s1, s22, $0xb8;
	[tilespmem:$0x1EF80] =	vst v63  }
0x184: {  	_ = 	snop  }
0x185: {  	[spmem:s2] =	stream.indirect.scatter.add.f32 [tilespmem:s23], [sflag:$0x3], $0x80, s16, s22, $0xb8;
	[tilespmem:$0x1EF80] =	vst v63  }
0x186: {  	_ = 	snop  }
0x187: {  	[spmem:s2] =	stream.indirect.scatter.add.f32 [tilespmem:s24], [sflag:$0x3], $0x80, s17, s22, $0xb8;
	[tilespmem:$0x1EF80] =	vst v63  }
0x188: {  	_ =	swait.ge [sflag:s29], $0x2800  }
0x189: {  	[sflag:s29] =	ssyncset.done $0x0  }
0x18a: {  	[sflag:s29] =	ssyncadd.s32 $0xFFFFD800  }
0x18b: {  	_ =	swait.ge [sflag:s29], $0x2800  }
0x18c: {  	[sflag:s29] =	ssyncset.done $0x0  }
0x18d: {  	[sflag:s29] =	ssyncadd.s32 $0xFFFFD800  }
0x18e: {  	[tilespmem:s23], [sflag:$0x1] =	stream.indirect.gather [hbm4b:s6+s22], $0x80, s0, s22, $0xb8;
	[tilespmem:$0x1EF80] =	vst v63  }
0x18f: {  	_ = 	snop  }
0x190: {  	[tilespmem:s24], [sflag:$0x1] =	stream.indirect.gather [hbm4b:s6+s22], $0x80, s1, s22, $0xb8;
	[tilespmem:$0x1EF80] =	vst v63  }
0x191: {  	_ =	swait.ge [sflag:s30], $0x2800  }
0x192: {  	[sflag:s30] =	ssyncset.done $0x0  }
0x193: {  	[sflag:s30] =	ssyncadd.s32 $0xFFFFD800  }
0x194: {  	_ =	swait.ge [sflag:s30], $0x2800  }
0x195: {  	[sflag:s30] =	ssyncset.done $0x0  }
0x196: {  	[sflag:s30] =	ssyncadd.s32 $0xFFFFD800  }
0x197: {  	[spmem:s2] =	stream.indirect.scatter.add.f32 [tilespmem:s26], [sflag:$0x4], $0x80, s19, s22, $0xb8;
	[tilespmem:$0x1EF80] =	vst v63  }
0x198: {  	_ = 	snop  }
0x199: {  	[spmem:s2] =	stream.indirect.scatter.add.f32 [tilespmem:s28], [sflag:$0x4], $0x80, s9, s22, $0xb8;
	[tilespmem:$0x1EF80] =	vst v63  }
0x19a: {  	_ =	swait.ge [sflag:s31], $0x2800  }
0x19b: {  	[sflag:s31] =	ssyncset.done $0x0  }
0x19c: {  	[sflag:s31] =	ssyncadd.s32 $0xFFFFD800  }
0x19d: {  	_ =	swait.ge [sflag:s31], $0x2800  }
0x19e: {  	[sflag:s31] =	ssyncset.done $0x0  }
0x19f: {  	[sflag:s31] =	ssyncadd.s32 $0xFFFFD800  }
0x1a0: {  	_ =	swait.ge [sflag:s25], $0x2800  }
0x1a1: {  	[sflag:s25] =	ssyncset.done $0x0  }
0x1a2: {  	[sflag:s25] =	ssyncadd.s32 $0xFFFFD800  }
0x1a3: {  	_ =	swait.ge [sflag:s25], $0x2800  }
0x1a4: {  	[sflag:s25] =	ssyncset.done $0x0  }
0x1a5: {  	[sflag:s25] =	ssyncadd.s32 $0xFFFFD800  }
0x1a6: {  	[bflag:$0x0] =	sbarrier.arrive $0xFFFF  }
0x1a7: {  	s11 =	rddreg [dreg:$0x7]  }
0x1a8: {  	[hbm:s11], [sflag:s20] =	dma.local [spmem:s21], $0x1F80  }
0x1a9: {  	_ =	swait.ge [sflag:s18], $0x1F80  }
0x1aa: {  	[sflag:s18] =	ssyncset.done $0x0  }
0x1ab: {  	[sflag:s18] =	ssyncadd.s32 $0xFFFFE080  }
0x1ac: {  	[spmem:s21], [sflag:s20] =	dma.local [hbm:s8], $0x1F80  }
0x1ad: {  	_ =	swait.ge [sflag:s18], $0x1F80  }
0x1ae: {  	[sflag:s18] =	ssyncset.done $0x0  }
0x1af: {  	[sflag:s18] =	ssyncadd.s32 $0xFFFFE080  }
0x1b0: {  	s14 =	simm.s32 $0x0;
	[bflag:$0x0] =	sbarrier.arrive $0xFFFF  }
0x1b1: {  	[tilespmem:s23], [sflag:$0x1] =	stream.indirect.gather [hbm4b:s7+s22], $0x80, s14, s22, $0xb8;
	[tilespmem:$0x1EF80] =	vst v63  }
0x1b2: {  	_ = 	snop  }
0x1b3: {  	[tilespmem:s24], [sflag:$0x1] =	stream.indirect.gather [hbm4b:s7+s22], $0x80, s22, s22, $0xb8;
	[tilespmem:$0x1EF80] =	vst v63  }
0x1b4: {  	_ =	swait.ge [sflag:s25], $0x2800  }
0x1b5: {  	[sflag:s25] =	ssyncset.done $0x0  }
0x1b6: {  	[sflag:s25] =	ssyncadd.s32 $0xFFFFD800  }
0x1b7: {  	_ =	swait.ge [sflag:s25], $0x2800  }
0x1b8: {  	[sflag:s25] =	ssyncset.done $0x0  }
0x1b9: {  	s12 =	simm.s32 $0xA0;
	[sflag:s25] =	ssyncadd.s32 $0xFFFFD800  }
0x1ba: {  	[tilespmem:s26], [sflag:$0x2] =	stream.indirect.gather [hbm4b:s7+s22], $0x80, s12, s22, $0xb8;
	[tilespmem:$0x1EF80] =	vst v63  }
0x1bb: {  	s13 =	simm.s32 $0xF0  }
0x1bc: {  	[tilespmem:s28], [sflag:$0x2] =	stream.indirect.gather [hbm4b:s7+s22], $0x80, s13, s22, $0xb8;
	[tilespmem:$0x1EF80] =	vst v63  }
0x1bd: {  	s14 =	simm.s32 $0x1F80  }
0x1be: {  	[spmem:s2] =	stream.indirect.scatter.add.f32 [tilespmem:s23], [sflag:$0x3], $0x80, s14, s22, $0xb8;
	[tilespmem:$0x1EF80] =	vst v63  }
0x1bf: {  	s12 =	simm.s32 $0x2000  }
0x1c0: {  	[spmem:s2] =	stream.indirect.scatter.add.f32 [tilespmem:s24], [sflag:$0x3], $0x80, s12, s22, $0xb8;
	[tilespmem:$0x1EF80] =	vst v63  }
0x1c1: {  	_ =	swait.ge [sflag:s29], $0x2800  }
0x1c2: {  	[sflag:s29] =	ssyncset.done $0x0  }
0x1c3: {  	[sflag:s29] =	ssyncadd.s32 $0xFFFFD800  }
0x1c4: {  	_ =	swait.ge [sflag:s29], $0x2800  }
0x1c5: {  	[sflag:s29] =	ssyncset.done $0x0  }
0x1c6: {  	s13 =	simm.s32 $0x140;
	[sflag:s29] =	ssyncadd.s32 $0xFFFFD800  }
0x1c7: {  	[tilespmem:s23], [sflag:$0x1] =	stream.indirect.gather [hbm4b:s7+s22], $0x80, s13, s22, $0xb8;
	[tilespmem:$0x1EF80] =	vst v63  }
0x1c8: {  	s11 =	simm.s32 $0x190  }
0x1c9: {  	[tilespmem:s24], [sflag:$0x1] =	stream.indirect.gather [hbm4b:s7+s22], $0x80, s11, s22, $0xb8;
	[tilespmem:$0x1EF80] =	vst v63  }
0x1ca: {  	_ =	swait.ge [sflag:s30], $0x2800  }
0x1cb: {  	[sflag:s30] =	ssyncset.done $0x0  }
0x1cc: {  	[sflag:s30] =	ssyncadd.s32 $0xFFFFD800  }
0x1cd: {  	_ =	swait.ge [sflag:s30], $0x2800  }
0x1ce: {  	[sflag:s30] =	ssyncset.done $0x0  }
0x1cf: {  	s12 =	simm.s32 $0x2080;
	[sflag:s30] =	ssyncadd.s32 $0xFFFFD800  }
0x1d0: {  	[spmem:s2] =	stream.indirect.scatter.add.f32 [tilespmem:s26], [sflag:$0x4], $0x80, s12, s22, $0xb8;
	[tilespmem:$0x1EF80] =	vst v63  }
0x1d1: {  	s14 =	simm.s32 $0x2100  }
0x1d2: {  	[spmem:s2] =	stream.indirect.scatter.add.f32 [tilespmem:s28], [sflag:$0x4], $0x80, s14, s22, $0xb8;
	[tilespmem:$0x1EF80] =	vst v63  }
0x1d3: {  	_ =	swait.ge [sflag:s31], $0x2800  }
0x1d4: {  	[sflag:s31] =	ssyncset.done $0x0  }
0x1d5: {  	[sflag:s31] =	ssyncadd.s32 $0xFFFFD800  }
0x1d6: {  	_ =	swait.ge [sflag:s31], $0x2800  }
0x1d7: {  	s12 =	simm.s32 $0x800;
	[sflag:s31] =	ssyncset.done $0x0  }
.LBB2_8:
0x1d8: {  	p0 =	sne.s32 s12, $0xB800;
	[sflag:s31] =	ssyncadd.s32 $0xFFFFD800;
	s11 =	sadd.s32 $0x140, s11  }
0x1d9: {  	s13 =	smov.u32 s12;
	s12 =	sadd.s32 $0x800, s12;
	_ =	swait.ge [sflag:s25], $0x2800  }
0x1da: {  	[sflag:s25] =	ssyncset.done $0x0  }
0x1db: {  	[sflag:s25] =	ssyncadd.s32 $0xFFFFD800  }
0x1dc: {  	_ =	swait.ge [sflag:s25], $0x2800  }
0x1dd: {  	[sflag:s25] =	ssyncset.done $0x0  }
0x1de: {  	s14 =	sadd.s32 $0xFFFFFF10, s11;
	[sflag:s25] =	ssyncadd.s32 $0xFFFFD800  }
0x1df: {  	[tilespmem:s26], [sflag:$0x2] =	stream.indirect.gather [hbm4b:s7+s22], $0x80, s14, s22, $0xb8;
	[tilespmem:$0x1EF80] =	vst v63  }
0x1e0: {  	s13 =	sshra.s32 s13, $0x2;
	s14 =	sadd.s32 $0xFFFFFF60, s11  }
0x1e1: {  	[tilespmem:s28], [sflag:$0x2] =	stream.indirect.gather [hbm4b:s7+s22], $0x80, s14, s22, $0xb8;
	[tilespmem:$0x1EF80] =	vst v63  }
0x1e2: {  	s14 =	sadd.s32 $0x1F80, s13  }
0x1e3: {  	[spmem:s2] =	stream.indirect.scatter.add.f32 [tilespmem:s23], [sflag:$0x3], $0x80, s14, s22, $0xb8;
	[tilespmem:$0x1EF80] =	vst v63  }
0x1e4: {  	s14 =	sadd.s32 $0x2000, s13  }
0x1e5: {  	[spmem:s2] =	stream.indirect.scatter.add.f32 [tilespmem:s24], [sflag:$0x3], $0x80, s14, s22, $0xb8;
	[tilespmem:$0x1EF80] =	vst v63  }
0x1e6: {  	_ =	swait.ge [sflag:s29], $0x2800  }
0x1e7: {  	[sflag:s29] =	ssyncset.done $0x0  }
0x1e8: {  	[sflag:s29] =	ssyncadd.s32 $0xFFFFD800  }
0x1e9: {  	_ =	swait.ge [sflag:s29], $0x2800  }
0x1ea: {  	[sflag:s29] =	ssyncset.done $0x0  }
0x1eb: {  	s14 =	sadd.s32 $0xFFFFFFB0, s11;
	[sflag:s29] =	ssyncadd.s32 $0xFFFFD800  }
0x1ec: {  	[tilespmem:s23], [sflag:$0x1] =	stream.indirect.gather [hbm4b:s7+s22], $0x80, s14, s22, $0xb8;
	[tilespmem:$0x1EF80] =	vst v63  }
0x1ed: {  	_ = 	snop  }
0x1ee: {  	[tilespmem:s24], [sflag:$0x1] =	stream.indirect.gather [hbm4b:s7+s22], $0x80, s11, s22, $0xb8;
	[tilespmem:$0x1EF80] =	vst v63  }
0x1ef: {  	_ =	swait.ge [sflag:s30], $0x2800  }
0x1f0: {  	[sflag:s30] =	ssyncset.done $0x0  }
0x1f1: {  	[sflag:s30] =	ssyncadd.s32 $0xFFFFD800  }
0x1f2: {  	_ =	swait.ge [sflag:s30], $0x2800  }
0x1f3: {  	[sflag:s30] =	ssyncset.done $0x0  }
0x1f4: {  	s14 =	sadd.s32 $0x2080, s13;
	[sflag:s30] =	ssyncadd.s32 $0xFFFFD800  }
0x1f5: {  	[spmem:s2] =	stream.indirect.scatter.add.f32 [tilespmem:s26], [sflag:$0x4], $0x80, s14, s22, $0xb8;
	[tilespmem:$0x1EF80] =	vst v63  }
0x1f6: {  	s13 =	sadd.s32 $0x2100, s13  }
0x1f7: {  	[spmem:s2] =	stream.indirect.scatter.add.f32 [tilespmem:s28], [sflag:$0x4], $0x80, s13, s22, $0xb8;
	[tilespmem:$0x1EF80] =	vst v63  }
.Ltmp3:
0x1f8: {  	_ =	swait.ge [sflag:s31], $0x2800;
	(pc) =	sbr.rel @p0 .LBB2_8-.Ltmp3, $4  }
0x1f9: {  	[sflag:s31] =	ssyncset.done $0x0  }
0x1fa: {  	[sflag:s31] =	ssyncadd.s32 $0xFFFFD800  }
0x1fb: {  	_ =	swait.ge [sflag:s31], $0x2800  }
0x1fc: {  	[sflag:s31] =	ssyncset.done $0x0  }
0x1fd: {  	[sflag:s31] =	ssyncadd.s32 $0xFFFFD800  }
0x1fe: {  	_ =	swait.ge [sflag:s25], $0x2800  }
0x1ff: {  	[sflag:s25] =	ssyncset.done $0x0  }
0x200: {  	[sflag:s25] =	ssyncadd.s32 $0xFFFFD800  }
0x201: {  	_ =	swait.ge [sflag:s25], $0x2800  }
0x202: {  	[sflag:s25] =	ssyncset.done $0x0  }
0x203: {  	[sflag:s25] =	ssyncadd.s32 $0xFFFFD800  }
0x204: {  	[tilespmem:s26], [sflag:$0x2] =	stream.indirect.gather [hbm4b:s7+s22], $0x80, s0, s22, $0xb8;
	[tilespmem:$0x1EF80] =	vst v63  }
0x205: {  	_ = 	snop  }
0x206: {  	[tilespmem:s28], [sflag:$0x2] =	stream.indirect.gather [hbm4b:s7+s22], $0x80, s1, s22, $0xb8;
	[tilespmem:$0x1EF80] =	vst v63  }
0x207: {  	_ = 	snop  }
0x208: {  	[spmem:s2] =	stream.indirect.scatter.add.f32 [tilespmem:s23], [sflag:$0x3], $0x80, s16, s22, $0xb8;
	[tilespmem:$0x1EF80] =	vst v63  }
0x209: {  	_ = 	snop  }
0x20a: {  	[spmem:s2] =	stream.indirect.scatter.add.f32 [tilespmem:s24], [sflag:$0x3], $0x80, s17, s22, $0xb8;
	[tilespmem:$0x1EF80] =	vst v63  }
0x20b: {  	_ =	swait.ge [sflag:s29], $0x2800  }
0x20c: {  	[sflag:s29] =	ssyncset.done $0x0  }
0x20d: {  	[sflag:s29] =	ssyncadd.s32 $0xFFFFD800  }
0x20e: {  	_ =	swait.ge [sflag:s29], $0x2800  }
0x20f: {  	[sflag:s29] =	ssyncset.done $0x0  }
0x210: {  	[sflag:s29] =	ssyncadd.s32 $0xFFFFD800  }
0x211: {  	[tilespmem:s23], [sflag:$0x1] =	stream.indirect.gather [hbm4b:s7+s22], $0x80, s0, s22, $0xb8;
	[tilespmem:$0x1EF80] =	vst v63  }
0x212: {  	_ = 	snop  }
0x213: {  	[tilespmem:s24], [sflag:$0x1] =	stream.indirect.gather [hbm4b:s7+s22], $0x80, s1, s22, $0xb8;
	[tilespmem:$0x1EF80] =	vst v63  }
0x214: {  	_ =	swait.ge [sflag:s30], $0x2800  }
0x215: {  	[sflag:s30] =	ssyncset.done $0x0  }
0x216: {  	[sflag:s30] =	ssyncadd.s32 $0xFFFFD800  }
0x217: {  	_ =	swait.ge [sflag:s30], $0x2800  }
0x218: {  	[sflag:s30] =	ssyncset.done $0x0  }
0x219: {  	[sflag:s30] =	ssyncadd.s32 $0xFFFFD800  }
0x21a: {  	[spmem:s2] =	stream.indirect.scatter.add.f32 [tilespmem:s26], [sflag:$0x4], $0x80, s19, s22, $0xb8;
	[tilespmem:$0x1EF80] =	vst v63  }
0x21b: {  	_ = 	snop  }
0x21c: {  	[spmem:s2] =	stream.indirect.scatter.add.f32 [tilespmem:s28], [sflag:$0x4], $0x80, s9, s22, $0xb8;
	[tilespmem:$0x1EF80] =	vst v63  }
0x21d: {  	_ =	swait.ge [sflag:s31], $0x2800  }
0x21e: {  	[sflag:s31] =	ssyncset.done $0x0  }
0x21f: {  	[sflag:s31] =	ssyncadd.s32 $0xFFFFD800  }
0x220: {  	_ =	swait.ge [sflag:s31], $0x2800  }
0x221: {  	[sflag:s31] =	ssyncset.done $0x0  }
0x222: {  	[sflag:s31] =	ssyncadd.s32 $0xFFFFD800  }
0x223: {  	_ =	swait.ge [sflag:s25], $0x2800  }
0x224: {  	[sflag:s25] =	ssyncset.done $0x0  }
0x225: {  	[sflag:s25] =	ssyncadd.s32 $0xFFFFD800  }
0x226: {  	_ =	swait.ge [sflag:s25], $0x2800  }
0x227: {  	[sflag:s25] =	ssyncset.done $0x0  }
0x228: {  	s10 =	sadd.s32 $0x1, s10;
	[sflag:s25] =	ssyncadd.s32 $0xFFFFD800  }
0x229: {  	p0 =	sne.s32 s10, s15;
	[bflag:$0x0] =	sbarrier.arrive $0xFFFF  }
.Ltmp4:
0x22a: {  	s11 =	rddreg [dreg:$0x8];
	(pc) =	sbr.rel @p0 .LBB2_1-.Ltmp4, $4  }
0x22b: {  	[hbm:s11], [sflag:s20] =	dma.local [spmem:s21], $0x1F80  }
0x22c: {  	_ =	swait.ge [sflag:s18], $0x1F80  }
0x22d: {  	[sflag:s18] =	ssyncset.done $0x0  }
0x22e: {  	[sflag:s18] =	ssyncadd.s32 $0xFFFFE080  }
0x22f: {  	_ =	sfence.sel $0x180000  }
0x230: {  	[bflag:$0x0] =	sbarrier.arrive $0xFFFF  }
0x231: {  	_ =	strace $0x9000004A  }
0x232: {  	s0 =	stileid.u32;
	[bflag:$0x2] =	sbarrier.arrive $0xFFFF  }
0x233: {  	p0 =	sne.s32 s0, $0x0;
	s0 =	rddreg [dreg:$0x2]  }
0x234: {  	s0 =	sadd.s32 @!p0 $0x100000, s0  }
0x235: {  	[sflag:s0] =	ssyncadd.tile.s32 @!p0 $0x1;
	_ =	shalt  }
.Lfunc_end2:
_tile_overlayer_lowered:
.L_overlay_start_2:
0x236: {  	(tag) =	ssettag $0x2  }
0x237: {  	s0 =	rddreg [dreg:$0x0];
	s2 =	stileid.u32  }
0x238: {  	s1 =	rddreg [dreg:$0x1];
	p0 =	sne.s32 s2, $0x0  }
0x239: {  	s3 =	rddreg [dreg:$0x2];
	[bflag:$0x3] =	sbarrier.arrive $0xFFFF;
	s2 =	simm.s32 @!p0 $0x1C05  }
0x23a: {  	[timem:s3], [sflag:s2] =	dma.local @!p0 [hbm:s0], s1  }
0x23b: {  	s0 =	simm.s32 @!p0 $0x5  }
0x23c: {  	_ =	swait.ge @!p0 [sflag:s0], s1  }
0x23d: {  	s1 =	ssub.s32 @!p0 $0x0, s1;
	[sflag:s0] =	ssyncset.done @!p0 $0x0  }
0x23e: {  	[sflag:s0] =	ssyncadd.s32 @!p0 s1  }
0x23f: {  	[bflag:$0x3] =	sbarrier.arrive $0xFFFF  }
0x240: {  	_ =	shalt  }

// kernel: kernel.7.cloned.1.call-start
scs
__scs_entry_jumppad:
0x0: {  	(pc) =	sbr.rel $0x88, $3  }
0x1: {  	(tag) =	ssettag $0x0;
	lr =	simm.s32 $0x1  }
0x2: {  	[smem:$0x3F8D] =	sst lr;
	_ =	strace $0xD0000000  }
0x3: {  	_ = 	snop  }
0x4: {  	_ = 	snop  }
0x5: {  	_ = 	snop  }
0x6: {  	_ = 	snop  }
0x7: {  	_ = 	snop  }
__scs_overlays_trampoline_lowered:
0x8: {  	[smem:$0x3F9C] =	sst s0  }
0x9: {  	[smem:$0x3F9D] =	sst s1  }
0xa: {  	[smem:$0x3F9E] =	sst s2  }
0xb: {  	[smem:$0x3F9F] =	sst s3  }
0xc: {  	[smem:$0x3FA0] =	sst s4  }
0xd: {  	[smem:$0x3FA1] =	sst s5  }
0xe: {  	[smem:$0x3FA2] =	sst s6  }
0xf: {  	[smem:$0x3FA3] =	sst s7  }
0x10: {  	[smem:$0x3FA4] =	sst s8  }
0x11: {  	[smem:$0x3FA5] =	sst s9;
	s0 =	simm.s32 @!p0 $0x0  }
0x12: {  	s1 =	sld [smem:$0x3F8B];
	s0 =	simm.s32 @p0 $0x1  }
0x13: {  	[smem:$0x3FA6] =	sst s0;
	s0 =	simm.s32 @!p1 $0x0  }
0x14: {  	s2 =	sld [smem:$0x3F8A];
	s0 =	simm.s32 @p1 $0x1  }
0x15: {  	[smem:$0x3FA7] =	sst s0;
	s0 =	simm.s32 @!p2 $0x0  }
0x16: {  	s3 =	sld [smem:$0x3FDB];
	s0 =	simm.s32 @p2 $0x1  }
0x17: {  	s4 =	simm.s32 $0x1BF5;
	[smem:$0x3FA9] =	sst s0  }
0x18: {  	s0 =	sld [smem:$0x3F8C];
	_ =	swait.ge [sflag:s4], $0x0  }
0x19: {  	s7 =	sld [smem:$0x3F8D]  }
0x1a: {  	s8 =	sadd.s32 $0xFFFFE003, lr  }
0x1b: {  	s9 =	sadd.s32 $0xFFFFFEF7, lr;
	s5 =	simm.s32 $0xFFFFFFFF;
	p2 =	slt.u32 s8, $0xFFFFF086  }
0x1c: {  	p1 =	slt.u32 s9, $0xF7A;
	s5 =	simm.s32 @!p2 $0x0  }
0x1d: {  	s5 =	simm.s32 @p1 $0x1;
	p0 =	seq.s32 s7, s2  }
0x1e: {  	s7 =	smul.u32 @!p0 $0xF7A, s2;
	p2 =	seq.s32 @!p0 s5, $0x0  }
0x1f: {  	s9 =	smul.u32 $0xF7A, s1;
	s8 =	simm.s32 @!p0 $0x1BF5;
	p2 =	por !p2, p0  }
0x20: {  	[sflag:s8] =	ssyncset.s32 @!p0 $0xFFFFF086;
	s6 =	sadd.s32 @!p0 s3, s7;
	s7 =	simm.s32 @!p0 $0x108  }
0x21: {  	s3 =	sadd.s32 s3, s9;
	s6 =	sadd.s32 @!p0 $0x88, s6;
	s7 =	simm.s32 @p2 $0x1082  }
0x22: {  	[simem:s7], [sflag:s8] =	dma.local @!p0 [hbm:s6], $0xF7A  }
0x23: {  	s9 =	sor.u32 $0xD0000000, s2;
	s6 =	simm.s32 $0x108;
	_ =	swait.ge @!p0 [sflag:s8], $0x0  }
0x24: {  	s3 =	sadd.s32 $0x88, s3;
	s6 =	simm.s32 @!p1 $0x1082;
	[sflag:s4] =	ssyncset.s32 $0xFFFFF086  }
0x25: {  	[simem:s6], [sflag:s4] =	dma.local [hbm:s3], $0xF7A  }
0x26: {  	[smem:$0x3F8D] =	sst s1;
	(tag) =	ssettag s2;
	_ =	strace s9  }
0x27: {  	s1 =	sld [smem:$0x3F9D]  }
0x28: {  	s2 =	sld [smem:$0x3F9E]  }
0x29: {  	s4 =	sld [smem:$0x3FA0]  }
0x2a: {  	p0 =	seq.s32 s5, $0x0;
	s5 =	sld [smem:$0x3FA1]  }
0x2b: {  	s6 =	sld [smem:$0x3FA2]  }
0x2c: {  	s7 =	sld [smem:$0x3FA3]  }
0x2d: {  	s3 =	simm.s32 $0x108;
	s8 =	sld [smem:$0x3FA4]  }
0x2e: {  	s3 =	simm.s32 @!p0 $0x1082;
	s9 =	sld [smem:$0x3FA5]  }
0x2f: {  	lr =	sadd.s32 s0, s3;
	s0 =	sld [smem:$0x3F9C]  }
0x30: {  	s3 =	sld [smem:$0x3F9F]  }
0x31: {  	[smem:$0x3FA8] =	sst s10  }
0x32: {  	s10 =	sld [smem:$0x3FA6];
	_ =	sdelay $0x3  }
0x33: {  	p0 =	seq.s32 s10, $0x1;
	s10 =	sld [smem:$0x3FA8];
	_ =	sdelay $0x3  }
0x34: {  	[smem:$0x3FA8] =	sst s10  }
0x35: {  	s10 =	sld [smem:$0x3FA7];
	_ =	sdelay $0x3  }
0x36: {  	p1 =	seq.s32 s10, $0x1;
	s10 =	sld [smem:$0x3FA8];
	_ =	sdelay $0x3  }
0x37: {  	[smem:$0x3FA8] =	sst s10  }
0x38: {  	s10 =	sld [smem:$0x3FA9]  }
0x39: {  	_ = 	snop;
	(pc) =	sbr.ind lr, $3  }
0x3a: {  	_ = 	snop  }
0x3b: {  	_ = 	snop  }
0x3c: {  	p2 =	seq.s32 s10, $0x1;
	s10 =	sld [smem:$0x3FA8]  }
0x3d: {  	_ =	shalt  }
0x3e: {  	_ =	shalt  }
0x3f: {  	_ =	shalt  }
0x40: {  	_ =	shalt  }
0x41: {  	_ =	shalt  }
0x42: {  	_ =	shalt  }
0x43: {  	_ =	shalt  }
0x44: {  	_ =	shalt  }
0x45: {  	_ =	shalt  }
0x46: {  	_ =	shalt  }
0x47: {  	_ =	shalt  }
0x48: {  	_ =	shalt  }
0x49: {  	_ =	shalt  }
0x4a: {  	_ =	shalt  }
0x4b: {  	_ =	shalt  }
0x4c: {  	_ =	shalt  }
0x4d: {  	_ =	shalt  }
0x4e: {  	_ =	shalt  }
0x4f: {  	_ =	shalt  }
0x50: {  	_ =	shalt  }
0x51: {  	_ =	shalt  }
0x52: {  	_ =	shalt  }
0x53: {  	_ =	shalt  }
0x54: {  	_ =	shalt  }
0x55: {  	_ =	shalt  }
0x56: {  	_ =	shalt  }
0x57: {  	_ =	shalt  }
0x58: {  	_ =	shalt  }
0x59: {  	_ =	shalt  }
0x5a: {  	_ =	shalt  }
0x5b: {  	_ =	shalt  }
0x5c: {  	_ =	shalt  }
0x5d: {  	_ =	shalt  }
0x5e: {  	_ =	shalt  }
0x5f: {  	_ =	shalt  }
0x60: {  	_ =	shalt  }
0x61: {  	_ =	shalt  }
0x62: {  	_ =	shalt  }
0x63: {  	_ =	shalt  }
0x64: {  	_ =	shalt  }
0x65: {  	_ =	shalt  }
0x66: {  	_ =	shalt  }
0x67: {  	_ =	shalt  }
0x68: {  	_ =	shalt  }
0x69: {  	_ =	shalt  }
0x6a: {  	_ =	shalt  }
0x6b: {  	_ =	shalt  }
0x6c: {  	_ =	shalt  }
0x6d: {  	_ =	shalt  }
0x6e: {  	_ =	shalt  }
0x6f: {  	_ =	shalt  }
0x70: {  	_ =	shalt  }
0x71: {  	_ =	shalt  }
0x72: {  	_ =	shalt  }
0x73: {  	_ =	shalt  }
0x74: {  	_ =	shalt  }
0x75: {  	_ =	shalt  }
0x76: {  	_ =	shalt  }
0x77: {  	_ =	shalt  }
0x78: {  	_ =	shalt  }
0x79: {  	_ =	shalt  }
0x7a: {  	_ =	shalt  }
0x7b: {  	_ =	shalt  }
0x7c: {  	_ =	shalt  }
0x7d: {  	_ =	shalt  }
0x7e: {  	_ =	shalt  }
0x7f: {  	_ =	shalt  }
0x80: {  	_ =	shalt  }
0x81: {  	_ =	shalt  }
0x82: {  	_ =	shalt  }
0x83: {  	_ =	shalt  }
0x84: {  	_ =	shalt  }
0x85: {  	_ =	shalt  }
0x86: {  	_ =	shalt  }
0x87: {  	_ =	shalt  }
.Lfunc_end0:
.L_simem_size_0:
called_computation_lowered:
.L_overlay_start_0:
0x88: {  	s2 =	sld [smem:$0x3FD9]  }
0x89: {  	s3 =	sld [smem:$0x3FFE];
	_ =	sdelay $0x1  }
0x8a: {  	s1 =	srdreg.scid  }
0x8b: {  	s0 =	sand.u32 $0x1, s1  }
0x8c: {  	s17 =	sshll.u32 s0, $0xA;
	s2 =	sadd.s32 s3, s2  }
0x8d: {  	s2 =	sadd.s32 s2, s17  }
0x8e: {  	[smem:$0x3FB4] =	sst s2  }
0x8f: {  	_ = 	snop  }
0x90: {  	s2 =	sld [smem:$0x3FC9]  }
0x91: {  	s18 =	sld [smem:$0x3FD0];
	(tm) =	ssettm $0x1  }
0x92: {  	s4 =	sld [smem:$0x3FFB];
	_ =	sdelay $0x3  }
0x93: {  	_ =	strace s4  }
0x94: {  	s4 =	sld [smem:$0x3FFC];
	_ =	sdelay $0x3  }
0x95: {  	_ =	strace s4  }
0x96: {  	s4 =	sld [smem:$0x3FFD];
	_ =	sdelay $0x3  }
0x97: {  	_ =	strace s4  }
0x98: {  	_ =	strace $0x8FFFFFFF  }
0x99: {  	s19 =	sld [smem:$0x3FDB];
	_ =	sdelay $0x1  }
0x9a: {  	s5 =	simm.s32 $_scs_section_size  }
0x9b: {  	s6 =	simm.s32 $_size__tile_overlayer_lowered;
	s7 =	simm.s32 $_tile_overlayer_lowered  }
0x9c: {  	s22 =	simm.s32 $0x1BFF;
	s21 =	sshll.u32 s7, $0x1;
	s4 =	sadd.s32 s5, s19  }
0x9d: {  	s8 =	simm.s32 $0x0;
	s20 =	sshll.u32 s6, $0x1;
	s6 =	sadd.s32 s21, s4  }
0x9e: {  	[timem:s8], [sflag:s22] =	dma.local [hbm:s6], s20  }
0x9f: {  	_ =	swait.ge [sflag:s22], s20  }
0xa0: {  	s5 =	ssub.s32 $0x0, s20;
	[sflag:s22] =	ssyncset.done $0x0  }
0xa1: {  	[sflag:s22] =	ssyncadd.s32 s5;
	_ =	sdelay $0x1  }
0xa2: {  	s23 =	simm.s32 $0x1B8B  }
0xa3: {  	_ =	swait.ge [sflag:s23], $0x1  }
0xa4: {  	[sflag:s23] =	ssyncset.done $0x0  }
0xa5: {  	s25 =	simm.s32 $0x1B8E;
	s24 =	sld [smem:$0x3FFE];
	[sflag:s23] =	ssyncadd.s32 $0xFFFFFFFF  }
0xa6: {  	s26 =	simm.s32 $execute0_lowered;
	[smem:$0x3FD2] =	sst s25  }
0xa7: {  	s6 =	sshll.u32 s26, $0x1;
	_ =	strace $0x80000046;
	[dreg:$0x1] =	wrdreg $0xFFFFFFFF  }
0xa8: {  	s28 =	simm.s32 $_size_execute0_lowered;
	s4 =	sadd.s32 s4, s6;
	[dreg:$0x0] =	wrdreg $0x0  }
0xa9: {  	s6 =	sshll.u32 s28, $0x1;
	[dreg:$0x2] =	wrdreg s4  }
0xaa: {  	[dreg:$0x3] =	wrdreg s6  }
0xab: {  	[dreg:$0x4] =	wrdreg $0xC0  }
0xac: {  	_ =	task [dreg:s8], $0x5FFFF  }
0xad: {  	[dreg:$0x1] =	wrdreg $0xFFFFFFFF  }
0xae: {  	[dreg:$0x0] =	wrdreg $0x60  }
0xaf: {  	[dreg:$0x2] =	wrdreg s2  }
0xb0: {  	[dreg:$0x3] =	wrdreg s18  }
0xb1: {  	[dreg:$0x4] =	wrdreg s24  }
0xb2: {  	[dreg:$0x5] =	wrdreg $0xF3800  }
0xb3: {  	[dreg:$0x6] =	wrdreg $0x9  }
0xb4: {  	_ =	task.clear_ibuf [dreg:s8], $0x7FFFF;
	_ =	strace $0x90000046  }
0xb5: {  	s29 =	simm.s32 $0x9;
	_ =	strace $0x80000048  }
0xb6: {  	_ =	swait.ge [sflag:s29], $0x1  }
0xb7: {  	[sflag:s29] =	ssyncadd.s32 $0xFFFFFFFF  }
0xb8: {  	_ =	strace $0x90000048  }
0xb9: {  	_ =	sfence  }
0xba: {  	s30 =	sld [smem:$0x0];
	_ =	sdelay $0x2  }
0xbb: {  	s31 =	sshll.u32 s1, $0xD;
	s1 =	sshrl.u32 s1, $0x2  }
0xbc: {  	s3 =	sand.u32 $0x4000, s31;
	s1 =	sadd.s32 s1, s30  }
0xbd: {  	s0 =	sor.u32 s3, s0;
	s1 =	sshll.u32 s1, $0x11  }
0xbe: {  	s0 =	sor.u32 s1, s0  }
0xbf: {  	s0 =	sadd.s32 $0x8F2B, s0  }
0xc0: {  	[sflag:s0] =	ssyncadd.remote.s32 $0x1  }
0xc1: {  	_ =	sfence.sel $0xFFFF  }
0xc2: {  	[dreg:$0x0] =	wrdreg $0xFFFFFFFF;
	(pc) =	sbr.abs _section_cstart, $3  }
0xc3: {  	[dreg:$0x1] =	wrdreg $0xFFFFFFFF  }
0xc4: {  	_ =	task.clear_ibuf [dreg:s8], $0x2FFFF;
	_ =	strace $0x9FFFFFFF  }
0xc5: {  	(tm) =	ssettm $0x7FFFFFFF  }
tec
execute0_lowered:
.L_overlay_start_1:
0x0: {  	(tag) =	ssettag $0x1  }
0x1: {  	s1 =	rddreg [dreg:$0x0]  }
0x2: {  	s0 =	srdreg.scid;
	s2 =	rddreg [dreg:$0x2]  }
0x3: {  	s12 =	stileid.u32;
	s4 =	rddreg [dreg:$0x3]  }
0x4: {  	s14 =	simm.s32 $0x5;
	s15 =	simm.s32 $0x1F80;
	s21 =	smul.u32 $0x3400, s12  }
0x5: {  	s18 =	simm.s32 $0x50;
	s19 =	simm.s32 $0x5380;
	s23 =	smul.u32 $0xFC00, s12  }
0x6: {  	s28 =	simm.s32 $0x1EA0;
	s0 =	sand.u32 $0x1, s0;
	s10 =	smul.u32 $0x3F000, s12  }
0x7: {  	s29 =	simm.s32 $0x1EF0;
	s5 =	sshrl.u32 s12, $0x3;
	s3 =	smul.u32 $0x1F800, s0  }
0x8: {  	s31 =	simm.s32 $0x2200;
	s7 =	sshll.u32 s12, $0x7;
	s6 =	smul.u32 $0xFC00, s5  }
0x9: {  	s30 =	sshll.u32 s12, $0x6;
	s5 =	simm.s32 $0x0;
	s8 =	smul.u32 $0x34000, s0  }
0xa: {  	s20 =	sand.u32 $0x380, s7;
	s22 =	smul.u32 $0xFC000, s0;
	s0 =	ssub.s32 $0x2, s0  }
0xb: {  	s16 =	sor.u32 $0x1C05, s30;
	[smem:$0x7FF] =	sst s5;
	s25 =	sshrl.u32 s0, $0x1  }
0xc: {  	s26 =	sshrl.u32 s10, $0x2;
	s3 =	sadd.s32 s3, s6;
	s7 =	sadd.s32 s21, s8  }
0xd: {  	_ =	strace $0x80000047;
	s6 =	sadd.s32 s23, s22;
	s0 =	ssub.s32 s0, s25  }
0xe: {  	s21 =	simm.s32 $0x1;
	s22 =	simm.s32 $0xA380;
	s23 =	simm.s32 $0xCB80  }
0xf: {  	s25 =	simm.s32 $0x2;
	s3 =	sor.u32 s20, s3;
	s7 =	sshrl.u32 s7, $0x3  }
0x10: {  	s24 =	sshrl.u32 s6, $0x3;
	s6 =	sadd.s32 $0x19400, s2;
	s11 =	smax.u32 s0, $0x1  }
0x11: {  	s20 =	simm.s32 $0x7B80;
	s0 =	simm.s32 $0x0;
	s3 =	sshrl.u32 s3, $0x3  }
0x12: {  	s9 =	sadd.s32 s7, s2;
	s3 =	sadd.s32 s3, s2;
	s2 =	sadd.s32 s24, s2  }
0x13: {  	s8 =	sadd.s32 $0x4600, s9;
	s24 =	simm.s32 $0x3;
	s7 =	sadd.s32 $0x11600, s3  }
0x14: {  	s3 =	sadd.s32 s26, s4;
	s9 =	sadd.s32 $0x1B400, s2;
	s10 =	sadd.s32 $0x5A400, s2  }
0x15: {  	s26 =	simm.s32 $0x4;
	s17 =	sshrl.u32 s3, $0x3;
	s3 =	simm.s32 $0x2280  }
.LBB2_1:
0x16: {  	s2 =	simm.s32 $0x80;
	s12 =	simm.s32 $0x400  }
0x17: {  	[tilespmem:s5], [sflag:$0x5] =	stream.strided.gather [hbm4b:s7+s2], $0x1F80, s12, s2, $0x38;
	[tilespmem:$0x1EF80] =	vst v63  }
0x18: {  	_ =	swait.ge [sflag:s14], $0x1F80  }
0x19: {  	[sflag:s14] =	ssyncset.done $0x0  }
0x1a: {  	[sflag:s14] =	ssyncadd.s32 $0xFFFFE080  }
0x1b: {  	[tilespmem:s15], [sflag:$0x5] =	stream.linear.gather [hbm4b:s8+s5], $0x3200, $0x38;
	[tilespmem:$0x1EF80] =	vst v63  }
0x1c: {  	_ =	swait.ge [sflag:s14], $0x3200  }
0x1d: {  	[sflag:s14] =	ssyncset.done $0x0  }
0x1e: {  	[sflag:s14] =	ssyncadd.s32 $0xFFFFCE00  }
0x1f: {  	[spmem:s17], [sflag:s16] =	dma.local [hbm:s6], $0x1F80  }
0x20: {  	_ =	swait.ge [sflag:s14], $0x1F80  }
0x21: {  	[sflag:s14] =	ssyncset.done $0x0  }
0x22: {  	[sflag:s14] =	ssyncadd.s32 $0xFFFFE080  }
0x23: {  	[bflag:$0x0] =	sbarrier.arrive $0xFFFF  }
0x24: {  	[tilespmem:s19], [sflag:$0x1] =	stream.indirect.gather [hbm4b:s1+s18], $0x80, s5, s18, $0xb8;
	[tilespmem:$0x1EF80] =	vst v63  }
0x25: {  	_ = 	snop  }
0x26: {  	[tilespmem:s20], [sflag:$0x1] =	stream.indirect.gather [hbm4b:s1+s18], $0x80, s18, s18, $0xb8;
	[tilespmem:$0x1EF80] =	vst v63  }
0x27: {  	_ =	swait.ge [sflag:s21], $0x2800  }
0x28: {  	[sflag:s21] =	ssyncset.done $0x0  }
0x29: {  	[sflag:s21] =	ssyncadd.s32 $0xFFFFD800  }
0x2a: {  	_ =	swait.ge [sflag:s21], $0x2800  }
0x2b: {  	[sflag:s21] =	ssyncset.done $0x0  }
0x2c: {  	s30 =	simm.s32 $0xA0;
	[sflag:s21] =	ssyncadd.s32 $0xFFFFD800  }
0x2d: {  	[tilespmem:s22], [sflag:$0x2] =	stream.indirect.gather [hbm4b:s1+s18], $0x80, s30, s18, $0xb8;
	[tilespmem:$0x1EF80] =	vst v63  }
0x2e: {  	s12 =	simm.s32 $0xF0  }
0x2f: {  	[tilespmem:s23], [sflag:$0x2] =	stream.indirect.gather [hbm4b:s1+s18], $0x80, s12, s18, $0xb8;
	[tilespmem:$0x1EF80] =	vst v63  }
0x30: {  	s13 =	simm.s32 $0x1F80  }
0x31: {  	[spmem:s4] =	stream.indirect.scatter.add.f32 [tilespmem:s19], [sflag:$0x3], $0x80, s13, s18, $0xb8;
	[tilespmem:$0x1EF80] =	vst v63  }
0x32: {  	s30 =	simm.s32 $0x2000  }
0x33: {  	[spmem:s4] =	stream.indirect.scatter.add.f32 [tilespmem:s20], [sflag:$0x3], $0x80, s30, s18, $0xb8;
	[tilespmem:$0x1EF80] =	vst v63  }
0x34: {  	_ =	swait.ge [sflag:s24], $0x2800  }
0x35: {  	[sflag:s24] =	ssyncset.done $0x0  }
0x36: {  	[sflag:s24] =	ssyncadd.s32 $0xFFFFD800  }
0x37: {  	_ =	swait.ge [sflag:s24], $0x2800  }
0x38: {  	[sflag:s24] =	ssyncset.done $0x0  }
0x39: {  	s12 =	simm.s32 $0x140;
	[sflag:s24] =	ssyncadd.s32 $0xFFFFD800  }
0x3a: {  	[tilespmem:s19], [sflag:$0x1] =	stream.indirect.gather [hbm4b:s1+s18], $0x80, s12, s18, $0xb8;
	[tilespmem:$0x1EF80] =	vst v63  }
0x3b: {  	s2 =	simm.s32 $0x190  }
0x3c: {  	[tilespmem:s20], [sflag:$0x1] =	stream.indirect.gather [hbm4b:s1+s18], $0x80, s2, s18, $0xb8;
	[tilespmem:$0x1EF80] =	vst v63  }
0x3d: {  	_ =	swait.ge [sflag:s25], $0x2800  }
0x3e: {  	[sflag:s25] =	ssyncset.done $0x0  }
0x3f: {  	[sflag:s25] =	ssyncadd.s32 $0xFFFFD800  }
0x40: {  	_ =	swait.ge [sflag:s25], $0x2800  }
0x41: {  	[sflag:s25] =	ssyncset.done $0x0  }
0x42: {  	s13 =	simm.s32 $0x2080;
	[sflag:s25] =	ssyncadd.s32 $0xFFFFD800  }
0x43: {  	[spmem:s4] =	stream.indirect.scatter.add.f32 [tilespmem:s22], [sflag:$0x4], $0x80, s13, s18, $0xb8;
	[tilespmem:$0x1EF80] =	vst v63  }
0x44: {  	s30 =	simm.s32 $0x2100  }
0x45: {  	[spmem:s4] =	stream.indirect.scatter.add.f32 [tilespmem:s23], [sflag:$0x4], $0x80, s30, s18, $0xb8;
	[tilespmem:$0x1EF80] =	vst v63  }
0x46: {  	_ =	swait.ge [sflag:s26], $0x2800  }
0x47: {  	[sflag:s26] =	ssyncset.done $0x0  }
0x48: {  	[sflag:s26] =	ssyncadd.s32 $0xFFFFD800  }
0x49: {  	_ =	swait.ge [sflag:s26], $0x2800  }
0x4a: {  	s12 =	simm.s32 $0x800;
	[sflag:s26] =	ssyncset.done $0x0  }
.LBB2_2:
0x4b: {  	p0 =	sne.s32 s12, $0xB800;
	[sflag:s26] =	ssyncadd.s32 $0xFFFFD800;
	s2 =	sadd.s32 $0x140, s2  }
0x4c: {  	s13 =	smov.u32 s12;
	s12 =	sadd.s32 $0x800, s12;
	_ =	swait.ge [sflag:s21], $0x2800  }
0x4d: {  	[sflag:s21] =	ssyncset.done $0x0  }
0x4e: {  	[sflag:s21] =	ssyncadd.s32 $0xFFFFD800  }
0x4f: {  	_ =	swait.ge [sflag:s21], $0x2800  }
0x50: {  	[sflag:s21] =	ssyncset.done $0x0  }
0x51: {  	s30 =	sadd.s32 $0xFFFFFF10, s2;
	[sflag:s21] =	ssyncadd.s32 $0xFFFFD800  }
0x52: {  	[tilespmem:s22], [sflag:$0x2] =	stream.indirect.gather [hbm4b:s1+s18], $0x80, s30, s18, $0xb8;
	[tilespmem:$0x1EF80] =	vst v63  }
0x53: {  	s13 =	sshra.s32 s13, $0x2;
	s30 =	sadd.s32 $0xFFFFFF60, s2  }
0x54: {  	[tilespmem:s23], [sflag:$0x2] =	stream.indirect.gather [hbm4b:s1+s18], $0x80, s30, s18, $0xb8;
	[tilespmem:$0x1EF80] =	vst v63  }
0x55: {  	s30 =	sadd.s32 $0x1F80, s13  }
0x56: {  	[spmem:s4] =	stream.indirect.scatter.add.f32 [tilespmem:s19], [sflag:$0x3], $0x80, s30, s18, $0xb8;
	[tilespmem:$0x1EF80] =	vst v63  }
0x57: {  	s30 =	sadd.s32 $0x2000, s13  }
0x58: {  	[spmem:s4] =	stream.indirect.scatter.add.f32 [tilespmem:s20], [sflag:$0x3], $0x80, s30, s18, $0xb8;
	[tilespmem:$0x1EF80] =	vst v63  }
0x59: {  	_ =	swait.ge [sflag:s24], $0x2800  }
0x5a: {  	[sflag:s24] =	ssyncset.done $0x0  }
0x5b: {  	[sflag:s24] =	ssyncadd.s32 $0xFFFFD800  }
0x5c: {  	_ =	swait.ge [sflag:s24], $0x2800  }
0x5d: {  	[sflag:s24] =	ssyncset.done $0x0  }
0x5e: {  	s30 =	sadd.s32 $0xFFFFFFB0, s2;
	[sflag:s24] =	ssyncadd.s32 $0xFFFFD800  }
0x5f: {  	[tilespmem:s19], [sflag:$0x1] =	stream.indirect.gather [hbm4b:s1+s18], $0x80, s30, s18, $0xb8;
	[tilespmem:$0x1EF80] =	vst v63  }
0x60: {  	_ = 	snop  }
0x61: {  	[tilespmem:s20], [sflag:$0x1] =	stream.indirect.gather [hbm4b:s1+s18], $0x80, s2, s18, $0xb8;
	[tilespmem:$0x1EF80] =	vst v63  }
0x62: {  	_ =	swait.ge [sflag:s25], $0x2800  }
0x63: {  	[sflag:s25] =	ssyncset.done $0x0  }
0x64: {  	[sflag:s25] =	ssyncadd.s32 $0xFFFFD800  }
0x65: {  	_ =	swait.ge [sflag:s25], $0x2800  }
0x66: {  	[sflag:s25] =	ssyncset.done $0x0  }
0x67: {  	s30 =	sadd.s32 $0x2080, s13;
	[sflag:s25] =	ssyncadd.s32 $0xFFFFD800  }
0x68: {  	[spmem:s4] =	stream.indirect.scatter.add.f32 [tilespmem:s22], [sflag:$0x4], $0x80, s30, s18, $0xb8;
	[tilespmem:$0x1EF80] =	vst v63  }
0x69: {  	s13 =	sadd.s32 $0x2100, s13  }
0x6a: {  	[spmem:s4] =	stream.indirect.scatter.add.f32 [tilespmem:s23], [sflag:$0x4], $0x80, s13, s18, $0xb8;
	[tilespmem:$0x1EF80] =	vst v63  }
.Ltmp0:
0x6b: {  	_ =	swait.ge [sflag:s26], $0x2800;
	(pc) =	sbr.rel @p0 .LBB2_2-.Ltmp0, $4  }
0x6c: {  	[sflag:s26] =	ssyncset.done $0x0  }
0x6d: {  	[sflag:s26] =	ssyncadd.s32 $0xFFFFD800  }
0x6e: {  	_ =	swait.ge [sflag:s26], $0x2800  }
0x6f: {  	[sflag:s26] =	ssyncset.done $0x0  }
0x70: {  	[sflag:s26] =	ssyncadd.s32 $0xFFFFD800  }
0x71: {  	_ =	swait.ge [sflag:s21], $0x2800  }
0x72: {  	[sflag:s21] =	ssyncset.done $0x0  }
0x73: {  	[sflag:s21] =	ssyncadd.s32 $0xFFFFD800  }
0x74: {  	_ =	swait.ge [sflag:s21], $0x2800  }
0x75: {  	[sflag:s21] =	ssyncset.done $0x0  }
0x76: {  	[sflag:s21] =	ssyncadd.s32 $0xFFFFD800  }
0x77: {  	[tilespmem:s22], [sflag:$0x2] =	stream.indirect.gather [hbm4b:s1+s18], $0x80, s28, s18, $0xb8;
	[tilespmem:$0x1EF80] =	vst v63  }
0x78: {  	_ = 	snop  }
0x79: {  	[tilespmem:s23], [sflag:$0x2] =	stream.indirect.gather [hbm4b:s1+s18], $0x80, s29, s18, $0xb8;
	[tilespmem:$0x1EF80] =	vst v63  }
0x7a: {  	s2 =	simm.s32 $0x4F80  }
0x7b: {  	[spmem:s4] =	stream.indirect.scatter.add.f32 [tilespmem:s19], [sflag:$0x3], $0x80, s2, s18, $0xb8;
	[tilespmem:$0x1EF80] =	vst v63  }
0x7c: {  	s12 =	simm.s32 $0x5000  }
0x7d: {  	[spmem:s4] =	stream.indirect.scatter.add.f32 [tilespmem:s20], [sflag:$0x3], $0x80, s12, s18, $0xb8;
	[tilespmem:$0x1EF80] =	vst v63  }
0x7e: {  	_ =	swait.ge [sflag:s24], $0x2800  }
0x7f: {  	[sflag:s24] =	ssyncset.done $0x0  }
0x80: {  	[sflag:s24] =	ssyncadd.s32 $0xFFFFD800  }
0x81: {  	_ =	swait.ge [sflag:s24], $0x2800  }
0x82: {  	[sflag:s24] =	ssyncset.done $0x0  }
0x83: {  	[sflag:s24] =	ssyncadd.s32 $0xFFFFD800  }
0x84: {  	[tilespmem:s19], [sflag:$0x1] =	stream.indirect.gather [hbm4b:s1+s18], $0x80, s28, s18, $0xb8;
	[tilespmem:$0x1EF80] =	vst v63  }
0x85: {  	_ = 	snop  }
0x86: {  	[tilespmem:s20], [sflag:$0x1] =	stream.indirect.gather [hbm4b:s1+s18], $0x80, s29, s18, $0xb8;
	[tilespmem:$0x1EF80] =	vst v63  }
0x87: {  	_ =	swait.ge [sflag:s25], $0x2800  }
0x88: {  	[sflag:s25] =	ssyncset.done $0x0  }
0x89: {  	[sflag:s25] =	ssyncadd.s32 $0xFFFFD800  }
0x8a: {  	_ =	swait.ge [sflag:s25], $0x2800  }
0x8b: {  	[sflag:s25] =	ssyncset.done $0x0  }
0x8c: {  	s13 =	simm.s32 $0x5080;
	[sflag:s25] =	ssyncadd.s32 $0xFFFFD800  }
0x8d: {  	[spmem:s4] =	stream.indirect.scatter.add.f32 [tilespmem:s22], [sflag:$0x4], $0x80, s13, s18, $0xb8;
	[tilespmem:$0x1EF80] =	vst v63  }
0x8e: {  	s30 =	simm.s32 $0x5100  }
0x8f: {  	[spmem:s4] =	stream.indirect.scatter.add.f32 [tilespmem:s23], [sflag:$0x4], $0x80, s30, s18, $0xb8;
	[tilespmem:$0x1EF80] =	vst v63  }
0x90: {  	_ =	swait.ge [sflag:s26], $0x2800  }
0x91: {  	[sflag:s26] =	ssyncset.done $0x0  }
0x92: {  	[sflag:s26] =	ssyncadd.s32 $0xFFFFD800  }
0x93: {  	_ =	swait.ge [sflag:s26], $0x2800  }
0x94: {  	[sflag:s26] =	ssyncset.done $0x0  }
0x95: {  	[sflag:s26] =	ssyncadd.s32 $0xFFFFD800  }
0x96: {  	_ =	swait.ge [sflag:s21], $0x2800  }
0x97: {  	[sflag:s21] =	ssyncset.done $0x0  }
0x98: {  	[sflag:s21] =	ssyncadd.s32 $0xFFFFD800  }
0x99: {  	_ =	swait.ge [sflag:s21], $0x2800  }
0x9a: {  	[sflag:s21] =	ssyncset.done $0x0  }
0x9b: {  	[sflag:s21] =	ssyncadd.s32 $0xFFFFD800  }
0x9c: {  	[bflag:$0x0] =	sbarrier.arrive $0xFFFF  }
0x9d: {  	[hbm:s9], [sflag:s16] =	dma.local [spmem:s17], $0x1F80  }
0x9e: {  	_ =	swait.ge [sflag:s14], $0x1F80  }
0x9f: {  	[sflag:s14] =	ssyncset.done $0x0  }
0xa0: {  	[sflag:s14] =	ssyncadd.s32 $0xFFFFE080  }
0xa1: {  	s12 =	rddreg [dreg:$0x1]  }
0xa2: {  	[tilespmem:s19], [sflag:$0x5] =	stream.linear.gather [hbm4b:s12+s5], $0x2800, $0x38;
	[tilespmem:$0x1EF80] =	vst v63  }
0xa3: {  	_ =	swait.ge [sflag:s14], $0x2800  }
0xa4: {  	[sflag:s14] =	ssyncset.done $0x0  }
0xa5: {  	[sflag:s14] =	ssyncadd.s32 $0xFFFFD800  }
0xa6: {  	[spmem:s17], [sflag:s16] =	dma.local [hbm:s6], $0x1F80  }
0xa7: {  	_ =	swait.ge [sflag:s14], $0x1F80  }
0xa8: {  	[sflag:s14] =	ssyncset.done $0x0  }
0xa9: {  	[sflag:s14] =	ssyncadd.s32 $0xFFFFE080  }
0xaa: {  	[bflag:$0x0] =	sbarrier.arrive $0xFFFF  }
0xab: {  	[spmem:s4] =	stream.indirect.scatter.add.f32 [tilespmem:s19], [sflag:$0x3], $0x80, s15, s18, $0xb8;
	[tilespmem:$0x1EF80] =	vst v63  }
0xac: {  	s13 =	simm.s32 $0x2000  }
0xad: {  	[spmem:s4] =	stream.indirect.scatter.add.f32 [tilespmem:s19], [sflag:$0x3], $0x80, s13, s18, $0xb8;
	[tilespmem:$0x1EF80] =	vst v63  }
0xae: {  	s30 =	simm.s32 $0x2080  }
0xaf: {  	[spmem:s4] =	stream.indirect.scatter.add.f32 [tilespmem:s19], [sflag:$0x3], $0x80, s30, s18, $0xb8;
	[tilespmem:$0x1EF80] =	vst v63  }
0xb0: {  	s12 =	simm.s32 $0x2100  }
0xb1: {  	[spmem:s4] =	stream.indirect.scatter.add.f32 [tilespmem:s19], [sflag:$0x3], $0x80, s12, s18, $0xb8;
	[tilespmem:$0x1EF80] =	vst v63  }
0xb2: {  	s13 =	simm.s32 $0x2180  }
0xb3: {  	[spmem:s4] =	stream.indirect.scatter.add.f32 [tilespmem:s19], [sflag:$0x3], $0x80, s13, s18, $0xb8;
	[tilespmem:$0x1EF80] =	vst v63  }
0xb4: {  	_ = 	snop  }
0xb5: {  	[spmem:s4] =	stream.indirect.scatter.add.f32 [tilespmem:s19], [sflag:$0x3], $0x80, s31, s18, $0xb8;
	[tilespmem:$0x1EF80] =	vst v63  }
0xb6: {  	_ = 	snop  }
0xb7: {  	[spmem:s4] =	stream.indirect.scatter.add.f32 [tilespmem:s19], [sflag:$0x3], $0x80, s3, s18, $0xb8;
	[tilespmem:$0x1EF80] =	vst v63  }
0xb8: {  	s30 =	simm.s32 $0x2300  }
0xb9: {  	[spmem:s4] =	stream.indirect.scatter.add.f32 [tilespmem:s19], [sflag:$0x3], $0x80, s30, s18, $0xb8;
	[tilespmem:$0x1EF80] =	vst v63  }
0xba: {  	s2 =	simm.s32 $0x1000;
	_ =	swait.ge [sflag:s24], $0x2800  }
.LBB2_4:
0xbb: {  	s12 =	sshra.s32 s2, $0x2;
	[sflag:s24] =	ssyncset.done $0x0;
	p0 =	sne.s32 s2, $0xC600  }
.Ltmp1:
0xbc: {  	s12 =	sadd.s32 $0x1F80, s12;
	[sflag:s24] =	ssyncadd.s32 $0xFFFFD800;
	(pc) =	sbr.rel @p0 .LBB2_4-.Ltmp1, $3  }
0xbd: {  	[spmem:s4] =	stream.indirect.scatter.add.f32 [tilespmem:s19], [sflag:$0x3], $0x80, s12, s18, $0xb8;
	[tilespmem:$0x1EF80] =	vst v63  }
0xbe: {  	s2 =	sadd.s32 $0x200, s2;
	_ =	sdelay $0x1  }
0xbf: {  	_ =	swait.ge [sflag:s24], $0x2800  }
0xc0: {  	[sflag:s24] =	ssyncset.done $0x0  }
0xc1: {  	[sflag:s24] =	ssyncadd.s32 $0xFFFFD800  }
0xc2: {  	_ =	swait.ge [sflag:s24], $0x2800  }
0xc3: {  	[sflag:s24] =	ssyncset.done $0x0  }
0xc4: {  	[sflag:s24] =	ssyncadd.s32 $0xFFFFD800  }
0xc5: {  	_ =	swait.ge [sflag:s24], $0x2800  }
0xc6: {  	[sflag:s24] =	ssyncset.done $0x0  }
0xc7: {  	[sflag:s24] =	ssyncadd.s32 $0xFFFFD800  }
0xc8: {  	_ =	swait.ge [sflag:s24], $0x2800  }
0xc9: {  	[sflag:s24] =	ssyncset.done $0x0  }
0xca: {  	[sflag:s24] =	ssyncadd.s32 $0xFFFFD800  }
0xcb: {  	_ =	swait.ge [sflag:s24], $0x2800  }
0xcc: {  	[sflag:s24] =	ssyncset.done $0x0  }
0xcd: {  	[sflag:s24] =	ssyncadd.s32 $0xFFFFD800  }
0xce: {  	_ =	swait.ge [sflag:s24], $0x2800  }
0xcf: {  	[sflag:s24] =	ssyncset.done $0x0  }
0xd0: {  	[sflag:s24] =	ssyncadd.s32 $0xFFFFD800  }
0xd1: {  	_ =	swait.ge [sflag:s24], $0x2800  }
0xd2: {  	[sflag:s24] =	ssyncset.done $0x0  }
0xd3: {  	[sflag:s24] =	ssyncadd.s32 $0xFFFFD800  }
0xd4: {  	_ =	swait.ge [sflag:s24], $0x2800  }
0xd5: {  	s0 =	sadd.s32 $0x1, s0;
	[sflag:s24] =	ssyncset.done $0x0  }
0xd6: {  	p0 =	sne.s32 s0, s11;
	[sflag:s24] =	ssyncadd.s32 $0xFFFFD800  }
.Ltmp2:
0xd7: {  	[bflag:$0x0] =	sbarrier.arrive $0xFFFF;
	(pc) =	sbr.rel @p0 .LBB2_1-.Ltmp2, $4  }
0xd8: {  	[hbm:s10], [sflag:s16] =	dma.local [spmem:s17], $0x1F80  }
0xd9: {  	_ =	swait.ge [sflag:s14], $0x1F80  }
0xda: {  	[sflag:s14] =	ssyncset.done $0x0  }
0xdb: {  	[sflag:s14] =	ssyncadd.s32 $0xFFFFE080  }
0xdc: {  	_ =	sfence.sel $0x180000  }
0xdd: {  	[bflag:$0x0] =	sbarrier.arrive $0xFFFF  }
0xde: {  	_ =	strace $0x90000047  }
0xdf: {  	s0 =	stileid.u32;
	[bflag:$0x2] =	sbarrier.arrive $0xFFFF  }
0xe0: {  	p0 =	sne.s32 s0, $0x0;
	s0 =	rddreg [dreg:$0x4]  }
0xe1: {  	s0 =	sadd.s32 @!p0 $0x100000, s0  }
0xe2: {  	[sflag:s0] =	ssyncadd.tile.s32 @!p0 $0x1;
	_ =	shalt  }
.Lfunc_end2:
_tile_overlayer_lowered:
.L_overlay_start_2:
0xe3: {  	(tag) =	ssettag $0x2  }
0xe4: {  	s0 =	rddreg [dreg:$0x0];
	s2 =	stileid.u32  }
0xe5: {  	s1 =	rddreg [dreg:$0x1];
	p0 =	sne.s32 s2, $0x0  }
0xe6: {  	s3 =	rddreg [dreg:$0x2];
	[bflag:$0x3] =	sbarrier.arrive $0xFFFF;
	s2 =	simm.s32 @!p0 $0x1C05  }
0xe7: {  	[timem:s3], [sflag:s2] =	dma.local @!p0 [hbm:s0], s1  }
0xe8: {  	s0 =	simm.s32 @!p0 $0x5  }
0xe9: {  	_ =	swait.ge @!p0 [sflag:s0], s1  }
0xea: {  	s1 =	ssub.s32 @!p0 $0x0, s1;
	[sflag:s0] =	ssyncset.done @!p0 $0x0  }
0xeb: {  	[sflag:s0] =	ssyncadd.s32 @!p0 s1  }
0xec: {  	[bflag:$0x3] =	sbarrier.arrive $0xFFFF  }
0xed: {  	_ =	shalt  }

</sc_bundles>
